<compile_context>
chip_gen: v7x
topology: tpu7x:2x2x1
jax: 0.10.2.dev20260603
libtpu: 0.0.44.dev20260713+nightly
codegen_flags: <defaults>
</compile_context>

<pallas_src>
import functools

import jax
import jax.numpy as jnp
from jax import lax
from jax.experimental import pallas as pl
from jax.experimental.pallas import tpu as pltpu
from jax.experimental.pallas import tpu_sc as plsc

B, C, D = 8, 4, 64
N = 224 * 224
TN = 3584

NW = 32
CH = 896
NCHUNK = 2


def _sc_routing_body(pm_hbm, pa_hbm,
                     conf_m_hbm, conf_a_hbm, hard_m_hbm, hard_a_hbm,
                     g_m_hbm, g_a_hbm,
                     pm_v, pa_v, cm_v, ca_v, hm_v, ha_v, gm_v, ga_v):
    wid = lax.axis_index("s") * 2 + lax.axis_index("c")
    for chunk in range(NCHUNK):
        g = chunk * NW + wid
        base = pl.multiple_of(g * CH, 128)

        @pl.when(g * CH + CH <= N)
        def _process(base=base):
            _sc_chunk(base, pm_hbm, pa_hbm, conf_m_hbm, conf_a_hbm,
                      hard_m_hbm, hard_a_hbm, g_m_hbm, g_a_hbm,
                      pm_v, pa_v, cm_v, ca_v, hm_v, ha_v, gm_v, ga_v)


def _sc_chunk(base, pm_hbm, pa_hbm, conf_m_hbm, conf_a_hbm,
              hard_m_hbm, hard_a_hbm, g_m_hbm, g_a_hbm,
              pm_v, pa_v, cm_v, ca_v, hm_v, ha_v, gm_v, ga_v):
        pltpu.sync_copy(pm_hbm.at[:, :, pl.ds(base, CH)], pm_v)
        pltpu.sync_copy(pa_hbm.at[:, :, pl.ds(base, CH)], pa_v)
        for b in range(B):
            def body(j, _, b=b):
                sl = pl.ds(j * 16, 16)

                def branch(p_v):
                    p = [p_v[b, c, sl] for c in range(C)]
                    best = p[0]
                    hard = jnp.zeros((16,), jnp.int32)
                    for c in range(1, C):
                        gt = p[c] > best
                        hard = jnp.where(gt, c, hard)
                        best = jnp.maximum(best, p[c])
                    s = (jnp.exp(p[0] - best) + jnp.exp(p[1] - best)
                         + jnp.exp(p[2] - best) + jnp.exp(p[3] - best))
                    return p, best, hard, 1.0 / s

                pm_p, best_m, hard_m, conf_m = branch(pm_v)
                pa_p, best_a, hard_a, conf_a = branch(pa_v)
                pseudo = jnp.where(conf_m >= conf_a, hard_m, hard_a)

                def pick(p):
                    out = p[0]
                    for c in range(1, C):
                        out = jnp.where(pseudo == c, p[c], out)
                    return out

                cm_v[b, sl] = conf_m
                ca_v[b, sl] = conf_a
                hm_v[b, sl] = hard_m
                ha_v[b, sl] = hard_a
                gm_v[b, sl] = best_m - pick(pm_p)
                ga_v[b, sl] = best_a - pick(pa_p)
                return 0

            lax.fori_loop(0, CH // 16, body, 0)
        pltpu.sync_copy(cm_v, conf_m_hbm.at[:, pl.ds(base, CH)])
        pltpu.sync_copy(ca_v, conf_a_hbm.at[:, pl.ds(base, CH)])
        pltpu.sync_copy(hm_v, hard_m_hbm.at[:, pl.ds(base, CH)])
        pltpu.sync_copy(ha_v, hard_a_hbm.at[:, pl.ds(base, CH)])
        pltpu.sync_copy(gm_v, g_m_hbm.at[:, pl.ds(base, CH)])
        pltpu.sync_copy(ga_v, g_a_hbm.at[:, pl.ds(base, CH)])


def _sc_routing_call(pm, pa):
    f32, i32 = jnp.float32, jnp.int32
    kern = functools.partial(
        pl.kernel,
        mesh=plsc.VectorSubcoreMesh(core_axis_name="c", subcore_axis_name="s"),
        out_type=[
            jax.ShapeDtypeStruct((B, N), f32),
            jax.ShapeDtypeStruct((B, N), f32),
            jax.ShapeDtypeStruct((B, N), i32),
            jax.ShapeDtypeStruct((B, N), i32),
            jax.ShapeDtypeStruct((B, N), f32),
            jax.ShapeDtypeStruct((B, N), f32),
        ],
        scratch_types=[
            pltpu.VMEM((B, C, CH), f32),
            pltpu.VMEM((B, C, CH), f32),
            pltpu.VMEM((B, CH), f32),
            pltpu.VMEM((B, CH), f32),
            pltpu.VMEM((B, CH), i32),
            pltpu.VMEM((B, CH), i32),
            pltpu.VMEM((B, CH), f32),
            pltpu.VMEM((B, CH), f32),
        ],
    )(_sc_routing_body)
    return kern(pm, pa)


def _centers_body(fm_ref, fa_ref, conf_m_ref, conf_a_ref, hard_m_ref, hard_a_ref,
                  gm_ref, ga_ref,
                  sums_m_ref, sums_a_ref, cnt_m_ref, cnt_a_ref,
                  cem_ref, cea_ref):
    cem_ref[...] = jnp.sum(gm_ref[...] - jnp.log(conf_m_ref[...]),
                           axis=0, keepdims=True)
    cea_ref[...] = jnp.sum(ga_ref[...] - jnp.log(conf_a_ref[...]),
                           axis=0, keepdims=True)
    cls = lax.broadcasted_iota(jnp.int32, (B, C, TN), 1)

    def accum(f_ref, conf_ref, hard_ref, sums_ref, cnt_ref):
        f = f_ref[...]
        conf = conf_ref[...]
        hard = hard_ref[...]
        oh = (hard[:, None, :] == cls).astype(jnp.float32)
        woh = oh * conf[:, None, :]
        sums_ref[0] = lax.dot_general(
            f.astype(jnp.bfloat16), woh.astype(jnp.bfloat16),
            (((2,), (2,)), ((0,), (0,))),
            preferred_element_type=jnp.float32)
        cnt_ref[0] = jnp.sum(oh, axis=2)

    accum(fm_ref, conf_m_ref, hard_m_ref, sums_m_ref, cnt_m_ref)
    accum(fa_ref, conf_a_ref, hard_a_ref, sums_a_ref, cnt_a_ref)


def _cos_body(fm_ref, fa_ref, hard_m_ref, hard_a_ref, cem_ref, cea_ref,
              ctr_m_ref, ctr_a_ref, acc_ref):
    @pl.when(pl.program_id(0) == 0)
    def _init():
        acc_ref[...] = jnp.zeros_like(acc_ref)

    cls = lax.broadcasted_iota(jnp.int32, (B, C, TN), 1)

    def rel(f_ref, hard_ref, ctr_ref):
        f = f_ref[...]
        hard = hard_ref[...]
        ctr = ctr_ref[...]
        proj = lax.dot_general(
            ctr, f, (((1,), (1,)), ((0,), (0,))),
            preferred_element_type=jnp.float32)
        oh = hard[:, None, :] == cls
        dot = jnp.sum(jnp.where(oh, proj, 0.0), axis=1)
        cn2 = jnp.sum(ctr * ctr, axis=1)
        nc2 = jnp.sum(jnp.where(oh, cn2[:, :, None], 0.0), axis=1)
        nf2 = jnp.sum(f * f, axis=1)
        cos = dot / jnp.maximum(jnp.sqrt(nf2) * jnp.sqrt(nc2), 1e-8)
        return jnp.sum(cos, axis=0)

    rel_m = rel(fm_ref, hard_m_ref, ctr_m_ref)
    rel_a = rel(fa_ref, hard_a_ref, ctr_a_ref)
    cem = cem_ref[0, :]
    cea = cea_ref[0, :]
    num_m = jnp.sum(cem * rel_a)
    den_m = jnp.sum(rel_a)
    num_a = jnp.sum(cea * rel_m)
    den_a = jnp.sum(rel_m)
    lanes = lax.broadcasted_iota(jnp.int32, (1, 128), 1)
    vec = (jnp.where(lanes == 0, num_m, 0.0)
           + jnp.where(lanes == 1, den_m, 0.0)
           + jnp.where(lanes == 2, num_a, 0.0)
           + jnp.where(lanes == 3, den_a, 0.0))
    acc_ref[...] += vec


def _centers_call(fm, fa, conf_m, conf_a, hard_m, hard_a, g_m, g_a):
    nb = N // TN
    f32 = jnp.float32
    return pl.pallas_call(
        _centers_body,
        grid=(nb,),
        in_specs=[
            pl.BlockSpec((B, D, TN), lambda i: (0, 0, i)),
            pl.BlockSpec((B, D, TN), lambda i: (0, 0, i)),
            pl.BlockSpec((B, TN), lambda i: (0, i)),
            pl.BlockSpec((B, TN), lambda i: (0, i)),
            pl.BlockSpec((B, TN), lambda i: (0, i)),
            pl.BlockSpec((B, TN), lambda i: (0, i)),
            pl.BlockSpec((B, TN), lambda i: (0, i)),
            pl.BlockSpec((B, TN), lambda i: (0, i)),
        ],
        out_specs=[
            pl.BlockSpec((1, B, D, C), lambda i: (i, 0, 0, 0)),
            pl.BlockSpec((1, B, D, C), lambda i: (i, 0, 0, 0)),
            pl.BlockSpec((1, B, C), lambda i: (i, 0, 0)),
            pl.BlockSpec((1, B, C), lambda i: (i, 0, 0)),
            pl.BlockSpec((1, TN), lambda i: (0, i)),
            pl.BlockSpec((1, TN), lambda i: (0, i)),
        ],
        out_shape=[
            jax.ShapeDtypeStruct((nb, B, D, C), f32),
            jax.ShapeDtypeStruct((nb, B, D, C), f32),
            jax.ShapeDtypeStruct((nb, B, C), f32),
            jax.ShapeDtypeStruct((nb, B, C), f32),
            jax.ShapeDtypeStruct((1, N), f32),
            jax.ShapeDtypeStruct((1, N), f32),
        ],
    )(fm, fa, conf_m, conf_a, hard_m, hard_a, g_m, g_a)


def _cos_call(fm, fa, hard_m, hard_a, cem, cea, ctr_m, ctr_a):
    nb = N // TN
    return pl.pallas_call(
        _cos_body,
        grid=(nb,),
        in_specs=[
            pl.BlockSpec((B, D, TN), lambda i: (0, 0, i)),
            pl.BlockSpec((B, D, TN), lambda i: (0, 0, i)),
            pl.BlockSpec((B, TN), lambda i: (0, i)),
            pl.BlockSpec((B, TN), lambda i: (0, i)),
            pl.BlockSpec((1, TN), lambda i: (0, i)),
            pl.BlockSpec((1, TN), lambda i: (0, i)),
            pl.BlockSpec((B, D, C), lambda i: (0, 0, 0)),
            pl.BlockSpec((B, D, C), lambda i: (0, 0, 0)),
        ],
        out_specs=pl.BlockSpec((1, 128), lambda i: (0, 0)),
        out_shape=jax.ShapeDtypeStruct((1, 128), jnp.float32),
    )(fm, fa, hard_m, hard_a, cem, cea, ctr_m, ctr_a)


def kernel(pred_main, pred_aux, feat_main, feat_aux):
    pm = pred_main.reshape(B, C, N)
    pa = pred_aux.reshape(B, C, N)
    fm = feat_main.reshape(B, D, N)
    fa = feat_aux.reshape(B, D, N)
    conf_m, conf_a, hard_m, hard_a, g_m, g_a = _sc_routing_call(pm, pa)
    psums_m, psums_a, pcnt_m, pcnt_a, cem, cea = _centers_call(
        fm, fa, conf_m, conf_a, hard_m, hard_a, g_m, g_a)
    sums_m, sums_a = psums_m.sum(0), psums_a.sum(0)
    cnt_m, cnt_a = pcnt_m.sum(0), pcnt_a.sum(0)
    ctr_m = jnp.where(cnt_m[:, None, :] > 0,
                      sums_m / jnp.maximum(cnt_m[:, None, :], 1.0), 0.0)
    ctr_a = jnp.where(cnt_a[:, None, :] > 0,
                      sums_a / jnp.maximum(cnt_a[:, None, :], 1.0), 0.0)
    acc = _cos_call(fm, fa, hard_m, hard_a, cem, cea, ctr_m, ctr_a)
    return acc[0, 0] / acc[0, 1] + acc[0, 2] / acc[0, 3]

# --- scband reference (transcript-rebuilt; emitter-appended) ---
"""Pipeline reference for scband-reliability-based-co-teaching-loss-26955214750390 (READ-ONLY COPY).

The authoritative reference and input builder live on the scoring server;
editing this copy changes nothing except your own understanding.
"""

import jax, jax.numpy as jnp
import numpy as np


def setup_inputs(seed: int = 0) -> dict:
    key = jax.random.key(seed)
    k1, k2, k3, k4 = jax.random.split(key, 4)
    B, C, D, H, W = 8, 4, 64, 224, 224
    return {
        "pred_main": jax.random.normal(k1, (B, C, H, W), dtype=jnp.float32),
        "pred_aux": jax.random.normal(k2, (B, C, H, W), dtype=jnp.float32),
        "feat_main": jax.random.normal(k3, (B, D, H, W), dtype=jnp.float32),
        "feat_aux": jax.random.normal(k4, (B, D, H, W), dtype=jnp.float32),
    }


def _reliability_map(feat, conf, hard, num_classes):
    # feat: [B, D, H, W]; conf, hard: [B, H, W]
    B, D, H, W = feat.shape
    N = H * W
    f = feat.reshape(B, D, N)
    c = conf.reshape(B, N)
    h = hard.reshape(B, N)
    weighted = f * c[:, None, :]                                  # [B, D, N]
    onehot = jax.nn.one_hot(h, num_classes, dtype=f.dtype)        # [B, N, C]
    sums = jnp.einsum("bdn,bnc->bdc", weighted, onehot)           # [B, D, C]
    counts = onehot.sum(axis=1)                                   # [B, C]
    centers = sums / counts[:, None, :]                           # mean over class pixels (NaN for empty classes, never gathered)
    centers_px = jnp.take_along_axis(centers, h[:, None, :], axis=2)  # [B, D, N]
    dot = (f * centers_px).sum(axis=1)                            # [B, N]
    nf = jnp.sqrt((f * f).sum(axis=1))
    nc = jnp.sqrt((centers_px * centers_px).sum(axis=1))
    cos = dot / jnp.maximum(nf * nc, 1e-8)                        # torch cosine_similarity eps=1e-8
    return cos.reshape(B, 1, H, W)


def _forward(pred_main, pred_aux, feat_main, feat_aux):
    B, C, H, W = pred_main.shape
    # torch.no_grad() block
    pm = jax.lax.stop_gradient(pred_main)
    pa = jax.lax.stop_gradient(pred_aux)
    fm = jax.lax.stop_gradient(feat_main)
    fa = jax.lax.stop_gradient(feat_aux)
    hard_main = jnp.argmax(pm, axis=1)          # [B, H, W]
    hard_aux = jnp.argmax(pa, axis=1)
    soft_main = jax.nn.softmax(pm, axis=1)
    soft_aux = jax.nn.softmax(pa, axis=1)
    conf_main = jnp.max(soft_main, axis=1)      # [B, H, W]
    conf_aux = jnp.max(soft_aux, axis=1)
    main_mask = conf_main >= conf_aux
    pseudo = jnp.where(main_mask, hard_main, hard_aux)  # [B, H, W]
    rel_main = _reliability_map(fm, conf_main, hard_main, C)  # [B, 1, H, W]
    rel_aux = _reliability_map(fa, conf_aux, hard_aux, C)
    # cross entropy, reduction='none' -> [B, H, W]
    logp_main = jax.nn.log_softmax(pred_main, axis=1)
    logp_aux = jax.nn.log_softmax(pred_aux, axis=1)
    ce_main = -jnp.take_along_axis(logp_main, pseudo[:, None, :, :], axis=1)[:, 0]
    ce_aux = -jnp.take_along_axis(logp_aux, pseudo[:, None, :, :], axis=1)[:, 0]
    # faithful to torch broadcasting: [B,H,W] * [B,1,H,W] -> [B,B,H,W]
    loss_main = (ce_main * rel_aux).sum() / rel_aux.sum()
    loss_aux = (ce_aux * rel_main).sum() / rel_main.sum()
    return loss_main + loss_aux


def reference(pred_main, pred_aux, feat_main, feat_aux):
    return _forward(pred_main, pred_aux, feat_main, feat_aux)

if __name__ == "__main__":
    import jax
    _d = setup_inputs()
    print(jax.jit(kernel)(*tuple(_d.values())))

</pallas_src>

<mosaic_0001>
#map = affine_map<(d0, d1) -> (0, 0, 0)>
#map1 = affine_map<(d0, d1) -> (0, 0)>
module attributes {stable_mosaic.version = 14 : i64} {
  func.func @_sc_routing_body(%arg0: i32, %arg1: i32, %arg2: memref<8x4x50176xf32, #tpu.memory_space<hbm>>, %arg3: memref<8x4x50176xf32, #tpu.memory_space<hbm>>, %arg4: memref<8x50176xf32, #tpu.memory_space<hbm>>, %arg5: memref<8x50176xf32, #tpu.memory_space<hbm>>, %arg6: memref<8x50176xi32, #tpu.memory_space<hbm>>, %arg7: memref<8x50176xi32, #tpu.memory_space<hbm>>, %arg8: memref<8x50176xf32, #tpu.memory_space<hbm>>, %arg9: memref<8x50176xf32, #tpu.memory_space<hbm>>, %arg10: memref<8x4x896xf32, #tpu.memory_space<vmem>>, %arg11: memref<8x4x896xf32, #tpu.memory_space<vmem>>, %arg12: memref<8x896xf32, #tpu.memory_space<vmem>>, %arg13: memref<8x896xf32, #tpu.memory_space<vmem>>, %arg14: memref<8x896xi32, #tpu.memory_space<vmem>>, %arg15: memref<8x896xi32, #tpu.memory_space<vmem>>, %arg16: memref<8x896xf32, #tpu.memory_space<vmem>>, %arg17: memref<8x896xf32, #tpu.memory_space<vmem>>) attributes {dimension_semantics = [#tpu.dimension_semantics<core_parallel>, #tpu.dimension_semantics<subcore_parallel>], iteration_bounds = array<i64: 2, 16>, scalar_prefetch = 0 : i64, scratch_operands = 8 : i64, tpu.core_type = #tpu.core_type<sc_vector_subcore>, window_params = [{transform_indices = #map}, {transform_indices = #map}, {transform_indices = #map1}, {transform_indices = #map1}, {transform_indices = #map1}, {transform_indices = #map1}, {transform_indices = #map1}, {transform_indices = #map1}]} {
    %mul3A = arith.constant 2 : i32
    %mul3A_0 = arith.muli %arg1, %mul3A : i32
    %add3A = arith.addi %mul3A_0, %arg0 : i32
    %add3A_1 = arith.constant 0 : i32
    %add3A_2 = arith.addi %add3A_1, %add3A : i32
    %mul3A_3 = arith.constant 896 : i32
    %mul3A_4 = arith.muli %add3A_2, %mul3A_3 : i32
    %multiple_of3A = tpu.assume_multiple %mul3A_4, 128 : i32
    %mul3A_5 = arith.constant 896 : i32
    %mul3A_6 = arith.muli %add3A_2, %mul3A_5 : i32
    %add3A_7 = arith.constant 896 : i32
    %add3A_8 = arith.addi %mul3A_6, %add3A_7 : i32
    %le3A = arith.constant 50176 : i32
    %le3A_9 = arith.cmpi sle, %add3A_8, %le3A : i32
    %convert_element_type3A = arith.extui %le3A_9 : i1 to i32
    %cond3A = arith.constant 0 : i32
    %cond3A_10 = arith.cmpi ne, %convert_element_type3A, %cond3A : i32
    scf.if %cond3A_10 {
      "tpu.region"() ({
        %run_scoped3A = tpu.sem_alloc : memref<!tpu.dma_semaphore, #tpu.memory_space<semaphore_mem>>
        %dma_start3A = arith.constant 0 : i32
        %dma_start3A_80 = arith.constant 0 : i32
        %dma_start3A_81 = tpu.memref_slice %arg2[%dma_start3A, %dma_start3A_80, %multiple_of3A] : memref<8x4x50176xf32, #tpu.memory_space<hbm>> -> memref<8x4x896xf32, #tpu.memory_space<hbm>>
        %dma_start3A_82 = arith.constant 0 : i32
        %dma_start3A_83 = arith.constant 0 : i32
        %dma_start3A_84 = tpu.memref_slice %arg2[%dma_start3A_82, %dma_start3A_83, %multiple_of3A] : memref<8x4x50176xf32, #tpu.memory_space<hbm>> -> memref<8x4x896xf32, #tpu.memory_space<hbm>>
        tpu.enqueue_dma source(%dma_start3A_84 : memref<8x4x896xf32, #tpu.memory_space<hbm>>) target(%arg10 : memref<8x4x896xf32, #tpu.memory_space<vmem>>) target_semaphore(%run_scoped3A : memref<!tpu.dma_semaphore, #tpu.memory_space<semaphore_mem>>)
        %dma_wait3A = arith.constant 0 : i32
        %dma_wait3A_85 = arith.constant 0 : i32
        %dma_wait3A_86 = tpu.memref_slice %arg2[%dma_wait3A, %dma_wait3A_85, %multiple_of3A] : memref<8x4x50176xf32, #tpu.memory_space<hbm>> -> memref<8x4x896xf32, #tpu.memory_space<hbm>>
        %dma_wait3A_87 = arith.constant 0 : i32
        %dma_wait3A_88 = arith.constant 0 : i32
        %dma_wait3A_89 = tpu.memref_slice %arg2[%dma_wait3A_87, %dma_wait3A_88, %multiple_of3A] : memref<8x4x50176xf32, #tpu.memory_space<hbm>> -> memref<8x4x896xf32, #tpu.memory_space<hbm>>
        tpu.wait_dma2 semaphore(%run_scoped3A : memref<!tpu.dma_semaphore, #tpu.memory_space<semaphore_mem>>) src(%dma_wait3A_89 : memref<8x4x896xf32, #tpu.memory_space<hbm>>) dst(%arg10 : memref<8x4x896xf32, #tpu.memory_space<vmem>>)
        tpu.yield
      }) : () -> ()
      "tpu.region"() ({
        %run_scoped3A = tpu.sem_alloc : memref<!tpu.dma_semaphore, #tpu.memory_space<semaphore_mem>>
        %dma_start3A = arith.constant 0 : i32
        %dma_start3A_80 = arith.constant 0 : i32
        %dma_start3A_81 = tpu.memref_slice %arg3[%dma_start3A, %dma_start3A_80, %multiple_of3A] : memref<8x4x50176xf32, #tpu.memory_space<hbm>> -> memref<8x4x896xf32, #tpu.memory_space<hbm>>
        %dma_start3A_82 = arith.constant 0 : i32
        %dma_start3A_83 = arith.constant 0 : i32
        %dma_start3A_84 = tpu.memref_slice %arg3[%dma_start3A_82, %dma_start3A_83, %multiple_of3A] : memref<8x4x50176xf32, #tpu.memory_space<hbm>> -> memref<8x4x896xf32, #tpu.memory_space<hbm>>
        tpu.enqueue_dma source(%dma_start3A_84 : memref<8x4x896xf32, #tpu.memory_space<hbm>>) target(%arg11 : memref<8x4x896xf32, #tpu.memory_space<vmem>>) target_semaphore(%run_scoped3A : memref<!tpu.dma_semaphore, #tpu.memory_space<semaphore_mem>>)
        %dma_wait3A = arith.constant 0 : i32
        %dma_wait3A_85 = arith.constant 0 : i32
        %dma_wait3A_86 = tpu.memref_slice %arg3[%dma_wait3A, %dma_wait3A_85, %multiple_of3A] : memref<8x4x50176xf32, #tpu.memory_space<hbm>> -> memref<8x4x896xf32, #tpu.memory_space<hbm>>
        %dma_wait3A_87 = arith.constant 0 : i32
        %dma_wait3A_88 = arith.constant 0 : i32
        %dma_wait3A_89 = tpu.memref_slice %arg3[%dma_wait3A_87, %dma_wait3A_88, %multiple_of3A] : memref<8x4x50176xf32, #tpu.memory_space<hbm>> -> memref<8x4x896xf32, #tpu.memory_space<hbm>>
        tpu.wait_dma2 semaphore(%run_scoped3A : memref<!tpu.dma_semaphore, #tpu.memory_space<semaphore_mem>>) src(%dma_wait3A_89 : memref<8x4x896xf32, #tpu.memory_space<hbm>>) dst(%arg11 : memref<8x4x896xf32, #tpu.memory_space<vmem>>)
        tpu.yield
      }) : () -> ()
      %scan3A = arith.constant 0 : i32
      %scan3A_25 = arith.constant 0 : i32
      %scan3A_26 = arith.constant 56 : i32
      %scan3A_27 = arith.addi %scan3A_25, %scan3A_26 : i32
      %scan3A_28 = arith.constant 1 : i32
      %scan3A_29 = scf.for %scan3A_80 = %scan3A_25 to %scan3A_27 step %scan3A_28 iter_args(%scan3A_81 = %scan3A) -> (i32)  : i32 {
        %mul3A_82 = arith.constant 16 : i32
        %mul3A_83 = arith.muli %scan3A_80, %mul3A_82 : i32
        %get3A = arith.constant 0 : i32
        %get3A_84 = arith.constant 0 : i32
        %get3A_85 = arith.index_cast %get3A : i32 to index
        %get3A_86 = arith.index_cast %get3A_84 : i32 to index
        %get3A_87 = arith.index_cast %mul3A_83 : i32 to index
        %get3A_88 = tpu.vector_load %arg10[%get3A_85, %get3A_86, %get3A_87] {strides = array<i32>} : memref<8x4x896xf32, #tpu.memory_space<vmem>>, vector<1x1x16xf32>,
        %get3A_89 = vector.shape_cast %get3A_88 : vector<1x1x16xf32> to vector<16xf32>
        %get3A_90 = arith.constant 0 : i32
        %get3A_91 = arith.constant 1 : i32
        %get3A_92 = arith.index_cast %get3A_90 : i32 to index
        %get3A_93 = arith.index_cast %get3A_91 : i32 to index
        %get3A_94 = arith.index_cast %mul3A_83 : i32 to index
        %get3A_95 = tpu.vector_load %arg10[%get3A_92, %get3A_93, %get3A_94] {strides = array<i32>} : memref<8x4x896xf32, #tpu.memory_space<vmem>>, vector<1x1x16xf32>,
        %get3A_96 = vector.shape_cast %get3A_95 : vector<1x1x16xf32> to vector<16xf32>
        %get3A_97 = arith.constant 0 : i32
        %get3A_98 = arith.constant 2 : i32
        %get3A_99 = arith.index_cast %get3A_97 : i32 to index
        %get3A_100 = arith.index_cast %get3A_98 : i32 to index
        %get3A_101 = arith.index_cast %mul3A_83 : i32 to index
        %get3A_102 = tpu.vector_load %arg10[%get3A_99, %get3A_100, %get3A_101] {strides = array<i32>} : memref<8x4x896xf32, #tpu.memory_space<vmem>>, vector<1x1x16xf32>,
        %get3A_103 = vector.shape_cast %get3A_102 : vector<1x1x16xf32> to vector<16xf32>
        %get3A_104 = arith.constant 0 : i32
        %get3A_105 = arith.constant 3 : i32
        %get3A_106 = arith.index_cast %get3A_104 : i32 to index
        %get3A_107 = arith.index_cast %get3A_105 : i32 to index
        %get3A_108 = arith.index_cast %mul3A_83 : i32 to index
        %get3A_109 = tpu.vector_load %arg10[%get3A_106, %get3A_107, %get3A_108] {strides = array<i32>} : memref<8x4x896xf32, #tpu.memory_space<vmem>>, vector<1x1x16xf32>,
        %get3A_110 = vector.shape_cast %get3A_109 : vector<1x1x16xf32> to vector<16xf32>
        %broadcast_in_dim3A = arith.constant 0 : i32
        %broadcast_in_dim3A_111 = vector.broadcast %broadcast_in_dim3A : i32 to vector<16xi32>
        %gt3A = arith.cmpf ogt, %get3A_96, %get3A_89 : vector<16xf32>
        %jit3A = arith.constant 1 : i32
        %broadcast_in_dim3A_112 = vector.broadcast %jit3A : i32 to vector<16xi32>
        %select_n3A = arith.select %gt3A, %broadcast_in_dim3A_112, %broadcast_in_dim3A_111 : vector<16xi1>, vector<16xi32>
        %max3A = arith.maximumf %get3A_89, %get3A_96 : vector<16xf32>
        %gt3A_113 = arith.cmpf ogt, %get3A_103, %max3A : vector<16xf32>
        %jit3A_114 = arith.constant 2 : i32
        %broadcast_in_dim3A_115 = vector.broadcast %jit3A_114 : i32 to vector<16xi32>
        %select_n3A_116 = arith.select %gt3A_113, %broadcast_in_dim3A_115, %select_n3A : vector<16xi1>, vector<16xi32>
        %max3A_117 = arith.maximumf %max3A, %get3A_103 : vector<16xf32>
        %gt3A_118 = arith.cmpf ogt, %get3A_110, %max3A_117 : vector<16xf32>
        %jit3A_119 = arith.constant 3 : i32
        %broadcast_in_dim3A_120 = vector.broadcast %jit3A_119 : i32 to vector<16xi32>
        %select_n3A_121 = arith.select %gt3A_118, %broadcast_in_dim3A_120, %select_n3A_116 : vector<16xi1>, vector<16xi32>
        %max3A_122 = arith.maximumf %max3A_117, %get3A_110 : vector<16xf32>
        %sub3A = arith.subf %get3A_89, %max3A_122 : vector<16xf32>
        %exp3A = math.exp %sub3A : vector<16xf32>
        %sub3A_123 = arith.subf %get3A_96, %max3A_122 : vector<16xf32>
        %exp3A_124 = math.exp %sub3A_123 : vector<16xf32>
        %add3A_125 = arith.addf %exp3A, %exp3A_124 : vector<16xf32>
        %sub3A_126 = arith.subf %get3A_103, %max3A_122 : vector<16xf32>
        %exp3A_127 = math.exp %sub3A_126 : vector<16xf32>
        %add3A_128 = arith.addf %add3A_125, %exp3A_127 : vector<16xf32>
        %sub3A_129 = arith.subf %get3A_110, %max3A_122 : vector<16xf32>
        %exp3A_130 = math.exp %sub3A_129 : vector<16xf32>
        %add3A_131 = arith.addf %add3A_128, %exp3A_130 : vector<16xf32>
        %div3A = arith.constant 1.000000e+00 : f32
        %div3A_132 = vector.broadcast %div3A : f32 to vector<16xf32>
        %div3A_133 = arith.divf %div3A_132, %add3A_131 : vector<16xf32>
        %get3A_134 = arith.constant 0 : i32
        %get3A_135 = arith.constant 0 : i32
        %get3A_136 = arith.index_cast %get3A_134 : i32 to index
        %get3A_137 = arith.index_cast %get3A_135 : i32 to index
        %get3A_138 = arith.index_cast %mul3A_83 : i32 to index
        %get3A_139 = tpu.vector_load %arg11[%get3A_136, %get3A_137, %get3A_138] {strides = array<i32>} : memref<8x4x896xf32, #tpu.memory_space<vmem>>, vector<1x1x16xf32>,
        %get3A_140 = vector.shape_cast %get3A_139 : vector<1x1x16xf32> to vector<16xf32>
        %get3A_141 = arith.constant 0 : i32
        %get3A_142 = arith.constant 1 : i32
        %get3A_143 = arith.index_cast %get3A_141 : i32 to index
        %get3A_144 = arith.index_cast %get3A_142 : i32 to index
        %get3A_145 = arith.index_cast %mul3A_83 : i32 to index
        %get3A_146 = tpu.vector_load %arg11[%get3A_143, %get3A_144, %get3A_145] {strides = array<i32>} : memref<8x4x896xf32, #tpu.memory_space<vmem>>, vector<1x1x16xf32>,
        %get3A_147 = vector.shape_cast %get3A_146 : vector<1x1x16xf32> to vector<16xf32>
        %get3A_148 = arith.constant 0 : i32
        %get3A_149 = arith.constant 2 : i32
        %get3A_150 = arith.index_cast %get3A_148 : i32 to index
        %get3A_151 = arith.index_cast %get3A_149 : i32 to index
        %get3A_152 = arith.index_cast %mul3A_83 : i32 to index
        %get3A_153 = tpu.vector_load %arg11[%get3A_150, %get3A_151, %get3A_152] {strides = array<i32>} : memref<8x4x896xf32, #tpu.memory_space<vmem>>, vector<1x1x16xf32>,
        %get3A_154 = vector.shape_cast %get3A_153 : vector<1x1x16xf32> to vector<16xf32>
        %get3A_155 = arith.constant 0 : i32
        %get3A_156 = arith.constant 3 : i32
        %get3A_157 = arith.index_cast %get3A_155 : i32 to index
        %get3A_158 = arith.index_cast %get3A_156 : i32 to index
        %get3A_159 = arith.index_cast %mul3A_83 : i32 to index
        %get3A_160 = tpu.vector_load %arg11[%get3A_157, %get3A_158, %get3A_159] {strides = array<i32>} : memref<8x4x896xf32, #tpu.memory_space<vmem>>, vector<1x1x16xf32>,
        %get3A_161 = vector.shape_cast %get3A_160 : vector<1x1x16xf32> to vector<16xf32>
        %broadcast_in_dim3A_162 = arith.constant 0 : i32
        %broadcast_in_dim3A_163 = vector.broadcast %broadcast_in_dim3A_162 : i32 to vector<16xi32>
        %gt3A_164 = arith.cmpf ogt, %get3A_147, %get3A_140 : vector<16xf32>
        %jit3A_165 = arith.constant 1 : i32
        %broadcast_in_dim3A_166 = vector.broadcast %jit3A_165 : i32 to vector<16xi32>
        %select_n3A_167 = arith.select %gt3A_164, %broadcast_in_dim3A_166, %broadcast_in_dim3A_163 : vector<16xi1>, vector<16xi32>
        %max3A_168 = arith.maximumf %get3A_140, %get3A_147 : vector<16xf32>
        %gt3A_169 = arith.cmpf ogt, %get3A_154, %max3A_168 : vector<16xf32>
        %jit3A_170 = arith.constant 2 : i32
        %broadcast_in_dim3A_171 = vector.broadcast %jit3A_170 : i32 to vector<16xi32>
        %select_n3A_172 = arith.select %gt3A_169, %broadcast_in_dim3A_171, %select_n3A_167 : vector<16xi1>, vector<16xi32>
        %max3A_173 = arith.maximumf %max3A_168, %get3A_154 : vector<16xf32>
        %gt3A_174 = arith.cmpf ogt, %get3A_161, %max3A_173 : vector<16xf32>
        %jit3A_175 = arith.constant 3 : i32
        %broadcast_in_dim3A_176 = vector.broadcast %jit3A_175 : i32 to vector<16xi32>
        %select_n3A_177 = arith.select %gt3A_174, %broadcast_in_dim3A_176, %select_n3A_172 : vector<16xi1>, vector<16xi32>
        %max3A_178 = arith.maximumf %max3A_173, %get3A_161 : vector<16xf32>
        %sub3A_179 = arith.subf %get3A_140, %max3A_178 : vector<16xf32>
        %exp3A_180 = math.exp %sub3A_179 : vector<16xf32>
        %sub3A_181 = arith.subf %get3A_147, %max3A_178 : vector<16xf32>
        %exp3A_182 = math.exp %sub3A_181 : vector<16xf32>
        %add3A_183 = arith.addf %exp3A_180, %exp3A_182 : vector<16xf32>
        %sub3A_184 = arith.subf %get3A_154, %max3A_178 : vector<16xf32>
        %exp3A_185 = math.exp %sub3A_184 : vector<16xf32>
        %add3A_186 = arith.addf %add3A_183, %exp3A_185 : vector<16xf32>
        %sub3A_187 = arith.subf %get3A_161, %max3A_178 : vector<16xf32>
        %exp3A_188 = math.exp %sub3A_187 : vector<16xf32>
        %add3A_189 = arith.addf %add3A_186, %exp3A_188 : vector<16xf32>
        %div3A_190 = arith.constant 1.000000e+00 : f32
        %div3A_191 = vector.broadcast %div3A_190 : f32 to vector<16xf32>
        %div3A_192 = arith.divf %div3A_191, %add3A_189 : vector<16xf32>
        %ge3A = arith.cmpf oge, %div3A_133, %div3A_192 : vector<16xf32>
        %select_n3A_193 = arith.select %ge3A, %select_n3A_121, %select_n3A_177 : vector<16xi1>, vector<16xi32>
        %swap3A = arith.constant 0 : i32
        %swap3A_194 = arith.index_cast %swap3A : i32 to index
        %swap3A_195 = arith.index_cast %mul3A_83 : i32 to index
        %swap3A_196 = tpu.vector_load %arg12[%swap3A_194, %swap3A_195] {strides = array<i32>} : memref<8x896xf32, #tpu.memory_space<vmem>>, vector<1x16xf32>,
        %swap3A_197 = vector.shape_cast %swap3A_196 : vector<1x16xf32> to vector<16xf32>
        %swap3A_198 = vector.shape_cast %div3A_133 : vector<16xf32> to vector<1x16xf32>
        tpu.vector_store %arg12[%swap3A_194, %swap3A_195], %swap3A_198 {strides = array<i32>} : memref<8x896xf32, #tpu.memory_space<vmem>>, vector<1x16xf32>,
        %swap3A_199 = arith.constant 0 : i32
        %swap3A_200 = arith.index_cast %swap3A_199 : i32 to index
        %swap3A_201 = arith.index_cast %mul3A_83 : i32 to index
        %swap3A_202 = tpu.vector_load %arg13[%swap3A_200, %swap3A_201] {strides = array<i32>} : memref<8x896xf32, #tpu.memory_space<vmem>>, vector<1x16xf32>,
        %swap3A_203 = vector.shape_cast %swap3A_202 : vector<1x16xf32> to vector<16xf32>
        %swap3A_204 = vector.shape_cast %div3A_192 : vector<16xf32> to vector<1x16xf32>
        tpu.vector_store %arg13[%swap3A_200, %swap3A_201], %swap3A_204 {strides = array<i32>} : memref<8x896xf32, #tpu.memory_space<vmem>>, vector<1x16xf32>,
        %swap3A_205 = arith.constant 0 : i32
        %swap3A_206 = arith.index_cast %swap3A_205 : i32 to index
        %swap3A_207 = arith.index_cast %mul3A_83 : i32 to index
        %swap3A_208 = tpu.vector_load %arg14[%swap3A_206, %swap3A_207] {strides = array<i32>} : memref<8x896xi32, #tpu.memory_space<vmem>>, vector<1x16xi32>,
        %swap3A_209 = vector.shape_cast %swap3A_208 : vector<1x16xi32> to vector<16xi32>
        %swap3A_210 = vector.shape_cast %select_n3A_121 : vector<16xi32> to vector<1x16xi32>
        tpu.vector_store %arg14[%swap3A_206, %swap3A_207], %swap3A_210 {strides = array<i32>} : memref<8x896xi32, #tpu.memory_space<vmem>>, vector<1x16xi32>,
        %swap3A_211 = arith.constant 0 : i32
        %swap3A_212 = arith.index_cast %swap3A_211 : i32 to index
        %swap3A_213 = arith.index_cast %mul3A_83 : i32 to index
        %swap3A_214 = tpu.vector_load %arg15[%swap3A_212, %swap3A_213] {strides = array<i32>} : memref<8x896xi32, #tpu.memory_space<vmem>>, vector<1x16xi32>,
        %swap3A_215 = vector.shape_cast %swap3A_214 : vector<1x16xi32> to vector<16xi32>
        %swap3A_216 = vector.shape_cast %select_n3A_177 : vector<16xi32> to vector<1x16xi32>
        tpu.vector_store %arg15[%swap3A_212, %swap3A_213], %swap3A_216 {strides = array<i32>} : memref<8x896xi32, #tpu.memory_space<vmem>>, vector<1x16xi32>,
        %eq3A = arith.constant 1 : i32
        %eq3A_217 = vector.broadcast %eq3A : i32 to vector<16xi32>
        %eq3A_218 = arith.cmpi eq, %select_n3A_193, %eq3A_217 : vector<16xi32>
        %select_n3A_219 = arith.select %eq3A_218, %get3A_96, %get3A_89 : vector<16xi1>, vector<16xf32>
        %eq3A_220 = arith.constant 2 : i32
        %eq3A_221 = vector.broadcast %eq3A_220 : i32 to vector<16xi32>
        %eq3A_222 = arith.cmpi eq, %select_n3A_193, %eq3A_221 : vector<16xi32>
        %select_n3A_223 = arith.select %eq3A_222, %get3A_103, %select_n3A_219 : vector<16xi1>, vector<16xf32>
        %eq3A_224 = arith.constant 3 : i32
        %eq3A_225 = vector.broadcast %eq3A_224 : i32 to vector<16xi32>
        %eq3A_226 = arith.cmpi eq, %select_n3A_193, %eq3A_225 : vector<16xi32>
        %select_n3A_227 = arith.select %eq3A_226, %get3A_110, %select_n3A_223 : vector<16xi1>, vector<16xf32>
        %sub3A_228 = arith.subf %max3A_122, %select_n3A_227 : vector<16xf32>
        %swap3A_229 = arith.constant 0 : i32
        %swap3A_230 = arith.index_cast %swap3A_229 : i32 to index
        %swap3A_231 = arith.index_cast %mul3A_83 : i32 to index
        %swap3A_232 = tpu.vector_load %arg16[%swap3A_230, %swap3A_231] {strides = array<i32>} : memref<8x896xf32, #tpu.memory_space<vmem>>, vector<1x16xf32>,
        %swap3A_233 = vector.shape_cast %swap3A_232 : vector<1x16xf32> to vector<16xf32>
        %swap3A_234 = vector.shape_cast %sub3A_228 : vector<16xf32> to vector<1x16xf32>
        tpu.vector_store %arg16[%swap3A_230, %swap3A_231], %swap3A_234 {strides = array<i32>} : memref<8x896xf32, #tpu.memory_space<vmem>>, vector<1x16xf32>,
        %eq3A_235 = arith.constant 1 : i32
        %eq3A_236 = vector.broadcast %eq3A_235 : i32 to vector<16xi32>
        %eq3A_237 = arith.cmpi eq, %select_n3A_193, %eq3A_236 : vector<16xi32>
        %select_n3A_238 = arith.select %eq3A_237, %get3A_147, %get3A_140 : vector<16xi1>, vector<16xf32>
        %eq3A_239 = arith.constant 2 : i32
        %eq3A_240 = vector.broadcast %eq3A_239 : i32 to vector<16xi32>
        %eq3A_241 = arith.cmpi eq, %select_n3A_193, %eq3A_240 : vector<16xi32>
        %select_n3A_242 = arith.select %eq3A_241, %get3A_154, %select_n3A_238 : vector<16xi1>, vector<16xf32>
        %eq3A_243 = arith.constant 3 : i32
        %eq3A_244 = vector.broadcast %eq3A_243 : i32 to vector<16xi32>
        %eq3A_245 = arith.cmpi eq, %select_n3A_193, %eq3A_244 : vector<16xi32>
        %select_n3A_246 = arith.select %eq3A_245, %get3A_161, %select_n3A_242 : vector<16xi1>, vector<16xf32>
        %sub3A_247 = arith.subf %max3A_178, %select_n3A_246 : vector<16xf32>
        %swap3A_248 = arith.constant 0 : i32
        %swap3A_249 = arith.index_cast %swap3A_248 : i32 to index
        %swap3A_250 = arith.index_cast %mul3A_83 : i32 to index
        %swap3A_251 = tpu.vector_load %arg17[%swap3A_249, %swap3A_250] {strides = array<i32>} : memref<8x896xf32, #tpu.memory_space<vmem>>, vector<1x16xf32>,
        %swap3A_252 = vector.shape_cast %swap3A_251 : vector<1x16xf32> to vector<16xf32>
        %swap3A_253 = vector.shape_cast %sub3A_247 : vector<16xf32> to vector<1x16xf32>
        tpu.vector_store %arg17[%swap3A_249, %swap3A_250], %swap3A_253 {strides = array<i32>} : memref<8x896xf32, #tpu.memory_space<vmem>>, vector<1x16xf32>,
        %scan3A_254 = arith.constant 0 : i32
        scf.yield %scan3A_254 : i32
      }
      %scan3A_30 = arith.constant 56 : i32
      %scan3A_31 = arith.constant 0 : i32
      %scan3A_32 = arith.constant 0 : i32
      %scan3A_33 = arith.constant 56 : i32
      %scan3A_34 = arith.addi %scan3A_32, %scan3A_33 : i32
      %scan3A_35 = arith.constant 1 : i32
      %scan3A_36 = scf.for %scan3A_80 = %scan3A_32 to %scan3A_34 step %scan3A_35 iter_args(%scan3A_81 = %scan3A_31) -> (i32)  : i32 {
        %mul3A_82 = arith.constant 16 : i32
        %mul3A_83 = arith.muli %scan3A_80, %mul3A_82 : i32
        %get3A = arith.constant 1 : i32
        %get3A_84 = arith.constant 0 : i32
        %get3A_85 = arith.index_cast %get3A : i32 to index
        %get3A_86 = arith.index_cast %get3A_84 : i32 to index
        %get3A_87 = arith.index_cast %mul3A_83 : i32 to index
        %get3A_88 = tpu.vector_load %arg10[%get3A_85, %get3A_86, %get3A_87] {strides = array<i32>} : memref<8x4x896xf32, #tpu.memory_space<vmem>>, vector<1x1x16xf32>,
        %get3A_89 = vector.shape_cast %get3A_88 : vector<1x1x16xf32> to vector<16xf32>
        %get3A_90 = arith.constant 1 : i32
        %get3A_91 = arith.constant 1 : i32
        %get3A_92 = arith.index_cast %get3A_90 : i32 to index
        %get3A_93 = arith.index_cast %get3A_91 : i32 to index
        %get3A_94 = arith.index_cast %mul3A_83 : i32 to index
        %get3A_95 = tpu.vector_load %arg10[%get3A_92, %get3A_93, %get3A_94] {strides = array<i32>} : memref<8x4x896xf32, #tpu.memory_space<vmem>>, vector<1x1x16xf32>,
        %get3A_96 = vector.shape_cast %get3A_95 : vector<1x1x16xf32> to vector<16xf32>
        %get3A_97 = arith.constant 1 : i32
        %get3A_98 = arith.constant 2 : i32
        %get3A_99 = arith.index_cast %get3A_97 : i32 to index
        %get3A_100 = arith.index_cast %get3A_98 : i32 to index
        %get3A_101 = arith.index_cast %mul3A_83 : i32 to index
        %get3A_102 = tpu.vector_load %arg10[%get3A_99, %get3A_100, %get3A_101] {strides = array<i32>} : memref<8x4x896xf32, #tpu.memory_space<vmem>>, vector<1x1x16xf32>,
        %get3A_103 = vector.shape_cast %get3A_102 : vector<1x1x16xf32> to vector<16xf32>
        %get3A_104 = arith.constant 1 : i32
        %get3A_105 = arith.constant 3 : i32
        %get3A_106 = arith.index_cast %get3A_104 : i32 to index
        %get3A_107 = arith.index_cast %get3A_105 : i32 to index
        %get3A_108 = arith.index_cast %mul3A_83 : i32 to index
        %get3A_109 = tpu.vector_load %arg10[%get3A_106, %get3A_107, %get3A_108] {strides = array<i32>} : memref<8x4x896xf32, #tpu.memory_space<vmem>>, vector<1x1x16xf32>,
        %get3A_110 = vector.shape_cast %get3A_109 : vector<1x1x16xf32> to vector<16xf32>
        %broadcast_in_dim3A = arith.constant 0 : i32
        %broadcast_in_dim3A_111 = vector.broadcast %broadcast_in_dim3A : i32 to vector<16xi32>
        %gt3A = arith.cmpf ogt, %get3A_96, %get3A_89 : vector<16xf32>
        %jit3A = arith.constant 1 : i32
        %broadcast_in_dim3A_112 = vector.broadcast %jit3A : i32 to vector<16xi32>
        %select_n3A = arith.select %gt3A, %broadcast_in_dim3A_112, %broadcast_in_dim3A_111 : vector<16xi1>, vector<16xi32>
        %max3A = arith.maximumf %get3A_89, %get3A_96 : vector<16xf32>
        %gt3A_113 = arith.cmpf ogt, %get3A_103, %max3A : vector<16xf32>
        %jit3A_114 = arith.constant 2 : i32
        %broadcast_in_dim3A_115 = vector.broadcast %jit3A_114 : i32 to vector<16xi32>
        %select_n3A_116 = arith.select %gt3A_113, %broadcast_in_dim3A_115, %select_n3A : vector<16xi1>, vector<16xi32>
        %max3A_117 = arith.maximumf %max3A, %get3A_103 : vector<16xf32>
        %gt3A_118 = arith.cmpf ogt, %get3A_110, %max3A_117 : vector<16xf32>
        %jit3A_119 = arith.constant 3 : i32
        %broadcast_in_dim3A_120 = vector.broadcast %jit3A_119 : i32 to vector<16xi32>
        %select_n3A_121 = arith.select %gt3A_118, %broadcast_in_dim3A_120, %select_n3A_116 : vector<16xi1>, vector<16xi32>
        %max3A_122 = arith.maximumf %max3A_117, %get3A_110 : vector<16xf32>
        %sub3A = arith.subf %get3A_89, %max3A_122 : vector<16xf32>
        %exp3A = math.exp %sub3A : vector<16xf32>
        %sub3A_123 = arith.subf %get3A_96, %max3A_122 : vector<16xf32>
        %exp3A_124 = math.exp %sub3A_123 : vector<16xf32>
        %add3A_125 = arith.addf %exp3A, %exp3A_124 : vector<16xf32>
        %sub3A_126 = arith.subf %get3A_103, %max3A_122 : vector<16xf32>
        %exp3A_127 = math.exp %sub3A_126 : vector<16xf32>
        %add3A_128 = arith.addf %add3A_125, %exp3A_127 : vector<16xf32>
        %sub3A_129 = arith.subf %get3A_110, %max3A_122 : vector<16xf32>
        %exp3A_130 = math.exp %sub3A_129 : vector<16xf32>
        %add3A_131 = arith.addf %add3A_128, %exp3A_130 : vector<16xf32>
        %div3A = arith.constant 1.000000e+00 : f32
        %div3A_132 = vector.broadcast %div3A : f32 to vector<16xf32>
        %div3A_133 = arith.divf %div3A_132, %add3A_131 : vector<16xf32>
        %get3A_134 = arith.constant 1 : i32
        %get3A_135 = arith.constant 0 : i32
        %get3A_136 = arith.index_cast %get3A_134 : i32 to index
        %get3A_137 = arith.index_cast %get3A_135 : i32 to index
        %get3A_138 = arith.index_cast %mul3A_83 : i32 to index
        %get3A_139 = tpu.vector_load %arg11[%get3A_136, %get3A_137, %get3A_138] {strides = array<i32>} : memref<8x4x896xf32, #tpu.memory_space<vmem>>, vector<1x1x16xf32>,
        %get3A_140 = vector.shape_cast %get3A_139 : vector<1x1x16xf32> to vector<16xf32>
        %get3A_141 = arith.constant 1 : i32
        %get3A_142 = arith.constant 1 : i32
        %get3A_143 = arith.index_cast %get3A_141 : i32 to index
        %get3A_144 = arith.index_cast %get3A_142 : i32 to index
        %get3A_145 = arith.index_cast %mul3A_83 : i32 to index
        %get3A_146 = tpu.vector_load %arg11[%get3A_143, %get3A_144, %get3A_145] {strides = array<i32>} : memref<8x4x896xf32, #tpu.memory_space<vmem>>, vector<1x1x16xf32>,
        %get3A_147 = vector.shape_cast %get3A_146 : vector<1x1x16xf32> to vector<16xf32>
        %get3A_148 = arith.constant 1 : i32
        %get3A_149 = arith.constant 2 : i32
        %get3A_150 = arith.index_cast %get3A_148 : i32 to index
        %get3A_151 = arith.index_cast %get3A_149 : i32 to index
        %get3A_152 = arith.index_cast %mul3A_83 : i32 to index
        %get3A_153 = tpu.vector_load %arg11[%get3A_150, %get3A_151, %get3A_152] {strides = array<i32>} : memref<8x4x896xf32, #tpu.memory_space<vmem>>, vector<1x1x16xf32>,
        %get3A_154 = vector.shape_cast %get3A_153 : vector<1x1x16xf32> to vector<16xf32>
        %get3A_155 = arith.constant 1 : i32
        %get3A_156 = arith.constant 3 : i32
        %get3A_157 = arith.index_cast %get3A_155 : i32 to index
        %get3A_158 = arith.index_cast %get3A_156 : i32 to index
        %get3A_159 = arith.index_cast %mul3A_83 : i32 to index
        %get3A_160 = tpu.vector_load %arg11[%get3A_157, %get3A_158, %get3A_159] {strides = array<i32>} : memref<8x4x896xf32, #tpu.memory_space<vmem>>, vector<1x1x16xf32>,
        %get3A_161 = vector.shape_cast %get3A_160 : vector<1x1x16xf32> to vector<16xf32>
        %broadcast_in_dim3A_162 = arith.constant 0 : i32
        %broadcast_in_dim3A_163 = vector.broadcast %broadcast_in_dim3A_162 : i32 to vector<16xi32>
        %gt3A_164 = arith.cmpf ogt, %get3A_147, %get3A_140 : vector<16xf32>
        %jit3A_165 = arith.constant 1 : i32
        %broadcast_in_dim3A_166 = vector.broadcast %jit3A_165 : i32 to vector<16xi32>
        %select_n3A_167 = arith.select %gt3A_164, %broadcast_in_dim3A_166, %broadcast_in_dim3A_163 : vector<16xi1>, vector<16xi32>
        %max3A_168 = arith.maximumf %get3A_140, %get3A_147 : vector<16xf32>
        %gt3A_169 = arith.cmpf ogt, %get3A_154, %max3A_168 : vector<16xf32>
        %jit3A_170 = arith.constant 2 : i32
        %broadcast_in_dim3A_171 = vector.broadcast %jit3A_170 : i32 to vector<16xi32>
        %select_n3A_172 = arith.select %gt3A_169, %broadcast_in_dim3A_171, %select_n3A_167 : vector<16xi1>, vector<16xi32>
        %max3A_173 = arith.maximumf %max3A_168, %get3A_154 : vector<16xf32>
        %gt3A_174 = arith.cmpf ogt, %get3A_161, %max3A_173 : vector<16xf32>
        %jit3A_175 = arith.constant 3 : i32
        %broadcast_in_dim3A_176 = vector.broadcast %jit3A_175 : i32 to vector<16xi32>
        %select_n3A_177 = arith.select %gt3A_174, %broadcast_in_dim3A_176, %select_n3A_172 : vector<16xi1>, vector<16xi32>
        %max3A_178 = arith.maximumf %max3A_173, %get3A_161 : vector<16xf32>
        %sub3A_179 = arith.subf %get3A_140, %max3A_178 : vector<16xf32>
        %exp3A_180 = math.exp %sub3A_179 : vector<16xf32>
        %sub3A_181 = arith.subf %get3A_147, %max3A_178 : vector<16xf32>
        %exp3A_182 = math.exp %sub3A_181 : vector<16xf32>
        %add3A_183 = arith.addf %exp3A_180, %exp3A_182 : vector<16xf32>
        %sub3A_184 = arith.subf %get3A_154, %max3A_178 : vector<16xf32>
        %exp3A_185 = math.exp %sub3A_184 : vector<16xf32>
        %add3A_186 = arith.addf %add3A_183, %exp3A_185 : vector<16xf32>
        %sub3A_187 = arith.subf %get3A_161, %max3A_178 : vector<16xf32>
        %exp3A_188 = math.exp %sub3A_187 : vector<16xf32>
        %add3A_189 = arith.addf %add3A_186, %exp3A_188 : vector<16xf32>
        %div3A_190 = arith.constant 1.000000e+00 : f32
        %div3A_191 = vector.broadcast %div3A_190 : f32 to vector<16xf32>
        %div3A_192 = arith.divf %div3A_191, %add3A_189 : vector<16xf32>
        %ge3A = arith.cmpf oge, %div3A_133, %div3A_192 : vector<16xf32>
        %select_n3A_193 = arith.select %ge3A, %select_n3A_121, %select_n3A_177 : vector<16xi1>, vector<16xi32>
        %swap3A = arith.constant 1 : i32
        %swap3A_194 = arith.index_cast %swap3A : i32 to index
        %swap3A_195 = arith.index_cast %mul3A_83 : i32 to index
        %swap3A_196 = tpu.vector_load %arg12[%swap3A_194, %swap3A_195] {strides = array<i32>} : memref<8x896xf32, #tpu.memory_space<vmem>>, vector<1x16xf32>,
        %swap3A_197 = vector.shape_cast %swap3A_196 : vector<1x16xf32> to vector<16xf32>
        %swap3A_198 = vector.shape_cast %div3A_133 : vector<16xf32> to vector<1x16xf32>
        tpu.vector_store %arg12[%swap3A_194, %swap3A_195], %swap3A_198 {strides = array<i32>} : memref<8x896xf32, #tpu.memory_space<vmem>>, vector<1x16xf32>,
        %swap3A_199 = arith.constant 1 : i32
        %swap3A_200 = arith.index_cast %swap3A_199 : i32 to index
        %swap3A_201 = arith.index_cast %mul3A_83 : i32 to index
        %swap3A_202 = tpu.vector_load %arg13[%swap3A_200, %swap3A_201] {strides = array<i32>} : memref<8x896xf32, #tpu.memory_space<vmem>>, vector<1x16xf32>,
        %swap3A_203 = vector.shape_cast %swap3A_202 : vector<1x16xf32> to vector<16xf32>
        %swap3A_204 = vector.shape_cast %div3A_192 : vector<16xf32> to vector<1x16xf32>
        tpu.vector_store %arg13[%swap3A_200, %swap3A_201], %swap3A_204 {strides = array<i32>} : memref<8x896xf32, #tpu.memory_space<vmem>>, vector<1x16xf32>,
        %swap3A_205 = arith.constant 1 : i32
        %swap3A_206 = arith.index_cast %swap3A_205 : i32 to index
        %swap3A_207 = arith.index_cast %mul3A_83 : i32 to index
        %swap3A_208 = tpu.vector_load %arg14[%swap3A_206, %swap3A_207] {strides = array<i32>} : memref<8x896xi32, #tpu.memory_space<vmem>>, vector<1x16xi32>,
        %swap3A_209 = vector.shape_cast %swap3A_208 : vector<1x16xi32> to vector<16xi32>
        %swap3A_210 = vector.shape_cast %select_n3A_121 : vector<16xi32> to vector<1x16xi32>
        tpu.vector_store %arg14[%swap3A_206, %swap3A_207], %swap3A_210 {strides = array<i32>} : memref<8x896xi32, #tpu.memory_space<vmem>>, vector<1x16xi32>,
        %swap3A_211 = arith.constant 1 : i32
        %swap3A_212 = arith.index_cast %swap3A_211 : i32 to index
        %swap3A_213 = arith.index_cast %mul3A_83 : i32 to index
        %swap3A_214 = tpu.vector_load %arg15[%swap3A_212, %swap3A_213] {strides = array<i32>} : memref<8x896xi32, #tpu.memory_space<vmem>>, vector<1x16xi32>,
        %swap3A_215 = vector.shape_cast %swap3A_214 : vector<1x16xi32> to vector<16xi32>
        %swap3A_216 = vector.shape_cast %select_n3A_177 : vector<16xi32> to vector<1x16xi32>
        tpu.vector_store %arg15[%swap3A_212, %swap3A_213], %swap3A_216 {strides = array<i32>} : memref<8x896xi32, #tpu.memory_space<vmem>>, vector<1x16xi32>,
        %eq3A = arith.constant 1 : i32
        %eq3A_217 = vector.broadcast %eq3A : i32 to vector<16xi32>
        %eq3A_218 = arith.cmpi eq, %select_n3A_193, %eq3A_217 : vector<16xi32>
        %select_n3A_219 = arith.select %eq3A_218, %get3A_96, %get3A_89 : vector<16xi1>, vector<16xf32>
        %eq3A_220 = arith.constant 2 : i32
        %eq3A_221 = vector.broadcast %eq3A_220 : i32 to vector<16xi32>
        %eq3A_222 = arith.cmpi eq, %select_n3A_193, %eq3A_221 : vector<16xi32>
        %select_n3A_223 = arith.select %eq3A_222, %get3A_103, %select_n3A_219 : vector<16xi1>, vector<16xf32>
        %eq3A_224 = arith.constant 3 : i32
        %eq3A_225 = vector.broadcast %eq3A_224 : i32 to vector<16xi32>
        %eq3A_226 = arith.cmpi eq, %select_n3A_193, %eq3A_225 : vector<16xi32>
        %select_n3A_227 = arith.select %eq3A_226, %get3A_110, %select_n3A_223 : vector<16xi1>, vector<16xf32>
        %sub3A_228 = arith.subf %max3A_122, %select_n3A_227 : vector<16xf32>
        %swap3A_229 = arith.constant 1 : i32
        %swap3A_230 = arith.index_cast %swap3A_229 : i32 to index
        %swap3A_231 = arith.index_cast %mul3A_83 : i32 to index
        %swap3A_232 = tpu.vector_load %arg16[%swap3A_230, %swap3A_231] {strides = array<i32>} : memref<8x896xf32, #tpu.memory_space<vmem>>, vector<1x16xf32>,
        %swap3A_233 = vector.shape_cast %swap3A_232 : vector<1x16xf32> to vector<16xf32>
        %swap3A_234 = vector.shape_cast %sub3A_228 : vector<16xf32> to vector<1x16xf32>
        tpu.vector_store %arg16[%swap3A_230, %swap3A_231], %swap3A_234 {strides = array<i32>} : memref<8x896xf32, #tpu.memory_space<vmem>>, vector<1x16xf32>,
        %eq3A_235 = arith.constant 1 : i32
        %eq3A_236 = vector.broadcast %eq3A_235 : i32 to vector<16xi32>
        %eq3A_237 = arith.cmpi eq, %select_n3A_193, %eq3A_236 : vector<16xi32>
        %select_n3A_238 = arith.select %eq3A_237, %get3A_147, %get3A_140 : vector<16xi1>, vector<16xf32>
        %eq3A_239 = arith.constant 2 : i32
        %eq3A_240 = vector.broadcast %eq3A_239 : i32 to vector<16xi32>
        %eq3A_241 = arith.cmpi eq, %select_n3A_193, %eq3A_240 : vector<16xi32>
        %select_n3A_242 = arith.select %eq3A_241, %get3A_154, %select_n3A_238 : vector<16xi1>, vector<16xf32>
        %eq3A_243 = arith.constant 3 : i32
        %eq3A_244 = vector.broadcast %eq3A_243 : i32 to vector<16xi32>
        %eq3A_245 = arith.cmpi eq, %select_n3A_193, %eq3A_244 : vector<16xi32>
        %select_n3A_246 = arith.select %eq3A_245, %get3A_161, %select_n3A_242 : vector<16xi1>, vector<16xf32>
        %sub3A_247 = arith.subf %max3A_178, %select_n3A_246 : vector<16xf32>
        %swap3A_248 = arith.constant 1 : i32
        %swap3A_249 = arith.index_cast %swap3A_248 : i32 to index
        %swap3A_250 = arith.index_cast %mul3A_83 : i32 to index
        %swap3A_251 = tpu.vector_load %arg17[%swap3A_249, %swap3A_250] {strides = array<i32>} : memref<8x896xf32, #tpu.memory_space<vmem>>, vector<1x16xf32>,
        %swap3A_252 = vector.shape_cast %swap3A_251 : vector<1x16xf32> to vector<16xf32>
        %swap3A_253 = vector.shape_cast %sub3A_247 : vector<16xf32> to vector<1x16xf32>
        tpu.vector_store %arg17[%swap3A_249, %swap3A_250], %swap3A_253 {strides = array<i32>} : memref<8x896xf32, #tpu.memory_space<vmem>>, vector<1x16xf32>,
        %scan3A_254 = arith.constant 0 : i32
        scf.yield %scan3A_254 : i32
      }
      %scan3A_37 = arith.constant 56 : i32
      %scan3A_38 = arith.constant 0 : i32
      %scan3A_39 = arith.constant 0 : i32
      %scan3A_40 = arith.constant 56 : i32
      %scan3A_41 = arith.addi %scan3A_39, %scan3A_40 : i32
      %scan3A_42 = arith.constant 1 : i32
      %scan3A_43 = scf.for %scan3A_80 = %scan3A_39 to %scan3A_41 step %scan3A_42 iter_args(%scan3A_81 = %scan3A_38) -> (i32)  : i32 {
        %mul3A_82 = arith.constant 16 : i32
        %mul3A_83 = arith.muli %scan3A_80, %mul3A_82 : i32
        %get3A = arith.constant 2 : i32
        %get3A_84 = arith.constant 0 : i32
        %get3A_85 = arith.index_cast %get3A : i32 to index
        %get3A_86 = arith.index_cast %get3A_84 : i32 to index
        %get3A_87 = arith.index_cast %mul3A_83 : i32 to index
        %get3A_88 = tpu.vector_load %arg10[%get3A_85, %get3A_86, %get3A_87] {strides = array<i32>} : memref<8x4x896xf32, #tpu.memory_space<vmem>>, vector<1x1x16xf32>,
        %get3A_89 = vector.shape_cast %get3A_88 : vector<1x1x16xf32> to vector<16xf32>
        %get3A_90 = arith.constant 2 : i32
        %get3A_91 = arith.constant 1 : i32
        %get3A_92 = arith.index_cast %get3A_90 : i32 to index
        %get3A_93 = arith.index_cast %get3A_91 : i32 to index
        %get3A_94 = arith.index_cast %mul3A_83 : i32 to index
        %get3A_95 = tpu.vector_load %arg10[%get3A_92, %get3A_93, %get3A_94] {strides = array<i32>} : memref<8x4x896xf32, #tpu.memory_space<vmem>>, vector<1x1x16xf32>,
        %get3A_96 = vector.shape_cast %get3A_95 : vector<1x1x16xf32> to vector<16xf32>
        %get3A_97 = arith.constant 2 : i32
        %get3A_98 = arith.constant 2 : i32
        %get3A_99 = arith.index_cast %get3A_97 : i32 to index
        %get3A_100 = arith.index_cast %get3A_98 : i32 to index
        %get3A_101 = arith.index_cast %mul3A_83 : i32 to index
        %get3A_102 = tpu.vector_load %arg10[%get3A_99, %get3A_100, %get3A_101] {strides = array<i32>} : memref<8x4x896xf32, #tpu.memory_space<vmem>>, vector<1x1x16xf32>,
        %get3A_103 = vector.shape_cast %get3A_102 : vector<1x1x16xf32> to vector<16xf32>
        %get3A_104 = arith.constant 2 : i32
        %get3A_105 = arith.constant 3 : i32
        %get3A_106 = arith.index_cast %get3A_104 : i32 to index
        %get3A_107 = arith.index_cast %get3A_105 : i32 to index
        %get3A_108 = arith.index_cast %mul3A_83 : i32 to index
        %get3A_109 = tpu.vector_load %arg10[%get3A_106, %get3A_107, %get3A_108] {strides = array<i32>} : memref<8x4x896xf32, #tpu.memory_space<vmem>>, vector<1x1x16xf32>,
        %get3A_110 = vector.shape_cast %get3A_109 : vector<1x1x16xf32> to vector<16xf32>
        %broadcast_in_dim3A = arith.constant 0 : i32
        %broadcast_in_dim3A_111 = vector.broadcast %broadcast_in_dim3A : i32 to vector<16xi32>
        %gt3A = arith.cmpf ogt, %get3A_96, %get3A_89 : vector<16xf32>
        %jit3A = arith.constant 1 : i32
        %broadcast_in_dim3A_112 = vector.broadcast %jit3A : i32 to vector<16xi32>
        %select_n3A = arith.select %gt3A, %broadcast_in_dim3A_112, %broadcast_in_dim3A_111 : vector<16xi1>, vector<16xi32>
        %max3A = arith.maximumf %get3A_89, %get3A_96 : vector<16xf32>
        %gt3A_113 = arith.cmpf ogt, %get3A_103, %max3A : vector<16xf32>
        %jit3A_114 = arith.constant 2 : i32
        %broadcast_in_dim3A_115 = vector.broadcast %jit3A_114 : i32 to vector<16xi32>
        %select_n3A_116 = arith.select %gt3A_113, %broadcast_in_dim3A_115, %select_n3A : vector<16xi1>, vector<16xi32>
        %max3A_117 = arith.maximumf %max3A, %get3A_103 : vector<16xf32>
        %gt3A_118 = arith.cmpf ogt, %get3A_110, %max3A_117 : vector<16xf32>
        %jit3A_119 = arith.constant 3 : i32
        %broadcast_in_dim3A_120 = vector.broadcast %jit3A_119 : i32 to vector<16xi32>
        %select_n3A_121 = arith.select %gt3A_118, %broadcast_in_dim3A_120, %select_n3A_116 : vector<16xi1>, vector<16xi32>
        %max3A_122 = arith.maximumf %max3A_117, %get3A_110 : vector<16xf32>
        %sub3A = arith.subf %get3A_89, %max3A_122 : vector<16xf32>
        %exp3A = math.exp %sub3A : vector<16xf32>
        %sub3A_123 = arith.subf %get3A_96, %max3A_122 : vector<16xf32>
        %exp3A_124 = math.exp %sub3A_123 : vector<16xf32>
        %add3A_125 = arith.addf %exp3A, %exp3A_124 : vector<16xf32>
        %sub3A_126 = arith.subf %get3A_103, %max3A_122 : vector<16xf32>
        %exp3A_127 = math.exp %sub3A_126 : vector<16xf32>
        %add3A_128 = arith.addf %add3A_125, %exp3A_127 : vector<16xf32>
        %sub3A_129 = arith.subf %get3A_110, %max3A_122 : vector<16xf32>
        %exp3A_130 = math.exp %sub3A_129 : vector<16xf32>
        %add3A_131 = arith.addf %add3A_128, %exp3A_130 : vector<16xf32>
        %div3A = arith.constant 1.000000e+00 : f32
        %div3A_132 = vector.broadcast %div3A : f32 to vector<16xf32>
        %div3A_133 = arith.divf %div3A_132, %add3A_131 : vector<16xf32>
        %get3A_134 = arith.constant 2 : i32
        %get3A_135 = arith.constant 0 : i32
        %get3A_136 = arith.index_cast %get3A_134 : i32 to index
        %get3A_137 = arith.index_cast %get3A_135 : i32 to index
        %get3A_138 = arith.index_cast %mul3A_83 : i32 to index
        %get3A_139 = tpu.vector_load %arg11[%get3A_136, %get3A_137, %get3A_138] {strides = array<i32>} : memref<8x4x896xf32, #tpu.memory_space<vmem>>, vector<1x1x16xf32>,
        %get3A_140 = vector.shape_cast %get3A_139 : vector<1x1x16xf32> to vector<16xf32>
        %get3A_141 = arith.constant 2 : i32
        %get3A_142 = arith.constant 1 : i32
        %get3A_143 = arith.index_cast %get3A_141 : i32 to index
        %get3A_144 = arith.index_cast %get3A_142 : i32 to index
        %get3A_145 = arith.index_cast %mul3A_83 : i32 to index
        %get3A_146 = tpu.vector_load %arg11[%get3A_143, %get3A_144, %get3A_145] {strides = array<i32>} : memref<8x4x896xf32, #tpu.memory_space<vmem>>, vector<1x1x16xf32>,
        %get3A_147 = vector.shape_cast %get3A_146 : vector<1x1x16xf32> to vector<16xf32>
        %get3A_148 = arith.constant 2 : i32
        %get3A_149 = arith.constant 2 : i32
        %get3A_150 = arith.index_cast %get3A_148 : i32 to index
        %get3A_151 = arith.index_cast %get3A_149 : i32 to index
        %get3A_152 = arith.index_cast %mul3A_83 : i32 to index
        %get3A_153 = tpu.vector_load %arg11[%get3A_150, %get3A_151, %get3A_152] {strides = array<i32>} : memref<8x4x896xf32, #tpu.memory_space<vmem>>, vector<1x1x16xf32>,
        %get3A_154 = vector.shape_cast %get3A_153 : vector<1x1x16xf32> to vector<16xf32>
        %get3A_155 = arith.constant 2 : i32
        %get3A_156 = arith.constant 3 : i32
        %get3A_157 = arith.index_cast %get3A_155 : i32 to index
        %get3A_158 = arith.index_cast %get3A_156 : i32 to index
        %get3A_159 = arith.index_cast %mul3A_83 : i32 to index
        %get3A_160 = tpu.vector_load %arg11[%get3A_157, %get3A_158, %get3A_159] {strides = array<i32>} : memref<8x4x896xf32, #tpu.memory_space<vmem>>, vector<1x1x16xf32>,
        %get3A_161 = vector.shape_cast %get3A_160 : vector<1x1x16xf32> to vector<16xf32>
        %broadcast_in_dim3A_162 = arith.constant 0 : i32
        %broadcast_in_dim3A_163 = vector.broadcast %broadcast_in_dim3A_162 : i32 to vector<16xi32>
        %gt3A_164 = arith.cmpf ogt, %get3A_147, %get3A_140 : vector<16xf32>
        %jit3A_165 = arith.constant 1 : i32
        %broadcast_in_dim3A_166 = vector.broadcast %jit3A_165 : i32 to vector<16xi32>
        %select_n3A_167 = arith.select %gt3A_164, %broadcast_in_dim3A_166, %broadcast_in_dim3A_163 : vector<16xi1>, vector<16xi32>
        %max3A_168 = arith.maximumf %get3A_140, %get3A_147 : vector<16xf32>
        %gt3A_169 = arith.cmpf ogt, %get3A_154, %max3A_168 : vector<16xf32>
        %jit3A_170 = arith.constant 2 : i32
        %broadcast_in_dim3A_171 = vector.broadcast %jit3A_170 : i32 to vector<16xi32>
        %select_n3A_172 = arith.select %gt3A_169, %broadcast_in_dim3A_171, %select_n3A_167 : vector<16xi1>, vector<16xi32>
        %max3A_173 = arith.maximumf %max3A_168, %get3A_154 : vector<16xf32>
        %gt3A_174 = arith.cmpf ogt, %get3A_161, %max3A_173 : vector<16xf32>
        %jit3A_175 = arith.constant 3 : i32
        %broadcast_in_dim3A_176 = vector.broadcast %jit3A_175 : i32 to vector<16xi32>
        %select_n3A_177 = arith.select %gt3A_174, %broadcast_in_dim3A_176, %select_n3A_172 : vector<16xi1>, vector<16xi32>
        %max3A_178 = arith.maximumf %max3A_173, %get3A_161 : vector<16xf32>
        %sub3A_179 = arith.subf %get3A_140, %max3A_178 : vector<16xf32>
        %exp3A_180 = math.exp %sub3A_179 : vector<16xf32>
        %sub3A_181 = arith.subf %get3A_147, %max3A_178 : vector<16xf32>
        %exp3A_182 = math.exp %sub3A_181 : vector<16xf32>
        %add3A_183 = arith.addf %exp3A_180, %exp3A_182 : vector<16xf32>
        %sub3A_184 = arith.subf %get3A_154, %max3A_178 : vector<16xf32>
        %exp3A_185 = math.exp %sub3A_184 : vector<16xf32>
        %add3A_186 = arith.addf %add3A_183, %exp3A_185 : vector<16xf32>
        %sub3A_187 = arith.subf %get3A_161, %max3A_178 : vector<16xf32>
        %exp3A_188 = math.exp %sub3A_187 : vector<16xf32>
        %add3A_189 = arith.addf %add3A_186, %exp3A_188 : vector<16xf32>
        %div3A_190 = arith.constant 1.000000e+00 : f32
        %div3A_191 = vector.broadcast %div3A_190 : f32 to vector<16xf32>
        %div3A_192 = arith.divf %div3A_191, %add3A_189 : vector<16xf32>
        %ge3A = arith.cmpf oge, %div3A_133, %div3A_192 : vector<16xf32>
        %select_n3A_193 = arith.select %ge3A, %select_n3A_121, %select_n3A_177 : vector<16xi1>, vector<16xi32>
        %swap3A = arith.constant 2 : i32
        %swap3A_194 = arith.index_cast %swap3A : i32 to index
        %swap3A_195 = arith.index_cast %mul3A_83 : i32 to index
        %swap3A_196 = tpu.vector_load %arg12[%swap3A_194, %swap3A_195] {strides = array<i32>} : memref<8x896xf32, #tpu.memory_space<vmem>>, vector<1x16xf32>,
        %swap3A_197 = vector.shape_cast %swap3A_196 : vector<1x16xf32> to vector<16xf32>
        %swap3A_198 = vector.shape_cast %div3A_133 : vector<16xf32> to vector<1x16xf32>
        tpu.vector_store %arg12[%swap3A_194, %swap3A_195], %swap3A_198 {strides = array<i32>} : memref<8x896xf32, #tpu.memory_space<vmem>>, vector<1x16xf32>,
        %swap3A_199 = arith.constant 2 : i32
        %swap3A_200 = arith.index_cast %swap3A_199 : i32 to index
        %swap3A_201 = arith.index_cast %mul3A_83 : i32 to index
        %swap3A_202 = tpu.vector_load %arg13[%swap3A_200, %swap3A_201] {strides = array<i32>} : memref<8x896xf32, #tpu.memory_space<vmem>>, vector<1x16xf32>,
        %swap3A_203 = vector.shape_cast %swap3A_202 : vector<1x16xf32> to vector<16xf32>
        %swap3A_204 = vector.shape_cast %div3A_192 : vector<16xf32> to vector<1x16xf32>
        tpu.vector_store %arg13[%swap3A_200, %swap3A_201], %swap3A_204 {strides = array<i32>} : memref<8x896xf32, #tpu.memory_space<vmem>>, vector<1x16xf32>,
        %swap3A_205 = arith.constant 2 : i32
        %swap3A_206 = arith.index_cast %swap3A_205 : i32 to index
        %swap3A_207 = arith.index_cast %mul3A_83 : i32 to index
        %swap3A_208 = tpu.vector_load %arg14[%swap3A_206, %swap3A_207] {strides = array<i32>} : memref<8x896xi32, #tpu.memory_space<vmem>>, vector<1x16xi32>,
        %swap3A_209 = vector.shape_cast %swap3A_208 : vector<1x16xi32> to vector<16xi32>
        %swap3A_210 = vector.shape_cast %select_n3A_121 : vector<16xi32> to vector<1x16xi32>
        tpu.vector_store %arg14[%swap3A_206, %swap3A_207], %swap3A_210 {strides = array<i32>} : memref<8x896xi32, #tpu.memory_space<vmem>>, vector<1x16xi32>,
        %swap3A_211 = arith.constant 2 : i32
        %swap3A_212 = arith.index_cast %swap3A_211 : i32 to index
        %swap3A_213 = arith.index_cast %mul3A_83 : i32 to index
        %swap3A_214 = tpu.vector_load %arg15[%swap3A_212, %swap3A_213] {strides = array<i32>} : memref<8x896xi32, #tpu.memory_space<vmem>>, vector<1x16xi32>,
        %swap3A_215 = vector.shape_cast %swap3A_214 : vector<1x16xi32> to vector<16xi32>
        %swap3A_216 = vector.shape_cast %select_n3A_177 : vector<16xi32> to vector<1x16xi32>
        tpu.vector_store %arg15[%swap3A_212, %swap3A_213], %swap3A_216 {strides = array<i32>} : memref<8x896xi32, #tpu.memory_space<vmem>>, vector<1x16xi32>,
        %eq3A = arith.constant 1 : i32
        %eq3A_217 = vector.broadcast %eq3A : i32 to vector<16xi32>
        %eq3A_218 = arith.cmpi eq, %select_n3A_193, %eq3A_217 : vector<16xi32>
        %select_n3A_219 = arith.select %eq3A_218, %get3A_96, %get3A_89 : vector<16xi1>, vector<16xf32>
        %eq3A_220 = arith.constant 2 : i32
        %eq3A_221 = vector.broadcast %eq3A_220 : i32 to vector<16xi32>
        %eq3A_222 = arith.cmpi eq, %select_n3A_193, %eq3A_221 : vector<16xi32>
        %select_n3A_223 = arith.select %eq3A_222, %get3A_103, %select_n3A_219 : vector<16xi1>, vector<16xf32>
        %eq3A_224 = arith.constant 3 : i32
        %eq3A_225 = vector.broadcast %eq3A_224 : i32 to vector<16xi32>
        %eq3A_226 = arith.cmpi eq, %select_n3A_193, %eq3A_225 : vector<16xi32>
        %select_n3A_227 = arith.select %eq3A_226, %get3A_110, %select_n3A_223 : vector<16xi1>, vector<16xf32>
        %sub3A_228 = arith.subf %max3A_122, %select_n3A_227 : vector<16xf32>
        %swap3A_229 = arith.constant 2 : i32
        %swap3A_230 = arith.index_cast %swap3A_229 : i32 to index
        %swap3A_231 = arith.index_cast %mul3A_83 : i32 to index
        %swap3A_232 = tpu.vector_load %arg16[%swap3A_230, %swap3A_231] {strides = array<i32>} : memref<8x896xf32, #tpu.memory_space<vmem>>, vector<1x16xf32>,
        %swap3A_233 = vector.shape_cast %swap3A_232 : vector<1x16xf32> to vector<16xf32>
        %swap3A_234 = vector.shape_cast %sub3A_228 : vector<16xf32> to vector<1x16xf32>
        tpu.vector_store %arg16[%swap3A_230, %swap3A_231], %swap3A_234 {strides = array<i32>} : memref<8x896xf32, #tpu.memory_space<vmem>>, vector<1x16xf32>,
        %eq3A_235 = arith.constant 1 : i32
        %eq3A_236 = vector.broadcast %eq3A_235 : i32 to vector<16xi32>
        %eq3A_237 = arith.cmpi eq, %select_n3A_193, %eq3A_236 : vector<16xi32>
        %select_n3A_238 = arith.select %eq3A_237, %get3A_147, %get3A_140 : vector<16xi1>, vector<16xf32>
        %eq3A_239 = arith.constant 2 : i32
        %eq3A_240 = vector.broadcast %eq3A_239 : i32 to vector<16xi32>
        %eq3A_241 = arith.cmpi eq, %select_n3A_193, %eq3A_240 : vector<16xi32>
        %select_n3A_242 = arith.select %eq3A_241, %get3A_154, %select_n3A_238 : vector<16xi1>, vector<16xf32>
        %eq3A_243 = arith.constant 3 : i32
        %eq3A_244 = vector.broadcast %eq3A_243 : i32 to vector<16xi32>
        %eq3A_245 = arith.cmpi eq, %select_n3A_193, %eq3A_244 : vector<16xi32>
        %select_n3A_246 = arith.select %eq3A_245, %get3A_161, %select_n3A_242 : vector<16xi1>, vector<16xf32>
        %sub3A_247 = arith.subf %max3A_178, %select_n3A_246 : vector<16xf32>
        %swap3A_248 = arith.constant 2 : i32
        %swap3A_249 = arith.index_cast %swap3A_248 : i32 to index
        %swap3A_250 = arith.index_cast %mul3A_83 : i32 to index
        %swap3A_251 = tpu.vector_load %arg17[%swap3A_249, %swap3A_250] {strides = array<i32>} : memref<8x896xf32, #tpu.memory_space<vmem>>, vector<1x16xf32>,
        %swap3A_252 = vector.shape_cast %swap3A_251 : vector<1x16xf32> to vector<16xf32>
        %swap3A_253 = vector.shape_cast %sub3A_247 : vector<16xf32> to vector<1x16xf32>
        tpu.vector_store %arg17[%swap3A_249, %swap3A_250], %swap3A_253 {strides = array<i32>} : memref<8x896xf32, #tpu.memory_space<vmem>>, vector<1x16xf32>,
        %scan3A_254 = arith.constant 0 : i32
        scf.yield %scan3A_254 : i32
      }
      %scan3A_44 = arith.constant 56 : i32
      %scan3A_45 = arith.constant 0 : i32
      %scan3A_46 = arith.constant 0 : i32
      %scan3A_47 = arith.constant 56 : i32
      %scan3A_48 = arith.addi %scan3A_46, %scan3A_47 : i32
      %scan3A_49 = arith.constant 1 : i32
      %scan3A_50 = scf.for %scan3A_80 = %scan3A_46 to %scan3A_48 step %scan3A_49 iter_args(%scan3A_81 = %scan3A_45) -> (i32)  : i32 {
        %mul3A_82 = arith.constant 16 : i32
        %mul3A_83 = arith.muli %scan3A_80, %mul3A_82 : i32
        %get3A = arith.constant 3 : i32
        %get3A_84 = arith.constant 0 : i32
        %get3A_85 = arith.index_cast %get3A : i32 to index
        %get3A_86 = arith.index_cast %get3A_84 : i32 to index
        %get3A_87 = arith.index_cast %mul3A_83 : i32 to index
        %get3A_88 = tpu.vector_load %arg10[%get3A_85, %get3A_86, %get3A_87] {strides = array<i32>} : memref<8x4x896xf32, #tpu.memory_space<vmem>>, vector<1x1x16xf32>,
        %get3A_89 = vector.shape_cast %get3A_88 : vector<1x1x16xf32> to vector<16xf32>
        %get3A_90 = arith.constant 3 : i32
        %get3A_91 = arith.constant 1 : i32
        %get3A_92 = arith.index_cast %get3A_90 : i32 to index
        %get3A_93 = arith.index_cast %get3A_91 : i32 to index
        %get3A_94 = arith.index_cast %mul3A_83 : i32 to index
        %get3A_95 = tpu.vector_load %arg10[%get3A_92, %get3A_93, %get3A_94] {strides = array<i32>} : memref<8x4x896xf32, #tpu.memory_space<vmem>>, vector<1x1x16xf32>,
        %get3A_96 = vector.shape_cast %get3A_95 : vector<1x1x16xf32> to vector<16xf32>
        %get3A_97 = arith.constant 3 : i32
        %get3A_98 = arith.constant 2 : i32
        %get3A_99 = arith.index_cast %get3A_97 : i32 to index
        %get3A_100 = arith.index_cast %get3A_98 : i32 to index
        %get3A_101 = arith.index_cast %mul3A_83 : i32 to index
        %get3A_102 = tpu.vector_load %arg10[%get3A_99, %get3A_100, %get3A_101] {strides = array<i32>} : memref<8x4x896xf32, #tpu.memory_space<vmem>>, vector<1x1x16xf32>,
        %get3A_103 = vector.shape_cast %get3A_102 : vector<1x1x16xf32> to vector<16xf32>
        %get3A_104 = arith.constant 3 : i32
        %get3A_105 = arith.constant 3 : i32
        %get3A_106 = arith.index_cast %get3A_104 : i32 to index
        %get3A_107 = arith.index_cast %get3A_105 : i32 to index
        %get3A_108 = arith.index_cast %mul3A_83 : i32 to index
        %get3A_109 = tpu.vector_load %arg10[%get3A_106, %get3A_107, %get3A_108] {strides = array<i32>} : memref<8x4x896xf32, #tpu.memory_space<vmem>>, vector<1x1x16xf32>,
        %get3A_110 = vector.shape_cast %get3A_109 : vector<1x1x16xf32> to vector<16xf32>
        %broadcast_in_dim3A = arith.constant 0 : i32
        %broadcast_in_dim3A_111 = vector.broadcast %broadcast_in_dim3A : i32 to vector<16xi32>
        %gt3A = arith.cmpf ogt, %get3A_96, %get3A_89 : vector<16xf32>
        %jit3A = arith.constant 1 : i32
        %broadcast_in_dim3A_112 = vector.broadcast %jit3A : i32 to vector<16xi32>
        %select_n3A = arith.select %gt3A, %broadcast_in_dim3A_112, %broadcast_in_dim3A_111 : vector<16xi1>, vector<16xi32>
        %max3A = arith.maximumf %get3A_89, %get3A_96 : vector<16xf32>
        %gt3A_113 = arith.cmpf ogt, %get3A_103, %max3A : vector<16xf32>
        %jit3A_114 = arith.constant 2 : i32
        %broadcast_in_dim3A_115 = vector.broadcast %jit3A_114 : i32 to vector<16xi32>
        %select_n3A_116 = arith.select %gt3A_113, %broadcast_in_dim3A_115, %select_n3A : vector<16xi1>, vector<16xi32>
        %max3A_117 = arith.maximumf %max3A, %get3A_103 : vector<16xf32>
        %gt3A_118 = arith.cmpf ogt, %get3A_110, %max3A_117 : vector<16xf32>
        %jit3A_119 = arith.constant 3 : i32
        %broadcast_in_dim3A_120 = vector.broadcast %jit3A_119 : i32 to vector<16xi32>
        %select_n3A_121 = arith.select %gt3A_118, %broadcast_in_dim3A_120, %select_n3A_116 : vector<16xi1>, vector<16xi32>
        %max3A_122 = arith.maximumf %max3A_117, %get3A_110 : vector<16xf32>
        %sub3A = arith.subf %get3A_89, %max3A_122 : vector<16xf32>
        %exp3A = math.exp %sub3A : vector<16xf32>
        %sub3A_123 = arith.subf %get3A_96, %max3A_122 : vector<16xf32>
        %exp3A_124 = math.exp %sub3A_123 : vector<16xf32>
        %add3A_125 = arith.addf %exp3A, %exp3A_124 : vector<16xf32>
        %sub3A_126 = arith.subf %get3A_103, %max3A_122 : vector<16xf32>
        %exp3A_127 = math.exp %sub3A_126 : vector<16xf32>
        %add3A_128 = arith.addf %add3A_125, %exp3A_127 : vector<16xf32>
        %sub3A_129 = arith.subf %get3A_110, %max3A_122 : vector<16xf32>
        %exp3A_130 = math.exp %sub3A_129 : vector<16xf32>
        %add3A_131 = arith.addf %add3A_128, %exp3A_130 : vector<16xf32>
        %div3A = arith.constant 1.000000e+00 : f32
        %div3A_132 = vector.broadcast %div3A : f32 to vector<16xf32>
        %div3A_133 = arith.divf %div3A_132, %add3A_131 : vector<16xf32>
        %get3A_134 = arith.constant 3 : i32
        %get3A_135 = arith.constant 0 : i32
        %get3A_136 = arith.index_cast %get3A_134 : i32 to index
        %get3A_137 = arith.index_cast %get3A_135 : i32 to index
        %get3A_138 = arith.index_cast %mul3A_83 : i32 to index
        %get3A_139 = tpu.vector_load %arg11[%get3A_136, %get3A_137, %get3A_138] {strides = array<i32>} : memref<8x4x896xf32, #tpu.memory_space<vmem>>, vector<1x1x16xf32>,
        %get3A_140 = vector.shape_cast %get3A_139 : vector<1x1x16xf32> to vector<16xf32>
        %get3A_141 = arith.constant 3 : i32
        %get3A_142 = arith.constant 1 : i32
        %get3A_143 = arith.index_cast %get3A_141 : i32 to index
        %get3A_144 = arith.index_cast %get3A_142 : i32 to index
        %get3A_145 = arith.index_cast %mul3A_83 : i32 to index
        %get3A_146 = tpu.vector_load %arg11[%get3A_143, %get3A_144, %get3A_145] {strides = array<i32>} : memref<8x4x896xf32, #tpu.memory_space<vmem>>, vector<1x1x16xf32>,
        %get3A_147 = vector.shape_cast %get3A_146 : vector<1x1x16xf32> to vector<16xf32>
        %get3A_148 = arith.constant 3 : i32
        %get3A_149 = arith.constant 2 : i32
        %get3A_150 = arith.index_cast %get3A_148 : i32 to index
        %get3A_151 = arith.index_cast %get3A_149 : i32 to index
        %get3A_152 = arith.index_cast %mul3A_83 : i32 to index
        %get3A_153 = tpu.vector_load %arg11[%get3A_150, %get3A_151, %get3A_152] {strides = array<i32>} : memref<8x4x896xf32, #tpu.memory_space<vmem>>, vector<1x1x16xf32>,
        %get3A_154 = vector.shape_cast %get3A_153 : vector<1x1x16xf32> to vector<16xf32>
        %get3A_155 = arith.constant 3 : i32
        %get3A_156 = arith.constant 3 : i32
        %get3A_157 = arith.index_cast %get3A_155 : i32 to index
        %get3A_158 = arith.index_cast %get3A_156 : i32 to index
        %get3A_159 = arith.index_cast %mul3A_83 : i32 to index
        %get3A_160 = tpu.vector_load %arg11[%get3A_157, %get3A_158, %get3A_159] {strides = array<i32>} : memref<8x4x896xf32, #tpu.memory_space<vmem>>, vector<1x1x16xf32>,
        %get3A_161 = vector.shape_cast %get3A_160 : vector<1x1x16xf32> to vector<16xf32>
        %broadcast_in_dim3A_162 = arith.constant 0 : i32
        %broadcast_in_dim3A_163 = vector.broadcast %broadcast_in_dim3A_162 : i32 to vector<16xi32>
        %gt3A_164 = arith.cmpf ogt, %get3A_147, %get3A_140 : vector<16xf32>
        %jit3A_165 = arith.constant 1 : i32
        %broadcast_in_dim3A_166 = vector.broadcast %jit3A_165 : i32 to vector<16xi32>
        %select_n3A_167 = arith.select %gt3A_164, %broadcast_in_dim3A_166, %broadcast_in_dim3A_163 : vector<16xi1>, vector<16xi32>
        %max3A_168 = arith.maximumf %get3A_140, %get3A_147 : vector<16xf32>
        %gt3A_169 = arith.cmpf ogt, %get3A_154, %max3A_168 : vector<16xf32>
        %jit3A_170 = arith.constant 2 : i32
        %broadcast_in_dim3A_171 = vector.broadcast %jit3A_170 : i32 to vector<16xi32>
        %select_n3A_172 = arith.select %gt3A_169, %broadcast_in_dim3A_171, %select_n3A_167 : vector<16xi1>, vector<16xi32>
        %max3A_173 = arith.maximumf %max3A_168, %get3A_154 : vector<16xf32>
        %gt3A_174 = arith.cmpf ogt, %get3A_161, %max3A_173 : vector<16xf32>
        %jit3A_175 = arith.constant 3 : i32
        %broadcast_in_dim3A_176 = vector.broadcast %jit3A_175 : i32 to vector<16xi32>
        %select_n3A_177 = arith.select %gt3A_174, %broadcast_in_dim3A_176, %select_n3A_172 : vector<16xi1>, vector<16xi32>
        %max3A_178 = arith.maximumf %max3A_173, %get3A_161 : vector<16xf32>
        %sub3A_179 = arith.subf %get3A_140, %max3A_178 : vector<16xf32>
        %exp3A_180 = math.exp %sub3A_179 : vector<16xf32>
        %sub3A_181 = arith.subf %get3A_147, %max3A_178 : vector<16xf32>
        %exp3A_182 = math.exp %sub3A_181 : vector<16xf32>
        %add3A_183 = arith.addf %exp3A_180, %exp3A_182 : vector<16xf32>
        %sub3A_184 = arith.subf %get3A_154, %max3A_178 : vector<16xf32>
        %exp3A_185 = math.exp %sub3A_184 : vector<16xf32>
        %add3A_186 = arith.addf %add3A_183, %exp3A_185 : vector<16xf32>
        %sub3A_187 = arith.subf %get3A_161, %max3A_178 : vector<16xf32>
        %exp3A_188 = math.exp %sub3A_187 : vector<16xf32>
        %add3A_189 = arith.addf %add3A_186, %exp3A_188 : vector<16xf32>
        %div3A_190 = arith.constant 1.000000e+00 : f32
        %div3A_191 = vector.broadcast %div3A_190 : f32 to vector<16xf32>
        %div3A_192 = arith.divf %div3A_191, %add3A_189 : vector<16xf32>
        %ge3A = arith.cmpf oge, %div3A_133, %div3A_192 : vector<16xf32>
        %select_n3A_193 = arith.select %ge3A, %select_n3A_121, %select_n3A_177 : vector<16xi1>, vector<16xi32>
        %swap3A = arith.constant 3 : i32
        %swap3A_194 = arith.index_cast %swap3A : i32 to index
        %swap3A_195 = arith.index_cast %mul3A_83 : i32 to index
        %swap3A_196 = tpu.vector_load %arg12[%swap3A_194, %swap3A_195] {strides = array<i32>} : memref<8x896xf32, #tpu.memory_space<vmem>>, vector<1x16xf32>,
        %swap3A_197 = vector.shape_cast %swap3A_196 : vector<1x16xf32> to vector<16xf32>
        %swap3A_198 = vector.shape_cast %div3A_133 : vector<16xf32> to vector<1x16xf32>
        tpu.vector_store %arg12[%swap3A_194, %swap3A_195], %swap3A_198 {strides = array<i32>} : memref<8x896xf32, #tpu.memory_space<vmem>>, vector<1x16xf32>,
        %swap3A_199 = arith.constant 3 : i32
        %swap3A_200 = arith.index_cast %swap3A_199 : i32 to index
        %swap3A_201 = arith.index_cast %mul3A_83 : i32 to index
        %swap3A_202 = tpu.vector_load %arg13[%swap3A_200, %swap3A_201] {strides = array<i32>} : memref<8x896xf32, #tpu.memory_space<vmem>>, vector<1x16xf32>,
        %swap3A_203 = vector.shape_cast %swap3A_202 : vector<1x16xf32> to vector<16xf32>
        %swap3A_204 = vector.shape_cast %div3A_192 : vector<16xf32> to vector<1x16xf32>
        tpu.vector_store %arg13[%swap3A_200, %swap3A_201], %swap3A_204 {strides = array<i32>} : memref<8x896xf32, #tpu.memory_space<vmem>>, vector<1x16xf32>,
        %swap3A_205 = arith.constant 3 : i32
        %swap3A_206 = arith.index_cast %swap3A_205 : i32 to index
        %swap3A_207 = arith.index_cast %mul3A_83 : i32 to index
        %swap3A_208 = tpu.vector_load %arg14[%swap3A_206, %swap3A_207] {strides = array<i32>} : memref<8x896xi32, #tpu.memory_space<vmem>>, vector<1x16xi32>,
        %swap3A_209 = vector.shape_cast %swap3A_208 : vector<1x16xi32> to vector<16xi32>
        %swap3A_210 = vector.shape_cast %select_n3A_121 : vector<16xi32> to vector<1x16xi32>
        tpu.vector_store %arg14[%swap3A_206, %swap3A_207], %swap3A_210 {strides = array<i32>} : memref<8x896xi32, #tpu.memory_space<vmem>>, vector<1x16xi32>,
        %swap3A_211 = arith.constant 3 : i32
        %swap3A_212 = arith.index_cast %swap3A_211 : i32 to index
        %swap3A_213 = arith.index_cast %mul3A_83 : i32 to index
        %swap3A_214 = tpu.vector_load %arg15[%swap3A_212, %swap3A_213] {strides = array<i32>} : memref<8x896xi32, #tpu.memory_space<vmem>>, vector<1x16xi32>,
        %swap3A_215 = vector.shape_cast %swap3A_214 : vector<1x16xi32> to vector<16xi32>
        %swap3A_216 = vector.shape_cast %select_n3A_177 : vector<16xi32> to vector<1x16xi32>
        tpu.vector_store %arg15[%swap3A_212, %swap3A_213], %swap3A_216 {strides = array<i32>} : memref<8x896xi32, #tpu.memory_space<vmem>>, vector<1x16xi32>,
        %eq3A = arith.constant 1 : i32
        %eq3A_217 = vector.broadcast %eq3A : i32 to vector<16xi32>
        %eq3A_218 = arith.cmpi eq, %select_n3A_193, %eq3A_217 : vector<16xi32>
        %select_n3A_219 = arith.select %eq3A_218, %get3A_96, %get3A_89 : vector<16xi1>, vector<16xf32>
        %eq3A_220 = arith.constant 2 : i32
        %eq3A_221 = vector.broadcast %eq3A_220 : i32 to vector<16xi32>
        %eq3A_222 = arith.cmpi eq, %select_n3A_193, %eq3A_221 : vector<16xi32>
        %select_n3A_223 = arith.select %eq3A_222, %get3A_103, %select_n3A_219 : vector<16xi1>, vector<16xf32>
        %eq3A_224 = arith.constant 3 : i32
        %eq3A_225 = vector.broadcast %eq3A_224 : i32 to vector<16xi32>
        %eq3A_226 = arith.cmpi eq, %select_n3A_193, %eq3A_225 : vector<16xi32>
        %select_n3A_227 = arith.select %eq3A_226, %get3A_110, %select_n3A_223 : vector<16xi1>, vector<16xf32>
        %sub3A_228 = arith.subf %max3A_122, %select_n3A_227 : vector<16xf32>
        %swap3A_229 = arith.constant 3 : i32
        %swap3A_230 = arith.index_cast %swap3A_229 : i32 to index
        %swap3A_231 = arith.index_cast %mul3A_83 : i32 to index
        %swap3A_232 = tpu.vector_load %arg16[%swap3A_230, %swap3A_231] {strides = array<i32>} : memref<8x896xf32, #tpu.memory_space<vmem>>, vector<1x16xf32>,
        %swap3A_233 = vector.shape_cast %swap3A_232 : vector<1x16xf32> to vector<16xf32>
        %swap3A_234 = vector.shape_cast %sub3A_228 : vector<16xf32> to vector<1x16xf32>
        tpu.vector_store %arg16[%swap3A_230, %swap3A_231], %swap3A_234 {strides = array<i32>} : memref<8x896xf32, #tpu.memory_space<vmem>>, vector<1x16xf32>,
        %eq3A_235 = arith.constant 1 : i32
        %eq3A_236 = vector.broadcast %eq3A_235 : i32 to vector<16xi32>
        %eq3A_237 = arith.cmpi eq, %select_n3A_193, %eq3A_236 : vector<16xi32>
        %select_n3A_238 = arith.select %eq3A_237, %get3A_147, %get3A_140 : vector<16xi1>, vector<16xf32>
        %eq3A_239 = arith.constant 2 : i32
        %eq3A_240 = vector.broadcast %eq3A_239 : i32 to vector<16xi32>
        %eq3A_241 = arith.cmpi eq, %select_n3A_193, %eq3A_240 : vector<16xi32>
        %select_n3A_242 = arith.select %eq3A_241, %get3A_154, %select_n3A_238 : vector<16xi1>, vector<16xf32>
        %eq3A_243 = arith.constant 3 : i32
        %eq3A_244 = vector.broadcast %eq3A_243 : i32 to vector<16xi32>
        %eq3A_245 = arith.cmpi eq, %select_n3A_193, %eq3A_244 : vector<16xi32>
        %select_n3A_246 = arith.select %eq3A_245, %get3A_161, %select_n3A_242 : vector<16xi1>, vector<16xf32>
        %sub3A_247 = arith.subf %max3A_178, %select_n3A_246 : vector<16xf32>
        %swap3A_248 = arith.constant 3 : i32
        %swap3A_249 = arith.index_cast %swap3A_248 : i32 to index
        %swap3A_250 = arith.index_cast %mul3A_83 : i32 to index
        %swap3A_251 = tpu.vector_load %arg17[%swap3A_249, %swap3A_250] {strides = array<i32>} : memref<8x896xf32, #tpu.memory_space<vmem>>, vector<1x16xf32>,
        %swap3A_252 = vector.shape_cast %swap3A_251 : vector<1x16xf32> to vector<16xf32>
        %swap3A_253 = vector.shape_cast %sub3A_247 : vector<16xf32> to vector<1x16xf32>
        tpu.vector_store %arg17[%swap3A_249, %swap3A_250], %swap3A_253 {strides = array<i32>} : memref<8x896xf32, #tpu.memory_space<vmem>>, vector<1x16xf32>,
        %scan3A_254 = arith.constant 0 : i32
        scf.yield %scan3A_254 : i32
      }
      %scan3A_51 = arith.constant 56 : i32
      %scan3A_52 = arith.constant 0 : i32
      %scan3A_53 = arith.constant 0 : i32
      %scan3A_54 = arith.constant 56 : i32
      %scan3A_55 = arith.addi %scan3A_53, %scan3A_54 : i32
      %scan3A_56 = arith.constant 1 : i32
      %scan3A_57 = scf.for %scan3A_80 = %scan3A_53 to %scan3A_55 step %scan3A_56 iter_args(%scan3A_81 = %scan3A_52) -> (i32)  : i32 {
        %mul3A_82 = arith.constant 16 : i32
        %mul3A_83 = arith.muli %scan3A_80, %mul3A_82 : i32
        %get3A = arith.constant 4 : i32
        %get3A_84 = arith.constant 0 : i32
        %get3A_85 = arith.index_cast %get3A : i32 to index
        %get3A_86 = arith.index_cast %get3A_84 : i32 to index
        %get3A_87 = arith.index_cast %mul3A_83 : i32 to index
        %get3A_88 = tpu.vector_load %arg10[%get3A_85, %get3A_86, %get3A_87] {strides = array<i32>} : memref<8x4x896xf32, #tpu.memory_space<vmem>>, vector<1x1x16xf32>,
        %get3A_89 = vector.shape_cast %get3A_88 : vector<1x1x16xf32> to vector<16xf32>
        %get3A_90 = arith.constant 4 : i32
        %get3A_91 = arith.constant 1 : i32
        %get3A_92 = arith.index_cast %get3A_90 : i32 to index
        %get3A_93 = arith.index_cast %get3A_91 : i32 to index
        %get3A_94 = arith.index_cast %mul3A_83 : i32 to index
        %get3A_95 = tpu.vector_load %arg10[%get3A_92, %get3A_93, %get3A_94] {strides = array<i32>} : memref<8x4x896xf32, #tpu.memory_space<vmem>>, vector<1x1x16xf32>,
        %get3A_96 = vector.shape_cast %get3A_95 : vector<1x1x16xf32> to vector<16xf32>
        %get3A_97 = arith.constant 4 : i32
        %get3A_98 = arith.constant 2 : i32
        %get3A_99 = arith.index_cast %get3A_97 : i32 to index
        %get3A_100 = arith.index_cast %get3A_98 : i32 to index
        %get3A_101 = arith.index_cast %mul3A_83 : i32 to index
        %get3A_102 = tpu.vector_load %arg10[%get3A_99, %get3A_100, %get3A_101] {strides = array<i32>} : memref<8x4x896xf32, #tpu.memory_space<vmem>>, vector<1x1x16xf32>,
        %get3A_103 = vector.shape_cast %get3A_102 : vector<1x1x16xf32> to vector<16xf32>
        %get3A_104 = arith.constant 4 : i32
        %get3A_105 = arith.constant 3 : i32
        %get3A_106 = arith.index_cast %get3A_104 : i32 to index
        %get3A_107 = arith.index_cast %get3A_105 : i32 to index
        %get3A_108 = arith.index_cast %mul3A_83 : i32 to index
        %get3A_109 = tpu.vector_load %arg10[%get3A_106, %get3A_107, %get3A_108] {strides = array<i32>} : memref<8x4x896xf32, #tpu.memory_space<vmem>>, vector<1x1x16xf32>,
        %get3A_110 = vector.shape_cast %get3A_109 : vector<1x1x16xf32> to vector<16xf32>
        %broadcast_in_dim3A = arith.constant 0 : i32
        %broadcast_in_dim3A_111 = vector.broadcast %broadcast_in_dim3A : i32 to vector<16xi32>
        %gt3A = arith.cmpf ogt, %get3A_96, %get3A_89 : vector<16xf32>
        %jit3A = arith.constant 1 : i32
        %broadcast_in_dim3A_112 = vector.broadcast %jit3A : i32 to vector<16xi32>
        %select_n3A = arith.select %gt3A, %broadcast_in_dim3A_112, %broadcast_in_dim3A_111 : vector<16xi1>, vector<16xi32>
        %max3A = arith.maximumf %get3A_89, %get3A_96 : vector<16xf32>
        %gt3A_113 = arith.cmpf ogt, %get3A_103, %max3A : vector<16xf32>
        %jit3A_114 = arith.constant 2 : i32
        %broadcast_in_dim3A_115 = vector.broadcast %jit3A_114 : i32 to vector<16xi32>
        %select_n3A_116 = arith.select %gt3A_113, %broadcast_in_dim3A_115, %select_n3A : vector<16xi1>, vector<16xi32>
        %max3A_117 = arith.maximumf %max3A, %get3A_103 : vector<16xf32>
        %gt3A_118 = arith.cmpf ogt, %get3A_110, %max3A_117 : vector<16xf32>
        %jit3A_119 = arith.constant 3 : i32
        %broadcast_in_dim3A_120 = vector.broadcast %jit3A_119 : i32 to vector<16xi32>
        %select_n3A_121 = arith.select %gt3A_118, %broadcast_in_dim3A_120, %select_n3A_116 : vector<16xi1>, vector<16xi32>
        %max3A_122 = arith.maximumf %max3A_117, %get3A_110 : vector<16xf32>
        %sub3A = arith.subf %get3A_89, %max3A_122 : vector<16xf32>
        %exp3A = math.exp %sub3A : vector<16xf32>
        %sub3A_123 = arith.subf %get3A_96, %max3A_122 : vector<16xf32>
        %exp3A_124 = math.exp %sub3A_123 : vector<16xf32>
        %add3A_125 = arith.addf %exp3A, %exp3A_124 : vector<16xf32>
        %sub3A_126 = arith.subf %get3A_103, %max3A_122 : vector<16xf32>
        %exp3A_127 = math.exp %sub3A_126 : vector<16xf32>
        %add3A_128 = arith.addf %add3A_125, %exp3A_127 : vector<16xf32>
        %sub3A_129 = arith.subf %get3A_110, %max3A_122 : vector<16xf32>
        %exp3A_130 = math.exp %sub3A_129 : vector<16xf32>
        %add3A_131 = arith.addf %add3A_128, %exp3A_130 : vector<16xf32>
        %div3A = arith.constant 1.000000e+00 : f32
        %div3A_132 = vector.broadcast %div3A : f32 to vector<16xf32>
        %div3A_133 = arith.divf %div3A_132, %add3A_131 : vector<16xf32>
        %get3A_134 = arith.constant 4 : i32
        %get3A_135 = arith.constant 0 : i32
        %get3A_136 = arith.index_cast %get3A_134 : i32 to index
        %get3A_137 = arith.index_cast %get3A_135 : i32 to index
        %get3A_138 = arith.index_cast %mul3A_83 : i32 to index
        %get3A_139 = tpu.vector_load %arg11[%get3A_136, %get3A_137, %get3A_138] {strides = array<i32>} : memref<8x4x896xf32, #tpu.memory_space<vmem>>, vector<1x1x16xf32>,
        %get3A_140 = vector.shape_cast %get3A_139 : vector<1x1x16xf32> to vector<16xf32>
        %get3A_141 = arith.constant 4 : i32
        %get3A_142 = arith.constant 1 : i32
        %get3A_143 = arith.index_cast %get3A_141 : i32 to index
        %get3A_144 = arith.index_cast %get3A_142 : i32 to index
        %get3A_145 = arith.index_cast %mul3A_83 : i32 to index
        %get3A_146 = tpu.vector_load %arg11[%get3A_143, %get3A_144, %get3A_145] {strides = array<i32>} : memref<8x4x896xf32, #tpu.memory_space<vmem>>, vector<1x1x16xf32>,
        %get3A_147 = vector.shape_cast %get3A_146 : vector<1x1x16xf32> to vector<16xf32>
        %get3A_148 = arith.constant 4 : i32
        %get3A_149 = arith.constant 2 : i32
        %get3A_150 = arith.index_cast %get3A_148 : i32 to index
        %get3A_151 = arith.index_cast %get3A_149 : i32 to index
        %get3A_152 = arith.index_cast %mul3A_83 : i32 to index
        %get3A_153 = tpu.vector_load %arg11[%get3A_150, %get3A_151, %get3A_152] {strides = array<i32>} : memref<8x4x896xf32, #tpu.memory_space<vmem>>, vector<1x1x16xf32>,
        %get3A_154 = vector.shape_cast %get3A_153 : vector<1x1x16xf32> to vector<16xf32>
        %get3A_155 = arith.constant 4 : i32
        %get3A_156 = arith.constant 3 : i32
        %get3A_157 = arith.index_cast %get3A_155 : i32 to index
        %get3A_158 = arith.index_cast %get3A_156 : i32 to index
        %get3A_159 = arith.index_cast %mul3A_83 : i32 to index
        %get3A_160 = tpu.vector_load %arg11[%get3A_157, %get3A_158, %get3A_159] {strides = array<i32>} : memref<8x4x896xf32, #tpu.memory_space<vmem>>, vector<1x1x16xf32>,
        %get3A_161 = vector.shape_cast %get3A_160 : vector<1x1x16xf32> to vector<16xf32>
        %broadcast_in_dim3A_162 = arith.constant 0 : i32
        %broadcast_in_dim3A_163 = vector.broadcast %broadcast_in_dim3A_162 : i32 to vector<16xi32>
        %gt3A_164 = arith.cmpf ogt, %get3A_147, %get3A_140 : vector<16xf32>
        %jit3A_165 = arith.constant 1 : i32
        %broadcast_in_dim3A_166 = vector.broadcast %jit3A_165 : i32 to vector<16xi32>
        %select_n3A_167 = arith.select %gt3A_164, %broadcast_in_dim3A_166, %broadcast_in_dim3A_163 : vector<16xi1>, vector<16xi32>
        %max3A_168 = arith.maximumf %get3A_140, %get3A_147 : vector<16xf32>
        %gt3A_169 = arith.cmpf ogt, %get3A_154, %max3A_168 : vector<16xf32>
        %jit3A_170 = arith.constant 2 : i32
        %broadcast_in_dim3A_171 = vector.broadcast %jit3A_170 : i32 to vector<16xi32>
        %select_n3A_172 = arith.select %gt3A_169, %broadcast_in_dim3A_171, %select_n3A_167 : vector<16xi1>, vector<16xi32>
        %max3A_173 = arith.maximumf %max3A_168, %get3A_154 : vector<16xf32>
        %gt3A_174 = arith.cmpf ogt, %get3A_161, %max3A_173 : vector<16xf32>
        %jit3A_175 = arith.constant 3 : i32
        %broadcast_in_dim3A_176 = vector.broadcast %jit3A_175 : i32 to vector<16xi32>
        %select_n3A_177 = arith.select %gt3A_174, %broadcast_in_dim3A_176, %select_n3A_172 : vector<16xi1>, vector<16xi32>
        %max3A_178 = arith.maximumf %max3A_173, %get3A_161 : vector<16xf32>
        %sub3A_179 = arith.subf %get3A_140, %max3A_178 : vector<16xf32>
        %exp3A_180 = math.exp %sub3A_179 : vector<16xf32>
        %sub3A_181 = arith.subf %get3A_147, %max3A_178 : vector<16xf32>
        %exp3A_182 = math.exp %sub3A_181 : vector<16xf32>
        %add3A_183 = arith.addf %exp3A_180, %exp3A_182 : vector<16xf32>
        %sub3A_184 = arith.subf %get3A_154, %max3A_178 : vector<16xf32>
        %exp3A_185 = math.exp %sub3A_184 : vector<16xf32>
        %add3A_186 = arith.addf %add3A_183, %exp3A_185 : vector<16xf32>
        %sub3A_187 = arith.subf %get3A_161, %max3A_178 : vector<16xf32>
        %exp3A_188 = math.exp %sub3A_187 : vector<16xf32>
        %add3A_189 = arith.addf %add3A_186, %exp3A_188 : vector<16xf32>
        %div3A_190 = arith.constant 1.000000e+00 : f32
        %div3A_191 = vector.broadcast %div3A_190 : f32 to vector<16xf32>
        %div3A_192 = arith.divf %div3A_191, %add3A_189 : vector<16xf32>
        %ge3A = arith.cmpf oge, %div3A_133, %div3A_192 : vector<16xf32>
        %select_n3A_193 = arith.select %ge3A, %select_n3A_121, %select_n3A_177 : vector<16xi1>, vector<16xi32>
        %swap3A = arith.constant 4 : i32
        %swap3A_194 = arith.index_cast %swap3A : i32 to index
        %swap3A_195 = arith.index_cast %mul3A_83 : i32 to index
        %swap3A_196 = tpu.vector_load %arg12[%swap3A_194, %swap3A_195] {strides = array<i32>} : memref<8x896xf32, #tpu.memory_space<vmem>>, vector<1x16xf32>,
        %swap3A_197 = vector.shape_cast %swap3A_196 : vector<1x16xf32> to vector<16xf32>
        %swap3A_198 = vector.shape_cast %div3A_133 : vector<16xf32> to vector<1x16xf32>
        tpu.vector_store %arg12[%swap3A_194, %swap3A_195], %swap3A_198 {strides = array<i32>} : memref<8x896xf32, #tpu.memory_space<vmem>>, vector<1x16xf32>,
        %swap3A_199 = arith.constant 4 : i32
        %swap3A_200 = arith.index_cast %swap3A_199 : i32 to index
        %swap3A_201 = arith.index_cast %mul3A_83 : i32 to index
        %swap3A_202 = tpu.vector_load %arg13[%swap3A_200, %swap3A_201] {strides = array<i32>} : memref<8x896xf32, #tpu.memory_space<vmem>>, vector<1x16xf32>,
        %swap3A_203 = vector.shape_cast %swap3A_202 : vector<1x16xf32> to vector<16xf32>
        %swap3A_204 = vector.shape_cast %div3A_192 : vector<16xf32> to vector<1x16xf32>
        tpu.vector_store %arg13[%swap3A_200, %swap3A_201], %swap3A_204 {strides = array<i32>} : memref<8x896xf32, #tpu.memory_space<vmem>>, vector<1x16xf32>,
        %swap3A_205 = arith.constant 4 : i32
        %swap3A_206 = arith.index_cast %swap3A_205 : i32 to index
        %swap3A_207 = arith.index_cast %mul3A_83 : i32 to index
        %swap3A_208 = tpu.vector_load %arg14[%swap3A_206, %swap3A_207] {strides = array<i32>} : memref<8x896xi32, #tpu.memory_space<vmem>>, vector<1x16xi32>,
        %swap3A_209 = vector.shape_cast %swap3A_208 : vector<1x16xi32> to vector<16xi32>
        %swap3A_210 = vector.shape_cast %select_n3A_121 : vector<16xi32> to vector<1x16xi32>
        tpu.vector_store %arg14[%swap3A_206, %swap3A_207], %swap3A_210 {strides = array<i32>} : memref<8x896xi32, #tpu.memory_space<vmem>>, vector<1x16xi32>,
        %swap3A_211 = arith.constant 4 : i32
        %swap3A_212 = arith.index_cast %swap3A_211 : i32 to index
        %swap3A_213 = arith.index_cast %mul3A_83 : i32 to index
        %swap3A_214 = tpu.vector_load %arg15[%swap3A_212, %swap3A_213] {strides = array<i32>} : memref<8x896xi32, #tpu.memory_space<vmem>>, vector<1x16xi32>,
        %swap3A_215 = vector.shape_cast %swap3A_214 : vector<1x16xi32> to vector<16xi32>
        %swap3A_216 = vector.shape_cast %select_n3A_177 : vector<16xi32> to vector<1x16xi32>
        tpu.vector_store %arg15[%swap3A_212, %swap3A_213], %swap3A_216 {strides = array<i32>} : memref<8x896xi32, #tpu.memory_space<vmem>>, vector<1x16xi32>,
        %eq3A = arith.constant 1 : i32
        %eq3A_217 = vector.broadcast %eq3A : i32 to vector<16xi32>
        %eq3A_218 = arith.cmpi eq, %select_n3A_193, %eq3A_217 : vector<16xi32>
        %select_n3A_219 = arith.select %eq3A_218, %get3A_96, %get3A_89 : vector<16xi1>, vector<16xf32>
        %eq3A_220 = arith.constant 2 : i32
        %eq3A_221 = vector.broadcast %eq3A_220 : i32 to vector<16xi32>
        %eq3A_222 = arith.cmpi eq, %select_n3A_193, %eq3A_221 : vector<16xi32>
        %select_n3A_223 = arith.select %eq3A_222, %get3A_103, %select_n3A_219 : vector<16xi1>, vector<16xf32>
        %eq3A_224 = arith.constant 3 : i32
        %eq3A_225 = vector.broadcast %eq3A_224 : i32 to vector<16xi32>
        %eq3A_226 = arith.cmpi eq, %select_n3A_193, %eq3A_225 : vector<16xi32>
        %select_n3A_227 = arith.select %eq3A_226, %get3A_110, %select_n3A_223 : vector<16xi1>, vector<16xf32>
        %sub3A_228 = arith.subf %max3A_122, %select_n3A_227 : vector<16xf32>
        %swap3A_229 = arith.constant 4 : i32
        %swap3A_230 = arith.index_cast %swap3A_229 : i32 to index
        %swap3A_231 = arith.index_cast %mul3A_83 : i32 to index
        %swap3A_232 = tpu.vector_load %arg16[%swap3A_230, %swap3A_231] {strides = array<i32>} : memref<8x896xf32, #tpu.memory_space<vmem>>, vector<1x16xf32>,
        %swap3A_233 = vector.shape_cast %swap3A_232 : vector<1x16xf32> to vector<16xf32>
        %swap3A_234 = vector.shape_cast %sub3A_228 : vector<16xf32> to vector<1x16xf32>
        tpu.vector_store %arg16[%swap3A_230, %swap3A_231], %swap3A_234 {strides = array<i32>} : memref<8x896xf32, #tpu.memory_space<vmem>>, vector<1x16xf32>,
        %eq3A_235 = arith.constant 1 : i32
        %eq3A_236 = vector.broadcast %eq3A_235 : i32 to vector<16xi32>
        %eq3A_237 = arith.cmpi eq, %select_n3A_193, %eq3A_236 : vector<16xi32>
        %select_n3A_238 = arith.select %eq3A_237, %get3A_147, %get3A_140 : vector<16xi1>, vector<16xf32>
        %eq3A_239 = arith.constant 2 : i32
        %eq3A_240 = vector.broadcast %eq3A_239 : i32 to vector<16xi32>
        %eq3A_241 = arith.cmpi eq, %select_n3A_193, %eq3A_240 : vector<16xi32>
        %select_n3A_242 = arith.select %eq3A_241, %get3A_154, %select_n3A_238 : vector<16xi1>, vector<16xf32>
        %eq3A_243 = arith.constant 3 : i32
        %eq3A_244 = vector.broadcast %eq3A_243 : i32 to vector<16xi32>
        %eq3A_245 = arith.cmpi eq, %select_n3A_193, %eq3A_244 : vector<16xi32>
        %select_n3A_246 = arith.select %eq3A_245, %get3A_161, %select_n3A_242 : vector<16xi1>, vector<16xf32>
        %sub3A_247 = arith.subf %max3A_178, %select_n3A_246 : vector<16xf32>
        %swap3A_248 = arith.constant 4 : i32
        %swap3A_249 = arith.index_cast %swap3A_248 : i32 to index
        %swap3A_250 = arith.index_cast %mul3A_83 : i32 to index
        %swap3A_251 = tpu.vector_load %arg17[%swap3A_249, %swap3A_250] {strides = array<i32>} : memref<8x896xf32, #tpu.memory_space<vmem>>, vector<1x16xf32>,
        %swap3A_252 = vector.shape_cast %swap3A_251 : vector<1x16xf32> to vector<16xf32>
        %swap3A_253 = vector.shape_cast %sub3A_247 : vector<16xf32> to vector<1x16xf32>
        tpu.vector_store %arg17[%swap3A_249, %swap3A_250], %swap3A_253 {strides = array<i32>} : memref<8x896xf32, #tpu.memory_space<vmem>>, vector<1x16xf32>,
        %scan3A_254 = arith.constant 0 : i32
        scf.yield %scan3A_254 : i32
      }
      %scan3A_58 = arith.constant 56 : i32
      %scan3A_59 = arith.constant 0 : i32
      %scan3A_60 = arith.constant 0 : i32
      %scan3A_61 = arith.constant 56 : i32
      %scan3A_62 = arith.addi %scan3A_60, %scan3A_61 : i32
      %scan3A_63 = arith.constant 1 : i32
      %scan3A_64 = scf.for %scan3A_80 = %scan3A_60 to %scan3A_62 step %scan3A_63 iter_args(%scan3A_81 = %scan3A_59) -> (i32)  : i32 {
        %mul3A_82 = arith.constant 16 : i32
        %mul3A_83 = arith.muli %scan3A_80, %mul3A_82 : i32
        %get3A = arith.constant 5 : i32
        %get3A_84 = arith.constant 0 : i32
        %get3A_85 = arith.index_cast %get3A : i32 to index
        %get3A_86 = arith.index_cast %get3A_84 : i32 to index
        %get3A_87 = arith.index_cast %mul3A_83 : i32 to index
        %get3A_88 = tpu.vector_load %arg10[%get3A_85, %get3A_86, %get3A_87] {strides = array<i32>} : memref<8x4x896xf32, #tpu.memory_space<vmem>>, vector<1x1x16xf32>,
        %get3A_89 = vector.shape_cast %get3A_88 : vector<1x1x16xf32> to vector<16xf32>
        %get3A_90 = arith.constant 5 : i32
        %get3A_91 = arith.constant 1 : i32
        %get3A_92 = arith.index_cast %get3A_90 : i32 to index
        %get3A_93 = arith.index_cast %get3A_91 : i32 to index
        %get3A_94 = arith.index_cast %mul3A_83 : i32 to index
        %get3A_95 = tpu.vector_load %arg10[%get3A_92, %get3A_93, %get3A_94] {strides = array<i32>} : memref<8x4x896xf32, #tpu.memory_space<vmem>>, vector<1x1x16xf32>,
        %get3A_96 = vector.shape_cast %get3A_95 : vector<1x1x16xf32> to vector<16xf32>
        %get3A_97 = arith.constant 5 : i32
        %get3A_98 = arith.constant 2 : i32
        %get3A_99 = arith.index_cast %get3A_97 : i32 to index
        %get3A_100 = arith.index_cast %get3A_98 : i32 to index
        %get3A_101 = arith.index_cast %mul3A_83 : i32 to index
        %get3A_102 = tpu.vector_load %arg10[%get3A_99, %get3A_100, %get3A_101] {strides = array<i32>} : memref<8x4x896xf32, #tpu.memory_space<vmem>>, vector<1x1x16xf32>,
        %get3A_103 = vector.shape_cast %get3A_102 : vector<1x1x16xf32> to vector<16xf32>
        %get3A_104 = arith.constant 5 : i32
        %get3A_105 = arith.constant 3 : i32
        %get3A_106 = arith.index_cast %get3A_104 : i32 to index
        %get3A_107 = arith.index_cast %get3A_105 : i32 to index
        %get3A_108 = arith.index_cast %mul3A_83 : i32 to index
        %get3A_109 = tpu.vector_load %arg10[%get3A_106, %get3A_107, %get3A_108] {strides = array<i32>} : memref<8x4x896xf32, #tpu.memory_space<vmem>>, vector<1x1x16xf32>,
        %get3A_110 = vector.shape_cast %get3A_109 : vector<1x1x16xf32> to vector<16xf32>
        %broadcast_in_dim3A = arith.constant 0 : i32
        %broadcast_in_dim3A_111 = vector.broadcast %broadcast_in_dim3A : i32 to vector<16xi32>
        %gt3A = arith.cmpf ogt, %get3A_96, %get3A_89 : vector<16xf32>
        %jit3A = arith.constant 1 : i32
        %broadcast_in_dim3A_112 = vector.broadcast %jit3A : i32 to vector<16xi32>
        %select_n3A = arith.select %gt3A, %broadcast_in_dim3A_112, %broadcast_in_dim3A_111 : vector<16xi1>, vector<16xi32>
        %max3A = arith.maximumf %get3A_89, %get3A_96 : vector<16xf32>
        %gt3A_113 = arith.cmpf ogt, %get3A_103, %max3A : vector<16xf32>
        %jit3A_114 = arith.constant 2 : i32
        %broadcast_in_dim3A_115 = vector.broadcast %jit3A_114 : i32 to vector<16xi32>
        %select_n3A_116 = arith.select %gt3A_113, %broadcast_in_dim3A_115, %select_n3A : vector<16xi1>, vector<16xi32>
        %max3A_117 = arith.maximumf %max3A, %get3A_103 : vector<16xf32>
        %gt3A_118 = arith.cmpf ogt, %get3A_110, %max3A_117 : vector<16xf32>
        %jit3A_119 = arith.constant 3 : i32
        %broadcast_in_dim3A_120 = vector.broadcast %jit3A_119 : i32 to vector<16xi32>
        %select_n3A_121 = arith.select %gt3A_118, %broadcast_in_dim3A_120, %select_n3A_116 : vector<16xi1>, vector<16xi32>
        %max3A_122 = arith.maximumf %max3A_117, %get3A_110 : vector<16xf32>
        %sub3A = arith.subf %get3A_89, %max3A_122 : vector<16xf32>
        %exp3A = math.exp %sub3A : vector<16xf32>
        %sub3A_123 = arith.subf %get3A_96, %max3A_122 : vector<16xf32>
        %exp3A_124 = math.exp %sub3A_123 : vector<16xf32>
        %add3A_125 = arith.addf %exp3A, %exp3A_124 : vector<16xf32>
        %sub3A_126 = arith.subf %get3A_103, %max3A_122 : vector<16xf32>
        %exp3A_127 = math.exp %sub3A_126 : vector<16xf32>
        %add3A_128 = arith.addf %add3A_125, %exp3A_127 : vector<16xf32>
        %sub3A_129 = arith.subf %get3A_110, %max3A_122 : vector<16xf32>
        %exp3A_130 = math.exp %sub3A_129 : vector<16xf32>
        %add3A_131 = arith.addf %add3A_128, %exp3A_130 : vector<16xf32>
        %div3A = arith.constant 1.000000e+00 : f32
        %div3A_132 = vector.broadcast %div3A : f32 to vector<16xf32>
        %div3A_133 = arith.divf %div3A_132, %add3A_131 : vector<16xf32>
        %get3A_134 = arith.constant 5 : i32
        %get3A_135 = arith.constant 0 : i32
        %get3A_136 = arith.index_cast %get3A_134 : i32 to index
        %get3A_137 = arith.index_cast %get3A_135 : i32 to index
        %get3A_138 = arith.index_cast %mul3A_83 : i32 to index
        %get3A_139 = tpu.vector_load %arg11[%get3A_136, %get3A_137, %get3A_138] {strides = array<i32>} : memref<8x4x896xf32, #tpu.memory_space<vmem>>, vector<1x1x16xf32>,
        %get3A_140 = vector.shape_cast %get3A_139 : vector<1x1x16xf32> to vector<16xf32>
        %get3A_141 = arith.constant 5 : i32
        %get3A_142 = arith.constant 1 : i32
        %get3A_143 = arith.index_cast %get3A_141 : i32 to index
        %get3A_144 = arith.index_cast %get3A_142 : i32 to index
        %get3A_145 = arith.index_cast %mul3A_83 : i32 to index
        %get3A_146 = tpu.vector_load %arg11[%get3A_143, %get3A_144, %get3A_145] {strides = array<i32>} : memref<8x4x896xf32, #tpu.memory_space<vmem>>, vector<1x1x16xf32>,
        %get3A_147 = vector.shape_cast %get3A_146 : vector<1x1x16xf32> to vector<16xf32>
        %get3A_148 = arith.constant 5 : i32
        %get3A_149 = arith.constant 2 : i32
        %get3A_150 = arith.index_cast %get3A_148 : i32 to index
        %get3A_151 = arith.index_cast %get3A_149 : i32 to index
        %get3A_152 = arith.index_cast %mul3A_83 : i32 to index
        %get3A_153 = tpu.vector_load %arg11[%get3A_150, %get3A_151, %get3A_152] {strides = array<i32>} : memref<8x4x896xf32, #tpu.memory_space<vmem>>, vector<1x1x16xf32>,
        %get3A_154 = vector.shape_cast %get3A_153 : vector<1x1x16xf32> to vector<16xf32>
        %get3A_155 = arith.constant 5 : i32
        %get3A_156 = arith.constant 3 : i32
        %get3A_157 = arith.index_cast %get3A_155 : i32 to index
        %get3A_158 = arith.index_cast %get3A_156 : i32 to index
        %get3A_159 = arith.index_cast %mul3A_83 : i32 to index
        %get3A_160 = tpu.vector_load %arg11[%get3A_157, %get3A_158, %get3A_159] {strides = array<i32>} : memref<8x4x896xf32, #tpu.memory_space<vmem>>, vector<1x1x16xf32>,
        %get3A_161 = vector.shape_cast %get3A_160 : vector<1x1x16xf32> to vector<16xf32>
        %broadcast_in_dim3A_162 = arith.constant 0 : i32
        %broadcast_in_dim3A_163 = vector.broadcast %broadcast_in_dim3A_162 : i32 to vector<16xi32>
        %gt3A_164 = arith.cmpf ogt, %get3A_147, %get3A_140 : vector<16xf32>
        %jit3A_165 = arith.constant 1 : i32
        %broadcast_in_dim3A_166 = vector.broadcast %jit3A_165 : i32 to vector<16xi32>
        %select_n3A_167 = arith.select %gt3A_164, %broadcast_in_dim3A_166, %broadcast_in_dim3A_163 : vector<16xi1>, vector<16xi32>
        %max3A_168 = arith.maximumf %get3A_140, %get3A_147 : vector<16xf32>
        %gt3A_169 = arith.cmpf ogt, %get3A_154, %max3A_168 : vector<16xf32>
        %jit3A_170 = arith.constant 2 : i32
        %broadcast_in_dim3A_171 = vector.broadcast %jit3A_170 : i32 to vector<16xi32>
        %select_n3A_172 = arith.select %gt3A_169, %broadcast_in_dim3A_171, %select_n3A_167 : vector<16xi1>, vector<16xi32>
        %max3A_173 = arith.maximumf %max3A_168, %get3A_154 : vector<16xf32>
        %gt3A_174 = arith.cmpf ogt, %get3A_161, %max3A_173 : vector<16xf32>
        %jit3A_175 = arith.constant 3 : i32
        %broadcast_in_dim3A_176 = vector.broadcast %jit3A_175 : i32 to vector<16xi32>
        %select_n3A_177 = arith.select %gt3A_174, %broadcast_in_dim3A_176, %select_n3A_172 : vector<16xi1>, vector<16xi32>
        %max3A_178 = arith.maximumf %max3A_173, %get3A_161 : vector<16xf32>
        %sub3A_179 = arith.subf %get3A_140, %max3A_178 : vector<16xf32>
        %exp3A_180 = math.exp %sub3A_179 : vector<16xf32>
        %sub3A_181 = arith.subf %get3A_147, %max3A_178 : vector<16xf32>
        %exp3A_182 = math.exp %sub3A_181 : vector<16xf32>
        %add3A_183 = arith.addf %exp3A_180, %exp3A_182 : vector<16xf32>
        %sub3A_184 = arith.subf %get3A_154, %max3A_178 : vector<16xf32>
        %exp3A_185 = math.exp %sub3A_184 : vector<16xf32>
        %add3A_186 = arith.addf %add3A_183, %exp3A_185 : vector<16xf32>
        %sub3A_187 = arith.subf %get3A_161, %max3A_178 : vector<16xf32>
        %exp3A_188 = math.exp %sub3A_187 : vector<16xf32>
        %add3A_189 = arith.addf %add3A_186, %exp3A_188 : vector<16xf32>
        %div3A_190 = arith.constant 1.000000e+00 : f32
        %div3A_191 = vector.broadcast %div3A_190 : f32 to vector<16xf32>
        %div3A_192 = arith.divf %div3A_191, %add3A_189 : vector<16xf32>
        %ge3A = arith.cmpf oge, %div3A_133, %div3A_192 : vector<16xf32>
        %select_n3A_193 = arith.select %ge3A, %select_n3A_121, %select_n3A_177 : vector<16xi1>, vector<16xi32>
        %swap3A = arith.constant 5 : i32
        %swap3A_194 = arith.index_cast %swap3A : i32 to index
        %swap3A_195 = arith.index_cast %mul3A_83 : i32 to index
        %swap3A_196 = tpu.vector_load %arg12[%swap3A_194, %swap3A_195] {strides = array<i32>} : memref<8x896xf32, #tpu.memory_space<vmem>>, vector<1x16xf32>,
        %swap3A_197 = vector.shape_cast %swap3A_196 : vector<1x16xf32> to vector<16xf32>
        %swap3A_198 = vector.shape_cast %div3A_133 : vector<16xf32> to vector<1x16xf32>
        tpu.vector_store %arg12[%swap3A_194, %swap3A_195], %swap3A_198 {strides = array<i32>} : memref<8x896xf32, #tpu.memory_space<vmem>>, vector<1x16xf32>,
        %swap3A_199 = arith.constant 5 : i32
        %swap3A_200 = arith.index_cast %swap3A_199 : i32 to index
        %swap3A_201 = arith.index_cast %mul3A_83 : i32 to index
        %swap3A_202 = tpu.vector_load %arg13[%swap3A_200, %swap3A_201] {strides = array<i32>} : memref<8x896xf32, #tpu.memory_space<vmem>>, vector<1x16xf32>,
        %swap3A_203 = vector.shape_cast %swap3A_202 : vector<1x16xf32> to vector<16xf32>
        %swap3A_204 = vector.shape_cast %div3A_192 : vector<16xf32> to vector<1x16xf32>
        tpu.vector_store %arg13[%swap3A_200, %swap3A_201], %swap3A_204 {strides = array<i32>} : memref<8x896xf32, #tpu.memory_space<vmem>>, vector<1x16xf32>,
        %swap3A_205 = arith.constant 5 : i32
        %swap3A_206 = arith.index_cast %swap3A_205 : i32 to index
        %swap3A_207 = arith.index_cast %mul3A_83 : i32 to index
        %swap3A_208 = tpu.vector_load %arg14[%swap3A_206, %swap3A_207] {strides = array<i32>} : memref<8x896xi32, #tpu.memory_space<vmem>>, vector<1x16xi32>,
        %swap3A_209 = vector.shape_cast %swap3A_208 : vector<1x16xi32> to vector<16xi32>
        %swap3A_210 = vector.shape_cast %select_n3A_121 : vector<16xi32> to vector<1x16xi32>
        tpu.vector_store %arg14[%swap3A_206, %swap3A_207], %swap3A_210 {strides = array<i32>} : memref<8x896xi32, #tpu.memory_space<vmem>>, vector<1x16xi32>,
        %swap3A_211 = arith.constant 5 : i32
        %swap3A_212 = arith.index_cast %swap3A_211 : i32 to index
        %swap3A_213 = arith.index_cast %mul3A_83 : i32 to index
        %swap3A_214 = tpu.vector_load %arg15[%swap3A_212, %swap3A_213] {strides = array<i32>} : memref<8x896xi32, #tpu.memory_space<vmem>>, vector<1x16xi32>,
        %swap3A_215 = vector.shape_cast %swap3A_214 : vector<1x16xi32> to vector<16xi32>
        %swap3A_216 = vector.shape_cast %select_n3A_177 : vector<16xi32> to vector<1x16xi32>
        tpu.vector_store %arg15[%swap3A_212, %swap3A_213], %swap3A_216 {strides = array<i32>} : memref<8x896xi32, #tpu.memory_space<vmem>>, vector<1x16xi32>,
        %eq3A = arith.constant 1 : i32
        %eq3A_217 = vector.broadcast %eq3A : i32 to vector<16xi32>
        %eq3A_218 = arith.cmpi eq, %select_n3A_193, %eq3A_217 : vector<16xi32>
        %select_n3A_219 = arith.select %eq3A_218, %get3A_96, %get3A_89 : vector<16xi1>, vector<16xf32>
        %eq3A_220 = arith.constant 2 : i32
        %eq3A_221 = vector.broadcast %eq3A_220 : i32 to vector<16xi32>
        %eq3A_222 = arith.cmpi eq, %select_n3A_193, %eq3A_221 : vector<16xi32>
        %select_n3A_223 = arith.select %eq3A_222, %get3A_103, %select_n3A_219 : vector<16xi1>, vector<16xf32>
        %eq3A_224 = arith.constant 3 : i32
        %eq3A_225 = vector.broadcast %eq3A_224 : i32 to vector<16xi32>
        %eq3A_226 = arith.cmpi eq, %select_n3A_193, %eq3A_225 : vector<16xi32>
        %select_n3A_227 = arith.select %eq3A_226, %get3A_110, %select_n3A_223 : vector<16xi1>, vector<16xf32>
        %sub3A_228 = arith.subf %max3A_122, %select_n3A_227 : vector<16xf32>
        %swap3A_229 = arith.constant 5 : i32
        %swap3A_230 = arith.index_cast %swap3A_229 : i32 to index
        %swap3A_231 = arith.index_cast %mul3A_83 : i32 to index
        %swap3A_232 = tpu.vector_load %arg16[%swap3A_230, %swap3A_231] {strides = array<i32>} : memref<8x896xf32, #tpu.memory_space<vmem>>, vector<1x16xf32>,
        %swap3A_233 = vector.shape_cast %swap3A_232 : vector<1x16xf32> to vector<16xf32>
        %swap3A_234 = vector.shape_cast %sub3A_228 : vector<16xf32> to vector<1x16xf32>
        tpu.vector_store %arg16[%swap3A_230, %swap3A_231], %swap3A_234 {strides = array<i32>} : memref<8x896xf32, #tpu.memory_space<vmem>>, vector<1x16xf32>,
        %eq3A_235 = arith.constant 1 : i32
        %eq3A_236 = vector.broadcast %eq3A_235 : i32 to vector<16xi32>
        %eq3A_237 = arith.cmpi eq, %select_n3A_193, %eq3A_236 : vector<16xi32>
        %select_n3A_238 = arith.select %eq3A_237, %get3A_147, %get3A_140 : vector<16xi1>, vector<16xf32>
        %eq3A_239 = arith.constant 2 : i32
        %eq3A_240 = vector.broadcast %eq3A_239 : i32 to vector<16xi32>
        %eq3A_241 = arith.cmpi eq, %select_n3A_193, %eq3A_240 : vector<16xi32>
        %select_n3A_242 = arith.select %eq3A_241, %get3A_154, %select_n3A_238 : vector<16xi1>, vector<16xf32>
        %eq3A_243 = arith.constant 3 : i32
        %eq3A_244 = vector.broadcast %eq3A_243 : i32 to vector<16xi32>
        %eq3A_245 = arith.cmpi eq, %select_n3A_193, %eq3A_244 : vector<16xi32>
        %select_n3A_246 = arith.select %eq3A_245, %get3A_161, %select_n3A_242 : vector<16xi1>, vector<16xf32>
        %sub3A_247 = arith.subf %max3A_178, %select_n3A_246 : vector<16xf32>
        %swap3A_248 = arith.constant 5 : i32
        %swap3A_249 = arith.index_cast %swap3A_248 : i32 to index
        %swap3A_250 = arith.index_cast %mul3A_83 : i32 to index
        %swap3A_251 = tpu.vector_load %arg17[%swap3A_249, %swap3A_250] {strides = array<i32>} : memref<8x896xf32, #tpu.memory_space<vmem>>, vector<1x16xf32>,
        %swap3A_252 = vector.shape_cast %swap3A_251 : vector<1x16xf32> to vector<16xf32>
        %swap3A_253 = vector.shape_cast %sub3A_247 : vector<16xf32> to vector<1x16xf32>
        tpu.vector_store %arg17[%swap3A_249, %swap3A_250], %swap3A_253 {strides = array<i32>} : memref<8x896xf32, #tpu.memory_space<vmem>>, vector<1x16xf32>,
        %scan3A_254 = arith.constant 0 : i32
        scf.yield %scan3A_254 : i32
      }
      %scan3A_65 = arith.constant 56 : i32
      %scan3A_66 = arith.constant 0 : i32
      %scan3A_67 = arith.constant 0 : i32
      %scan3A_68 = arith.constant 56 : i32
      %scan3A_69 = arith.addi %scan3A_67, %scan3A_68 : i32
      %scan3A_70 = arith.constant 1 : i32
      %scan3A_71 = scf.for %scan3A_80 = %scan3A_67 to %scan3A_69 step %scan3A_70 iter_args(%scan3A_81 = %scan3A_66) -> (i32)  : i32 {
        %mul3A_82 = arith.constant 16 : i32
        %mul3A_83 = arith.muli %scan3A_80, %mul3A_82 : i32
        %get3A = arith.constant 6 : i32
        %get3A_84 = arith.constant 0 : i32
        %get3A_85 = arith.index_cast %get3A : i32 to index
        %get3A_86 = arith.index_cast %get3A_84 : i32 to index
        %get3A_87 = arith.index_cast %mul3A_83 : i32 to index
        %get3A_88 = tpu.vector_load %arg10[%get3A_85, %get3A_86, %get3A_87] {strides = array<i32>} : memref<8x4x896xf32, #tpu.memory_space<vmem>>, vector<1x1x16xf32>,
        %get3A_89 = vector.shape_cast %get3A_88 : vector<1x1x16xf32> to vector<16xf32>
        %get3A_90 = arith.constant 6 : i32
        %get3A_91 = arith.constant 1 : i32
        %get3A_92 = arith.index_cast %get3A_90 : i32 to index
        %get3A_93 = arith.index_cast %get3A_91 : i32 to index
        %get3A_94 = arith.index_cast %mul3A_83 : i32 to index
        %get3A_95 = tpu.vector_load %arg10[%get3A_92, %get3A_93, %get3A_94] {strides = array<i32>} : memref<8x4x896xf32, #tpu.memory_space<vmem>>, vector<1x1x16xf32>,
        %get3A_96 = vector.shape_cast %get3A_95 : vector<1x1x16xf32> to vector<16xf32>
        %get3A_97 = arith.constant 6 : i32
        %get3A_98 = arith.constant 2 : i32
        %get3A_99 = arith.index_cast %get3A_97 : i32 to index
        %get3A_100 = arith.index_cast %get3A_98 : i32 to index
        %get3A_101 = arith.index_cast %mul3A_83 : i32 to index
        %get3A_102 = tpu.vector_load %arg10[%get3A_99, %get3A_100, %get3A_101] {strides = array<i32>} : memref<8x4x896xf32, #tpu.memory_space<vmem>>, vector<1x1x16xf32>,
        %get3A_103 = vector.shape_cast %get3A_102 : vector<1x1x16xf32> to vector<16xf32>
        %get3A_104 = arith.constant 6 : i32
        %get3A_105 = arith.constant 3 : i32
        %get3A_106 = arith.index_cast %get3A_104 : i32 to index
        %get3A_107 = arith.index_cast %get3A_105 : i32 to index
        %get3A_108 = arith.index_cast %mul3A_83 : i32 to index
        %get3A_109 = tpu.vector_load %arg10[%get3A_106, %get3A_107, %get3A_108] {strides = array<i32>} : memref<8x4x896xf32, #tpu.memory_space<vmem>>, vector<1x1x16xf32>,
        %get3A_110 = vector.shape_cast %get3A_109 : vector<1x1x16xf32> to vector<16xf32>
        %broadcast_in_dim3A = arith.constant 0 : i32
        %broadcast_in_dim3A_111 = vector.broadcast %broadcast_in_dim3A : i32 to vector<16xi32>
        %gt3A = arith.cmpf ogt, %get3A_96, %get3A_89 : vector<16xf32>
        %jit3A = arith.constant 1 : i32
        %broadcast_in_dim3A_112 = vector.broadcast %jit3A : i32 to vector<16xi32>
        %select_n3A = arith.select %gt3A, %broadcast_in_dim3A_112, %broadcast_in_dim3A_111 : vector<16xi1>, vector<16xi32>
        %max3A = arith.maximumf %get3A_89, %get3A_96 : vector<16xf32>
        %gt3A_113 = arith.cmpf ogt, %get3A_103, %max3A : vector<16xf32>
        %jit3A_114 = arith.constant 2 : i32
        %broadcast_in_dim3A_115 = vector.broadcast %jit3A_114 : i32 to vector<16xi32>
        %select_n3A_116 = arith.select %gt3A_113, %broadcast_in_dim3A_115, %select_n3A : vector<16xi1>, vector<16xi32>
        %max3A_117 = arith.maximumf %max3A, %get3A_103 : vector<16xf32>
        %gt3A_118 = arith.cmpf ogt, %get3A_110, %max3A_117 : vector<16xf32>
        %jit3A_119 = arith.constant 3 : i32
        %broadcast_in_dim3A_120 = vector.broadcast %jit3A_119 : i32 to vector<16xi32>
        %select_n3A_121 = arith.select %gt3A_118, %broadcast_in_dim3A_120, %select_n3A_116 : vector<16xi1>, vector<16xi32>
        %max3A_122 = arith.maximumf %max3A_117, %get3A_110 : vector<16xf32>
        %sub3A = arith.subf %get3A_89, %max3A_122 : vector<16xf32>
        %exp3A = math.exp %sub3A : vector<16xf32>
        %sub3A_123 = arith.subf %get3A_96, %max3A_122 : vector<16xf32>
        %exp3A_124 = math.exp %sub3A_123 : vector<16xf32>
        %add3A_125 = arith.addf %exp3A, %exp3A_124 : vector<16xf32>
        %sub3A_126 = arith.subf %get3A_103, %max3A_122 : vector<16xf32>
        %exp3A_127 = math.exp %sub3A_126 : vector<16xf32>
        %add3A_128 = arith.addf %add3A_125, %exp3A_127 : vector<16xf32>
        %sub3A_129 = arith.subf %get3A_110, %max3A_122 : vector<16xf32>
        %exp3A_130 = math.exp %sub3A_129 : vector<16xf32>
        %add3A_131 = arith.addf %add3A_128, %exp3A_130 : vector<16xf32>
        %div3A = arith.constant 1.000000e+00 : f32
        %div3A_132 = vector.broadcast %div3A : f32 to vector<16xf32>
        %div3A_133 = arith.divf %div3A_132, %add3A_131 : vector<16xf32>
        %get3A_134 = arith.constant 6 : i32
        %get3A_135 = arith.constant 0 : i32
        %get3A_136 = arith.index_cast %get3A_134 : i32 to index
        %get3A_137 = arith.index_cast %get3A_135 : i32 to index
        %get3A_138 = arith.index_cast %mul3A_83 : i32 to index
        %get3A_139 = tpu.vector_load %arg11[%get3A_136, %get3A_137, %get3A_138] {strides = array<i32>} : memref<8x4x896xf32, #tpu.memory_space<vmem>>, vector<1x1x16xf32>,
        %get3A_140 = vector.shape_cast %get3A_139 : vector<1x1x16xf32> to vector<16xf32>
        %get3A_141 = arith.constant 6 : i32
        %get3A_142 = arith.constant 1 : i32
        %get3A_143 = arith.index_cast %get3A_141 : i32 to index
        %get3A_144 = arith.index_cast %get3A_142 : i32 to index
        %get3A_145 = arith.index_cast %mul3A_83 : i32 to index
        %get3A_146 = tpu.vector_load %arg11[%get3A_143, %get3A_144, %get3A_145] {strides = array<i32>} : memref<8x4x896xf32, #tpu.memory_space<vmem>>, vector<1x1x16xf32>,
        %get3A_147 = vector.shape_cast %get3A_146 : vector<1x1x16xf32> to vector<16xf32>
        %get3A_148 = arith.constant 6 : i32
        %get3A_149 = arith.constant 2 : i32
        %get3A_150 = arith.index_cast %get3A_148 : i32 to index
        %get3A_151 = arith.index_cast %get3A_149 : i32 to index
        %get3A_152 = arith.index_cast %mul3A_83 : i32 to index
        %get3A_153 = tpu.vector_load %arg11[%get3A_150, %get3A_151, %get3A_152] {strides = array<i32>} : memref<8x4x896xf32, #tpu.memory_space<vmem>>, vector<1x1x16xf32>,
        %get3A_154 = vector.shape_cast %get3A_153 : vector<1x1x16xf32> to vector<16xf32>
        %get3A_155 = arith.constant 6 : i32
        %get3A_156 = arith.constant 3 : i32
        %get3A_157 = arith.index_cast %get3A_155 : i32 to index
        %get3A_158 = arith.index_cast %get3A_156 : i32 to index
        %get3A_159 = arith.index_cast %mul3A_83 : i32 to index
        %get3A_160 = tpu.vector_load %arg11[%get3A_157, %get3A_158, %get3A_159] {strides = array<i32>} : memref<8x4x896xf32, #tpu.memory_space<vmem>>, vector<1x1x16xf32>,
        %get3A_161 = vector.shape_cast %get3A_160 : vector<1x1x16xf32> to vector<16xf32>
        %broadcast_in_dim3A_162 = arith.constant 0 : i32
        %broadcast_in_dim3A_163 = vector.broadcast %broadcast_in_dim3A_162 : i32 to vector<16xi32>
        %gt3A_164 = arith.cmpf ogt, %get3A_147, %get3A_140 : vector<16xf32>
        %jit3A_165 = arith.constant 1 : i32
        %broadcast_in_dim3A_166 = vector.broadcast %jit3A_165 : i32 to vector<16xi32>
        %select_n3A_167 = arith.select %gt3A_164, %broadcast_in_dim3A_166, %broadcast_in_dim3A_163 : vector<16xi1>, vector<16xi32>
        %max3A_168 = arith.maximumf %get3A_140, %get3A_147 : vector<16xf32>
        %gt3A_169 = arith.cmpf ogt, %get3A_154, %max3A_168 : vector<16xf32>
        %jit3A_170 = arith.constant 2 : i32
        %broadcast_in_dim3A_171 = vector.broadcast %jit3A_170 : i32 to vector<16xi32>
        %select_n3A_172 = arith.select %gt3A_169, %broadcast_in_dim3A_171, %select_n3A_167 : vector<16xi1>, vector<16xi32>
        %max3A_173 = arith.maximumf %max3A_168, %get3A_154 : vector<16xf32>
        %gt3A_174 = arith.cmpf ogt, %get3A_161, %max3A_173 : vector<16xf32>
        %jit3A_175 = arith.constant 3 : i32
        %broadcast_in_dim3A_176 = vector.broadcast %jit3A_175 : i32 to vector<16xi32>
        %select_n3A_177 = arith.select %gt3A_174, %broadcast_in_dim3A_176, %select_n3A_172 : vector<16xi1>, vector<16xi32>
        %max3A_178 = arith.maximumf %max3A_173, %get3A_161 : vector<16xf32>
        %sub3A_179 = arith.subf %get3A_140, %max3A_178 : vector<16xf32>
        %exp3A_180 = math.exp %sub3A_179 : vector<16xf32>
        %sub3A_181 = arith.subf %get3A_147, %max3A_178 : vector<16xf32>
        %exp3A_182 = math.exp %sub3A_181 : vector<16xf32>
        %add3A_183 = arith.addf %exp3A_180, %exp3A_182 : vector<16xf32>
        %sub3A_184 = arith.subf %get3A_154, %max3A_178 : vector<16xf32>
        %exp3A_185 = math.exp %sub3A_184 : vector<16xf32>
        %add3A_186 = arith.addf %add3A_183, %exp3A_185 : vector<16xf32>
        %sub3A_187 = arith.subf %get3A_161, %max3A_178 : vector<16xf32>
        %exp3A_188 = math.exp %sub3A_187 : vector<16xf32>
        %add3A_189 = arith.addf %add3A_186, %exp3A_188 : vector<16xf32>
        %div3A_190 = arith.constant 1.000000e+00 : f32
        %div3A_191 = vector.broadcast %div3A_190 : f32 to vector<16xf32>
        %div3A_192 = arith.divf %div3A_191, %add3A_189 : vector<16xf32>
        %ge3A = arith.cmpf oge, %div3A_133, %div3A_192 : vector<16xf32>
        %select_n3A_193 = arith.select %ge3A, %select_n3A_121, %select_n3A_177 : vector<16xi1>, vector<16xi32>
        %swap3A = arith.constant 6 : i32
        %swap3A_194 = arith.index_cast %swap3A : i32 to index
        %swap3A_195 = arith.index_cast %mul3A_83 : i32 to index
        %swap3A_196 = tpu.vector_load %arg12[%swap3A_194, %swap3A_195] {strides = array<i32>} : memref<8x896xf32, #tpu.memory_space<vmem>>, vector<1x16xf32>,
        %swap3A_197 = vector.shape_cast %swap3A_196 : vector<1x16xf32> to vector<16xf32>
        %swap3A_198 = vector.shape_cast %div3A_133 : vector<16xf32> to vector<1x16xf32>
        tpu.vector_store %arg12[%swap3A_194, %swap3A_195], %swap3A_198 {strides = array<i32>} : memref<8x896xf32, #tpu.memory_space<vmem>>, vector<1x16xf32>,
        %swap3A_199 = arith.constant 6 : i32
        %swap3A_200 = arith.index_cast %swap3A_199 : i32 to index
        %swap3A_201 = arith.index_cast %mul3A_83 : i32 to index
        %swap3A_202 = tpu.vector_load %arg13[%swap3A_200, %swap3A_201] {strides = array<i32>} : memref<8x896xf32, #tpu.memory_space<vmem>>, vector<1x16xf32>,
        %swap3A_203 = vector.shape_cast %swap3A_202 : vector<1x16xf32> to vector<16xf32>
        %swap3A_204 = vector.shape_cast %div3A_192 : vector<16xf32> to vector<1x16xf32>
        tpu.vector_store %arg13[%swap3A_200, %swap3A_201], %swap3A_204 {strides = array<i32>} : memref<8x896xf32, #tpu.memory_space<vmem>>, vector<1x16xf32>,
        %swap3A_205 = arith.constant 6 : i32
        %swap3A_206 = arith.index_cast %swap3A_205 : i32 to index
        %swap3A_207 = arith.index_cast %mul3A_83 : i32 to index
        %swap3A_208 = tpu.vector_load %arg14[%swap3A_206, %swap3A_207] {strides = array<i32>} : memref<8x896xi32, #tpu.memory_space<vmem>>, vector<1x16xi32>,
        %swap3A_209 = vector.shape_cast %swap3A_208 : vector<1x16xi32> to vector<16xi32>
        %swap3A_210 = vector.shape_cast %select_n3A_121 : vector<16xi32> to vector<1x16xi32>
        tpu.vector_store %arg14[%swap3A_206, %swap3A_207], %swap3A_210 {strides = array<i32>} : memref<8x896xi32, #tpu.memory_space<vmem>>, vector<1x16xi32>,
        %swap3A_211 = arith.constant 6 : i32
        %swap3A_212 = arith.index_cast %swap3A_211 : i32 to index
        %swap3A_213 = arith.index_cast %mul3A_83 : i32 to index
        %swap3A_214 = tpu.vector_load %arg15[%swap3A_212, %swap3A_213] {strides = array<i32>} : memref<8x896xi32, #tpu.memory_space<vmem>>, vector<1x16xi32>,
        %swap3A_215 = vector.shape_cast %swap3A_214 : vector<1x16xi32> to vector<16xi32>
        %swap3A_216 = vector.shape_cast %select_n3A_177 : vector<16xi32> to vector<1x16xi32>
        tpu.vector_store %arg15[%swap3A_212, %swap3A_213], %swap3A_216 {strides = array<i32>} : memref<8x896xi32, #tpu.memory_space<vmem>>, vector<1x16xi32>,
        %eq3A = arith.constant 1 : i32
        %eq3A_217 = vector.broadcast %eq3A : i32 to vector<16xi32>
        %eq3A_218 = arith.cmpi eq, %select_n3A_193, %eq3A_217 : vector<16xi32>
        %select_n3A_219 = arith.select %eq3A_218, %get3A_96, %get3A_89 : vector<16xi1>, vector<16xf32>
        %eq3A_220 = arith.constant 2 : i32
        %eq3A_221 = vector.broadcast %eq3A_220 : i32 to vector<16xi32>
        %eq3A_222 = arith.cmpi eq, %select_n3A_193, %eq3A_221 : vector<16xi32>
        %select_n3A_223 = arith.select %eq3A_222, %get3A_103, %select_n3A_219 : vector<16xi1>, vector<16xf32>
        %eq3A_224 = arith.constant 3 : i32
        %eq3A_225 = vector.broadcast %eq3A_224 : i32 to vector<16xi32>
        %eq3A_226 = arith.cmpi eq, %select_n3A_193, %eq3A_225 : vector<16xi32>
        %select_n3A_227 = arith.select %eq3A_226, %get3A_110, %select_n3A_223 : vector<16xi1>, vector<16xf32>
        %sub3A_228 = arith.subf %max3A_122, %select_n3A_227 : vector<16xf32>
        %swap3A_229 = arith.constant 6 : i32
        %swap3A_230 = arith.index_cast %swap3A_229 : i32 to index
        %swap3A_231 = arith.index_cast %mul3A_83 : i32 to index
        %swap3A_232 = tpu.vector_load %arg16[%swap3A_230, %swap3A_231] {strides = array<i32>} : memref<8x896xf32, #tpu.memory_space<vmem>>, vector<1x16xf32>,
        %swap3A_233 = vector.shape_cast %swap3A_232 : vector<1x16xf32> to vector<16xf32>
        %swap3A_234 = vector.shape_cast %sub3A_228 : vector<16xf32> to vector<1x16xf32>
        tpu.vector_store %arg16[%swap3A_230, %swap3A_231], %swap3A_234 {strides = array<i32>} : memref<8x896xf32, #tpu.memory_space<vmem>>, vector<1x16xf32>,
        %eq3A_235 = arith.constant 1 : i32
        %eq3A_236 = vector.broadcast %eq3A_235 : i32 to vector<16xi32>
        %eq3A_237 = arith.cmpi eq, %select_n3A_193, %eq3A_236 : vector<16xi32>
        %select_n3A_238 = arith.select %eq3A_237, %get3A_147, %get3A_140 : vector<16xi1>, vector<16xf32>
        %eq3A_239 = arith.constant 2 : i32
        %eq3A_240 = vector.broadcast %eq3A_239 : i32 to vector<16xi32>
        %eq3A_241 = arith.cmpi eq, %select_n3A_193, %eq3A_240 : vector<16xi32>
        %select_n3A_242 = arith.select %eq3A_241, %get3A_154, %select_n3A_238 : vector<16xi1>, vector<16xf32>
        %eq3A_243 = arith.constant 3 : i32
        %eq3A_244 = vector.broadcast %eq3A_243 : i32 to vector<16xi32>
        %eq3A_245 = arith.cmpi eq, %select_n3A_193, %eq3A_244 : vector<16xi32>
        %select_n3A_246 = arith.select %eq3A_245, %get3A_161, %select_n3A_242 : vector<16xi1>, vector<16xf32>
        %sub3A_247 = arith.subf %max3A_178, %select_n3A_246 : vector<16xf32>
        %swap3A_248 = arith.constant 6 : i32
        %swap3A_249 = arith.index_cast %swap3A_248 : i32 to index
        %swap3A_250 = arith.index_cast %mul3A_83 : i32 to index
        %swap3A_251 = tpu.vector_load %arg17[%swap3A_249, %swap3A_250] {strides = array<i32>} : memref<8x896xf32, #tpu.memory_space<vmem>>, vector<1x16xf32>,
        %swap3A_252 = vector.shape_cast %swap3A_251 : vector<1x16xf32> to vector<16xf32>
        %swap3A_253 = vector.shape_cast %sub3A_247 : vector<16xf32> to vector<1x16xf32>
        tpu.vector_store %arg17[%swap3A_249, %swap3A_250], %swap3A_253 {strides = array<i32>} : memref<8x896xf32, #tpu.memory_space<vmem>>, vector<1x16xf32>,
        %scan3A_254 = arith.constant 0 : i32
        scf.yield %scan3A_254 : i32
      }
      %scan3A_72 = arith.constant 56 : i32
      %scan3A_73 = arith.constant 0 : i32
      %scan3A_74 = arith.constant 0 : i32
      %scan3A_75 = arith.constant 56 : i32
      %scan3A_76 = arith.addi %scan3A_74, %scan3A_75 : i32
      %scan3A_77 = arith.constant 1 : i32
      %scan3A_78 = scf.for %scan3A_80 = %scan3A_74 to %scan3A_76 step %scan3A_77 iter_args(%scan3A_81 = %scan3A_73) -> (i32)  : i32 {
        %mul3A_82 = arith.constant 16 : i32
        %mul3A_83 = arith.muli %scan3A_80, %mul3A_82 : i32
        %get3A = arith.constant 7 : i32
        %get3A_84 = arith.constant 0 : i32
        %get3A_85 = arith.index_cast %get3A : i32 to index
        %get3A_86 = arith.index_cast %get3A_84 : i32 to index
        %get3A_87 = arith.index_cast %mul3A_83 : i32 to index
        %get3A_88 = tpu.vector_load %arg10[%get3A_85, %get3A_86, %get3A_87] {strides = array<i32>} : memref<8x4x896xf32, #tpu.memory_space<vmem>>, vector<1x1x16xf32>,
        %get3A_89 = vector.shape_cast %get3A_88 : vector<1x1x16xf32> to vector<16xf32>
        %get3A_90 = arith.constant 7 : i32
        %get3A_91 = arith.constant 1 : i32
        %get3A_92 = arith.index_cast %get3A_90 : i32 to index
        %get3A_93 = arith.index_cast %get3A_91 : i32 to index
        %get3A_94 = arith.index_cast %mul3A_83 : i32 to index
        %get3A_95 = tpu.vector_load %arg10[%get3A_92, %get3A_93, %get3A_94] {strides = array<i32>} : memref<8x4x896xf32, #tpu.memory_space<vmem>>, vector<1x1x16xf32>,
        %get3A_96 = vector.shape_cast %get3A_95 : vector<1x1x16xf32> to vector<16xf32>
        %get3A_97 = arith.constant 7 : i32
        %get3A_98 = arith.constant 2 : i32
        %get3A_99 = arith.index_cast %get3A_97 : i32 to index
        %get3A_100 = arith.index_cast %get3A_98 : i32 to index
        %get3A_101 = arith.index_cast %mul3A_83 : i32 to index
        %get3A_102 = tpu.vector_load %arg10[%get3A_99, %get3A_100, %get3A_101] {strides = array<i32>} : memref<8x4x896xf32, #tpu.memory_space<vmem>>, vector<1x1x16xf32>,
        %get3A_103 = vector.shape_cast %get3A_102 : vector<1x1x16xf32> to vector<16xf32>
        %get3A_104 = arith.constant 7 : i32
        %get3A_105 = arith.constant 3 : i32
        %get3A_106 = arith.index_cast %get3A_104 : i32 to index
        %get3A_107 = arith.index_cast %get3A_105 : i32 to index
        %get3A_108 = arith.index_cast %mul3A_83 : i32 to index
        %get3A_109 = tpu.vector_load %arg10[%get3A_106, %get3A_107, %get3A_108] {strides = array<i32>} : memref<8x4x896xf32, #tpu.memory_space<vmem>>, vector<1x1x16xf32>,
        %get3A_110 = vector.shape_cast %get3A_109 : vector<1x1x16xf32> to vector<16xf32>
        %broadcast_in_dim3A = arith.constant 0 : i32
        %broadcast_in_dim3A_111 = vector.broadcast %broadcast_in_dim3A : i32 to vector<16xi32>
        %gt3A = arith.cmpf ogt, %get3A_96, %get3A_89 : vector<16xf32>
        %jit3A = arith.constant 1 : i32
        %broadcast_in_dim3A_112 = vector.broadcast %jit3A : i32 to vector<16xi32>
        %select_n3A = arith.select %gt3A, %broadcast_in_dim3A_112, %broadcast_in_dim3A_111 : vector<16xi1>, vector<16xi32>
        %max3A = arith.maximumf %get3A_89, %get3A_96 : vector<16xf32>
        %gt3A_113 = arith.cmpf ogt, %get3A_103, %max3A : vector<16xf32>
        %jit3A_114 = arith.constant 2 : i32
        %broadcast_in_dim3A_115 = vector.broadcast %jit3A_114 : i32 to vector<16xi32>
        %select_n3A_116 = arith.select %gt3A_113, %broadcast_in_dim3A_115, %select_n3A : vector<16xi1>, vector<16xi32>
        %max3A_117 = arith.maximumf %max3A, %get3A_103 : vector<16xf32>
        %gt3A_118 = arith.cmpf ogt, %get3A_110, %max3A_117 : vector<16xf32>
        %jit3A_119 = arith.constant 3 : i32
        %broadcast_in_dim3A_120 = vector.broadcast %jit3A_119 : i32 to vector<16xi32>
        %select_n3A_121 = arith.select %gt3A_118, %broadcast_in_dim3A_120, %select_n3A_116 : vector<16xi1>, vector<16xi32>
        %max3A_122 = arith.maximumf %max3A_117, %get3A_110 : vector<16xf32>
        %sub3A = arith.subf %get3A_89, %max3A_122 : vector<16xf32>
        %exp3A = math.exp %sub3A : vector<16xf32>
        %sub3A_123 = arith.subf %get3A_96, %max3A_122 : vector<16xf32>
        %exp3A_124 = math.exp %sub3A_123 : vector<16xf32>
        %add3A_125 = arith.addf %exp3A, %exp3A_124 : vector<16xf32>
        %sub3A_126 = arith.subf %get3A_103, %max3A_122 : vector<16xf32>
        %exp3A_127 = math.exp %sub3A_126 : vector<16xf32>
        %add3A_128 = arith.addf %add3A_125, %exp3A_127 : vector<16xf32>
        %sub3A_129 = arith.subf %get3A_110, %max3A_122 : vector<16xf32>
        %exp3A_130 = math.exp %sub3A_129 : vector<16xf32>
        %add3A_131 = arith.addf %add3A_128, %exp3A_130 : vector<16xf32>
        %div3A = arith.constant 1.000000e+00 : f32
        %div3A_132 = vector.broadcast %div3A : f32 to vector<16xf32>
        %div3A_133 = arith.divf %div3A_132, %add3A_131 : vector<16xf32>
        %get3A_134 = arith.constant 7 : i32
        %get3A_135 = arith.constant 0 : i32
        %get3A_136 = arith.index_cast %get3A_134 : i32 to index
        %get3A_137 = arith.index_cast %get3A_135 : i32 to index
        %get3A_138 = arith.index_cast %mul3A_83 : i32 to index
        %get3A_139 = tpu.vector_load %arg11[%get3A_136, %get3A_137, %get3A_138] {strides = array<i32>} : memref<8x4x896xf32, #tpu.memory_space<vmem>>, vector<1x1x16xf32>,
        %get3A_140 = vector.shape_cast %get3A_139 : vector<1x1x16xf32> to vector<16xf32>
        %get3A_141 = arith.constant 7 : i32
        %get3A_142 = arith.constant 1 : i32
        %get3A_143 = arith.index_cast %get3A_141 : i32 to index
        %get3A_144 = arith.index_cast %get3A_142 : i32 to index
        %get3A_145 = arith.index_cast %mul3A_83 : i32 to index
        %get3A_146 = tpu.vector_load %arg11[%get3A_143, %get3A_144, %get3A_145] {strides = array<i32>} : memref<8x4x896xf32, #tpu.memory_space<vmem>>, vector<1x1x16xf32>,
        %get3A_147 = vector.shape_cast %get3A_146 : vector<1x1x16xf32> to vector<16xf32>
        %get3A_148 = arith.constant 7 : i32
        %get3A_149 = arith.constant 2 : i32
        %get3A_150 = arith.index_cast %get3A_148 : i32 to index
        %get3A_151 = arith.index_cast %get3A_149 : i32 to index
        %get3A_152 = arith.index_cast %mul3A_83 : i32 to index
        %get3A_153 = tpu.vector_load %arg11[%get3A_150, %get3A_151, %get3A_152] {strides = array<i32>} : memref<8x4x896xf32, #tpu.memory_space<vmem>>, vector<1x1x16xf32>,
        %get3A_154 = vector.shape_cast %get3A_153 : vector<1x1x16xf32> to vector<16xf32>
        %get3A_155 = arith.constant 7 : i32
        %get3A_156 = arith.constant 3 : i32
        %get3A_157 = arith.index_cast %get3A_155 : i32 to index
        %get3A_158 = arith.index_cast %get3A_156 : i32 to index
        %get3A_159 = arith.index_cast %mul3A_83 : i32 to index
        %get3A_160 = tpu.vector_load %arg11[%get3A_157, %get3A_158, %get3A_159] {strides = array<i32>} : memref<8x4x896xf32, #tpu.memory_space<vmem>>, vector<1x1x16xf32>,
        %get3A_161 = vector.shape_cast %get3A_160 : vector<1x1x16xf32> to vector<16xf32>
        %broadcast_in_dim3A_162 = arith.constant 0 : i32
        %broadcast_in_dim3A_163 = vector.broadcast %broadcast_in_dim3A_162 : i32 to vector<16xi32>
        %gt3A_164 = arith.cmpf ogt, %get3A_147, %get3A_140 : vector<16xf32>
        %jit3A_165 = arith.constant 1 : i32
        %broadcast_in_dim3A_166 = vector.broadcast %jit3A_165 : i32 to vector<16xi32>
        %select_n3A_167 = arith.select %gt3A_164, %broadcast_in_dim3A_166, %broadcast_in_dim3A_163 : vector<16xi1>, vector<16xi32>
        %max3A_168 = arith.maximumf %get3A_140, %get3A_147 : vector<16xf32>
        %gt3A_169 = arith.cmpf ogt, %get3A_154, %max3A_168 : vector<16xf32>
        %jit3A_170 = arith.constant 2 : i32
        %broadcast_in_dim3A_171 = vector.broadcast %jit3A_170 : i32 to vector<16xi32>
        %select_n3A_172 = arith.select %gt3A_169, %broadcast_in_dim3A_171, %select_n3A_167 : vector<16xi1>, vector<16xi32>
        %max3A_173 = arith.maximumf %max3A_168, %get3A_154 : vector<16xf32>
        %gt3A_174 = arith.cmpf ogt, %get3A_161, %max3A_173 : vector<16xf32>
        %jit3A_175 = arith.constant 3 : i32
        %broadcast_in_dim3A_176 = vector.broadcast %jit3A_175 : i32 to vector<16xi32>
        %select_n3A_177 = arith.select %gt3A_174, %broadcast_in_dim3A_176, %select_n3A_172 : vector<16xi1>, vector<16xi32>
        %max3A_178 = arith.maximumf %max3A_173, %get3A_161 : vector<16xf32>
        %sub3A_179 = arith.subf %get3A_140, %max3A_178 : vector<16xf32>
        %exp3A_180 = math.exp %sub3A_179 : vector<16xf32>
        %sub3A_181 = arith.subf %get3A_147, %max3A_178 : vector<16xf32>
        %exp3A_182 = math.exp %sub3A_181 : vector<16xf32>
        %add3A_183 = arith.addf %exp3A_180, %exp3A_182 : vector<16xf32>
        %sub3A_184 = arith.subf %get3A_154, %max3A_178 : vector<16xf32>
        %exp3A_185 = math.exp %sub3A_184 : vector<16xf32>
        %add3A_186 = arith.addf %add3A_183, %exp3A_185 : vector<16xf32>
        %sub3A_187 = arith.subf %get3A_161, %max3A_178 : vector<16xf32>
        %exp3A_188 = math.exp %sub3A_187 : vector<16xf32>
        %add3A_189 = arith.addf %add3A_186, %exp3A_188 : vector<16xf32>
        %div3A_190 = arith.constant 1.000000e+00 : f32
        %div3A_191 = vector.broadcast %div3A_190 : f32 to vector<16xf32>
        %div3A_192 = arith.divf %div3A_191, %add3A_189 : vector<16xf32>
        %ge3A = arith.cmpf oge, %div3A_133, %div3A_192 : vector<16xf32>
        %select_n3A_193 = arith.select %ge3A, %select_n3A_121, %select_n3A_177 : vector<16xi1>, vector<16xi32>
        %swap3A = arith.constant 7 : i32
        %swap3A_194 = arith.index_cast %swap3A : i32 to index
        %swap3A_195 = arith.index_cast %mul3A_83 : i32 to index
        %swap3A_196 = tpu.vector_load %arg12[%swap3A_194, %swap3A_195] {strides = array<i32>} : memref<8x896xf32, #tpu.memory_space<vmem>>, vector<1x16xf32>,
        %swap3A_197 = vector.shape_cast %swap3A_196 : vector<1x16xf32> to vector<16xf32>
        %swap3A_198 = vector.shape_cast %div3A_133 : vector<16xf32> to vector<1x16xf32>
        tpu.vector_store %arg12[%swap3A_194, %swap3A_195], %swap3A_198 {strides = array<i32>} : memref<8x896xf32, #tpu.memory_space<vmem>>, vector<1x16xf32>,
        %swap3A_199 = arith.constant 7 : i32
        %swap3A_200 = arith.index_cast %swap3A_199 : i32 to index
        %swap3A_201 = arith.index_cast %mul3A_83 : i32 to index
        %swap3A_202 = tpu.vector_load %arg13[%swap3A_200, %swap3A_201] {strides = array<i32>} : memref<8x896xf32, #tpu.memory_space<vmem>>, vector<1x16xf32>,
        %swap3A_203 = vector.shape_cast %swap3A_202 : vector<1x16xf32> to vector<16xf32>
        %swap3A_204 = vector.shape_cast %div3A_192 : vector<16xf32> to vector<1x16xf32>
        tpu.vector_store %arg13[%swap3A_200, %swap3A_201], %swap3A_204 {strides = array<i32>} : memref<8x896xf32, #tpu.memory_space<vmem>>, vector<1x16xf32>,
        %swap3A_205 = arith.constant 7 : i32
        %swap3A_206 = arith.index_cast %swap3A_205 : i32 to index
        %swap3A_207 = arith.index_cast %mul3A_83 : i32 to index
        %swap3A_208 = tpu.vector_load %arg14[%swap3A_206, %swap3A_207] {strides = array<i32>} : memref<8x896xi32, #tpu.memory_space<vmem>>, vector<1x16xi32>,
        %swap3A_209 = vector.shape_cast %swap3A_208 : vector<1x16xi32> to vector<16xi32>
        %swap3A_210 = vector.shape_cast %select_n3A_121 : vector<16xi32> to vector<1x16xi32>
        tpu.vector_store %arg14[%swap3A_206, %swap3A_207], %swap3A_210 {strides = array<i32>} : memref<8x896xi32, #tpu.memory_space<vmem>>, vector<1x16xi32>,
        %swap3A_211 = arith.constant 7 : i32
        %swap3A_212 = arith.index_cast %swap3A_211 : i32 to index
        %swap3A_213 = arith.index_cast %mul3A_83 : i32 to index
        %swap3A_214 = tpu.vector_load %arg15[%swap3A_212, %swap3A_213] {strides = array<i32>} : memref<8x896xi32, #tpu.memory_space<vmem>>, vector<1x16xi32>,
        %swap3A_215 = vector.shape_cast %swap3A_214 : vector<1x16xi32> to vector<16xi32>
        %swap3A_216 = vector.shape_cast %select_n3A_177 : vector<16xi32> to vector<1x16xi32>
        tpu.vector_store %arg15[%swap3A_212, %swap3A_213], %swap3A_216 {strides = array<i32>} : memref<8x896xi32, #tpu.memory_space<vmem>>, vector<1x16xi32>,
        %eq3A = arith.constant 1 : i32
        %eq3A_217 = vector.broadcast %eq3A : i32 to vector<16xi32>
        %eq3A_218 = arith.cmpi eq, %select_n3A_193, %eq3A_217 : vector<16xi32>
        %select_n3A_219 = arith.select %eq3A_218, %get3A_96, %get3A_89 : vector<16xi1>, vector<16xf32>
        %eq3A_220 = arith.constant 2 : i32
        %eq3A_221 = vector.broadcast %eq3A_220 : i32 to vector<16xi32>
        %eq3A_222 = arith.cmpi eq, %select_n3A_193, %eq3A_221 : vector<16xi32>
        %select_n3A_223 = arith.select %eq3A_222, %get3A_103, %select_n3A_219 : vector<16xi1>, vector<16xf32>
        %eq3A_224 = arith.constant 3 : i32
        %eq3A_225 = vector.broadcast %eq3A_224 : i32 to vector<16xi32>
        %eq3A_226 = arith.cmpi eq, %select_n3A_193, %eq3A_225 : vector<16xi32>
        %select_n3A_227 = arith.select %eq3A_226, %get3A_110, %select_n3A_223 : vector<16xi1>, vector<16xf32>
        %sub3A_228 = arith.subf %max3A_122, %select_n3A_227 : vector<16xf32>
        %swap3A_229 = arith.constant 7 : i32
        %swap3A_230 = arith.index_cast %swap3A_229 : i32 to index
        %swap3A_231 = arith.index_cast %mul3A_83 : i32 to index
        %swap3A_232 = tpu.vector_load %arg16[%swap3A_230, %swap3A_231] {strides = array<i32>} : memref<8x896xf32, #tpu.memory_space<vmem>>, vector<1x16xf32>,
        %swap3A_233 = vector.shape_cast %swap3A_232 : vector<1x16xf32> to vector<16xf32>
        %swap3A_234 = vector.shape_cast %sub3A_228 : vector<16xf32> to vector<1x16xf32>
        tpu.vector_store %arg16[%swap3A_230, %swap3A_231], %swap3A_234 {strides = array<i32>} : memref<8x896xf32, #tpu.memory_space<vmem>>, vector<1x16xf32>,
        %eq3A_235 = arith.constant 1 : i32
        %eq3A_236 = vector.broadcast %eq3A_235 : i32 to vector<16xi32>
        %eq3A_237 = arith.cmpi eq, %select_n3A_193, %eq3A_236 : vector<16xi32>
        %select_n3A_238 = arith.select %eq3A_237, %get3A_147, %get3A_140 : vector<16xi1>, vector<16xf32>
        %eq3A_239 = arith.constant 2 : i32
        %eq3A_240 = vector.broadcast %eq3A_239 : i32 to vector<16xi32>
        %eq3A_241 = arith.cmpi eq, %select_n3A_193, %eq3A_240 : vector<16xi32>
        %select_n3A_242 = arith.select %eq3A_241, %get3A_154, %select_n3A_238 : vector<16xi1>, vector<16xf32>
        %eq3A_243 = arith.constant 3 : i32
        %eq3A_244 = vector.broadcast %eq3A_243 : i32 to vector<16xi32>
        %eq3A_245 = arith.cmpi eq, %select_n3A_193, %eq3A_244 : vector<16xi32>
        %select_n3A_246 = arith.select %eq3A_245, %get3A_161, %select_n3A_242 : vector<16xi1>, vector<16xf32>
        %sub3A_247 = arith.subf %max3A_178, %select_n3A_246 : vector<16xf32>
        %swap3A_248 = arith.constant 7 : i32
        %swap3A_249 = arith.index_cast %swap3A_248 : i32 to index
        %swap3A_250 = arith.index_cast %mul3A_83 : i32 to index
        %swap3A_251 = tpu.vector_load %arg17[%swap3A_249, %swap3A_250] {strides = array<i32>} : memref<8x896xf32, #tpu.memory_space<vmem>>, vector<1x16xf32>,
        %swap3A_252 = vector.shape_cast %swap3A_251 : vector<1x16xf32> to vector<16xf32>
        %swap3A_253 = vector.shape_cast %sub3A_247 : vector<16xf32> to vector<1x16xf32>
        tpu.vector_store %arg17[%swap3A_249, %swap3A_250], %swap3A_253 {strides = array<i32>} : memref<8x896xf32, #tpu.memory_space<vmem>>, vector<1x16xf32>,
        %scan3A_254 = arith.constant 0 : i32
        scf.yield %scan3A_254 : i32
      }
      %scan3A_79 = arith.constant 56 : i32
      "tpu.region"() ({
        %run_scoped3A = tpu.sem_alloc : memref<!tpu.dma_semaphore, #tpu.memory_space<semaphore_mem>>
        %dma_start3A = arith.constant 0 : i32
        %dma_start3A_80 = tpu.memref_slice %arg4[%dma_start3A, %multiple_of3A] : memref<8x50176xf32, #tpu.memory_space<hbm>> -> memref<8x896xf32, #tpu.memory_space<hbm>>
        %dma_start3A_81 = arith.constant 0 : i32
        %dma_start3A_82 = tpu.memref_slice %arg4[%dma_start3A_81, %multiple_of3A] : memref<8x50176xf32, #tpu.memory_space<hbm>> -> memref<8x896xf32, #tpu.memory_space<hbm>>
        tpu.enqueue_dma source(%arg12 : memref<8x896xf32, #tpu.memory_space<vmem>>) target(%dma_start3A_82 : memref<8x896xf32, #tpu.memory_space<hbm>>) target_semaphore(%run_scoped3A : memref<!tpu.dma_semaphore, #tpu.memory_space<semaphore_mem>>)
        %dma_wait3A = arith.constant 0 : i32
        %dma_wait3A_83 = tpu.memref_slice %arg4[%dma_wait3A, %multiple_of3A] : memref<8x50176xf32, #tpu.memory_space<hbm>> -> memref<8x896xf32, #tpu.memory_space<hbm>>
        %dma_wait3A_84 = arith.constant 0 : i32
        %dma_wait3A_85 = tpu.memref_slice %arg4[%dma_wait3A_84, %multiple_of3A] : memref<8x50176xf32, #tpu.memory_space<hbm>> -> memref<8x896xf32, #tpu.memory_space<hbm>>
        tpu.wait_dma2 semaphore(%run_scoped3A : memref<!tpu.dma_semaphore, #tpu.memory_space<semaphore_mem>>) src(%arg12 : memref<8x896xf32, #tpu.memory_space<vmem>>) dst(%dma_wait3A_85 : memref<8x896xf32, #tpu.memory_space<hbm>>)
        tpu.yield
      }) : () -> ()
      "tpu.region"() ({
        %run_scoped3A = tpu.sem_alloc : memref<!tpu.dma_semaphore, #tpu.memory_space<semaphore_mem>>
        %dma_start3A = arith.constant 0 : i32
        %dma_start3A_80 = tpu.memref_slice %arg5[%dma_start3A, %multiple_of3A] : memref<8x50176xf32, #tpu.memory_space<hbm>> -> memref<8x896xf32, #tpu.memory_space<hbm>>
        %dma_start3A_81 = arith.constant 0 : i32
        %dma_start3A_82 = tpu.memref_slice %arg5[%dma_start3A_81, %multiple_of3A] : memref<8x50176xf32, #tpu.memory_space<hbm>> -> memref<8x896xf32, #tpu.memory_space<hbm>>
        tpu.enqueue_dma source(%arg13 : memref<8x896xf32, #tpu.memory_space<vmem>>) target(%dma_start3A_82 : memref<8x896xf32, #tpu.memory_space<hbm>>) target_semaphore(%run_scoped3A : memref<!tpu.dma_semaphore, #tpu.memory_space<semaphore_mem>>)
        %dma_wait3A = arith.constant 0 : i32
        %dma_wait3A_83 = tpu.memref_slice %arg5[%dma_wait3A, %multiple_of3A] : memref<8x50176xf32, #tpu.memory_space<hbm>> -> memref<8x896xf32, #tpu.memory_space<hbm>>
        %dma_wait3A_84 = arith.constant 0 : i32
        %dma_wait3A_85 = tpu.memref_slice %arg5[%dma_wait3A_84, %multiple_of3A] : memref<8x50176xf32, #tpu.memory_space<hbm>> -> memref<8x896xf32, #tpu.memory_space<hbm>>
        tpu.wait_dma2 semaphore(%run_scoped3A : memref<!tpu.dma_semaphore, #tpu.memory_space<semaphore_mem>>) src(%arg13 : memref<8x896xf32, #tpu.memory_space<vmem>>) dst(%dma_wait3A_85 : memref<8x896xf32, #tpu.memory_space<hbm>>)
        tpu.yield
      }) : () -> ()
      "tpu.region"() ({
        %run_scoped3A = tpu.sem_alloc : memref<!tpu.dma_semaphore, #tpu.memory_space<semaphore_mem>>
        %dma_start3A = arith.constant 0 : i32
        %dma_start3A_80 = tpu.memref_slice %arg6[%dma_start3A, %multiple_of3A] : memref<8x50176xi32, #tpu.memory_space<hbm>> -> memref<8x896xi32, #tpu.memory_space<hbm>>
        %dma_start3A_81 = arith.constant 0 : i32
        %dma_start3A_82 = tpu.memref_slice %arg6[%dma_start3A_81, %multiple_of3A] : memref<8x50176xi32, #tpu.memory_space<hbm>> -> memref<8x896xi32, #tpu.memory_space<hbm>>
        tpu.enqueue_dma source(%arg14 : memref<8x896xi32, #tpu.memory_space<vmem>>) target(%dma_start3A_82 : memref<8x896xi32, #tpu.memory_space<hbm>>) target_semaphore(%run_scoped3A : memref<!tpu.dma_semaphore, #tpu.memory_space<semaphore_mem>>)
        %dma_wait3A = arith.constant 0 : i32
        %dma_wait3A_83 = tpu.memref_slice %arg6[%dma_wait3A, %multiple_of3A] : memref<8x50176xi32, #tpu.memory_space<hbm>> -> memref<8x896xi32, #tpu.memory_space<hbm>>
        %dma_wait3A_84 = arith.constant 0 : i32
        %dma_wait3A_85 = tpu.memref_slice %arg6[%dma_wait3A_84, %multiple_of3A] : memref<8x50176xi32, #tpu.memory_space<hbm>> -> memref<8x896xi32, #tpu.memory_space<hbm>>
        tpu.wait_dma2 semaphore(%run_scoped3A : memref<!tpu.dma_semaphore, #tpu.memory_space<semaphore_mem>>) src(%arg14 : memref<8x896xi32, #tpu.memory_space<vmem>>) dst(%dma_wait3A_85 : memref<8x896xi32, #tpu.memory_space<hbm>>)
        tpu.yield
      }) : () -> ()
      "tpu.region"() ({
        %run_scoped3A = tpu.sem_alloc : memref<!tpu.dma_semaphore, #tpu.memory_space<semaphore_mem>>
        %dma_start3A = arith.constant 0 : i32
        %dma_start3A_80 = tpu.memref_slice %arg7[%dma_start3A, %multiple_of3A] : memref<8x50176xi32, #tpu.memory_space<hbm>> -> memref<8x896xi32, #tpu.memory_space<hbm>>
        %dma_start3A_81 = arith.constant 0 : i32
        %dma_start3A_82 = tpu.memref_slice %arg7[%dma_start3A_81, %multiple_of3A] : memref<8x50176xi32, #tpu.memory_space<hbm>> -> memref<8x896xi32, #tpu.memory_space<hbm>>
        tpu.enqueue_dma source(%arg15 : memref<8x896xi32, #tpu.memory_space<vmem>>) target(%dma_start3A_82 : memref<8x896xi32, #tpu.memory_space<hbm>>) target_semaphore(%run_scoped3A : memref<!tpu.dma_semaphore, #tpu.memory_space<semaphore_mem>>)
        %dma_wait3A = arith.constant 0 : i32
        %dma_wait3A_83 = tpu.memref_slice %arg7[%dma_wait3A, %multiple_of3A] : memref<8x50176xi32, #tpu.memory_space<hbm>> -> memref<8x896xi32, #tpu.memory_space<hbm>>
        %dma_wait3A_84 = arith.constant 0 : i32
        %dma_wait3A_85 = tpu.memref_slice %arg7[%dma_wait3A_84, %multiple_of3A] : memref<8x50176xi32, #tpu.memory_space<hbm>> -> memref<8x896xi32, #tpu.memory_space<hbm>>
        tpu.wait_dma2 semaphore(%run_scoped3A : memref<!tpu.dma_semaphore, #tpu.memory_space<semaphore_mem>>) src(%arg15 : memref<8x896xi32, #tpu.memory_space<vmem>>) dst(%dma_wait3A_85 : memref<8x896xi32, #tpu.memory_space<hbm>>)
        tpu.yield
      }) : () -> ()
      "tpu.region"() ({
        %run_scoped3A = tpu.sem_alloc : memref<!tpu.dma_semaphore, #tpu.memory_space<semaphore_mem>>
        %dma_start3A = arith.constant 0 : i32
        %dma_start3A_80 = tpu.memref_slice %arg8[%dma_start3A, %multiple_of3A] : memref<8x50176xf32, #tpu.memory_space<hbm>> -> memref<8x896xf32, #tpu.memory_space<hbm>>
        %dma_start3A_81 = arith.constant 0 : i32
        %dma_start3A_82 = tpu.memref_slice %arg8[%dma_start3A_81, %multiple_of3A] : memref<8x50176xf32, #tpu.memory_space<hbm>> -> memref<8x896xf32, #tpu.memory_space<hbm>>
        tpu.enqueue_dma source(%arg16 : memref<8x896xf32, #tpu.memory_space<vmem>>) target(%dma_start3A_82 : memref<8x896xf32, #tpu.memory_space<hbm>>) target_semaphore(%run_scoped3A : memref<!tpu.dma_semaphore, #tpu.memory_space<semaphore_mem>>)
        %dma_wait3A = arith.constant 0 : i32
        %dma_wait3A_83 = tpu.memref_slice %arg8[%dma_wait3A, %multiple_of3A] : memref<8x50176xf32, #tpu.memory_space<hbm>> -> memref<8x896xf32, #tpu.memory_space<hbm>>
        %dma_wait3A_84 = arith.constant 0 : i32
        %dma_wait3A_85 = tpu.memref_slice %arg8[%dma_wait3A_84, %multiple_of3A] : memref<8x50176xf32, #tpu.memory_space<hbm>> -> memref<8x896xf32, #tpu.memory_space<hbm>>
        tpu.wait_dma2 semaphore(%run_scoped3A : memref<!tpu.dma_semaphore, #tpu.memory_space<semaphore_mem>>) src(%arg16 : memref<8x896xf32, #tpu.memory_space<vmem>>) dst(%dma_wait3A_85 : memref<8x896xf32, #tpu.memory_space<hbm>>)
        tpu.yield
      }) : () -> ()
      "tpu.region"() ({
        %run_scoped3A = tpu.sem_alloc : memref<!tpu.dma_semaphore, #tpu.memory_space<semaphore_mem>>
        %dma_start3A = arith.constant 0 : i32
        %dma_start3A_80 = tpu.memref_slice %arg9[%dma_start3A, %multiple_of3A] : memref<8x50176xf32, #tpu.memory_space<hbm>> -> memref<8x896xf32, #tpu.memory_space<hbm>>
        %dma_start3A_81 = arith.constant 0 : i32
        %dma_start3A_82 = tpu.memref_slice %arg9[%dma_start3A_81, %multiple_of3A] : memref<8x50176xf32, #tpu.memory_space<hbm>> -> memref<8x896xf32, #tpu.memory_space<hbm>>
        tpu.enqueue_dma source(%arg17 : memref<8x896xf32, #tpu.memory_space<vmem>>) target(%dma_start3A_82 : memref<8x896xf32, #tpu.memory_space<hbm>>) target_semaphore(%run_scoped3A : memref<!tpu.dma_semaphore, #tpu.memory_space<semaphore_mem>>)
        %dma_wait3A = arith.constant 0 : i32
        %dma_wait3A_83 = tpu.memref_slice %arg9[%dma_wait3A, %multiple_of3A] : memref<8x50176xf32, #tpu.memory_space<hbm>> -> memref<8x896xf32, #tpu.memory_space<hbm>>
        %dma_wait3A_84 = arith.constant 0 : i32
        %dma_wait3A_85 = tpu.memref_slice %arg9[%dma_wait3A_84, %multiple_of3A] : memref<8x50176xf32, #tpu.memory_space<hbm>> -> memref<8x896xf32, #tpu.memory_space<hbm>>
        tpu.wait_dma2 semaphore(%run_scoped3A : memref<!tpu.dma_semaphore, #tpu.memory_space<semaphore_mem>>) src(%arg17 : memref<8x896xf32, #tpu.memory_space<vmem>>) dst(%dma_wait3A_85 : memref<8x896xf32, #tpu.memory_space<hbm>>)
        tpu.yield
      }) : () -> ()
    } else {
    }
    %add3A_11 = arith.constant 32 : i32
    %add3A_12 = arith.addi %add3A_11, %add3A : i32
    %mul3A_13 = arith.constant 896 : i32
    %mul3A_14 = arith.muli %add3A_12, %mul3A_13 : i32
    %multiple_of3A_15 = tpu.assume_multiple %mul3A_14, 128 : i32
    %mul3A_16 = arith.constant 896 : i32
    %mul3A_17 = arith.muli %add3A_12, %mul3A_16 : i32
    %add3A_18 = arith.constant 896 : i32
    %add3A_19 = arith.addi %mul3A_17, %add3A_18 : i32
    %le3A_20 = arith.constant 50176 : i32
    %le3A_21 = arith.cmpi sle, %add3A_19, %le3A_20 : i32
    %convert_element_type3A_22 = arith.extui %le3A_21 : i1 to i32
    %cond3A_23 = arith.constant 0 : i32
    %cond3A_24 = arith.cmpi ne, %convert_element_type3A_22, %cond3A_23 : i32
    scf.if %cond3A_24 {
      "tpu.region"() ({
        %run_scoped3A = tpu.sem_alloc : memref<!tpu.dma_semaphore, #tpu.memory_space<semaphore_mem>>
        %dma_start3A = arith.constant 0 : i32
        %dma_start3A_80 = arith.constant 0 : i32
        %dma_start3A_81 = tpu.memref_slice %arg2[%dma_start3A, %dma_start3A_80, %multiple_of3A_15] : memref<8x4x50176xf32, #tpu.memory_space<hbm>> -> memref<8x4x896xf32, #tpu.memory_space<hbm>>
        %dma_start3A_82 = arith.constant 0 : i32
        %dma_start3A_83 = arith.constant 0 : i32
        %dma_start3A_84 = tpu.memref_slice %arg2[%dma_start3A_82, %dma_start3A_83, %multiple_of3A_15] : memref<8x4x50176xf32, #tpu.memory_space<hbm>> -> memref<8x4x896xf32, #tpu.memory_space<hbm>>
        tpu.enqueue_dma source(%dma_start3A_84 : memref<8x4x896xf32, #tpu.memory_space<hbm>>) target(%arg10 : memref<8x4x896xf32, #tpu.memory_space<vmem>>) target_semaphore(%run_scoped3A : memref<!tpu.dma_semaphore, #tpu.memory_space<semaphore_mem>>)
        %dma_wait3A = arith.constant 0 : i32
        %dma_wait3A_85 = arith.constant 0 : i32
        %dma_wait3A_86 = tpu.memref_slice %arg2[%dma_wait3A, %dma_wait3A_85, %multiple_of3A_15] : memref<8x4x50176xf32, #tpu.memory_space<hbm>> -> memref<8x4x896xf32, #tpu.memory_space<hbm>>
        %dma_wait3A_87 = arith.constant 0 : i32
        %dma_wait3A_88 = arith.constant 0 : i32
        %dma_wait3A_89 = tpu.memref_slice %arg2[%dma_wait3A_87, %dma_wait3A_88, %multiple_of3A_15] : memref<8x4x50176xf32, #tpu.memory_space<hbm>> -> memref<8x4x896xf32, #tpu.memory_space<hbm>>
        tpu.wait_dma2 semaphore(%run_scoped3A : memref<!tpu.dma_semaphore, #tpu.memory_space<semaphore_mem>>) src(%dma_wait3A_89 : memref<8x4x896xf32, #tpu.memory_space<hbm>>) dst(%arg10 : memref<8x4x896xf32, #tpu.memory_space<vmem>>)
        tpu.yield
      }) : () -> ()
      "tpu.region"() ({
        %run_scoped3A = tpu.sem_alloc : memref<!tpu.dma_semaphore, #tpu.memory_space<semaphore_mem>>
        %dma_start3A = arith.constant 0 : i32
        %dma_start3A_80 = arith.constant 0 : i32
        %dma_start3A_81 = tpu.memref_slice %arg3[%dma_start3A, %dma_start3A_80, %multiple_of3A_15] : memref<8x4x50176xf32, #tpu.memory_space<hbm>> -> memref<8x4x896xf32, #tpu.memory_space<hbm>>
        %dma_start3A_82 = arith.constant 0 : i32
        %dma_start3A_83 = arith.constant 0 : i32
        %dma_start3A_84 = tpu.memref_slice %arg3[%dma_start3A_82, %dma_start3A_83, %multiple_of3A_15] : memref<8x4x50176xf32, #tpu.memory_space<hbm>> -> memref<8x4x896xf32, #tpu.memory_space<hbm>>
        tpu.enqueue_dma source(%dma_start3A_84 : memref<8x4x896xf32, #tpu.memory_space<hbm>>) target(%arg11 : memref<8x4x896xf32, #tpu.memory_space<vmem>>) target_semaphore(%run_scoped3A : memref<!tpu.dma_semaphore, #tpu.memory_space<semaphore_mem>>)
        %dma_wait3A = arith.constant 0 : i32
        %dma_wait3A_85 = arith.constant 0 : i32
        %dma_wait3A_86 = tpu.memref_slice %arg3[%dma_wait3A, %dma_wait3A_85, %multiple_of3A_15] : memref<8x4x50176xf32, #tpu.memory_space<hbm>> -> memref<8x4x896xf32, #tpu.memory_space<hbm>>
        %dma_wait3A_87 = arith.constant 0 : i32
        %dma_wait3A_88 = arith.constant 0 : i32
        %dma_wait3A_89 = tpu.memref_slice %arg3[%dma_wait3A_87, %dma_wait3A_88, %multiple_of3A_15] : memref<8x4x50176xf32, #tpu.memory_space<hbm>> -> memref<8x4x896xf32, #tpu.memory_space<hbm>>
        tpu.wait_dma2 semaphore(%run_scoped3A : memref<!tpu.dma_semaphore, #tpu.memory_space<semaphore_mem>>) src(%dma_wait3A_89 : memref<8x4x896xf32, #tpu.memory_space<hbm>>) dst(%arg11 : memref<8x4x896xf32, #tpu.memory_space<vmem>>)
        tpu.yield
      }) : () -> ()
      %scan3A = arith.constant 0 : i32
      %scan3A_25 = arith.constant 0 : i32
      %scan3A_26 = arith.constant 56 : i32
      %scan3A_27 = arith.addi %scan3A_25, %scan3A_26 : i32
      %scan3A_28 = arith.constant 1 : i32
      %scan3A_29 = scf.for %scan3A_80 = %scan3A_25 to %scan3A_27 step %scan3A_28 iter_args(%scan3A_81 = %scan3A) -> (i32)  : i32 {
        %mul3A_82 = arith.constant 16 : i32
        %mul3A_83 = arith.muli %scan3A_80, %mul3A_82 : i32
        %get3A = arith.constant 0 : i32
        %get3A_84 = arith.constant 0 : i32
        %get3A_85 = arith.index_cast %get3A : i32 to index
        %get3A_86 = arith.index_cast %get3A_84 : i32 to index
        %get3A_87 = arith.index_cast %mul3A_83 : i32 to index
        %get3A_88 = tpu.vector_load %arg10[%get3A_85, %get3A_86, %get3A_87] {strides = array<i32>} : memref<8x4x896xf32, #tpu.memory_space<vmem>>, vector<1x1x16xf32>,
        %get3A_89 = vector.shape_cast %get3A_88 : vector<1x1x16xf32> to vector<16xf32>
        %get3A_90 = arith.constant 0 : i32
        %get3A_91 = arith.constant 1 : i32
        %get3A_92 = arith.index_cast %get3A_90 : i32 to index
        %get3A_93 = arith.index_cast %get3A_91 : i32 to index
        %get3A_94 = arith.index_cast %mul3A_83 : i32 to index
        %get3A_95 = tpu.vector_load %arg10[%get3A_92, %get3A_93, %get3A_94] {strides = array<i32>} : memref<8x4x896xf32, #tpu.memory_space<vmem>>, vector<1x1x16xf32>,
        %get3A_96 = vector.shape_cast %get3A_95 : vector<1x1x16xf32> to vector<16xf32>
        %get3A_97 = arith.constant 0 : i32
        %get3A_98 = arith.constant 2 : i32
        %get3A_99 = arith.index_cast %get3A_97 : i32 to index
        %get3A_100 = arith.index_cast %get3A_98 : i32 to index
        %get3A_101 = arith.index_cast %mul3A_83 : i32 to index
        %get3A_102 = tpu.vector_load %arg10[%get3A_99, %get3A_100, %get3A_101] {strides = array<i32>} : memref<8x4x896xf32, #tpu.memory_space<vmem>>, vector<1x1x16xf32>,
        %get3A_103 = vector.shape_cast %get3A_102 : vector<1x1x16xf32> to vector<16xf32>
        %get3A_104 = arith.constant 0 : i32
        %get3A_105 = arith.constant 3 : i32
        %get3A_106 = arith.index_cast %get3A_104 : i32 to index
        %get3A_107 = arith.index_cast %get3A_105 : i32 to index
        %get3A_108 = arith.index_cast %mul3A_83 : i32 to index
        %get3A_109 = tpu.vector_load %arg10[%get3A_106, %get3A_107, %get3A_108] {strides = array<i32>} : memref<8x4x896xf32, #tpu.memory_space<vmem>>, vector<1x1x16xf32>,
        %get3A_110 = vector.shape_cast %get3A_109 : vector<1x1x16xf32> to vector<16xf32>
        %broadcast_in_dim3A = arith.constant 0 : i32
        %broadcast_in_dim3A_111 = vector.broadcast %broadcast_in_dim3A : i32 to vector<16xi32>
        %gt3A = arith.cmpf ogt, %get3A_96, %get3A_89 : vector<16xf32>
        %jit3A = arith.constant 1 : i32
        %broadcast_in_dim3A_112 = vector.broadcast %jit3A : i32 to vector<16xi32>
        %select_n3A = arith.select %gt3A, %broadcast_in_dim3A_112, %broadcast_in_dim3A_111 : vector<16xi1>, vector<16xi32>
        %max3A = arith.maximumf %get3A_89, %get3A_96 : vector<16xf32>
        %gt3A_113 = arith.cmpf ogt, %get3A_103, %max3A : vector<16xf32>
        %jit3A_114 = arith.constant 2 : i32
        %broadcast_in_dim3A_115 = vector.broadcast %jit3A_114 : i32 to vector<16xi32>
        %select_n3A_116 = arith.select %gt3A_113, %broadcast_in_dim3A_115, %select_n3A : vector<16xi1>, vector<16xi32>
        %max3A_117 = arith.maximumf %max3A, %get3A_103 : vector<16xf32>
        %gt3A_118 = arith.cmpf ogt, %get3A_110, %max3A_117 : vector<16xf32>
        %jit3A_119 = arith.constant 3 : i32
        %broadcast_in_dim3A_120 = vector.broadcast %jit3A_119 : i32 to vector<16xi32>
        %select_n3A_121 = arith.select %gt3A_118, %broadcast_in_dim3A_120, %select_n3A_116 : vector<16xi1>, vector<16xi32>
        %max3A_122 = arith.maximumf %max3A_117, %get3A_110 : vector<16xf32>
        %sub3A = arith.subf %get3A_89, %max3A_122 : vector<16xf32>
        %exp3A = math.exp %sub3A : vector<16xf32>
        %sub3A_123 = arith.subf %get3A_96, %max3A_122 : vector<16xf32>
        %exp3A_124 = math.exp %sub3A_123 : vector<16xf32>
        %add3A_125 = arith.addf %exp3A, %exp3A_124 : vector<16xf32>
        %sub3A_126 = arith.subf %get3A_103, %max3A_122 : vector<16xf32>
        %exp3A_127 = math.exp %sub3A_126 : vector<16xf32>
        %add3A_128 = arith.addf %add3A_125, %exp3A_127 : vector<16xf32>
        %sub3A_129 = arith.subf %get3A_110, %max3A_122 : vector<16xf32>
        %exp3A_130 = math.exp %sub3A_129 : vector<16xf32>
        %add3A_131 = arith.addf %add3A_128, %exp3A_130 : vector<16xf32>
        %div3A = arith.constant 1.000000e+00 : f32
        %div3A_132 = vector.broadcast %div3A : f32 to vector<16xf32>
        %div3A_133 = arith.divf %div3A_132, %add3A_131 : vector<16xf32>
        %get3A_134 = arith.constant 0 : i32
        %get3A_135 = arith.constant 0 : i32
        %get3A_136 = arith.index_cast %get3A_134 : i32 to index
        %get3A_137 = arith.index_cast %get3A_135 : i32 to index
        %get3A_138 = arith.index_cast %mul3A_83 : i32 to index
        %get3A_139 = tpu.vector_load %arg11[%get3A_136, %get3A_137, %get3A_138] {strides = array<i32>} : memref<8x4x896xf32, #tpu.memory_space<vmem>>, vector<1x1x16xf32>,
        %get3A_140 = vector.shape_cast %get3A_139 : vector<1x1x16xf32> to vector<16xf32>
        %get3A_141 = arith.constant 0 : i32
        %get3A_142 = arith.constant 1 : i32
        %get3A_143 = arith.index_cast %get3A_141 : i32 to index
        %get3A_144 = arith.index_cast %get3A_142 : i32 to index
        %get3A_145 = arith.index_cast %mul3A_83 : i32 to index
        %get3A_146 = tpu.vector_load %arg11[%get3A_143, %get3A_144, %get3A_145] {strides = array<i32>} : memref<8x4x896xf32, #tpu.memory_space<vmem>>, vector<1x1x16xf32>,
        %get3A_147 = vector.shape_cast %get3A_146 : vector<1x1x16xf32> to vector<16xf32>
        %get3A_148 = arith.constant 0 : i32
        %get3A_149 = arith.constant 2 : i32
        %get3A_150 = arith.index_cast %get3A_148 : i32 to index
        %get3A_151 = arith.index_cast %get3A_149 : i32 to index
        %get3A_152 = arith.index_cast %mul3A_83 : i32 to index
        %get3A_153 = tpu.vector_load %arg11[%get3A_150, %get3A_151, %get3A_152] {strides = array<i32>} : memref<8x4x896xf32, #tpu.memory_space<vmem>>, vector<1x1x16xf32>,
        %get3A_154 = vector.shape_cast %get3A_153 : vector<1x1x16xf32> to vector<16xf32>
        %get3A_155 = arith.constant 0 : i32
        %get3A_156 = arith.constant 3 : i32
        %get3A_157 = arith.index_cast %get3A_155 : i32 to index
        %get3A_158 = arith.index_cast %get3A_156 : i32 to index
        %get3A_159 = arith.index_cast %mul3A_83 : i32 to index
        %get3A_160 = tpu.vector_load %arg11[%get3A_157, %get3A_158, %get3A_159] {strides = array<i32>} : memref<8x4x896xf32, #tpu.memory_space<vmem>>, vector<1x1x16xf32>,
        %get3A_161 = vector.shape_cast %get3A_160 : vector<1x1x16xf32> to vector<16xf32>
        %broadcast_in_dim3A_162 = arith.constant 0 : i32
        %broadcast_in_dim3A_163 = vector.broadcast %broadcast_in_dim3A_162 : i32 to vector<16xi32>
        %gt3A_164 = arith.cmpf ogt, %get3A_147, %get3A_140 : vector<16xf32>
        %jit3A_165 = arith.constant 1 : i32
        %broadcast_in_dim3A_166 = vector.broadcast %jit3A_165 : i32 to vector<16xi32>
        %select_n3A_167 = arith.select %gt3A_164, %broadcast_in_dim3A_166, %broadcast_in_dim3A_163 : vector<16xi1>, vector<16xi32>
        %max3A_168 = arith.maximumf %get3A_140, %get3A_147 : vector<16xf32>
        %gt3A_169 = arith.cmpf ogt, %get3A_154, %max3A_168 : vector<16xf32>
        %jit3A_170 = arith.constant 2 : i32
        %broadcast_in_dim3A_171 = vector.broadcast %jit3A_170 : i32 to vector<16xi32>
        %select_n3A_172 = arith.select %gt3A_169, %broadcast_in_dim3A_171, %select_n3A_167 : vector<16xi1>, vector<16xi32>
        %max3A_173 = arith.maximumf %max3A_168, %get3A_154 : vector<16xf32>
        %gt3A_174 = arith.cmpf ogt, %get3A_161, %max3A_173 : vector<16xf32>
        %jit3A_175 = arith.constant 3 : i32
        %broadcast_in_dim3A_176 = vector.broadcast %jit3A_175 : i32 to vector<16xi32>
        %select_n3A_177 = arith.select %gt3A_174, %broadcast_in_dim3A_176, %select_n3A_172 : vector<16xi1>, vector<16xi32>
        %max3A_178 = arith.maximumf %max3A_173, %get3A_161 : vector<16xf32>
        %sub3A_179 = arith.subf %get3A_140, %max3A_178 : vector<16xf32>
        %exp3A_180 = math.exp %sub3A_179 : vector<16xf32>
        %sub3A_181 = arith.subf %get3A_147, %max3A_178 : vector<16xf32>
        %exp3A_182 = math.exp %sub3A_181 : vector<16xf32>
        %add3A_183 = arith.addf %exp3A_180, %exp3A_182 : vector<16xf32>
        %sub3A_184 = arith.subf %get3A_154, %max3A_178 : vector<16xf32>
        %exp3A_185 = math.exp %sub3A_184 : vector<16xf32>
        %add3A_186 = arith.addf %add3A_183, %exp3A_185 : vector<16xf32>
        %sub3A_187 = arith.subf %get3A_161, %max3A_178 : vector<16xf32>
        %exp3A_188 = math.exp %sub3A_187 : vector<16xf32>
        %add3A_189 = arith.addf %add3A_186, %exp3A_188 : vector<16xf32>
        %div3A_190 = arith.constant 1.000000e+00 : f32
        %div3A_191 = vector.broadcast %div3A_190 : f32 to vector<16xf32>
        %div3A_192 = arith.divf %div3A_191, %add3A_189 : vector<16xf32>
        %ge3A = arith.cmpf oge, %div3A_133, %div3A_192 : vector<16xf32>
        %select_n3A_193 = arith.select %ge3A, %select_n3A_121, %select_n3A_177 : vector<16xi1>, vector<16xi32>
        %swap3A = arith.constant 0 : i32
        %swap3A_194 = arith.index_cast %swap3A : i32 to index
        %swap3A_195 = arith.index_cast %mul3A_83 : i32 to index
        %swap3A_196 = tpu.vector_load %arg12[%swap3A_194, %swap3A_195] {strides = array<i32>} : memref<8x896xf32, #tpu.memory_space<vmem>>, vector<1x16xf32>,
        %swap3A_197 = vector.shape_cast %swap3A_196 : vector<1x16xf32> to vector<16xf32>
        %swap3A_198 = vector.shape_cast %div3A_133 : vector<16xf32> to vector<1x16xf32>
        tpu.vector_store %arg12[%swap3A_194, %swap3A_195], %swap3A_198 {strides = array<i32>} : memref<8x896xf32, #tpu.memory_space<vmem>>, vector<1x16xf32>,
        %swap3A_199 = arith.constant 0 : i32
        %swap3A_200 = arith.index_cast %swap3A_199 : i32 to index
        %swap3A_201 = arith.index_cast %mul3A_83 : i32 to index
        %swap3A_202 = tpu.vector_load %arg13[%swap3A_200, %swap3A_201] {strides = array<i32>} : memref<8x896xf32, #tpu.memory_space<vmem>>, vector<1x16xf32>,
        %swap3A_203 = vector.shape_cast %swap3A_202 : vector<1x16xf32> to vector<16xf32>
        %swap3A_204 = vector.shape_cast %div3A_192 : vector<16xf32> to vector<1x16xf32>
        tpu.vector_store %arg13[%swap3A_200, %swap3A_201], %swap3A_204 {strides = array<i32>} : memref<8x896xf32, #tpu.memory_space<vmem>>, vector<1x16xf32>,
        %swap3A_205 = arith.constant 0 : i32
        %swap3A_206 = arith.index_cast %swap3A_205 : i32 to index
        %swap3A_207 = arith.index_cast %mul3A_83 : i32 to index
        %swap3A_208 = tpu.vector_load %arg14[%swap3A_206, %swap3A_207] {strides = array<i32>} : memref<8x896xi32, #tpu.memory_space<vmem>>, vector<1x16xi32>,
        %swap3A_209 = vector.shape_cast %swap3A_208 : vector<1x16xi32> to vector<16xi32>
        %swap3A_210 = vector.shape_cast %select_n3A_121 : vector<16xi32> to vector<1x16xi32>
        tpu.vector_store %arg14[%swap3A_206, %swap3A_207], %swap3A_210 {strides = array<i32>} : memref<8x896xi32, #tpu.memory_space<vmem>>, vector<1x16xi32>,
        %swap3A_211 = arith.constant 0 : i32
        %swap3A_212 = arith.index_cast %swap3A_211 : i32 to index
        %swap3A_213 = arith.index_cast %mul3A_83 : i32 to index
        %swap3A_214 = tpu.vector_load %arg15[%swap3A_212, %swap3A_213] {strides = array<i32>} : memref<8x896xi32, #tpu.memory_space<vmem>>, vector<1x16xi32>,
        %swap3A_215 = vector.shape_cast %swap3A_214 : vector<1x16xi32> to vector<16xi32>
        %swap3A_216 = vector.shape_cast %select_n3A_177 : vector<16xi32> to vector<1x16xi32>
        tpu.vector_store %arg15[%swap3A_212, %swap3A_213], %swap3A_216 {strides = array<i32>} : memref<8x896xi32, #tpu.memory_space<vmem>>, vector<1x16xi32>,
        %eq3A = arith.constant 1 : i32
        %eq3A_217 = vector.broadcast %eq3A : i32 to vector<16xi32>
        %eq3A_218 = arith.cmpi eq, %select_n3A_193, %eq3A_217 : vector<16xi32>
        %select_n3A_219 = arith.select %eq3A_218, %get3A_96, %get3A_89 : vector<16xi1>, vector<16xf32>
        %eq3A_220 = arith.constant 2 : i32
        %eq3A_221 = vector.broadcast %eq3A_220 : i32 to vector<16xi32>
        %eq3A_222 = arith.cmpi eq, %select_n3A_193, %eq3A_221 : vector<16xi32>
        %select_n3A_223 = arith.select %eq3A_222, %get3A_103, %select_n3A_219 : vector<16xi1>, vector<16xf32>
        %eq3A_224 = arith.constant 3 : i32
        %eq3A_225 = vector.broadcast %eq3A_224 : i32 to vector<16xi32>
        %eq3A_226 = arith.cmpi eq, %select_n3A_193, %eq3A_225 : vector<16xi32>
        %select_n3A_227 = arith.select %eq3A_226, %get3A_110, %select_n3A_223 : vector<16xi1>, vector<16xf32>
        %sub3A_228 = arith.subf %max3A_122, %select_n3A_227 : vector<16xf32>
        %swap3A_229 = arith.constant 0 : i32
        %swap3A_230 = arith.index_cast %swap3A_229 : i32 to index
        %swap3A_231 = arith.index_cast %mul3A_83 : i32 to index
        %swap3A_232 = tpu.vector_load %arg16[%swap3A_230, %swap3A_231] {strides = array<i32>} : memref<8x896xf32, #tpu.memory_space<vmem>>, vector<1x16xf32>,
        %swap3A_233 = vector.shape_cast %swap3A_232 : vector<1x16xf32> to vector<16xf32>
        %swap3A_234 = vector.shape_cast %sub3A_228 : vector<16xf32> to vector<1x16xf32>
        tpu.vector_store %arg16[%swap3A_230, %swap3A_231], %swap3A_234 {strides = array<i32>} : memref<8x896xf32, #tpu.memory_space<vmem>>, vector<1x16xf32>,
        %eq3A_235 = arith.constant 1 : i32
        %eq3A_236 = vector.broadcast %eq3A_235 : i32 to vector<16xi32>
        %eq3A_237 = arith.cmpi eq, %select_n3A_193, %eq3A_236 : vector<16xi32>
        %select_n3A_238 = arith.select %eq3A_237, %get3A_147, %get3A_140 : vector<16xi1>, vector<16xf32>
        %eq3A_239 = arith.constant 2 : i32
        %eq3A_240 = vector.broadcast %eq3A_239 : i32 to vector<16xi32>
        %eq3A_241 = arith.cmpi eq, %select_n3A_193, %eq3A_240 : vector<16xi32>
        %select_n3A_242 = arith.select %eq3A_241, %get3A_154, %select_n3A_238 : vector<16xi1>, vector<16xf32>
        %eq3A_243 = arith.constant 3 : i32
        %eq3A_244 = vector.broadcast %eq3A_243 : i32 to vector<16xi32>
        %eq3A_245 = arith.cmpi eq, %select_n3A_193, %eq3A_244 : vector<16xi32>
        %select_n3A_246 = arith.select %eq3A_245, %get3A_161, %select_n3A_242 : vector<16xi1>, vector<16xf32>
        %sub3A_247 = arith.subf %max3A_178, %select_n3A_246 : vector<16xf32>
        %swap3A_248 = arith.constant 0 : i32
        %swap3A_249 = arith.index_cast %swap3A_248 : i32 to index
        %swap3A_250 = arith.index_cast %mul3A_83 : i32 to index
        %swap3A_251 = tpu.vector_load %arg17[%swap3A_249, %swap3A_250] {strides = array<i32>} : memref<8x896xf32, #tpu.memory_space<vmem>>, vector<1x16xf32>,
        %swap3A_252 = vector.shape_cast %swap3A_251 : vector<1x16xf32> to vector<16xf32>
        %swap3A_253 = vector.shape_cast %sub3A_247 : vector<16xf32> to vector<1x16xf32>
        tpu.vector_store %arg17[%swap3A_249, %swap3A_250], %swap3A_253 {strides = array<i32>} : memref<8x896xf32, #tpu.memory_space<vmem>>, vector<1x16xf32>,
        %scan3A_254 = arith.constant 0 : i32
        scf.yield %scan3A_254 : i32
      }
      %scan3A_30 = arith.constant 56 : i32
      %scan3A_31 = arith.constant 0 : i32
      %scan3A_32 = arith.constant 0 : i32
      %scan3A_33 = arith.constant 56 : i32
      %scan3A_34 = arith.addi %scan3A_32, %scan3A_33 : i32
      %scan3A_35 = arith.constant 1 : i32
      %scan3A_36 = scf.for %scan3A_80 = %scan3A_32 to %scan3A_34 step %scan3A_35 iter_args(%scan3A_81 = %scan3A_31) -> (i32)  : i32 {
        %mul3A_82 = arith.constant 16 : i32
        %mul3A_83 = arith.muli %scan3A_80, %mul3A_82 : i32
        %get3A = arith.constant 1 : i32
        %get3A_84 = arith.constant 0 : i32
        %get3A_85 = arith.index_cast %get3A : i32 to index
        %get3A_86 = arith.index_cast %get3A_84 : i32 to index
        %get3A_87 = arith.index_cast %mul3A_83 : i32 to index
        %get3A_88 = tpu.vector_load %arg10[%get3A_85, %get3A_86, %get3A_87] {strides = array<i32>} : memref<8x4x896xf32, #tpu.memory_space<vmem>>, vector<1x1x16xf32>,
        %get3A_89 = vector.shape_cast %get3A_88 : vector<1x1x16xf32> to vector<16xf32>
        %get3A_90 = arith.constant 1 : i32
        %get3A_91 = arith.constant 1 : i32
        %get3A_92 = arith.index_cast %get3A_90 : i32 to index
        %get3A_93 = arith.index_cast %get3A_91 : i32 to index
        %get3A_94 = arith.index_cast %mul3A_83 : i32 to index
        %get3A_95 = tpu.vector_load %arg10[%get3A_92, %get3A_93, %get3A_94] {strides = array<i32>} : memref<8x4x896xf32, #tpu.memory_space<vmem>>, vector<1x1x16xf32>,
        %get3A_96 = vector.shape_cast %get3A_95 : vector<1x1x16xf32> to vector<16xf32>
        %get3A_97 = arith.constant 1 : i32
        %get3A_98 = arith.constant 2 : i32
        %get3A_99 = arith.index_cast %get3A_97 : i32 to index
        %get3A_100 = arith.index_cast %get3A_98 : i32 to index
        %get3A_101 = arith.index_cast %mul3A_83 : i32 to index
        %get3A_102 = tpu.vector_load %arg10[%get3A_99, %get3A_100, %get3A_101] {strides = array<i32>} : memref<8x4x896xf32, #tpu.memory_space<vmem>>, vector<1x1x16xf32>,
        %get3A_103 = vector.shape_cast %get3A_102 : vector<1x1x16xf32> to vector<16xf32>
        %get3A_104 = arith.constant 1 : i32
        %get3A_105 = arith.constant 3 : i32
        %get3A_106 = arith.index_cast %get3A_104 : i32 to index
        %get3A_107 = arith.index_cast %get3A_105 : i32 to index
        %get3A_108 = arith.index_cast %mul3A_83 : i32 to index
        %get3A_109 = tpu.vector_load %arg10[%get3A_106, %get3A_107, %get3A_108] {strides = array<i32>} : memref<8x4x896xf32, #tpu.memory_space<vmem>>, vector<1x1x16xf32>,
        %get3A_110 = vector.shape_cast %get3A_109 : vector<1x1x16xf32> to vector<16xf32>
        %broadcast_in_dim3A = arith.constant 0 : i32
        %broadcast_in_dim3A_111 = vector.broadcast %broadcast_in_dim3A : i32 to vector<16xi32>
        %gt3A = arith.cmpf ogt, %get3A_96, %get3A_89 : vector<16xf32>
        %jit3A = arith.constant 1 : i32
        %broadcast_in_dim3A_112 = vector.broadcast %jit3A : i32 to vector<16xi32>
        %select_n3A = arith.select %gt3A, %broadcast_in_dim3A_112, %broadcast_in_dim3A_111 : vector<16xi1>, vector<16xi32>
        %max3A = arith.maximumf %get3A_89, %get3A_96 : vector<16xf32>
        %gt3A_113 = arith.cmpf ogt, %get3A_103, %max3A : vector<16xf32>
        %jit3A_114 = arith.constant 2 : i32
        %broadcast_in_dim3A_115 = vector.broadcast %jit3A_114 : i32 to vector<16xi32>
        %select_n3A_116 = arith.select %gt3A_113, %broadcast_in_dim3A_115, %select_n3A : vector<16xi1>, vector<16xi32>
        %max3A_117 = arith.maximumf %max3A, %get3A_103 : vector<16xf32>
        %gt3A_118 = arith.cmpf ogt, %get3A_110, %max3A_117 : vector<16xf32>
        %jit3A_119 = arith.constant 3 : i32
        %broadcast_in_dim3A_120 = vector.broadcast %jit3A_119 : i32 to vector<16xi32>
        %select_n3A_121 = arith.select %gt3A_118, %broadcast_in_dim3A_120, %select_n3A_116 : vector<16xi1>, vector<16xi32>
        %max3A_122 = arith.maximumf %max3A_117, %get3A_110 : vector<16xf32>
        %sub3A = arith.subf %get3A_89, %max3A_122 : vector<16xf32>
        %exp3A = math.exp %sub3A : vector<16xf32>
        %sub3A_123 = arith.subf %get3A_96, %max3A_122 : vector<16xf32>
        %exp3A_124 = math.exp %sub3A_123 : vector<16xf32>
        %add3A_125 = arith.addf %exp3A, %exp3A_124 : vector<16xf32>
        %sub3A_126 = arith.subf %get3A_103, %max3A_122 : vector<16xf32>
        %exp3A_127 = math.exp %sub3A_126 : vector<16xf32>
        %add3A_128 = arith.addf %add3A_125, %exp3A_127 : vector<16xf32>
        %sub3A_129 = arith.subf %get3A_110, %max3A_122 : vector<16xf32>
        %exp3A_130 = math.exp %sub3A_129 : vector<16xf32>
        %add3A_131 = arith.addf %add3A_128, %exp3A_130 : vector<16xf32>
        %div3A = arith.constant 1.000000e+00 : f32
        %div3A_132 = vector.broadcast %div3A : f32 to vector<16xf32>
        %div3A_133 = arith.divf %div3A_132, %add3A_131 : vector<16xf32>
        %get3A_134 = arith.constant 1 : i32
        %get3A_135 = arith.constant 0 : i32
        %get3A_136 = arith.index_cast %get3A_134 : i32 to index
        %get3A_137 = arith.index_cast %get3A_135 : i32 to index
        %get3A_138 = arith.index_cast %mul3A_83 : i32 to index
        %get3A_139 = tpu.vector_load %arg11[%get3A_136, %get3A_137, %get3A_138] {strides = array<i32>} : memref<8x4x896xf32, #tpu.memory_space<vmem>>, vector<1x1x16xf32>,
        %get3A_140 = vector.shape_cast %get3A_139 : vector<1x1x16xf32> to vector<16xf32>
        %get3A_141 = arith.constant 1 : i32
        %get3A_142 = arith.constant 1 : i32
        %get3A_143 = arith.index_cast %get3A_141 : i32 to index
        %get3A_144 = arith.index_cast %get3A_142 : i32 to index
        %get3A_145 = arith.index_cast %mul3A_83 : i32 to index
        %get3A_146 = tpu.vector_load %arg11[%get3A_143, %get3A_144, %get3A_145] {strides = array<i32>} : memref<8x4x896xf32, #tpu.memory_space<vmem>>, vector<1x1x16xf32>,
        %get3A_147 = vector.shape_cast %get3A_146 : vector<1x1x16xf32> to vector<16xf32>
        %get3A_148 = arith.constant 1 : i32
        %get3A_149 = arith.constant 2 : i32
        %get3A_150 = arith.index_cast %get3A_148 : i32 to index
        %get3A_151 = arith.index_cast %get3A_149 : i32 to index
        %get3A_152 = arith.index_cast %mul3A_83 : i32 to index
        %get3A_153 = tpu.vector_load %arg11[%get3A_150, %get3A_151, %get3A_152] {strides = array<i32>} : memref<8x4x896xf32, #tpu.memory_space<vmem>>, vector<1x1x16xf32>,
        %get3A_154 = vector.shape_cast %get3A_153 : vector<1x1x16xf32> to vector<16xf32>
        %get3A_155 = arith.constant 1 : i32
        %get3A_156 = arith.constant 3 : i32
        %get3A_157 = arith.index_cast %get3A_155 : i32 to index
        %get3A_158 = arith.index_cast %get3A_156 : i32 to index
        %get3A_159 = arith.index_cast %mul3A_83 : i32 to index
        %get3A_160 = tpu.vector_load %arg11[%get3A_157, %get3A_158, %get3A_159] {strides = array<i32>} : memref<8x4x896xf32, #tpu.memory_space<vmem>>, vector<1x1x16xf32>,
        %get3A_161 = vector.shape_cast %get3A_160 : vector<1x1x16xf32> to vector<16xf32>
        %broadcast_in_dim3A_162 = arith.constant 0 : i32
        %broadcast_in_dim3A_163 = vector.broadcast %broadcast_in_dim3A_162 : i32 to vector<16xi32>
        %gt3A_164 = arith.cmpf ogt, %get3A_147, %get3A_140 : vector<16xf32>
        %jit3A_165 = arith.constant 1 : i32
        %broadcast_in_dim3A_166 = vector.broadcast %jit3A_165 : i32 to vector<16xi32>
        %select_n3A_167 = arith.select %gt3A_164, %broadcast_in_dim3A_166, %broadcast_in_dim3A_163 : vector<16xi1>, vector<16xi32>
        %max3A_168 = arith.maximumf %get3A_140, %get3A_147 : vector<16xf32>
        %gt3A_169 = arith.cmpf ogt, %get3A_154, %max3A_168 : vector<16xf32>
        %jit3A_170 = arith.constant 2 : i32
        %broadcast_in_dim3A_171 = vector.broadcast %jit3A_170 : i32 to vector<16xi32>
        %select_n3A_172 = arith.select %gt3A_169, %broadcast_in_dim3A_171, %select_n3A_167 : vector<16xi1>, vector<16xi32>
        %max3A_173 = arith.maximumf %max3A_168, %get3A_154 : vector<16xf32>
        %gt3A_174 = arith.cmpf ogt, %get3A_161, %max3A_173 : vector<16xf32>
        %jit3A_175 = arith.constant 3 : i32
        %broadcast_in_dim3A_176 = vector.broadcast %jit3A_175 : i32 to vector<16xi32>
        %select_n3A_177 = arith.select %gt3A_174, %broadcast_in_dim3A_176, %select_n3A_172 : vector<16xi1>, vector<16xi32>
        %max3A_178 = arith.maximumf %max3A_173, %get3A_161 : vector<16xf32>
        %sub3A_179 = arith.subf %get3A_140, %max3A_178 : vector<16xf32>
        %exp3A_180 = math.exp %sub3A_179 : vector<16xf32>
        %sub3A_181 = arith.subf %get3A_147, %max3A_178 : vector<16xf32>
        %exp3A_182 = math.exp %sub3A_181 : vector<16xf32>
        %add3A_183 = arith.addf %exp3A_180, %exp3A_182 : vector<16xf32>
        %sub3A_184 = arith.subf %get3A_154, %max3A_178 : vector<16xf32>
        %exp3A_185 = math.exp %sub3A_184 : vector<16xf32>
        %add3A_186 = arith.addf %add3A_183, %exp3A_185 : vector<16xf32>
        %sub3A_187 = arith.subf %get3A_161, %max3A_178 : vector<16xf32>
        %exp3A_188 = math.exp %sub3A_187 : vector<16xf32>
        %add3A_189 = arith.addf %add3A_186, %exp3A_188 : vector<16xf32>
        %div3A_190 = arith.constant 1.000000e+00 : f32
        %div3A_191 = vector.broadcast %div3A_190 : f32 to vector<16xf32>
        %div3A_192 = arith.divf %div3A_191, %add3A_189 : vector<16xf32>
        %ge3A = arith.cmpf oge, %div3A_133, %div3A_192 : vector<16xf32>
        %select_n3A_193 = arith.select %ge3A, %select_n3A_121, %select_n3A_177 : vector<16xi1>, vector<16xi32>
        %swap3A = arith.constant 1 : i32
        %swap3A_194 = arith.index_cast %swap3A : i32 to index
        %swap3A_195 = arith.index_cast %mul3A_83 : i32 to index
        %swap3A_196 = tpu.vector_load %arg12[%swap3A_194, %swap3A_195] {strides = array<i32>} : memref<8x896xf32, #tpu.memory_space<vmem>>, vector<1x16xf32>,
        %swap3A_197 = vector.shape_cast %swap3A_196 : vector<1x16xf32> to vector<16xf32>
        %swap3A_198 = vector.shape_cast %div3A_133 : vector<16xf32> to vector<1x16xf32>
        tpu.vector_store %arg12[%swap3A_194, %swap3A_195], %swap3A_198 {strides = array<i32>} : memref<8x896xf32, #tpu.memory_space<vmem>>, vector<1x16xf32>,
        %swap3A_199 = arith.constant 1 : i32
        %swap3A_200 = arith.index_cast %swap3A_199 : i32 to index
        %swap3A_201 = arith.index_cast %mul3A_83 : i32 to index
        %swap3A_202 = tpu.vector_load %arg13[%swap3A_200, %swap3A_201] {strides = array<i32>} : memref<8x896xf32, #tpu.memory_space<vmem>>, vector<1x16xf32>,
        %swap3A_203 = vector.shape_cast %swap3A_202 : vector<1x16xf32> to vector<16xf32>
        %swap3A_204 = vector.shape_cast %div3A_192 : vector<16xf32> to vector<1x16xf32>
        tpu.vector_store %arg13[%swap3A_200, %swap3A_201], %swap3A_204 {strides = array<i32>} : memref<8x896xf32, #tpu.memory_space<vmem>>, vector<1x16xf32>,
        %swap3A_205 = arith.constant 1 : i32
        %swap3A_206 = arith.index_cast %swap3A_205 : i32 to index
        %swap3A_207 = arith.index_cast %mul3A_83 : i32 to index
        %swap3A_208 = tpu.vector_load %arg14[%swap3A_206, %swap3A_207] {strides = array<i32>} : memref<8x896xi32, #tpu.memory_space<vmem>>, vector<1x16xi32>,
        %swap3A_209 = vector.shape_cast %swap3A_208 : vector<1x16xi32> to vector<16xi32>
        %swap3A_210 = vector.shape_cast %select_n3A_121 : vector<16xi32> to vector<1x16xi32>
        tpu.vector_store %arg14[%swap3A_206, %swap3A_207], %swap3A_210 {strides = array<i32>} : memref<8x896xi32, #tpu.memory_space<vmem>>, vector<1x16xi32>,
        %swap3A_211 = arith.constant 1 : i32
        %swap3A_212 = arith.index_cast %swap3A_211 : i32 to index
        %swap3A_213 = arith.index_cast %mul3A_83 : i32 to index
        %swap3A_214 = tpu.vector_load %arg15[%swap3A_212, %swap3A_213] {strides = array<i32>} : memref<8x896xi32, #tpu.memory_space<vmem>>, vector<1x16xi32>,
        %swap3A_215 = vector.shape_cast %swap3A_214 : vector<1x16xi32> to vector<16xi32>
        %swap3A_216 = vector.shape_cast %select_n3A_177 : vector<16xi32> to vector<1x16xi32>
        tpu.vector_store %arg15[%swap3A_212, %swap3A_213], %swap3A_216 {strides = array<i32>} : memref<8x896xi32, #tpu.memory_space<vmem>>, vector<1x16xi32>,
        %eq3A = arith.constant 1 : i32
        %eq3A_217 = vector.broadcast %eq3A : i32 to vector<16xi32>
        %eq3A_218 = arith.cmpi eq, %select_n3A_193, %eq3A_217 : vector<16xi32>
        %select_n3A_219 = arith.select %eq3A_218, %get3A_96, %get3A_89 : vector<16xi1>, vector<16xf32>
        %eq3A_220 = arith.constant 2 : i32
        %eq3A_221 = vector.broadcast %eq3A_220 : i32 to vector<16xi32>
        %eq3A_222 = arith.cmpi eq, %select_n3A_193, %eq3A_221 : vector<16xi32>
        %select_n3A_223 = arith.select %eq3A_222, %get3A_103, %select_n3A_219 : vector<16xi1>, vector<16xf32>
        %eq3A_224 = arith.constant 3 : i32
        %eq3A_225 = vector.broadcast %eq3A_224 : i32 to vector<16xi32>
        %eq3A_226 = arith.cmpi eq, %select_n3A_193, %eq3A_225 : vector<16xi32>
        %select_n3A_227 = arith.select %eq3A_226, %get3A_110, %select_n3A_223 : vector<16xi1>, vector<16xf32>
        %sub3A_228 = arith.subf %max3A_122, %select_n3A_227 : vector<16xf32>
        %swap3A_229 = arith.constant 1 : i32
        %swap3A_230 = arith.index_cast %swap3A_229 : i32 to index
        %swap3A_231 = arith.index_cast %mul3A_83 : i32 to index
        %swap3A_232 = tpu.vector_load %arg16[%swap3A_230, %swap3A_231] {strides = array<i32>} : memref<8x896xf32, #tpu.memory_space<vmem>>, vector<1x16xf32>,
        %swap3A_233 = vector.shape_cast %swap3A_232 : vector<1x16xf32> to vector<16xf32>
        %swap3A_234 = vector.shape_cast %sub3A_228 : vector<16xf32> to vector<1x16xf32>
        tpu.vector_store %arg16[%swap3A_230, %swap3A_231], %swap3A_234 {strides = array<i32>} : memref<8x896xf32, #tpu.memory_space<vmem>>, vector<1x16xf32>,
        %eq3A_235 = arith.constant 1 : i32
        %eq3A_236 = vector.broadcast %eq3A_235 : i32 to vector<16xi32>
        %eq3A_237 = arith.cmpi eq, %select_n3A_193, %eq3A_236 : vector<16xi32>
        %select_n3A_238 = arith.select %eq3A_237, %get3A_147, %get3A_140 : vector<16xi1>, vector<16xf32>
        %eq3A_239 = arith.constant 2 : i32
        %eq3A_240 = vector.broadcast %eq3A_239 : i32 to vector<16xi32>
        %eq3A_241 = arith.cmpi eq, %select_n3A_193, %eq3A_240 : vector<16xi32>
        %select_n3A_242 = arith.select %eq3A_241, %get3A_154, %select_n3A_238 : vector<16xi1>, vector<16xf32>
        %eq3A_243 = arith.constant 3 : i32
        %eq3A_244 = vector.broadcast %eq3A_243 : i32 to vector<16xi32>
        %eq3A_245 = arith.cmpi eq, %select_n3A_193, %eq3A_244 : vector<16xi32>
        %select_n3A_246 = arith.select %eq3A_245, %get3A_161, %select_n3A_242 : vector<16xi1>, vector<16xf32>
        %sub3A_247 = arith.subf %max3A_178, %select_n3A_246 : vector<16xf32>
        %swap3A_248 = arith.constant 1 : i32
        %swap3A_249 = arith.index_cast %swap3A_248 : i32 to index
        %swap3A_250 = arith.index_cast %mul3A_83 : i32 to index
        %swap3A_251 = tpu.vector_load %arg17[%swap3A_249, %swap3A_250] {strides = array<i32>} : memref<8x896xf32, #tpu.memory_space<vmem>>, vector<1x16xf32>,
        %swap3A_252 = vector.shape_cast %swap3A_251 : vector<1x16xf32> to vector<16xf32>
        %swap3A_253 = vector.shape_cast %sub3A_247 : vector<16xf32> to vector<1x16xf32>
        tpu.vector_store %arg17[%swap3A_249, %swap3A_250], %swap3A_253 {strides = array<i32>} : memref<8x896xf32, #tpu.memory_space<vmem>>, vector<1x16xf32>,
        %scan3A_254 = arith.constant 0 : i32
        scf.yield %scan3A_254 : i32
      }
      %scan3A_37 = arith.constant 56 : i32
      %scan3A_38 = arith.constant 0 : i32
      %scan3A_39 = arith.constant 0 : i32
      %scan3A_40 = arith.constant 56 : i32
      %scan3A_41 = arith.addi %scan3A_39, %scan3A_40 : i32
      %scan3A_42 = arith.constant 1 : i32
      %scan3A_43 = scf.for %scan3A_80 = %scan3A_39 to %scan3A_41 step %scan3A_42 iter_args(%scan3A_81 = %scan3A_38) -> (i32)  : i32 {
        %mul3A_82 = arith.constant 16 : i32
        %mul3A_83 = arith.muli %scan3A_80, %mul3A_82 : i32
        %get3A = arith.constant 2 : i32
        %get3A_84 = arith.constant 0 : i32
        %get3A_85 = arith.index_cast %get3A : i32 to index
        %get3A_86 = arith.index_cast %get3A_84 : i32 to index
        %get3A_87 = arith.index_cast %mul3A_83 : i32 to index
        %get3A_88 = tpu.vector_load %arg10[%get3A_85, %get3A_86, %get3A_87] {strides = array<i32>} : memref<8x4x896xf32, #tpu.memory_space<vmem>>, vector<1x1x16xf32>,
        %get3A_89 = vector.shape_cast %get3A_88 : vector<1x1x16xf32> to vector<16xf32>
        %get3A_90 = arith.constant 2 : i32
        %get3A_91 = arith.constant 1 : i32
        %get3A_92 = arith.index_cast %get3A_90 : i32 to index
        %get3A_93 = arith.index_cast %get3A_91 : i32 to index
        %get3A_94 = arith.index_cast %mul3A_83 : i32 to index
        %get3A_95 = tpu.vector_load %arg10[%get3A_92, %get3A_93, %get3A_94] {strides = array<i32>} : memref<8x4x896xf32, #tpu.memory_space<vmem>>, vector<1x1x16xf32>,
        %get3A_96 = vector.shape_cast %get3A_95 : vector<1x1x16xf32> to vector<16xf32>
        %get3A_97 = arith.constant 2 : i32
        %get3A_98 = arith.constant 2 : i32
        %get3A_99 = arith.index_cast %get3A_97 : i32 to index
        %get3A_100 = arith.index_cast %get3A_98 : i32 to index
        %get3A_101 = arith.index_cast %mul3A_83 : i32 to index
        %get3A_102 = tpu.vector_load %arg10[%get3A_99, %get3A_100, %get3A_101] {strides = array<i32>} : memref<8x4x896xf32, #tpu.memory_space<vmem>>, vector<1x1x16xf32>,
        %get3A_103 = vector.shape_cast %get3A_102 : vector<1x1x16xf32> to vector<16xf32>
        %get3A_104 = arith.constant 2 : i32
        %get3A_105 = arith.constant 3 : i32
        %get3A_106 = arith.index_cast %get3A_104 : i32 to index
        %get3A_107 = arith.index_cast %get3A_105 : i32 to index
        %get3A_108 = arith.index_cast %mul3A_83 : i32 to index
        %get3A_109 = tpu.vector_load %arg10[%get3A_106, %get3A_107, %get3A_108] {strides = array<i32>} : memref<8x4x896xf32, #tpu.memory_space<vmem>>, vector<1x1x16xf32>,
        %get3A_110 = vector.shape_cast %get3A_109 : vector<1x1x16xf32> to vector<16xf32>
        %broadcast_in_dim3A = arith.constant 0 : i32
        %broadcast_in_dim3A_111 = vector.broadcast %broadcast_in_dim3A : i32 to vector<16xi32>
        %gt3A = arith.cmpf ogt, %get3A_96, %get3A_89 : vector<16xf32>
        %jit3A = arith.constant 1 : i32
        %broadcast_in_dim3A_112 = vector.broadcast %jit3A : i32 to vector<16xi32>
        %select_n3A = arith.select %gt3A, %broadcast_in_dim3A_112, %broadcast_in_dim3A_111 : vector<16xi1>, vector<16xi32>
        %max3A = arith.maximumf %get3A_89, %get3A_96 : vector<16xf32>
        %gt3A_113 = arith.cmpf ogt, %get3A_103, %max3A : vector<16xf32>
        %jit3A_114 = arith.constant 2 : i32
        %broadcast_in_dim3A_115 = vector.broadcast %jit3A_114 : i32 to vector<16xi32>
        %select_n3A_116 = arith.select %gt3A_113, %broadcast_in_dim3A_115, %select_n3A : vector<16xi1>, vector<16xi32>
        %max3A_117 = arith.maximumf %max3A, %get3A_103 : vector<16xf32>
        %gt3A_118 = arith.cmpf ogt, %get3A_110, %max3A_117 : vector<16xf32>
        %jit3A_119 = arith.constant 3 : i32
        %broadcast_in_dim3A_120 = vector.broadcast %jit3A_119 : i32 to vector<16xi32>
        %select_n3A_121 = arith.select %gt3A_118, %broadcast_in_dim3A_120, %select_n3A_116 : vector<16xi1>, vector<16xi32>
        %max3A_122 = arith.maximumf %max3A_117, %get3A_110 : vector<16xf32>
        %sub3A = arith.subf %get3A_89, %max3A_122 : vector<16xf32>
        %exp3A = math.exp %sub3A : vector<16xf32>
        %sub3A_123 = arith.subf %get3A_96, %max3A_122 : vector<16xf32>
        %exp3A_124 = math.exp %sub3A_123 : vector<16xf32>
        %add3A_125 = arith.addf %exp3A, %exp3A_124 : vector<16xf32>
        %sub3A_126 = arith.subf %get3A_103, %max3A_122 : vector<16xf32>
        %exp3A_127 = math.exp %sub3A_126 : vector<16xf32>
        %add3A_128 = arith.addf %add3A_125, %exp3A_127 : vector<16xf32>
        %sub3A_129 = arith.subf %get3A_110, %max3A_122 : vector<16xf32>
        %exp3A_130 = math.exp %sub3A_129 : vector<16xf32>
        %add3A_131 = arith.addf %add3A_128, %exp3A_130 : vector<16xf32>
        %div3A = arith.constant 1.000000e+00 : f32
        %div3A_132 = vector.broadcast %div3A : f32 to vector<16xf32>
        %div3A_133 = arith.divf %div3A_132, %add3A_131 : vector<16xf32>
        %get3A_134 = arith.constant 2 : i32
        %get3A_135 = arith.constant 0 : i32
        %get3A_136 = arith.index_cast %get3A_134 : i32 to index
        %get3A_137 = arith.index_cast %get3A_135 : i32 to index
        %get3A_138 = arith.index_cast %mul3A_83 : i32 to index
        %get3A_139 = tpu.vector_load %arg11[%get3A_136, %get3A_137, %get3A_138] {strides = array<i32>} : memref<8x4x896xf32, #tpu.memory_space<vmem>>, vector<1x1x16xf32>,
        %get3A_140 = vector.shape_cast %get3A_139 : vector<1x1x16xf32> to vector<16xf32>
        %get3A_141 = arith.constant 2 : i32
        %get3A_142 = arith.constant 1 : i32
        %get3A_143 = arith.index_cast %get3A_141 : i32 to index
        %get3A_144 = arith.index_cast %get3A_142 : i32 to index
        %get3A_145 = arith.index_cast %mul3A_83 : i32 to index
        %get3A_146 = tpu.vector_load %arg11[%get3A_143, %get3A_144, %get3A_145] {strides = array<i32>} : memref<8x4x896xf32, #tpu.memory_space<vmem>>, vector<1x1x16xf32>,
        %get3A_147 = vector.shape_cast %get3A_146 : vector<1x1x16xf32> to vector<16xf32>
        %get3A_148 = arith.constant 2 : i32
        %get3A_149 = arith.constant 2 : i32
        %get3A_150 = arith.index_cast %get3A_148 : i32 to index
        %get3A_151 = arith.index_cast %get3A_149 : i32 to index
        %get3A_152 = arith.index_cast %mul3A_83 : i32 to index
        %get3A_153 = tpu.vector_load %arg11[%get3A_150, %get3A_151, %get3A_152] {strides = array<i32>} : memref<8x4x896xf32, #tpu.memory_space<vmem>>, vector<1x1x16xf32>,
        %get3A_154 = vector.shape_cast %get3A_153 : vector<1x1x16xf32> to vector<16xf32>
        %get3A_155 = arith.constant 2 : i32
        %get3A_156 = arith.constant 3 : i32
        %get3A_157 = arith.index_cast %get3A_155 : i32 to index
        %get3A_158 = arith.index_cast %get3A_156 : i32 to index
        %get3A_159 = arith.index_cast %mul3A_83 : i32 to index
        %get3A_160 = tpu.vector_load %arg11[%get3A_157, %get3A_158, %get3A_159] {strides = array<i32>} : memref<8x4x896xf32, #tpu.memory_space<vmem>>, vector<1x1x16xf32>,
        %get3A_161 = vector.shape_cast %get3A_160 : vector<1x1x16xf32> to vector<16xf32>
        %broadcast_in_dim3A_162 = arith.constant 0 : i32
        %broadcast_in_dim3A_163 = vector.broadcast %broadcast_in_dim3A_162 : i32 to vector<16xi32>
        %gt3A_164 = arith.cmpf ogt, %get3A_147, %get3A_140 : vector<16xf32>
        %jit3A_165 = arith.constant 1 : i32
        %broadcast_in_dim3A_166 = vector.broadcast %jit3A_165 : i32 to vector<16xi32>
        %select_n3A_167 = arith.select %gt3A_164, %broadcast_in_dim3A_166, %broadcast_in_dim3A_163 : vector<16xi1>, vector<16xi32>
        %max3A_168 = arith.maximumf %get3A_140, %get3A_147 : vector<16xf32>
        %gt3A_169 = arith.cmpf ogt, %get3A_154, %max3A_168 : vector<16xf32>
        %jit3A_170 = arith.constant 2 : i32
        %broadcast_in_dim3A_171 = vector.broadcast %jit3A_170 : i32 to vector<16xi32>
        %select_n3A_172 = arith.select %gt3A_169, %broadcast_in_dim3A_171, %select_n3A_167 : vector<16xi1>, vector<16xi32>
        %max3A_173 = arith.maximumf %max3A_168, %get3A_154 : vector<16xf32>
        %gt3A_174 = arith.cmpf ogt, %get3A_161, %max3A_173 : vector<16xf32>
        %jit3A_175 = arith.constant 3 : i32
        %broadcast_in_dim3A_176 = vector.broadcast %jit3A_175 : i32 to vector<16xi32>
        %select_n3A_177 = arith.select %gt3A_174, %broadcast_in_dim3A_176, %select_n3A_172 : vector<16xi1>, vector<16xi32>
        %max3A_178 = arith.maximumf %max3A_173, %get3A_161 : vector<16xf32>
        %sub3A_179 = arith.subf %get3A_140, %max3A_178 : vector<16xf32>
        %exp3A_180 = math.exp %sub3A_179 : vector<16xf32>
        %sub3A_181 = arith.subf %get3A_147, %max3A_178 : vector<16xf32>
        %exp3A_182 = math.exp %sub3A_181 : vector<16xf32>
        %add3A_183 = arith.addf %exp3A_180, %exp3A_182 : vector<16xf32>
        %sub3A_184 = arith.subf %get3A_154, %max3A_178 : vector<16xf32>
        %exp3A_185 = math.exp %sub3A_184 : vector<16xf32>
        %add3A_186 = arith.addf %add3A_183, %exp3A_185 : vector<16xf32>
        %sub3A_187 = arith.subf %get3A_161, %max3A_178 : vector<16xf32>
        %exp3A_188 = math.exp %sub3A_187 : vector<16xf32>
        %add3A_189 = arith.addf %add3A_186, %exp3A_188 : vector<16xf32>
        %div3A_190 = arith.constant 1.000000e+00 : f32
        %div3A_191 = vector.broadcast %div3A_190 : f32 to vector<16xf32>
        %div3A_192 = arith.divf %div3A_191, %add3A_189 : vector<16xf32>
        %ge3A = arith.cmpf oge, %div3A_133, %div3A_192 : vector<16xf32>
        %select_n3A_193 = arith.select %ge3A, %select_n3A_121, %select_n3A_177 : vector<16xi1>, vector<16xi32>
        %swap3A = arith.constant 2 : i32
        %swap3A_194 = arith.index_cast %swap3A : i32 to index
        %swap3A_195 = arith.index_cast %mul3A_83 : i32 to index
        %swap3A_196 = tpu.vector_load %arg12[%swap3A_194, %swap3A_195] {strides = array<i32>} : memref<8x896xf32, #tpu.memory_space<vmem>>, vector<1x16xf32>,
        %swap3A_197 = vector.shape_cast %swap3A_196 : vector<1x16xf32> to vector<16xf32>
        %swap3A_198 = vector.shape_cast %div3A_133 : vector<16xf32> to vector<1x16xf32>
        tpu.vector_store %arg12[%swap3A_194, %swap3A_195], %swap3A_198 {strides = array<i32>} : memref<8x896xf32, #tpu.memory_space<vmem>>, vector<1x16xf32>,
        %swap3A_199 = arith.constant 2 : i32
        %swap3A_200 = arith.index_cast %swap3A_199 : i32 to index
        %swap3A_201 = arith.index_cast %mul3A_83 : i32 to index
        %swap3A_202 = tpu.vector_load %arg13[%swap3A_200, %swap3A_201] {strides = array<i32>} : memref<8x896xf32, #tpu.memory_space<vmem>>, vector<1x16xf32>,
        %swap3A_203 = vector.shape_cast %swap3A_202 : vector<1x16xf32> to vector<16xf32>
        %swap3A_204 = vector.shape_cast %div3A_192 : vector<16xf32> to vector<1x16xf32>
        tpu.vector_store %arg13[%swap3A_200, %swap3A_201], %swap3A_204 {strides = array<i32>} : memref<8x896xf32, #tpu.memory_space<vmem>>, vector<1x16xf32>,
        %swap3A_205 = arith.constant 2 : i32
        %swap3A_206 = arith.index_cast %swap3A_205 : i32 to index
        %swap3A_207 = arith.index_cast %mul3A_83 : i32 to index
        %swap3A_208 = tpu.vector_load %arg14[%swap3A_206, %swap3A_207] {strides = array<i32>} : memref<8x896xi32, #tpu.memory_space<vmem>>, vector<1x16xi32>,
        %swap3A_209 = vector.shape_cast %swap3A_208 : vector<1x16xi32> to vector<16xi32>
        %swap3A_210 = vector.shape_cast %select_n3A_121 : vector<16xi32> to vector<1x16xi32>
        tpu.vector_store %arg14[%swap3A_206, %swap3A_207], %swap3A_210 {strides = array<i32>} : memref<8x896xi32, #tpu.memory_space<vmem>>, vector<1x16xi32>,
        %swap3A_211 = arith.constant 2 : i32
        %swap3A_212 = arith.index_cast %swap3A_211 : i32 to index
        %swap3A_213 = arith.index_cast %mul3A_83 : i32 to index
        %swap3A_214 = tpu.vector_load %arg15[%swap3A_212, %swap3A_213] {strides = array<i32>} : memref<8x896xi32, #tpu.memory_space<vmem>>, vector<1x16xi32>,
        %swap3A_215 = vector.shape_cast %swap3A_214 : vector<1x16xi32> to vector<16xi32>
        %swap3A_216 = vector.shape_cast %select_n3A_177 : vector<16xi32> to vector<1x16xi32>
        tpu.vector_store %arg15[%swap3A_212, %swap3A_213], %swap3A_216 {strides = array<i32>} : memref<8x896xi32, #tpu.memory_space<vmem>>, vector<1x16xi32>,
        %eq3A = arith.constant 1 : i32
        %eq3A_217 = vector.broadcast %eq3A : i32 to vector<16xi32>
        %eq3A_218 = arith.cmpi eq, %select_n3A_193, %eq3A_217 : vector<16xi32>
        %select_n3A_219 = arith.select %eq3A_218, %get3A_96, %get3A_89 : vector<16xi1>, vector<16xf32>
        %eq3A_220 = arith.constant 2 : i32
        %eq3A_221 = vector.broadcast %eq3A_220 : i32 to vector<16xi32>
        %eq3A_222 = arith.cmpi eq, %select_n3A_193, %eq3A_221 : vector<16xi32>
        %select_n3A_223 = arith.select %eq3A_222, %get3A_103, %select_n3A_219 : vector<16xi1>, vector<16xf32>
        %eq3A_224 = arith.constant 3 : i32
        %eq3A_225 = vector.broadcast %eq3A_224 : i32 to vector<16xi32>
        %eq3A_226 = arith.cmpi eq, %select_n3A_193, %eq3A_225 : vector<16xi32>
        %select_n3A_227 = arith.select %eq3A_226, %get3A_110, %select_n3A_223 : vector<16xi1>, vector<16xf32>
        %sub3A_228 = arith.subf %max3A_122, %select_n3A_227 : vector<16xf32>
        %swap3A_229 = arith.constant 2 : i32
        %swap3A_230 = arith.index_cast %swap3A_229 : i32 to index
        %swap3A_231 = arith.index_cast %mul3A_83 : i32 to index
        %swap3A_232 = tpu.vector_load %arg16[%swap3A_230, %swap3A_231] {strides = array<i32>} : memref<8x896xf32, #tpu.memory_space<vmem>>, vector<1x16xf32>,
        %swap3A_233 = vector.shape_cast %swap3A_232 : vector<1x16xf32> to vector<16xf32>
        %swap3A_234 = vector.shape_cast %sub3A_228 : vector<16xf32> to vector<1x16xf32>
        tpu.vector_store %arg16[%swap3A_230, %swap3A_231], %swap3A_234 {strides = array<i32>} : memref<8x896xf32, #tpu.memory_space<vmem>>, vector<1x16xf32>,
        %eq3A_235 = arith.constant 1 : i32
        %eq3A_236 = vector.broadcast %eq3A_235 : i32 to vector<16xi32>
        %eq3A_237 = arith.cmpi eq, %select_n3A_193, %eq3A_236 : vector<16xi32>
        %select_n3A_238 = arith.select %eq3A_237, %get3A_147, %get3A_140 : vector<16xi1>, vector<16xf32>
        %eq3A_239 = arith.constant 2 : i32
        %eq3A_240 = vector.broadcast %eq3A_239 : i32 to vector<16xi32>
        %eq3A_241 = arith.cmpi eq, %select_n3A_193, %eq3A_240 : vector<16xi32>
        %select_n3A_242 = arith.select %eq3A_241, %get3A_154, %select_n3A_238 : vector<16xi1>, vector<16xf32>
        %eq3A_243 = arith.constant 3 : i32
        %eq3A_244 = vector.broadcast %eq3A_243 : i32 to vector<16xi32>
        %eq3A_245 = arith.cmpi eq, %select_n3A_193, %eq3A_244 : vector<16xi32>
        %select_n3A_246 = arith.select %eq3A_245, %get3A_161, %select_n3A_242 : vector<16xi1>, vector<16xf32>
        %sub3A_247 = arith.subf %max3A_178, %select_n3A_246 : vector<16xf32>
        %swap3A_248 = arith.constant 2 : i32
        %swap3A_249 = arith.index_cast %swap3A_248 : i32 to index
        %swap3A_250 = arith.index_cast %mul3A_83 : i32 to index
        %swap3A_251 = tpu.vector_load %arg17[%swap3A_249, %swap3A_250] {strides = array<i32>} : memref<8x896xf32, #tpu.memory_space<vmem>>, vector<1x16xf32>,
        %swap3A_252 = vector.shape_cast %swap3A_251 : vector<1x16xf32> to vector<16xf32>
        %swap3A_253 = vector.shape_cast %sub3A_247 : vector<16xf32> to vector<1x16xf32>
        tpu.vector_store %arg17[%swap3A_249, %swap3A_250], %swap3A_253 {strides = array<i32>} : memref<8x896xf32, #tpu.memory_space<vmem>>, vector<1x16xf32>,
        %scan3A_254 = arith.constant 0 : i32
        scf.yield %scan3A_254 : i32
      }
      %scan3A_44 = arith.constant 56 : i32
      %scan3A_45 = arith.constant 0 : i32
      %scan3A_46 = arith.constant 0 : i32
      %scan3A_47 = arith.constant 56 : i32
      %scan3A_48 = arith.addi %scan3A_46, %scan3A_47 : i32
      %scan3A_49 = arith.constant 1 : i32
      %scan3A_50 = scf.for %scan3A_80 = %scan3A_46 to %scan3A_48 step %scan3A_49 iter_args(%scan3A_81 = %scan3A_45) -> (i32)  : i32 {
        %mul3A_82 = arith.constant 16 : i32
        %mul3A_83 = arith.muli %scan3A_80, %mul3A_82 : i32
        %get3A = arith.constant 3 : i32
        %get3A_84 = arith.constant 0 : i32
        %get3A_85 = arith.index_cast %get3A : i32 to index
        %get3A_86 = arith.index_cast %get3A_84 : i32 to index
        %get3A_87 = arith.index_cast %mul3A_83 : i32 to index
        %get3A_88 = tpu.vector_load %arg10[%get3A_85, %get3A_86, %get3A_87] {strides = array<i32>} : memref<8x4x896xf32, #tpu.memory_space<vmem>>, vector<1x1x16xf32>,
        %get3A_89 = vector.shape_cast %get3A_88 : vector<1x1x16xf32> to vector<16xf32>
        %get3A_90 = arith.constant 3 : i32
        %get3A_91 = arith.constant 1 : i32
        %get3A_92 = arith.index_cast %get3A_90 : i32 to index
        %get3A_93 = arith.index_cast %get3A_91 : i32 to index
        %get3A_94 = arith.index_cast %mul3A_83 : i32 to index
        %get3A_95 = tpu.vector_load %arg10[%get3A_92, %get3A_93, %get3A_94] {strides = array<i32>} : memref<8x4x896xf32, #tpu.memory_space<vmem>>, vector<1x1x16xf32>,
        %get3A_96 = vector.shape_cast %get3A_95 : vector<1x1x16xf32> to vector<16xf32>
        %get3A_97 = arith.constant 3 : i32
        %get3A_98 = arith.constant 2 : i32
        %get3A_99 = arith.index_cast %get3A_97 : i32 to index
        %get3A_100 = arith.index_cast %get3A_98 : i32 to index
        %get3A_101 = arith.index_cast %mul3A_83 : i32 to index
        %get3A_102 = tpu.vector_load %arg10[%get3A_99, %get3A_100, %get3A_101] {strides = array<i32>} : memref<8x4x896xf32, #tpu.memory_space<vmem>>, vector<1x1x16xf32>,
        %get3A_103 = vector.shape_cast %get3A_102 : vector<1x1x16xf32> to vector<16xf32>
        %get3A_104 = arith.constant 3 : i32
        %get3A_105 = arith.constant 3 : i32
        %get3A_106 = arith.index_cast %get3A_104 : i32 to index
        %get3A_107 = arith.index_cast %get3A_105 : i32 to index
        %get3A_108 = arith.index_cast %mul3A_83 : i32 to index
        %get3A_109 = tpu.vector_load %arg10[%get3A_106, %get3A_107, %get3A_108] {strides = array<i32>} : memref<8x4x896xf32, #tpu.memory_space<vmem>>, vector<1x1x16xf32>,
        %get3A_110 = vector.shape_cast %get3A_109 : vector<1x1x16xf32> to vector<16xf32>
        %broadcast_in_dim3A = arith.constant 0 : i32
        %broadcast_in_dim3A_111 = vector.broadcast %broadcast_in_dim3A : i32 to vector<16xi32>
        %gt3A = arith.cmpf ogt, %get3A_96, %get3A_89 : vector<16xf32>
        %jit3A = arith.constant 1 : i32
        %broadcast_in_dim3A_112 = vector.broadcast %jit3A : i32 to vector<16xi32>
        %select_n3A = arith.select %gt3A, %broadcast_in_dim3A_112, %broadcast_in_dim3A_111 : vector<16xi1>, vector<16xi32>
        %max3A = arith.maximumf %get3A_89, %get3A_96 : vector<16xf32>
        %gt3A_113 = arith.cmpf ogt, %get3A_103, %max3A : vector<16xf32>
        %jit3A_114 = arith.constant 2 : i32
        %broadcast_in_dim3A_115 = vector.broadcast %jit3A_114 : i32 to vector<16xi32>
        %select_n3A_116 = arith.select %gt3A_113, %broadcast_in_dim3A_115, %select_n3A : vector<16xi1>, vector<16xi32>
        %max3A_117 = arith.maximumf %max3A, %get3A_103 : vector<16xf32>
        %gt3A_118 = arith.cmpf ogt, %get3A_110, %max3A_117 : vector<16xf32>
        %jit3A_119 = arith.constant 3 : i32
        %broadcast_in_dim3A_120 = vector.broadcast %jit3A_119 : i32 to vector<16xi32>
        %select_n3A_121 = arith.select %gt3A_118, %broadcast_in_dim3A_120, %select_n3A_116 : vector<16xi1>, vector<16xi32>
        %max3A_122 = arith.maximumf %max3A_117, %get3A_110 : vector<16xf32>
        %sub3A = arith.subf %get3A_89, %max3A_122 : vector<16xf32>
        %exp3A = math.exp %sub3A : vector<16xf32>
        %sub3A_123 = arith.subf %get3A_96, %max3A_122 : vector<16xf32>
        %exp3A_124 = math.exp %sub3A_123 : vector<16xf32>
        %add3A_125 = arith.addf %exp3A, %exp3A_124 : vector<16xf32>
        %sub3A_126 = arith.subf %get3A_103, %max3A_122 : vector<16xf32>
        %exp3A_127 = math.exp %sub3A_126 : vector<16xf32>
        %add3A_128 = arith.addf %add3A_125, %exp3A_127 : vector<16xf32>
        %sub3A_129 = arith.subf %get3A_110, %max3A_122 : vector<16xf32>
        %exp3A_130 = math.exp %sub3A_129 : vector<16xf32>
        %add3A_131 = arith.addf %add3A_128, %exp3A_130 : vector<16xf32>
        %div3A = arith.constant 1.000000e+00 : f32
        %div3A_132 = vector.broadcast %div3A : f32 to vector<16xf32>
        %div3A_133 = arith.divf %div3A_132, %add3A_131 : vector<16xf32>
        %get3A_134 = arith.constant 3 : i32
        %get3A_135 = arith.constant 0 : i32
        %get3A_136 = arith.index_cast %get3A_134 : i32 to index
        %get3A_137 = arith.index_cast %get3A_135 : i32 to index
        %get3A_138 = arith.index_cast %mul3A_83 : i32 to index
        %get3A_139 = tpu.vector_load %arg11[%get3A_136, %get3A_137, %get3A_138] {strides = array<i32>} : memref<8x4x896xf32, #tpu.memory_space<vmem>>, vector<1x1x16xf32>,
        %get3A_140 = vector.shape_cast %get3A_139 : vector<1x1x16xf32> to vector<16xf32>
        %get3A_141 = arith.constant 3 : i32
        %get3A_142 = arith.constant 1 : i32
        %get3A_143 = arith.index_cast %get3A_141 : i32 to index
        %get3A_144 = arith.index_cast %get3A_142 : i32 to index
        %get3A_145 = arith.index_cast %mul3A_83 : i32 to index
        %get3A_146 = tpu.vector_load %arg11[%get3A_143, %get3A_144, %get3A_145] {strides = array<i32>} : memref<8x4x896xf32, #tpu.memory_space<vmem>>, vector<1x1x16xf32>,
        %get3A_147 = vector.shape_cast %get3A_146 : vector<1x1x16xf32> to vector<16xf32>
        %get3A_148 = arith.constant 3 : i32
        %get3A_149 = arith.constant 2 : i32
        %get3A_150 = arith.index_cast %get3A_148 : i32 to index
        %get3A_151 = arith.index_cast %get3A_149 : i32 to index
        %get3A_152 = arith.index_cast %mul3A_83 : i32 to index
        %get3A_153 = tpu.vector_load %arg11[%get3A_150, %get3A_151, %get3A_152] {strides = array<i32>} : memref<8x4x896xf32, #tpu.memory_space<vmem>>, vector<1x1x16xf32>,
        %get3A_154 = vector.shape_cast %get3A_153 : vector<1x1x16xf32> to vector<16xf32>
        %get3A_155 = arith.constant 3 : i32
        %get3A_156 = arith.constant 3 : i32
        %get3A_157 = arith.index_cast %get3A_155 : i32 to index
        %get3A_158 = arith.index_cast %get3A_156 : i32 to index
        %get3A_159 = arith.index_cast %mul3A_83 : i32 to index
        %get3A_160 = tpu.vector_load %arg11[%get3A_157, %get3A_158, %get3A_159] {strides = array<i32>} : memref<8x4x896xf32, #tpu.memory_space<vmem>>, vector<1x1x16xf32>,
        %get3A_161 = vector.shape_cast %get3A_160 : vector<1x1x16xf32> to vector<16xf32>
        %broadcast_in_dim3A_162 = arith.constant 0 : i32
        %broadcast_in_dim3A_163 = vector.broadcast %broadcast_in_dim3A_162 : i32 to vector<16xi32>
        %gt3A_164 = arith.cmpf ogt, %get3A_147, %get3A_140 : vector<16xf32>
        %jit3A_165 = arith.constant 1 : i32
        %broadcast_in_dim3A_166 = vector.broadcast %jit3A_165 : i32 to vector<16xi32>
        %select_n3A_167 = arith.select %gt3A_164, %broadcast_in_dim3A_166, %broadcast_in_dim3A_163 : vector<16xi1>, vector<16xi32>
        %max3A_168 = arith.maximumf %get3A_140, %get3A_147 : vector<16xf32>
        %gt3A_169 = arith.cmpf ogt, %get3A_154, %max3A_168 : vector<16xf32>
        %jit3A_170 = arith.constant 2 : i32
        %broadcast_in_dim3A_171 = vector.broadcast %jit3A_170 : i32 to vector<16xi32>
        %select_n3A_172 = arith.select %gt3A_169, %broadcast_in_dim3A_171, %select_n3A_167 : vector<16xi1>, vector<16xi32>
        %max3A_173 = arith.maximumf %max3A_168, %get3A_154 : vector<16xf32>
        %gt3A_174 = arith.cmpf ogt, %get3A_161, %max3A_173 : vector<16xf32>
        %jit3A_175 = arith.constant 3 : i32
        %broadcast_in_dim3A_176 = vector.broadcast %jit3A_175 : i32 to vector<16xi32>
        %select_n3A_177 = arith.select %gt3A_174, %broadcast_in_dim3A_176, %select_n3A_172 : vector<16xi1>, vector<16xi32>
        %max3A_178 = arith.maximumf %max3A_173, %get3A_161 : vector<16xf32>
        %sub3A_179 = arith.subf %get3A_140, %max3A_178 : vector<16xf32>
        %exp3A_180 = math.exp %sub3A_179 : vector<16xf32>
        %sub3A_181 = arith.subf %get3A_147, %max3A_178 : vector<16xf32>
        %exp3A_182 = math.exp %sub3A_181 : vector<16xf32>
        %add3A_183 = arith.addf %exp3A_180, %exp3A_182 : vector<16xf32>
        %sub3A_184 = arith.subf %get3A_154, %max3A_178 : vector<16xf32>
        %exp3A_185 = math.exp %sub3A_184 : vector<16xf32>
        %add3A_186 = arith.addf %add3A_183, %exp3A_185 : vector<16xf32>
        %sub3A_187 = arith.subf %get3A_161, %max3A_178 : vector<16xf32>
        %exp3A_188 = math.exp %sub3A_187 : vector<16xf32>
        %add3A_189 = arith.addf %add3A_186, %exp3A_188 : vector<16xf32>
        %div3A_190 = arith.constant 1.000000e+00 : f32
        %div3A_191 = vector.broadcast %div3A_190 : f32 to vector<16xf32>
        %div3A_192 = arith.divf %div3A_191, %add3A_189 : vector<16xf32>
        %ge3A = arith.cmpf oge, %div3A_133, %div3A_192 : vector<16xf32>
        %select_n3A_193 = arith.select %ge3A, %select_n3A_121, %select_n3A_177 : vector<16xi1>, vector<16xi32>
        %swap3A = arith.constant 3 : i32
        %swap3A_194 = arith.index_cast %swap3A : i32 to index
        %swap3A_195 = arith.index_cast %mul3A_83 : i32 to index
        %swap3A_196 = tpu.vector_load %arg12[%swap3A_194, %swap3A_195] {strides = array<i32>} : memref<8x896xf32, #tpu.memory_space<vmem>>, vector<1x16xf32>,
        %swap3A_197 = vector.shape_cast %swap3A_196 : vector<1x16xf32> to vector<16xf32>
        %swap3A_198 = vector.shape_cast %div3A_133 : vector<16xf32> to vector<1x16xf32>
        tpu.vector_store %arg12[%swap3A_194, %swap3A_195], %swap3A_198 {strides = array<i32>} : memref<8x896xf32, #tpu.memory_space<vmem>>, vector<1x16xf32>,
        %swap3A_199 = arith.constant 3 : i32
        %swap3A_200 = arith.index_cast %swap3A_199 : i32 to index
        %swap3A_201 = arith.index_cast %mul3A_83 : i32 to index
        %swap3A_202 = tpu.vector_load %arg13[%swap3A_200, %swap3A_201] {strides = array<i32>} : memref<8x896xf32, #tpu.memory_space<vmem>>, vector<1x16xf32>,
        %swap3A_203 = vector.shape_cast %swap3A_202 : vector<1x16xf32> to vector<16xf32>
        %swap3A_204 = vector.shape_cast %div3A_192 : vector<16xf32> to vector<1x16xf32>
        tpu.vector_store %arg13[%swap3A_200, %swap3A_201], %swap3A_204 {strides = array<i32>} : memref<8x896xf32, #tpu.memory_space<vmem>>, vector<1x16xf32>,
        %swap3A_205 = arith.constant 3 : i32
        %swap3A_206 = arith.index_cast %swap3A_205 : i32 to index
        %swap3A_207 = arith.index_cast %mul3A_83 : i32 to index
        %swap3A_208 = tpu.vector_load %arg14[%swap3A_206, %swap3A_207] {strides = array<i32>} : memref<8x896xi32, #tpu.memory_space<vmem>>, vector<1x16xi32>,
        %swap3A_209 = vector.shape_cast %swap3A_208 : vector<1x16xi32> to vector<16xi32>
        %swap3A_210 = vector.shape_cast %select_n3A_121 : vector<16xi32> to vector<1x16xi32>
        tpu.vector_store %arg14[%swap3A_206, %swap3A_207], %swap3A_210 {strides = array<i32>} : memref<8x896xi32, #tpu.memory_space<vmem>>, vector<1x16xi32>,
        %swap3A_211 = arith.constant 3 : i32
        %swap3A_212 = arith.index_cast %swap3A_211 : i32 to index
        %swap3A_213 = arith.index_cast %mul3A_83 : i32 to index
        %swap3A_214 = tpu.vector_load %arg15[%swap3A_212, %swap3A_213] {strides = array<i32>} : memref<8x896xi32, #tpu.memory_space<vmem>>, vector<1x16xi32>,
        %swap3A_215 = vector.shape_cast %swap3A_214 : vector<1x16xi32> to vector<16xi32>
        %swap3A_216 = vector.shape_cast %select_n3A_177 : vector<16xi32> to vector<1x16xi32>
        tpu.vector_store %arg15[%swap3A_212, %swap3A_213], %swap3A_216 {strides = array<i32>} : memref<8x896xi32, #tpu.memory_space<vmem>>, vector<1x16xi32>,
        %eq3A = arith.constant 1 : i32
        %eq3A_217 = vector.broadcast %eq3A : i32 to vector<16xi32>
        %eq3A_218 = arith.cmpi eq, %select_n3A_193, %eq3A_217 : vector<16xi32>
        %select_n3A_219 = arith.select %eq3A_218, %get3A_96, %get3A_89 : vector<16xi1>, vector<16xf32>
        %eq3A_220 = arith.constant 2 : i32
        %eq3A_221 = vector.broadcast %eq3A_220 : i32 to vector<16xi32>
        %eq3A_222 = arith.cmpi eq, %select_n3A_193, %eq3A_221 : vector<16xi32>
        %select_n3A_223 = arith.select %eq3A_222, %get3A_103, %select_n3A_219 : vector<16xi1>, vector<16xf32>
        %eq3A_224 = arith.constant 3 : i32
        %eq3A_225 = vector.broadcast %eq3A_224 : i32 to vector<16xi32>
        %eq3A_226 = arith.cmpi eq, %select_n3A_193, %eq3A_225 : vector<16xi32>
        %select_n3A_227 = arith.select %eq3A_226, %get3A_110, %select_n3A_223 : vector<16xi1>, vector<16xf32>
        %sub3A_228 = arith.subf %max3A_122, %select_n3A_227 : vector<16xf32>
        %swap3A_229 = arith.constant 3 : i32
        %swap3A_230 = arith.index_cast %swap3A_229 : i32 to index
        %swap3A_231 = arith.index_cast %mul3A_83 : i32 to index
        %swap3A_232 = tpu.vector_load %arg16[%swap3A_230, %swap3A_231] {strides = array<i32>} : memref<8x896xf32, #tpu.memory_space<vmem>>, vector<1x16xf32>,
        %swap3A_233 = vector.shape_cast %swap3A_232 : vector<1x16xf32> to vector<16xf32>
        %swap3A_234 = vector.shape_cast %sub3A_228 : vector<16xf32> to vector<1x16xf32>
        tpu.vector_store %arg16[%swap3A_230, %swap3A_231], %swap3A_234 {strides = array<i32>} : memref<8x896xf32, #tpu.memory_space<vmem>>, vector<1x16xf32>,
        %eq3A_235 = arith.constant 1 : i32
        %eq3A_236 = vector.broadcast %eq3A_235 : i32 to vector<16xi32>
        %eq3A_237 = arith.cmpi eq, %select_n3A_193, %eq3A_236 : vector<16xi32>
        %select_n3A_238 = arith.select %eq3A_237, %get3A_147, %get3A_140 : vector<16xi1>, vector<16xf32>
        %eq3A_239 = arith.constant 2 : i32
        %eq3A_240 = vector.broadcast %eq3A_239 : i32 to vector<16xi32>
        %eq3A_241 = arith.cmpi eq, %select_n3A_193, %eq3A_240 : vector<16xi32>
        %select_n3A_242 = arith.select %eq3A_241, %get3A_154, %select_n3A_238 : vector<16xi1>, vector<16xf32>
        %eq3A_243 = arith.constant 3 : i32
        %eq3A_244 = vector.broadcast %eq3A_243 : i32 to vector<16xi32>
        %eq3A_245 = arith.cmpi eq, %select_n3A_193, %eq3A_244 : vector<16xi32>
        %select_n3A_246 = arith.select %eq3A_245, %get3A_161, %select_n3A_242 : vector<16xi1>, vector<16xf32>
        %sub3A_247 = arith.subf %max3A_178, %select_n3A_246 : vector<16xf32>
        %swap3A_248 = arith.constant 3 : i32
        %swap3A_249 = arith.index_cast %swap3A_248 : i32 to index
        %swap3A_250 = arith.index_cast %mul3A_83 : i32 to index
        %swap3A_251 = tpu.vector_load %arg17[%swap3A_249, %swap3A_250] {strides = array<i32>} : memref<8x896xf32, #tpu.memory_space<vmem>>, vector<1x16xf32>,
        %swap3A_252 = vector.shape_cast %swap3A_251 : vector<1x16xf32> to vector<16xf32>
        %swap3A_253 = vector.shape_cast %sub3A_247 : vector<16xf32> to vector<1x16xf32>
        tpu.vector_store %arg17[%swap3A_249, %swap3A_250], %swap3A_253 {strides = array<i32>} : memref<8x896xf32, #tpu.memory_space<vmem>>, vector<1x16xf32>,
        %scan3A_254 = arith.constant 0 : i32
        scf.yield %scan3A_254 : i32
      }
      %scan3A_51 = arith.constant 56 : i32
      %scan3A_52 = arith.constant 0 : i32
      %scan3A_53 = arith.constant 0 : i32
      %scan3A_54 = arith.constant 56 : i32
      %scan3A_55 = arith.addi %scan3A_53, %scan3A_54 : i32
      %scan3A_56 = arith.constant 1 : i32
      %scan3A_57 = scf.for %scan3A_80 = %scan3A_53 to %scan3A_55 step %scan3A_56 iter_args(%scan3A_81 = %scan3A_52) -> (i32)  : i32 {
        %mul3A_82 = arith.constant 16 : i32
        %mul3A_83 = arith.muli %scan3A_80, %mul3A_82 : i32
        %get3A = arith.constant 4 : i32
        %get3A_84 = arith.constant 0 : i32
        %get3A_85 = arith.index_cast %get3A : i32 to index
        %get3A_86 = arith.index_cast %get3A_84 : i32 to index
        %get3A_87 = arith.index_cast %mul3A_83 : i32 to index
        %get3A_88 = tpu.vector_load %arg10[%get3A_85, %get3A_86, %get3A_87] {strides = array<i32>} : memref<8x4x896xf32, #tpu.memory_space<vmem>>, vector<1x1x16xf32>,
        %get3A_89 = vector.shape_cast %get3A_88 : vector<1x1x16xf32> to vector<16xf32>
        %get3A_90 = arith.constant 4 : i32
        %get3A_91 = arith.constant 1 : i32
        %get3A_92 = arith.index_cast %get3A_90 : i32 to index
        %get3A_93 = arith.index_cast %get3A_91 : i32 to index
        %get3A_94 = arith.index_cast %mul3A_83 : i32 to index
        %get3A_95 = tpu.vector_load %arg10[%get3A_92, %get3A_93, %get3A_94] {strides = array<i32>} : memref<8x4x896xf32, #tpu.memory_space<vmem>>, vector<1x1x16xf32>,
        %get3A_96 = vector.shape_cast %get3A_95 : vector<1x1x16xf32> to vector<16xf32>
        %get3A_97 = arith.constant 4 : i32
        %get3A_98 = arith.constant 2 : i32
        %get3A_99 = arith.index_cast %get3A_97 : i32 to index
        %get3A_100 = arith.index_cast %get3A_98 : i32 to index
        %get3A_101 = arith.index_cast %mul3A_83 : i32 to index
        %get3A_102 = tpu.vector_load %arg10[%get3A_99, %get3A_100, %get3A_101] {strides = array<i32>} : memref<8x4x896xf32, #tpu.memory_space<vmem>>, vector<1x1x16xf32>,
        %get3A_103 = vector.shape_cast %get3A_102 : vector<1x1x16xf32> to vector<16xf32>
        %get3A_104 = arith.constant 4 : i32
        %get3A_105 = arith.constant 3 : i32
        %get3A_106 = arith.index_cast %get3A_104 : i32 to index
        %get3A_107 = arith.index_cast %get3A_105 : i32 to index
        %get3A_108 = arith.index_cast %mul3A_83 : i32 to index
        %get3A_109 = tpu.vector_load %arg10[%get3A_106, %get3A_107, %get3A_108] {strides = array<i32>} : memref<8x4x896xf32, #tpu.memory_space<vmem>>, vector<1x1x16xf32>,
        %get3A_110 = vector.shape_cast %get3A_109 : vector<1x1x16xf32> to vector<16xf32>
        %broadcast_in_dim3A = arith.constant 0 : i32
        %broadcast_in_dim3A_111 = vector.broadcast %broadcast_in_dim3A : i32 to vector<16xi32>
        %gt3A = arith.cmpf ogt, %get3A_96, %get3A_89 : vector<16xf32>
        %jit3A = arith.constant 1 : i32
        %broadcast_in_dim3A_112 = vector.broadcast %jit3A : i32 to vector<16xi32>
        %select_n3A = arith.select %gt3A, %broadcast_in_dim3A_112, %broadcast_in_dim3A_111 : vector<16xi1>, vector<16xi32>
        %max3A = arith.maximumf %get3A_89, %get3A_96 : vector<16xf32>
        %gt3A_113 = arith.cmpf ogt, %get3A_103, %max3A : vector<16xf32>
        %jit3A_114 = arith.constant 2 : i32
        %broadcast_in_dim3A_115 = vector.broadcast %jit3A_114 : i32 to vector<16xi32>
        %select_n3A_116 = arith.select %gt3A_113, %broadcast_in_dim3A_115, %select_n3A : vector<16xi1>, vector<16xi32>
        %max3A_117 = arith.maximumf %max3A, %get3A_103 : vector<16xf32>
        %gt3A_118 = arith.cmpf ogt, %get3A_110, %max3A_117 : vector<16xf32>
        %jit3A_119 = arith.constant 3 : i32
        %broadcast_in_dim3A_120 = vector.broadcast %jit3A_119 : i32 to vector<16xi32>
        %select_n3A_121 = arith.select %gt3A_118, %broadcast_in_dim3A_120, %select_n3A_116 : vector<16xi1>, vector<16xi32>
        %max3A_122 = arith.maximumf %max3A_117, %get3A_110 : vector<16xf32>
        %sub3A = arith.subf %get3A_89, %max3A_122 : vector<16xf32>
        %exp3A = math.exp %sub3A : vector<16xf32>
        %sub3A_123 = arith.subf %get3A_96, %max3A_122 : vector<16xf32>
        %exp3A_124 = math.exp %sub3A_123 : vector<16xf32>
        %add3A_125 = arith.addf %exp3A, %exp3A_124 : vector<16xf32>
        %sub3A_126 = arith.subf %get3A_103, %max3A_122 : vector<16xf32>
        %exp3A_127 = math.exp %sub3A_126 : vector<16xf32>
        %add3A_128 = arith.addf %add3A_125, %exp3A_127 : vector<16xf32>
        %sub3A_129 = arith.subf %get3A_110, %max3A_122 : vector<16xf32>
        %exp3A_130 = math.exp %sub3A_129 : vector<16xf32>
        %add3A_131 = arith.addf %add3A_128, %exp3A_130 : vector<16xf32>
        %div3A = arith.constant 1.000000e+00 : f32
        %div3A_132 = vector.broadcast %div3A : f32 to vector<16xf32>
        %div3A_133 = arith.divf %div3A_132, %add3A_131 : vector<16xf32>
        %get3A_134 = arith.constant 4 : i32
        %get3A_135 = arith.constant 0 : i32
        %get3A_136 = arith.index_cast %get3A_134 : i32 to index
        %get3A_137 = arith.index_cast %get3A_135 : i32 to index
        %get3A_138 = arith.index_cast %mul3A_83 : i32 to index
        %get3A_139 = tpu.vector_load %arg11[%get3A_136, %get3A_137, %get3A_138] {strides = array<i32>} : memref<8x4x896xf32, #tpu.memory_space<vmem>>, vector<1x1x16xf32>,
        %get3A_140 = vector.shape_cast %get3A_139 : vector<1x1x16xf32> to vector<16xf32>
        %get3A_141 = arith.constant 4 : i32
        %get3A_142 = arith.constant 1 : i32
        %get3A_143 = arith.index_cast %get3A_141 : i32 to index
        %get3A_144 = arith.index_cast %get3A_142 : i32 to index
        %get3A_145 = arith.index_cast %mul3A_83 : i32 to index
        %get3A_146 = tpu.vector_load %arg11[%get3A_143, %get3A_144, %get3A_145] {strides = array<i32>} : memref<8x4x896xf32, #tpu.memory_space<vmem>>, vector<1x1x16xf32>,
        %get3A_147 = vector.shape_cast %get3A_146 : vector<1x1x16xf32> to vector<16xf32>
        %get3A_148 = arith.constant 4 : i32
        %get3A_149 = arith.constant 2 : i32
        %get3A_150 = arith.index_cast %get3A_148 : i32 to index
        %get3A_151 = arith.index_cast %get3A_149 : i32 to index
        %get3A_152 = arith.index_cast %mul3A_83 : i32 to index
        %get3A_153 = tpu.vector_load %arg11[%get3A_150, %get3A_151, %get3A_152] {strides = array<i32>} : memref<8x4x896xf32, #tpu.memory_space<vmem>>, vector<1x1x16xf32>,
        %get3A_154 = vector.shape_cast %get3A_153 : vector<1x1x16xf32> to vector<16xf32>
        %get3A_155 = arith.constant 4 : i32
        %get3A_156 = arith.constant 3 : i32
        %get3A_157 = arith.index_cast %get3A_155 : i32 to index
        %get3A_158 = arith.index_cast %get3A_156 : i32 to index
        %get3A_159 = arith.index_cast %mul3A_83 : i32 to index
        %get3A_160 = tpu.vector_load %arg11[%get3A_157, %get3A_158, %get3A_159] {strides = array<i32>} : memref<8x4x896xf32, #tpu.memory_space<vmem>>, vector<1x1x16xf32>,
        %get3A_161 = vector.shape_cast %get3A_160 : vector<1x1x16xf32> to vector<16xf32>
        %broadcast_in_dim3A_162 = arith.constant 0 : i32
        %broadcast_in_dim3A_163 = vector.broadcast %broadcast_in_dim3A_162 : i32 to vector<16xi32>
        %gt3A_164 = arith.cmpf ogt, %get3A_147, %get3A_140 : vector<16xf32>
        %jit3A_165 = arith.constant 1 : i32
        %broadcast_in_dim3A_166 = vector.broadcast %jit3A_165 : i32 to vector<16xi32>
        %select_n3A_167 = arith.select %gt3A_164, %broadcast_in_dim3A_166, %broadcast_in_dim3A_163 : vector<16xi1>, vector<16xi32>
        %max3A_168 = arith.maximumf %get3A_140, %get3A_147 : vector<16xf32>
        %gt3A_169 = arith.cmpf ogt, %get3A_154, %max3A_168 : vector<16xf32>
        %jit3A_170 = arith.constant 2 : i32
        %broadcast_in_dim3A_171 = vector.broadcast %jit3A_170 : i32 to vector<16xi32>
        %select_n3A_172 = arith.select %gt3A_169, %broadcast_in_dim3A_171, %select_n3A_167 : vector<16xi1>, vector<16xi32>
        %max3A_173 = arith.maximumf %max3A_168, %get3A_154 : vector<16xf32>
        %gt3A_174 = arith.cmpf ogt, %get3A_161, %max3A_173 : vector<16xf32>
        %jit3A_175 = arith.constant 3 : i32
        %broadcast_in_dim3A_176 = vector.broadcast %jit3A_175 : i32 to vector<16xi32>
        %select_n3A_177 = arith.select %gt3A_174, %broadcast_in_dim3A_176, %select_n3A_172 : vector<16xi1>, vector<16xi32>
        %max3A_178 = arith.maximumf %max3A_173, %get3A_161 : vector<16xf32>
        %sub3A_179 = arith.subf %get3A_140, %max3A_178 : vector<16xf32>
        %exp3A_180 = math.exp %sub3A_179 : vector<16xf32>
        %sub3A_181 = arith.subf %get3A_147, %max3A_178 : vector<16xf32>
        %exp3A_182 = math.exp %sub3A_181 : vector<16xf32>
        %add3A_183 = arith.addf %exp3A_180, %exp3A_182 : vector<16xf32>
        %sub3A_184 = arith.subf %get3A_154, %max3A_178 : vector<16xf32>
        %exp3A_185 = math.exp %sub3A_184 : vector<16xf32>
        %add3A_186 = arith.addf %add3A_183, %exp3A_185 : vector<16xf32>
        %sub3A_187 = arith.subf %get3A_161, %max3A_178 : vector<16xf32>
        %exp3A_188 = math.exp %sub3A_187 : vector<16xf32>
        %add3A_189 = arith.addf %add3A_186, %exp3A_188 : vector<16xf32>
        %div3A_190 = arith.constant 1.000000e+00 : f32
        %div3A_191 = vector.broadcast %div3A_190 : f32 to vector<16xf32>
        %div3A_192 = arith.divf %div3A_191, %add3A_189 : vector<16xf32>
        %ge3A = arith.cmpf oge, %div3A_133, %div3A_192 : vector<16xf32>
        %select_n3A_193 = arith.select %ge3A, %select_n3A_121, %select_n3A_177 : vector<16xi1>, vector<16xi32>
        %swap3A = arith.constant 4 : i32
        %swap3A_194 = arith.index_cast %swap3A : i32 to index
        %swap3A_195 = arith.index_cast %mul3A_83 : i32 to index
        %swap3A_196 = tpu.vector_load %arg12[%swap3A_194, %swap3A_195] {strides = array<i32>} : memref<8x896xf32, #tpu.memory_space<vmem>>, vector<1x16xf32>,
        %swap3A_197 = vector.shape_cast %swap3A_196 : vector<1x16xf32> to vector<16xf32>
        %swap3A_198 = vector.shape_cast %div3A_133 : vector<16xf32> to vector<1x16xf32>
        tpu.vector_store %arg12[%swap3A_194, %swap3A_195], %swap3A_198 {strides = array<i32>} : memref<8x896xf32, #tpu.memory_space<vmem>>, vector<1x16xf32>,
        %swap3A_199 = arith.constant 4 : i32
        %swap3A_200 = arith.index_cast %swap3A_199 : i32 to index
        %swap3A_201 = arith.index_cast %mul3A_83 : i32 to index
        %swap3A_202 = tpu.vector_load %arg13[%swap3A_200, %swap3A_201] {strides = array<i32>} : memref<8x896xf32, #tpu.memory_space<vmem>>, vector<1x16xf32>,
        %swap3A_203 = vector.shape_cast %swap3A_202 : vector<1x16xf32> to vector<16xf32>
        %swap3A_204 = vector.shape_cast %div3A_192 : vector<16xf32> to vector<1x16xf32>
        tpu.vector_store %arg13[%swap3A_200, %swap3A_201], %swap3A_204 {strides = array<i32>} : memref<8x896xf32, #tpu.memory_space<vmem>>, vector<1x16xf32>,
        %swap3A_205 = arith.constant 4 : i32
        %swap3A_206 = arith.index_cast %swap3A_205 : i32 to index
        %swap3A_207 = arith.index_cast %mul3A_83 : i32 to index
        %swap3A_208 = tpu.vector_load %arg14[%swap3A_206, %swap3A_207] {strides = array<i32>} : memref<8x896xi32, #tpu.memory_space<vmem>>, vector<1x16xi32>,
        %swap3A_209 = vector.shape_cast %swap3A_208 : vector<1x16xi32> to vector<16xi32>
        %swap3A_210 = vector.shape_cast %select_n3A_121 : vector<16xi32> to vector<1x16xi32>
        tpu.vector_store %arg14[%swap3A_206, %swap3A_207], %swap3A_210 {strides = array<i32>} : memref<8x896xi32, #tpu.memory_space<vmem>>, vector<1x16xi32>,
        %swap3A_211 = arith.constant 4 : i32
        %swap3A_212 = arith.index_cast %swap3A_211 : i32 to index
        %swap3A_213 = arith.index_cast %mul3A_83 : i32 to index
        %swap3A_214 = tpu.vector_load %arg15[%swap3A_212, %swap3A_213] {strides = array<i32>} : memref<8x896xi32, #tpu.memory_space<vmem>>, vector<1x16xi32>,
        %swap3A_215 = vector.shape_cast %swap3A_214 : vector<1x16xi32> to vector<16xi32>
        %swap3A_216 = vector.shape_cast %select_n3A_177 : vector<16xi32> to vector<1x16xi32>
        tpu.vector_store %arg15[%swap3A_212, %swap3A_213], %swap3A_216 {strides = array<i32>} : memref<8x896xi32, #tpu.memory_space<vmem>>, vector<1x16xi32>,
        %eq3A = arith.constant 1 : i32
        %eq3A_217 = vector.broadcast %eq3A : i32 to vector<16xi32>
        %eq3A_218 = arith.cmpi eq, %select_n3A_193, %eq3A_217 : vector<16xi32>
        %select_n3A_219 = arith.select %eq3A_218, %get3A_96, %get3A_89 : vector<16xi1>, vector<16xf32>
        %eq3A_220 = arith.constant 2 : i32
        %eq3A_221 = vector.broadcast %eq3A_220 : i32 to vector<16xi32>
        %eq3A_222 = arith.cmpi eq, %select_n3A_193, %eq3A_221 : vector<16xi32>
        %select_n3A_223 = arith.select %eq3A_222, %get3A_103, %select_n3A_219 : vector<16xi1>, vector<16xf32>
        %eq3A_224 = arith.constant 3 : i32
        %eq3A_225 = vector.broadcast %eq3A_224 : i32 to vector<16xi32>
        %eq3A_226 = arith.cmpi eq, %select_n3A_193, %eq3A_225 : vector<16xi32>
        %select_n3A_227 = arith.select %eq3A_226, %get3A_110, %select_n3A_223 : vector<16xi1>, vector<16xf32>
        %sub3A_228 = arith.subf %max3A_122, %select_n3A_227 : vector<16xf32>
        %swap3A_229 = arith.constant 4 : i32
        %swap3A_230 = arith.index_cast %swap3A_229 : i32 to index
        %swap3A_231 = arith.index_cast %mul3A_83 : i32 to index
        %swap3A_232 = tpu.vector_load %arg16[%swap3A_230, %swap3A_231] {strides = array<i32>} : memref<8x896xf32, #tpu.memory_space<vmem>>, vector<1x16xf32>,
        %swap3A_233 = vector.shape_cast %swap3A_232 : vector<1x16xf32> to vector<16xf32>
        %swap3A_234 = vector.shape_cast %sub3A_228 : vector<16xf32> to vector<1x16xf32>
        tpu.vector_store %arg16[%swap3A_230, %swap3A_231], %swap3A_234 {strides = array<i32>} : memref<8x896xf32, #tpu.memory_space<vmem>>, vector<1x16xf32>,
        %eq3A_235 = arith.constant 1 : i32
        %eq3A_236 = vector.broadcast %eq3A_235 : i32 to vector<16xi32>
        %eq3A_237 = arith.cmpi eq, %select_n3A_193, %eq3A_236 : vector<16xi32>
        %select_n3A_238 = arith.select %eq3A_237, %get3A_147, %get3A_140 : vector<16xi1>, vector<16xf32>
        %eq3A_239 = arith.constant 2 : i32
        %eq3A_240 = vector.broadcast %eq3A_239 : i32 to vector<16xi32>
        %eq3A_241 = arith.cmpi eq, %select_n3A_193, %eq3A_240 : vector<16xi32>
        %select_n3A_242 = arith.select %eq3A_241, %get3A_154, %select_n3A_238 : vector<16xi1>, vector<16xf32>
        %eq3A_243 = arith.constant 3 : i32
        %eq3A_244 = vector.broadcast %eq3A_243 : i32 to vector<16xi32>
        %eq3A_245 = arith.cmpi eq, %select_n3A_193, %eq3A_244 : vector<16xi32>
        %select_n3A_246 = arith.select %eq3A_245, %get3A_161, %select_n3A_242 : vector<16xi1>, vector<16xf32>
        %sub3A_247 = arith.subf %max3A_178, %select_n3A_246 : vector<16xf32>
        %swap3A_248 = arith.constant 4 : i32
        %swap3A_249 = arith.index_cast %swap3A_248 : i32 to index
        %swap3A_250 = arith.index_cast %mul3A_83 : i32 to index
        %swap3A_251 = tpu.vector_load %arg17[%swap3A_249, %swap3A_250] {strides = array<i32>} : memref<8x896xf32, #tpu.memory_space<vmem>>, vector<1x16xf32>,
        %swap3A_252 = vector.shape_cast %swap3A_251 : vector<1x16xf32> to vector<16xf32>
        %swap3A_253 = vector.shape_cast %sub3A_247 : vector<16xf32> to vector<1x16xf32>
        tpu.vector_store %arg17[%swap3A_249, %swap3A_250], %swap3A_253 {strides = array<i32>} : memref<8x896xf32, #tpu.memory_space<vmem>>, vector<1x16xf32>,
        %scan3A_254 = arith.constant 0 : i32
        scf.yield %scan3A_254 : i32
      }
      %scan3A_58 = arith.constant 56 : i32
      %scan3A_59 = arith.constant 0 : i32
      %scan3A_60 = arith.constant 0 : i32
      %scan3A_61 = arith.constant 56 : i32
      %scan3A_62 = arith.addi %scan3A_60, %scan3A_61 : i32
      %scan3A_63 = arith.constant 1 : i32
      %scan3A_64 = scf.for %scan3A_80 = %scan3A_60 to %scan3A_62 step %scan3A_63 iter_args(%scan3A_81 = %scan3A_59) -> (i32)  : i32 {
        %mul3A_82 = arith.constant 16 : i32
        %mul3A_83 = arith.muli %scan3A_80, %mul3A_82 : i32
        %get3A = arith.constant 5 : i32
        %get3A_84 = arith.constant 0 : i32
        %get3A_85 = arith.index_cast %get3A : i32 to index
        %get3A_86 = arith.index_cast %get3A_84 : i32 to index
        %get3A_87 = arith.index_cast %mul3A_83 : i32 to index
        %get3A_88 = tpu.vector_load %arg10[%get3A_85, %get3A_86, %get3A_87] {strides = array<i32>} : memref<8x4x896xf32, #tpu.memory_space<vmem>>, vector<1x1x16xf32>,
        %get3A_89 = vector.shape_cast %get3A_88 : vector<1x1x16xf32> to vector<16xf32>
        %get3A_90 = arith.constant 5 : i32
        %get3A_91 = arith.constant 1 : i32
        %get3A_92 = arith.index_cast %get3A_90 : i32 to index
        %get3A_93 = arith.index_cast %get3A_91 : i32 to index
        %get3A_94 = arith.index_cast %mul3A_83 : i32 to index
        %get3A_95 = tpu.vector_load %arg10[%get3A_92, %get3A_93, %get3A_94] {strides = array<i32>} : memref<8x4x896xf32, #tpu.memory_space<vmem>>, vector<1x1x16xf32>,
        %get3A_96 = vector.shape_cast %get3A_95 : vector<1x1x16xf32> to vector<16xf32>
        %get3A_97 = arith.constant 5 : i32
        %get3A_98 = arith.constant 2 : i32
        %get3A_99 = arith.index_cast %get3A_97 : i32 to index
        %get3A_100 = arith.index_cast %get3A_98 : i32 to index
        %get3A_101 = arith.index_cast %mul3A_83 : i32 to index
        %get3A_102 = tpu.vector_load %arg10[%get3A_99, %get3A_100, %get3A_101] {strides = array<i32>} : memref<8x4x896xf32, #tpu.memory_space<vmem>>, vector<1x1x16xf32>,
        %get3A_103 = vector.shape_cast %get3A_102 : vector<1x1x16xf32> to vector<16xf32>
        %get3A_104 = arith.constant 5 : i32
        %get3A_105 = arith.constant 3 : i32
        %get3A_106 = arith.index_cast %get3A_104 : i32 to index
        %get3A_107 = arith.index_cast %get3A_105 : i32 to index
        %get3A_108 = arith.index_cast %mul3A_83 : i32 to index
        %get3A_109 = tpu.vector_load %arg10[%get3A_106, %get3A_107, %get3A_108] {strides = array<i32>} : memref<8x4x896xf32, #tpu.memory_space<vmem>>, vector<1x1x16xf32>,
        %get3A_110 = vector.shape_cast %get3A_109 : vector<1x1x16xf32> to vector<16xf32>
        %broadcast_in_dim3A = arith.constant 0 : i32
        %broadcast_in_dim3A_111 = vector.broadcast %broadcast_in_dim3A : i32 to vector<16xi32>
        %gt3A = arith.cmpf ogt, %get3A_96, %get3A_89 : vector<16xf32>
        %jit3A = arith.constant 1 : i32
        %broadcast_in_dim3A_112 = vector.broadcast %jit3A : i32 to vector<16xi32>
        %select_n3A = arith.select %gt3A, %broadcast_in_dim3A_112, %broadcast_in_dim3A_111 : vector<16xi1>, vector<16xi32>
        %max3A = arith.maximumf %get3A_89, %get3A_96 : vector<16xf32>
        %gt3A_113 = arith.cmpf ogt, %get3A_103, %max3A : vector<16xf32>
        %jit3A_114 = arith.constant 2 : i32
        %broadcast_in_dim3A_115 = vector.broadcast %jit3A_114 : i32 to vector<16xi32>
        %select_n3A_116 = arith.select %gt3A_113, %broadcast_in_dim3A_115, %select_n3A : vector<16xi1>, vector<16xi32>
        %max3A_117 = arith.maximumf %max3A, %get3A_103 : vector<16xf32>
        %gt3A_118 = arith.cmpf ogt, %get3A_110, %max3A_117 : vector<16xf32>
        %jit3A_119 = arith.constant 3 : i32
        %broadcast_in_dim3A_120 = vector.broadcast %jit3A_119 : i32 to vector<16xi32>
        %select_n3A_121 = arith.select %gt3A_118, %broadcast_in_dim3A_120, %select_n3A_116 : vector<16xi1>, vector<16xi32>
        %max3A_122 = arith.maximumf %max3A_117, %get3A_110 : vector<16xf32>
        %sub3A = arith.subf %get3A_89, %max3A_122 : vector<16xf32>
        %exp3A = math.exp %sub3A : vector<16xf32>
        %sub3A_123 = arith.subf %get3A_96, %max3A_122 : vector<16xf32>
        %exp3A_124 = math.exp %sub3A_123 : vector<16xf32>
        %add3A_125 = arith.addf %exp3A, %exp3A_124 : vector<16xf32>
        %sub3A_126 = arith.subf %get3A_103, %max3A_122 : vector<16xf32>
        %exp3A_127 = math.exp %sub3A_126 : vector<16xf32>
        %add3A_128 = arith.addf %add3A_125, %exp3A_127 : vector<16xf32>
        %sub3A_129 = arith.subf %get3A_110, %max3A_122 : vector<16xf32>
        %exp3A_130 = math.exp %sub3A_129 : vector<16xf32>
        %add3A_131 = arith.addf %add3A_128, %exp3A_130 : vector<16xf32>
        %div3A = arith.constant 1.000000e+00 : f32
        %div3A_132 = vector.broadcast %div3A : f32 to vector<16xf32>
        %div3A_133 = arith.divf %div3A_132, %add3A_131 : vector<16xf32>
        %get3A_134 = arith.constant 5 : i32
        %get3A_135 = arith.constant 0 : i32
        %get3A_136 = arith.index_cast %get3A_134 : i32 to index
        %get3A_137 = arith.index_cast %get3A_135 : i32 to index
        %get3A_138 = arith.index_cast %mul3A_83 : i32 to index
        %get3A_139 = tpu.vector_load %arg11[%get3A_136, %get3A_137, %get3A_138] {strides = array<i32>} : memref<8x4x896xf32, #tpu.memory_space<vmem>>, vector<1x1x16xf32>,
        %get3A_140 = vector.shape_cast %get3A_139 : vector<1x1x16xf32> to vector<16xf32>
        %get3A_141 = arith.constant 5 : i32
        %get3A_142 = arith.constant 1 : i32
        %get3A_143 = arith.index_cast %get3A_141 : i32 to index
        %get3A_144 = arith.index_cast %get3A_142 : i32 to index
        %get3A_145 = arith.index_cast %mul3A_83 : i32 to index
        %get3A_146 = tpu.vector_load %arg11[%get3A_143, %get3A_144, %get3A_145] {strides = array<i32>} : memref<8x4x896xf32, #tpu.memory_space<vmem>>, vector<1x1x16xf32>,
        %get3A_147 = vector.shape_cast %get3A_146 : vector<1x1x16xf32> to vector<16xf32>
        %get3A_148 = arith.constant 5 : i32
        %get3A_149 = arith.constant 2 : i32
        %get3A_150 = arith.index_cast %get3A_148 : i32 to index
        %get3A_151 = arith.index_cast %get3A_149 : i32 to index
        %get3A_152 = arith.index_cast %mul3A_83 : i32 to index
        %get3A_153 = tpu.vector_load %arg11[%get3A_150, %get3A_151, %get3A_152] {strides = array<i32>} : memref<8x4x896xf32, #tpu.memory_space<vmem>>, vector<1x1x16xf32>,
        %get3A_154 = vector.shape_cast %get3A_153 : vector<1x1x16xf32> to vector<16xf32>
        %get3A_155 = arith.constant 5 : i32
        %get3A_156 = arith.constant 3 : i32
        %get3A_157 = arith.index_cast %get3A_155 : i32 to index
        %get3A_158 = arith.index_cast %get3A_156 : i32 to index
        %get3A_159 = arith.index_cast %mul3A_83 : i32 to index
        %get3A_160 = tpu.vector_load %arg11[%get3A_157, %get3A_158, %get3A_159] {strides = array<i32>} : memref<8x4x896xf32, #tpu.memory_space<vmem>>, vector<1x1x16xf32>,
        %get3A_161 = vector.shape_cast %get3A_160 : vector<1x1x16xf32> to vector<16xf32>
        %broadcast_in_dim3A_162 = arith.constant 0 : i32
        %broadcast_in_dim3A_163 = vector.broadcast %broadcast_in_dim3A_162 : i32 to vector<16xi32>
        %gt3A_164 = arith.cmpf ogt, %get3A_147, %get3A_140 : vector<16xf32>
        %jit3A_165 = arith.constant 1 : i32
        %broadcast_in_dim3A_166 = vector.broadcast %jit3A_165 : i32 to vector<16xi32>
        %select_n3A_167 = arith.select %gt3A_164, %broadcast_in_dim3A_166, %broadcast_in_dim3A_163 : vector<16xi1>, vector<16xi32>
        %max3A_168 = arith.maximumf %get3A_140, %get3A_147 : vector<16xf32>
        %gt3A_169 = arith.cmpf ogt, %get3A_154, %max3A_168 : vector<16xf32>
        %jit3A_170 = arith.constant 2 : i32
        %broadcast_in_dim3A_171 = vector.broadcast %jit3A_170 : i32 to vector<16xi32>
        %select_n3A_172 = arith.select %gt3A_169, %broadcast_in_dim3A_171, %select_n3A_167 : vector<16xi1>, vector<16xi32>
        %max3A_173 = arith.maximumf %max3A_168, %get3A_154 : vector<16xf32>
        %gt3A_174 = arith.cmpf ogt, %get3A_161, %max3A_173 : vector<16xf32>
        %jit3A_175 = arith.constant 3 : i32
        %broadcast_in_dim3A_176 = vector.broadcast %jit3A_175 : i32 to vector<16xi32>
        %select_n3A_177 = arith.select %gt3A_174, %broadcast_in_dim3A_176, %select_n3A_172 : vector<16xi1>, vector<16xi32>
        %max3A_178 = arith.maximumf %max3A_173, %get3A_161 : vector<16xf32>
        %sub3A_179 = arith.subf %get3A_140, %max3A_178 : vector<16xf32>
        %exp3A_180 = math.exp %sub3A_179 : vector<16xf32>
        %sub3A_181 = arith.subf %get3A_147, %max3A_178 : vector<16xf32>
        %exp3A_182 = math.exp %sub3A_181 : vector<16xf32>
        %add3A_183 = arith.addf %exp3A_180, %exp3A_182 : vector<16xf32>
        %sub3A_184 = arith.subf %get3A_154, %max3A_178 : vector<16xf32>
        %exp3A_185 = math.exp %sub3A_184 : vector<16xf32>
        %add3A_186 = arith.addf %add3A_183, %exp3A_185 : vector<16xf32>
        %sub3A_187 = arith.subf %get3A_161, %max3A_178 : vector<16xf32>
        %exp3A_188 = math.exp %sub3A_187 : vector<16xf32>
        %add3A_189 = arith.addf %add3A_186, %exp3A_188 : vector<16xf32>
        %div3A_190 = arith.constant 1.000000e+00 : f32
        %div3A_191 = vector.broadcast %div3A_190 : f32 to vector<16xf32>
        %div3A_192 = arith.divf %div3A_191, %add3A_189 : vector<16xf32>
        %ge3A = arith.cmpf oge, %div3A_133, %div3A_192 : vector<16xf32>
        %select_n3A_193 = arith.select %ge3A, %select_n3A_121, %select_n3A_177 : vector<16xi1>, vector<16xi32>
        %swap3A = arith.constant 5 : i32
        %swap3A_194 = arith.index_cast %swap3A : i32 to index
        %swap3A_195 = arith.index_cast %mul3A_83 : i32 to index
        %swap3A_196 = tpu.vector_load %arg12[%swap3A_194, %swap3A_195] {strides = array<i32>} : memref<8x896xf32, #tpu.memory_space<vmem>>, vector<1x16xf32>,
        %swap3A_197 = vector.shape_cast %swap3A_196 : vector<1x16xf32> to vector<16xf32>
        %swap3A_198 = vector.shape_cast %div3A_133 : vector<16xf32> to vector<1x16xf32>
        tpu.vector_store %arg12[%swap3A_194, %swap3A_195], %swap3A_198 {strides = array<i32>} : memref<8x896xf32, #tpu.memory_space<vmem>>, vector<1x16xf32>,
        %swap3A_199 = arith.constant 5 : i32
        %swap3A_200 = arith.index_cast %swap3A_199 : i32 to index
        %swap3A_201 = arith.index_cast %mul3A_83 : i32 to index
        %swap3A_202 = tpu.vector_load %arg13[%swap3A_200, %swap3A_201] {strides = array<i32>} : memref<8x896xf32, #tpu.memory_space<vmem>>, vector<1x16xf32>,
        %swap3A_203 = vector.shape_cast %swap3A_202 : vector<1x16xf32> to vector<16xf32>
        %swap3A_204 = vector.shape_cast %div3A_192 : vector<16xf32> to vector<1x16xf32>
        tpu.vector_store %arg13[%swap3A_200, %swap3A_201], %swap3A_204 {strides = array<i32>} : memref<8x896xf32, #tpu.memory_space<vmem>>, vector<1x16xf32>,
        %swap3A_205 = arith.constant 5 : i32
        %swap3A_206 = arith.index_cast %swap3A_205 : i32 to index
        %swap3A_207 = arith.index_cast %mul3A_83 : i32 to index
        %swap3A_208 = tpu.vector_load %arg14[%swap3A_206, %swap3A_207] {strides = array<i32>} : memref<8x896xi32, #tpu.memory_space<vmem>>, vector<1x16xi32>,
        %swap3A_209 = vector.shape_cast %swap3A_208 : vector<1x16xi32> to vector<16xi32>
        %swap3A_210 = vector.shape_cast %select_n3A_121 : vector<16xi32> to vector<1x16xi32>
        tpu.vector_store %arg14[%swap3A_206, %swap3A_207], %swap3A_210 {strides = array<i32>} : memref<8x896xi32, #tpu.memory_space<vmem>>, vector<1x16xi32>,
        %swap3A_211 = arith.constant 5 : i32
        %swap3A_212 = arith.index_cast %swap3A_211 : i32 to index
        %swap3A_213 = arith.index_cast %mul3A_83 : i32 to index
        %swap3A_214 = tpu.vector_load %arg15[%swap3A_212, %swap3A_213] {strides = array<i32>} : memref<8x896xi32, #tpu.memory_space<vmem>>, vector<1x16xi32>,
        %swap3A_215 = vector.shape_cast %swap3A_214 : vector<1x16xi32> to vector<16xi32>
        %swap3A_216 = vector.shape_cast %select_n3A_177 : vector<16xi32> to vector<1x16xi32>
        tpu.vector_store %arg15[%swap3A_212, %swap3A_213], %swap3A_216 {strides = array<i32>} : memref<8x896xi32, #tpu.memory_space<vmem>>, vector<1x16xi32>,
        %eq3A = arith.constant 1 : i32
        %eq3A_217 = vector.broadcast %eq3A : i32 to vector<16xi32>
        %eq3A_218 = arith.cmpi eq, %select_n3A_193, %eq3A_217 : vector<16xi32>
        %select_n3A_219 = arith.select %eq3A_218, %get3A_96, %get3A_89 : vector<16xi1>, vector<16xf32>
        %eq3A_220 = arith.constant 2 : i32
        %eq3A_221 = vector.broadcast %eq3A_220 : i32 to vector<16xi32>
        %eq3A_222 = arith.cmpi eq, %select_n3A_193, %eq3A_221 : vector<16xi32>
        %select_n3A_223 = arith.select %eq3A_222, %get3A_103, %select_n3A_219 : vector<16xi1>, vector<16xf32>
        %eq3A_224 = arith.constant 3 : i32
        %eq3A_225 = vector.broadcast %eq3A_224 : i32 to vector<16xi32>
        %eq3A_226 = arith.cmpi eq, %select_n3A_193, %eq3A_225 : vector<16xi32>
        %select_n3A_227 = arith.select %eq3A_226, %get3A_110, %select_n3A_223 : vector<16xi1>, vector<16xf32>
        %sub3A_228 = arith.subf %max3A_122, %select_n3A_227 : vector<16xf32>
        %swap3A_229 = arith.constant 5 : i32
        %swap3A_230 = arith.index_cast %swap3A_229 : i32 to index
        %swap3A_231 = arith.index_cast %mul3A_83 : i32 to index
        %swap3A_232 = tpu.vector_load %arg16[%swap3A_230, %swap3A_231] {strides = array<i32>} : memref<8x896xf32, #tpu.memory_space<vmem>>, vector<1x16xf32>,
        %swap3A_233 = vector.shape_cast %swap3A_232 : vector<1x16xf32> to vector<16xf32>
        %swap3A_234 = vector.shape_cast %sub3A_228 : vector<16xf32> to vector<1x16xf32>
        tpu.vector_store %arg16[%swap3A_230, %swap3A_231], %swap3A_234 {strides = array<i32>} : memref<8x896xf32, #tpu.memory_space<vmem>>, vector<1x16xf32>,
        %eq3A_235 = arith.constant 1 : i32
        %eq3A_236 = vector.broadcast %eq3A_235 : i32 to vector<16xi32>
        %eq3A_237 = arith.cmpi eq, %select_n3A_193, %eq3A_236 : vector<16xi32>
        %select_n3A_238 = arith.select %eq3A_237, %get3A_147, %get3A_140 : vector<16xi1>, vector<16xf32>
        %eq3A_239 = arith.constant 2 : i32
        %eq3A_240 = vector.broadcast %eq3A_239 : i32 to vector<16xi32>
        %eq3A_241 = arith.cmpi eq, %select_n3A_193, %eq3A_240 : vector<16xi32>
        %select_n3A_242 = arith.select %eq3A_241, %get3A_154, %select_n3A_238 : vector<16xi1>, vector<16xf32>
        %eq3A_243 = arith.constant 3 : i32
        %eq3A_244 = vector.broadcast %eq3A_243 : i32 to vector<16xi32>
        %eq3A_245 = arith.cmpi eq, %select_n3A_193, %eq3A_244 : vector<16xi32>
        %select_n3A_246 = arith.select %eq3A_245, %get3A_161, %select_n3A_242 : vector<16xi1>, vector<16xf32>
        %sub3A_247 = arith.subf %max3A_178, %select_n3A_246 : vector<16xf32>
        %swap3A_248 = arith.constant 5 : i32
        %swap3A_249 = arith.index_cast %swap3A_248 : i32 to index
        %swap3A_250 = arith.index_cast %mul3A_83 : i32 to index
        %swap3A_251 = tpu.vector_load %arg17[%swap3A_249, %swap3A_250] {strides = array<i32>} : memref<8x896xf32, #tpu.memory_space<vmem>>, vector<1x16xf32>,
        %swap3A_252 = vector.shape_cast %swap3A_251 : vector<1x16xf32> to vector<16xf32>
        %swap3A_253 = vector.shape_cast %sub3A_247 : vector<16xf32> to vector<1x16xf32>
        tpu.vector_store %arg17[%swap3A_249, %swap3A_250], %swap3A_253 {strides = array<i32>} : memref<8x896xf32, #tpu.memory_space<vmem>>, vector<1x16xf32>,
        %scan3A_254 = arith.constant 0 : i32
        scf.yield %scan3A_254 : i32
      }
      %scan3A_65 = arith.constant 56 : i32
      %scan3A_66 = arith.constant 0 : i32
      %scan3A_67 = arith.constant 0 : i32
      %scan3A_68 = arith.constant 56 : i32
      %scan3A_69 = arith.addi %scan3A_67, %scan3A_68 : i32
      %scan3A_70 = arith.constant 1 : i32
      %scan3A_71 = scf.for %scan3A_80 = %scan3A_67 to %scan3A_69 step %scan3A_70 iter_args(%scan3A_81 = %scan3A_66) -> (i32)  : i32 {
        %mul3A_82 = arith.constant 16 : i32
        %mul3A_83 = arith.muli %scan3A_80, %mul3A_82 : i32
        %get3A = arith.constant 6 : i32
        %get3A_84 = arith.constant 0 : i32
        %get3A_85 = arith.index_cast %get3A : i32 to index
        %get3A_86 = arith.index_cast %get3A_84 : i32 to index
        %get3A_87 = arith.index_cast %mul3A_83 : i32 to index
        %get3A_88 = tpu.vector_load %arg10[%get3A_85, %get3A_86, %get3A_87] {strides = array<i32>} : memref<8x4x896xf32, #tpu.memory_space<vmem>>, vector<1x1x16xf32>,
        %get3A_89 = vector.shape_cast %get3A_88 : vector<1x1x16xf32> to vector<16xf32>
        %get3A_90 = arith.constant 6 : i32
        %get3A_91 = arith.constant 1 : i32
        %get3A_92 = arith.index_cast %get3A_90 : i32 to index
        %get3A_93 = arith.index_cast %get3A_91 : i32 to index
        %get3A_94 = arith.index_cast %mul3A_83 : i32 to index
        %get3A_95 = tpu.vector_load %arg10[%get3A_92, %get3A_93, %get3A_94] {strides = array<i32>} : memref<8x4x896xf32, #tpu.memory_space<vmem>>, vector<1x1x16xf32>,
        %get3A_96 = vector.shape_cast %get3A_95 : vector<1x1x16xf32> to vector<16xf32>
        %get3A_97 = arith.constant 6 : i32
        %get3A_98 = arith.constant 2 : i32
        %get3A_99 = arith.index_cast %get3A_97 : i32 to index
        %get3A_100 = arith.index_cast %get3A_98 : i32 to index
        %get3A_101 = arith.index_cast %mul3A_83 : i32 to index
        %get3A_102 = tpu.vector_load %arg10[%get3A_99, %get3A_100, %get3A_101] {strides = array<i32>} : memref<8x4x896xf32, #tpu.memory_space<vmem>>, vector<1x1x16xf32>,
        %get3A_103 = vector.shape_cast %get3A_102 : vector<1x1x16xf32> to vector<16xf32>
        %get3A_104 = arith.constant 6 : i32
        %get3A_105 = arith.constant 3 : i32
        %get3A_106 = arith.index_cast %get3A_104 : i32 to index
        %get3A_107 = arith.index_cast %get3A_105 : i32 to index
        %get3A_108 = arith.index_cast %mul3A_83 : i32 to index
        %get3A_109 = tpu.vector_load %arg10[%get3A_106, %get3A_107, %get3A_108] {strides = array<i32>} : memref<8x4x896xf32, #tpu.memory_space<vmem>>, vector<1x1x16xf32>,
        %get3A_110 = vector.shape_cast %get3A_109 : vector<1x1x16xf32> to vector<16xf32>
        %broadcast_in_dim3A = arith.constant 0 : i32
        %broadcast_in_dim3A_111 = vector.broadcast %broadcast_in_dim3A : i32 to vector<16xi32>
        %gt3A = arith.cmpf ogt, %get3A_96, %get3A_89 : vector<16xf32>
        %jit3A = arith.constant 1 : i32
        %broadcast_in_dim3A_112 = vector.broadcast %jit3A : i32 to vector<16xi32>
        %select_n3A = arith.select %gt3A, %broadcast_in_dim3A_112, %broadcast_in_dim3A_111 : vector<16xi1>, vector<16xi32>
        %max3A = arith.maximumf %get3A_89, %get3A_96 : vector<16xf32>
        %gt3A_113 = arith.cmpf ogt, %get3A_103, %max3A : vector<16xf32>
        %jit3A_114 = arith.constant 2 : i32
        %broadcast_in_dim3A_115 = vector.broadcast %jit3A_114 : i32 to vector<16xi32>
        %select_n3A_116 = arith.select %gt3A_113, %broadcast_in_dim3A_115, %select_n3A : vector<16xi1>, vector<16xi32>
        %max3A_117 = arith.maximumf %max3A, %get3A_103 : vector<16xf32>
        %gt3A_118 = arith.cmpf ogt, %get3A_110, %max3A_117 : vector<16xf32>
        %jit3A_119 = arith.constant 3 : i32
        %broadcast_in_dim3A_120 = vector.broadcast %jit3A_119 : i32 to vector<16xi32>
        %select_n3A_121 = arith.select %gt3A_118, %broadcast_in_dim3A_120, %select_n3A_116 : vector<16xi1>, vector<16xi32>
        %max3A_122 = arith.maximumf %max3A_117, %get3A_110 : vector<16xf32>
        %sub3A = arith.subf %get3A_89, %max3A_122 : vector<16xf32>
        %exp3A = math.exp %sub3A : vector<16xf32>
        %sub3A_123 = arith.subf %get3A_96, %max3A_122 : vector<16xf32>
        %exp3A_124 = math.exp %sub3A_123 : vector<16xf32>
        %add3A_125 = arith.addf %exp3A, %exp3A_124 : vector<16xf32>
        %sub3A_126 = arith.subf %get3A_103, %max3A_122 : vector<16xf32>
        %exp3A_127 = math.exp %sub3A_126 : vector<16xf32>
        %add3A_128 = arith.addf %add3A_125, %exp3A_127 : vector<16xf32>
        %sub3A_129 = arith.subf %get3A_110, %max3A_122 : vector<16xf32>
        %exp3A_130 = math.exp %sub3A_129 : vector<16xf32>
        %add3A_131 = arith.addf %add3A_128, %exp3A_130 : vector<16xf32>
        %div3A = arith.constant 1.000000e+00 : f32
        %div3A_132 = vector.broadcast %div3A : f32 to vector<16xf32>
        %div3A_133 = arith.divf %div3A_132, %add3A_131 : vector<16xf32>
        %get3A_134 = arith.constant 6 : i32
        %get3A_135 = arith.constant 0 : i32
        %get3A_136 = arith.index_cast %get3A_134 : i32 to index
        %get3A_137 = arith.index_cast %get3A_135 : i32 to index
        %get3A_138 = arith.index_cast %mul3A_83 : i32 to index
        %get3A_139 = tpu.vector_load %arg11[%get3A_136, %get3A_137, %get3A_138] {strides = array<i32>} : memref<8x4x896xf32, #tpu.memory_space<vmem>>, vector<1x1x16xf32>,
        %get3A_140 = vector.shape_cast %get3A_139 : vector<1x1x16xf32> to vector<16xf32>
        %get3A_141 = arith.constant 6 : i32
        %get3A_142 = arith.constant 1 : i32
        %get3A_143 = arith.index_cast %get3A_141 : i32 to index
        %get3A_144 = arith.index_cast %get3A_142 : i32 to index
        %get3A_145 = arith.index_cast %mul3A_83 : i32 to index
        %get3A_146 = tpu.vector_load %arg11[%get3A_143, %get3A_144, %get3A_145] {strides = array<i32>} : memref<8x4x896xf32, #tpu.memory_space<vmem>>, vector<1x1x16xf32>,
        %get3A_147 = vector.shape_cast %get3A_146 : vector<1x1x16xf32> to vector<16xf32>
        %get3A_148 = arith.constant 6 : i32
        %get3A_149 = arith.constant 2 : i32
        %get3A_150 = arith.index_cast %get3A_148 : i32 to index
        %get3A_151 = arith.index_cast %get3A_149 : i32 to index
        %get3A_152 = arith.index_cast %mul3A_83 : i32 to index
        %get3A_153 = tpu.vector_load %arg11[%get3A_150, %get3A_151, %get3A_152] {strides = array<i32>} : memref<8x4x896xf32, #tpu.memory_space<vmem>>, vector<1x1x16xf32>,
        %get3A_154 = vector.shape_cast %get3A_153 : vector<1x1x16xf32> to vector<16xf32>
        %get3A_155 = arith.constant 6 : i32
        %get3A_156 = arith.constant 3 : i32
        %get3A_157 = arith.index_cast %get3A_155 : i32 to index
        %get3A_158 = arith.index_cast %get3A_156 : i32 to index
        %get3A_159 = arith.index_cast %mul3A_83 : i32 to index
        %get3A_160 = tpu.vector_load %arg11[%get3A_157, %get3A_158, %get3A_159] {strides = array<i32>} : memref<8x4x896xf32, #tpu.memory_space<vmem>>, vector<1x1x16xf32>,
        %get3A_161 = vector.shape_cast %get3A_160 : vector<1x1x16xf32> to vector<16xf32>
        %broadcast_in_dim3A_162 = arith.constant 0 : i32
        %broadcast_in_dim3A_163 = vector.broadcast %broadcast_in_dim3A_162 : i32 to vector<16xi32>
        %gt3A_164 = arith.cmpf ogt, %get3A_147, %get3A_140 : vector<16xf32>
        %jit3A_165 = arith.constant 1 : i32
        %broadcast_in_dim3A_166 = vector.broadcast %jit3A_165 : i32 to vector<16xi32>
        %select_n3A_167 = arith.select %gt3A_164, %broadcast_in_dim3A_166, %broadcast_in_dim3A_163 : vector<16xi1>, vector<16xi32>
        %max3A_168 = arith.maximumf %get3A_140, %get3A_147 : vector<16xf32>
        %gt3A_169 = arith.cmpf ogt, %get3A_154, %max3A_168 : vector<16xf32>
        %jit3A_170 = arith.constant 2 : i32
        %broadcast_in_dim3A_171 = vector.broadcast %jit3A_170 : i32 to vector<16xi32>
        %select_n3A_172 = arith.select %gt3A_169, %broadcast_in_dim3A_171, %select_n3A_167 : vector<16xi1>, vector<16xi32>
        %max3A_173 = arith.maximumf %max3A_168, %get3A_154 : vector<16xf32>
        %gt3A_174 = arith.cmpf ogt, %get3A_161, %max3A_173 : vector<16xf32>
        %jit3A_175 = arith.constant 3 : i32
        %broadcast_in_dim3A_176 = vector.broadcast %jit3A_175 : i32 to vector<16xi32>
        %select_n3A_177 = arith.select %gt3A_174, %broadcast_in_dim3A_176, %select_n3A_172 : vector<16xi1>, vector<16xi32>
        %max3A_178 = arith.maximumf %max3A_173, %get3A_161 : vector<16xf32>
        %sub3A_179 = arith.subf %get3A_140, %max3A_178 : vector<16xf32>
        %exp3A_180 = math.exp %sub3A_179 : vector<16xf32>
        %sub3A_181 = arith.subf %get3A_147, %max3A_178 : vector<16xf32>
        %exp3A_182 = math.exp %sub3A_181 : vector<16xf32>
        %add3A_183 = arith.addf %exp3A_180, %exp3A_182 : vector<16xf32>
        %sub3A_184 = arith.subf %get3A_154, %max3A_178 : vector<16xf32>
        %exp3A_185 = math.exp %sub3A_184 : vector<16xf32>
        %add3A_186 = arith.addf %add3A_183, %exp3A_185 : vector<16xf32>
        %sub3A_187 = arith.subf %get3A_161, %max3A_178 : vector<16xf32>
        %exp3A_188 = math.exp %sub3A_187 : vector<16xf32>
        %add3A_189 = arith.addf %add3A_186, %exp3A_188 : vector<16xf32>
        %div3A_190 = arith.constant 1.000000e+00 : f32
        %div3A_191 = vector.broadcast %div3A_190 : f32 to vector<16xf32>
        %div3A_192 = arith.divf %div3A_191, %add3A_189 : vector<16xf32>
        %ge3A = arith.cmpf oge, %div3A_133, %div3A_192 : vector<16xf32>
        %select_n3A_193 = arith.select %ge3A, %select_n3A_121, %select_n3A_177 : vector<16xi1>, vector<16xi32>
        %swap3A = arith.constant 6 : i32
        %swap3A_194 = arith.index_cast %swap3A : i32 to index
        %swap3A_195 = arith.index_cast %mul3A_83 : i32 to index
        %swap3A_196 = tpu.vector_load %arg12[%swap3A_194, %swap3A_195] {strides = array<i32>} : memref<8x896xf32, #tpu.memory_space<vmem>>, vector<1x16xf32>,
        %swap3A_197 = vector.shape_cast %swap3A_196 : vector<1x16xf32> to vector<16xf32>
        %swap3A_198 = vector.shape_cast %div3A_133 : vector<16xf32> to vector<1x16xf32>
        tpu.vector_store %arg12[%swap3A_194, %swap3A_195], %swap3A_198 {strides = array<i32>} : memref<8x896xf32, #tpu.memory_space<vmem>>, vector<1x16xf32>,
        %swap3A_199 = arith.constant 6 : i32
        %swap3A_200 = arith.index_cast %swap3A_199 : i32 to index
        %swap3A_201 = arith.index_cast %mul3A_83 : i32 to index
        %swap3A_202 = tpu.vector_load %arg13[%swap3A_200, %swap3A_201] {strides = array<i32>} : memref<8x896xf32, #tpu.memory_space<vmem>>, vector<1x16xf32>,
        %swap3A_203 = vector.shape_cast %swap3A_202 : vector<1x16xf32> to vector<16xf32>
        %swap3A_204 = vector.shape_cast %div3A_192 : vector<16xf32> to vector<1x16xf32>
        tpu.vector_store %arg13[%swap3A_200, %swap3A_201], %swap3A_204 {strides = array<i32>} : memref<8x896xf32, #tpu.memory_space<vmem>>, vector<1x16xf32>,
        %swap3A_205 = arith.constant 6 : i32
        %swap3A_206 = arith.index_cast %swap3A_205 : i32 to index
        %swap3A_207 = arith.index_cast %mul3A_83 : i32 to index
        %swap3A_208 = tpu.vector_load %arg14[%swap3A_206, %swap3A_207] {strides = array<i32>} : memref<8x896xi32, #tpu.memory_space<vmem>>, vector<1x16xi32>,
        %swap3A_209 = vector.shape_cast %swap3A_208 : vector<1x16xi32> to vector<16xi32>
        %swap3A_210 = vector.shape_cast %select_n3A_121 : vector<16xi32> to vector<1x16xi32>
        tpu.vector_store %arg14[%swap3A_206, %swap3A_207], %swap3A_210 {strides = array<i32>} : memref<8x896xi32, #tpu.memory_space<vmem>>, vector<1x16xi32>,
        %swap3A_211 = arith.constant 6 : i32
        %swap3A_212 = arith.index_cast %swap3A_211 : i32 to index
        %swap3A_213 = arith.index_cast %mul3A_83 : i32 to index
        %swap3A_214 = tpu.vector_load %arg15[%swap3A_212, %swap3A_213] {strides = array<i32>} : memref<8x896xi32, #tpu.memory_space<vmem>>, vector<1x16xi32>,
        %swap3A_215 = vector.shape_cast %swap3A_214 : vector<1x16xi32> to vector<16xi32>
        %swap3A_216 = vector.shape_cast %select_n3A_177 : vector<16xi32> to vector<1x16xi32>
        tpu.vector_store %arg15[%swap3A_212, %swap3A_213], %swap3A_216 {strides = array<i32>} : memref<8x896xi32, #tpu.memory_space<vmem>>, vector<1x16xi32>,
        %eq3A = arith.constant 1 : i32
        %eq3A_217 = vector.broadcast %eq3A : i32 to vector<16xi32>
        %eq3A_218 = arith.cmpi eq, %select_n3A_193, %eq3A_217 : vector<16xi32>
        %select_n3A_219 = arith.select %eq3A_218, %get3A_96, %get3A_89 : vector<16xi1>, vector<16xf32>
        %eq3A_220 = arith.constant 2 : i32
        %eq3A_221 = vector.broadcast %eq3A_220 : i32 to vector<16xi32>
        %eq3A_222 = arith.cmpi eq, %select_n3A_193, %eq3A_221 : vector<16xi32>
        %select_n3A_223 = arith.select %eq3A_222, %get3A_103, %select_n3A_219 : vector<16xi1>, vector<16xf32>
        %eq3A_224 = arith.constant 3 : i32
        %eq3A_225 = vector.broadcast %eq3A_224 : i32 to vector<16xi32>
        %eq3A_226 = arith.cmpi eq, %select_n3A_193, %eq3A_225 : vector<16xi32>
        %select_n3A_227 = arith.select %eq3A_226, %get3A_110, %select_n3A_223 : vector<16xi1>, vector<16xf32>
        %sub3A_228 = arith.subf %max3A_122, %select_n3A_227 : vector<16xf32>
        %swap3A_229 = arith.constant 6 : i32
        %swap3A_230 = arith.index_cast %swap3A_229 : i32 to index
        %swap3A_231 = arith.index_cast %mul3A_83 : i32 to index
        %swap3A_232 = tpu.vector_load %arg16[%swap3A_230, %swap3A_231] {strides = array<i32>} : memref<8x896xf32, #tpu.memory_space<vmem>>, vector<1x16xf32>,
        %swap3A_233 = vector.shape_cast %swap3A_232 : vector<1x16xf32> to vector<16xf32>
        %swap3A_234 = vector.shape_cast %sub3A_228 : vector<16xf32> to vector<1x16xf32>
        tpu.vector_store %arg16[%swap3A_230, %swap3A_231], %swap3A_234 {strides = array<i32>} : memref<8x896xf32, #tpu.memory_space<vmem>>, vector<1x16xf32>,
        %eq3A_235 = arith.constant 1 : i32
        %eq3A_236 = vector.broadcast %eq3A_235 : i32 to vector<16xi32>
        %eq3A_237 = arith.cmpi eq, %select_n3A_193, %eq3A_236 : vector<16xi32>
        %select_n3A_238 = arith.select %eq3A_237, %get3A_147, %get3A_140 : vector<16xi1>, vector<16xf32>
        %eq3A_239 = arith.constant 2 : i32
        %eq3A_240 = vector.broadcast %eq3A_239 : i32 to vector<16xi32>
        %eq3A_241 = arith.cmpi eq, %select_n3A_193, %eq3A_240 : vector<16xi32>
        %select_n3A_242 = arith.select %eq3A_241, %get3A_154, %select_n3A_238 : vector<16xi1>, vector<16xf32>
        %eq3A_243 = arith.constant 3 : i32
        %eq3A_244 = vector.broadcast %eq3A_243 : i32 to vector<16xi32>
        %eq3A_245 = arith.cmpi eq, %select_n3A_193, %eq3A_244 : vector<16xi32>
        %select_n3A_246 = arith.select %eq3A_245, %get3A_161, %select_n3A_242 : vector<16xi1>, vector<16xf32>
        %sub3A_247 = arith.subf %max3A_178, %select_n3A_246 : vector<16xf32>
        %swap3A_248 = arith.constant 6 : i32
        %swap3A_249 = arith.index_cast %swap3A_248 : i32 to index
        %swap3A_250 = arith.index_cast %mul3A_83 : i32 to index
        %swap3A_251 = tpu.vector_load %arg17[%swap3A_249, %swap3A_250] {strides = array<i32>} : memref<8x896xf32, #tpu.memory_space<vmem>>, vector<1x16xf32>,
        %swap3A_252 = vector.shape_cast %swap3A_251 : vector<1x16xf32> to vector<16xf32>
        %swap3A_253 = vector.shape_cast %sub3A_247 : vector<16xf32> to vector<1x16xf32>
        tpu.vector_store %arg17[%swap3A_249, %swap3A_250], %swap3A_253 {strides = array<i32>} : memref<8x896xf32, #tpu.memory_space<vmem>>, vector<1x16xf32>,
        %scan3A_254 = arith.constant 0 : i32
        scf.yield %scan3A_254 : i32
      }
      %scan3A_72 = arith.constant 56 : i32
      %scan3A_73 = arith.constant 0 : i32
      %scan3A_74 = arith.constant 0 : i32
      %scan3A_75 = arith.constant 56 : i32
      %scan3A_76 = arith.addi %scan3A_74, %scan3A_75 : i32
      %scan3A_77 = arith.constant 1 : i32
      %scan3A_78 = scf.for %scan3A_80 = %scan3A_74 to %scan3A_76 step %scan3A_77 iter_args(%scan3A_81 = %scan3A_73) -> (i32)  : i32 {
        %mul3A_82 = arith.constant 16 : i32
        %mul3A_83 = arith.muli %scan3A_80, %mul3A_82 : i32
        %get3A = arith.constant 7 : i32
        %get3A_84 = arith.constant 0 : i32
        %get3A_85 = arith.index_cast %get3A : i32 to index
        %get3A_86 = arith.index_cast %get3A_84 : i32 to index
        %get3A_87 = arith.index_cast %mul3A_83 : i32 to index
        %get3A_88 = tpu.vector_load %arg10[%get3A_85, %get3A_86, %get3A_87] {strides = array<i32>} : memref<8x4x896xf32, #tpu.memory_space<vmem>>, vector<1x1x16xf32>,
        %get3A_89 = vector.shape_cast %get3A_88 : vector<1x1x16xf32> to vector<16xf32>
        %get3A_90 = arith.constant 7 : i32
        %get3A_91 = arith.constant 1 : i32
        %get3A_92 = arith.index_cast %get3A_90 : i32 to index
        %get3A_93 = arith.index_cast %get3A_91 : i32 to index
        %get3A_94 = arith.index_cast %mul3A_83 : i32 to index
        %get3A_95 = tpu.vector_load %arg10[%get3A_92, %get3A_93, %get3A_94] {strides = array<i32>} : memref<8x4x896xf32, #tpu.memory_space<vmem>>, vector<1x1x16xf32>,
        %get3A_96 = vector.shape_cast %get3A_95 : vector<1x1x16xf32> to vector<16xf32>
        %get3A_97 = arith.constant 7 : i32
        %get3A_98 = arith.constant 2 : i32
        %get3A_99 = arith.index_cast %get3A_97 : i32 to index
        %get3A_100 = arith.index_cast %get3A_98 : i32 to index
        %get3A_101 = arith.index_cast %mul3A_83 : i32 to index
        %get3A_102 = tpu.vector_load %arg10[%get3A_99, %get3A_100, %get3A_101] {strides = array<i32>} : memref<8x4x896xf32, #tpu.memory_space<vmem>>, vector<1x1x16xf32>,
        %get3A_103 = vector.shape_cast %get3A_102 : vector<1x1x16xf32> to vector<16xf32>
        %get3A_104 = arith.constant 7 : i32
        %get3A_105 = arith.constant 3 : i32
        %get3A_106 = arith.index_cast %get3A_104 : i32 to index
        %get3A_107 = arith.index_cast %get3A_105 : i32 to index
        %get3A_108 = arith.index_cast %mul3A_83 : i32 to index
        %get3A_109 = tpu.vector_load %arg10[%get3A_106, %get3A_107, %get3A_108] {strides = array<i32>} : memref<8x4x896xf32, #tpu.memory_space<vmem>>, vector<1x1x16xf32>,
        %get3A_110 = vector.shape_cast %get3A_109 : vector<1x1x16xf32> to vector<16xf32>
        %broadcast_in_dim3A = arith.constant 0 : i32
        %broadcast_in_dim3A_111 = vector.broadcast %broadcast_in_dim3A : i32 to vector<16xi32>
        %gt3A = arith.cmpf ogt, %get3A_96, %get3A_89 : vector<16xf32>
        %jit3A = arith.constant 1 : i32
        %broadcast_in_dim3A_112 = vector.broadcast %jit3A : i32 to vector<16xi32>
        %select_n3A = arith.select %gt3A, %broadcast_in_dim3A_112, %broadcast_in_dim3A_111 : vector<16xi1>, vector<16xi32>
        %max3A = arith.maximumf %get3A_89, %get3A_96 : vector<16xf32>
        %gt3A_113 = arith.cmpf ogt, %get3A_103, %max3A : vector<16xf32>
        %jit3A_114 = arith.constant 2 : i32
        %broadcast_in_dim3A_115 = vector.broadcast %jit3A_114 : i32 to vector<16xi32>
        %select_n3A_116 = arith.select %gt3A_113, %broadcast_in_dim3A_115, %select_n3A : vector<16xi1>, vector<16xi32>
        %max3A_117 = arith.maximumf %max3A, %get3A_103 : vector<16xf32>
        %gt3A_118 = arith.cmpf ogt, %get3A_110, %max3A_117 : vector<16xf32>
        %jit3A_119 = arith.constant 3 : i32
        %broadcast_in_dim3A_120 = vector.broadcast %jit3A_119 : i32 to vector<16xi32>
        %select_n3A_121 = arith.select %gt3A_118, %broadcast_in_dim3A_120, %select_n3A_116 : vector<16xi1>, vector<16xi32>
        %max3A_122 = arith.maximumf %max3A_117, %get3A_110 : vector<16xf32>
        %sub3A = arith.subf %get3A_89, %max3A_122 : vector<16xf32>
        %exp3A = math.exp %sub3A : vector<16xf32>
        %sub3A_123 = arith.subf %get3A_96, %max3A_122 : vector<16xf32>
        %exp3A_124 = math.exp %sub3A_123 : vector<16xf32>
        %add3A_125 = arith.addf %exp3A, %exp3A_124 : vector<16xf32>
        %sub3A_126 = arith.subf %get3A_103, %max3A_122 : vector<16xf32>
        %exp3A_127 = math.exp %sub3A_126 : vector<16xf32>
        %add3A_128 = arith.addf %add3A_125, %exp3A_127 : vector<16xf32>
        %sub3A_129 = arith.subf %get3A_110, %max3A_122 : vector<16xf32>
        %exp3A_130 = math.exp %sub3A_129 : vector<16xf32>
        %add3A_131 = arith.addf %add3A_128, %exp3A_130 : vector<16xf32>
        %div3A = arith.constant 1.000000e+00 : f32
        %div3A_132 = vector.broadcast %div3A : f32 to vector<16xf32>
        %div3A_133 = arith.divf %div3A_132, %add3A_131 : vector<16xf32>
        %get3A_134 = arith.constant 7 : i32
        %get3A_135 = arith.constant 0 : i32
        %get3A_136 = arith.index_cast %get3A_134 : i32 to index
        %get3A_137 = arith.index_cast %get3A_135 : i32 to index
        %get3A_138 = arith.index_cast %mul3A_83 : i32 to index
        %get3A_139 = tpu.vector_load %arg11[%get3A_136, %get3A_137, %get3A_138] {strides = array<i32>} : memref<8x4x896xf32, #tpu.memory_space<vmem>>, vector<1x1x16xf32>,
        %get3A_140 = vector.shape_cast %get3A_139 : vector<1x1x16xf32> to vector<16xf32>
        %get3A_141 = arith.constant 7 : i32
        %get3A_142 = arith.constant 1 : i32
        %get3A_143 = arith.index_cast %get3A_141 : i32 to index
        %get3A_144 = arith.index_cast %get3A_142 : i32 to index
        %get3A_145 = arith.index_cast %mul3A_83 : i32 to index
        %get3A_146 = tpu.vector_load %arg11[%get3A_143, %get3A_144, %get3A_145] {strides = array<i32>} : memref<8x4x896xf32, #tpu.memory_space<vmem>>, vector<1x1x16xf32>,
        %get3A_147 = vector.shape_cast %get3A_146 : vector<1x1x16xf32> to vector<16xf32>
        %get3A_148 = arith.constant 7 : i32
        %get3A_149 = arith.constant 2 : i32
        %get3A_150 = arith.index_cast %get3A_148 : i32 to index
        %get3A_151 = arith.index_cast %get3A_149 : i32 to index
        %get3A_152 = arith.index_cast %mul3A_83 : i32 to index
        %get3A_153 = tpu.vector_load %arg11[%get3A_150, %get3A_151, %get3A_152] {strides = array<i32>} : memref<8x4x896xf32, #tpu.memory_space<vmem>>, vector<1x1x16xf32>,
        %get3A_154 = vector.shape_cast %get3A_153 : vector<1x1x16xf32> to vector<16xf32>
        %get3A_155 = arith.constant 7 : i32
        %get3A_156 = arith.constant 3 : i32
        %get3A_157 = arith.index_cast %get3A_155 : i32 to index
        %get3A_158 = arith.index_cast %get3A_156 : i32 to index
        %get3A_159 = arith.index_cast %mul3A_83 : i32 to index
        %get3A_160 = tpu.vector_load %arg11[%get3A_157, %get3A_158, %get3A_159] {strides = array<i32>} : memref<8x4x896xf32, #tpu.memory_space<vmem>>, vector<1x1x16xf32>,
        %get3A_161 = vector.shape_cast %get3A_160 : vector<1x1x16xf32> to vector<16xf32>
        %broadcast_in_dim3A_162 = arith.constant 0 : i32
        %broadcast_in_dim3A_163 = vector.broadcast %broadcast_in_dim3A_162 : i32 to vector<16xi32>
        %gt3A_164 = arith.cmpf ogt, %get3A_147, %get3A_140 : vector<16xf32>
        %jit3A_165 = arith.constant 1 : i32
        %broadcast_in_dim3A_166 = vector.broadcast %jit3A_165 : i32 to vector<16xi32>
        %select_n3A_167 = arith.select %gt3A_164, %broadcast_in_dim3A_166, %broadcast_in_dim3A_163 : vector<16xi1>, vector<16xi32>
        %max3A_168 = arith.maximumf %get3A_140, %get3A_147 : vector<16xf32>
        %gt3A_169 = arith.cmpf ogt, %get3A_154, %max3A_168 : vector<16xf32>
        %jit3A_170 = arith.constant 2 : i32
        %broadcast_in_dim3A_171 = vector.broadcast %jit3A_170 : i32 to vector<16xi32>
        %select_n3A_172 = arith.select %gt3A_169, %broadcast_in_dim3A_171, %select_n3A_167 : vector<16xi1>, vector<16xi32>
        %max3A_173 = arith.maximumf %max3A_168, %get3A_154 : vector<16xf32>
        %gt3A_174 = arith.cmpf ogt, %get3A_161, %max3A_173 : vector<16xf32>
        %jit3A_175 = arith.constant 3 : i32
        %broadcast_in_dim3A_176 = vector.broadcast %jit3A_175 : i32 to vector<16xi32>
        %select_n3A_177 = arith.select %gt3A_174, %broadcast_in_dim3A_176, %select_n3A_172 : vector<16xi1>, vector<16xi32>
        %max3A_178 = arith.maximumf %max3A_173, %get3A_161 : vector<16xf32>
        %sub3A_179 = arith.subf %get3A_140, %max3A_178 : vector<16xf32>
        %exp3A_180 = math.exp %sub3A_179 : vector<16xf32>
        %sub3A_181 = arith.subf %get3A_147, %max3A_178 : vector<16xf32>
        %exp3A_182 = math.exp %sub3A_181 : vector<16xf32>
        %add3A_183 = arith.addf %exp3A_180, %exp3A_182 : vector<16xf32>
        %sub3A_184 = arith.subf %get3A_154, %max3A_178 : vector<16xf32>
        %exp3A_185 = math.exp %sub3A_184 : vector<16xf32>
        %add3A_186 = arith.addf %add3A_183, %exp3A_185 : vector<16xf32>
        %sub3A_187 = arith.subf %get3A_161, %max3A_178 : vector<16xf32>
        %exp3A_188 = math.exp %sub3A_187 : vector<16xf32>
        %add3A_189 = arith.addf %add3A_186, %exp3A_188 : vector<16xf32>
        %div3A_190 = arith.constant 1.000000e+00 : f32
        %div3A_191 = vector.broadcast %div3A_190 : f32 to vector<16xf32>
        %div3A_192 = arith.divf %div3A_191, %add3A_189 : vector<16xf32>
        %ge3A = arith.cmpf oge, %div3A_133, %div3A_192 : vector<16xf32>
        %select_n3A_193 = arith.select %ge3A, %select_n3A_121, %select_n3A_177 : vector<16xi1>, vector<16xi32>
        %swap3A = arith.constant 7 : i32
        %swap3A_194 = arith.index_cast %swap3A : i32 to index
        %swap3A_195 = arith.index_cast %mul3A_83 : i32 to index
        %swap3A_196 = tpu.vector_load %arg12[%swap3A_194, %swap3A_195] {strides = array<i32>} : memref<8x896xf32, #tpu.memory_space<vmem>>, vector<1x16xf32>,
        %swap3A_197 = vector.shape_cast %swap3A_196 : vector<1x16xf32> to vector<16xf32>
        %swap3A_198 = vector.shape_cast %div3A_133 : vector<16xf32> to vector<1x16xf32>
        tpu.vector_store %arg12[%swap3A_194, %swap3A_195], %swap3A_198 {strides = array<i32>} : memref<8x896xf32, #tpu.memory_space<vmem>>, vector<1x16xf32>,
        %swap3A_199 = arith.constant 7 : i32
        %swap3A_200 = arith.index_cast %swap3A_199 : i32 to index
        %swap3A_201 = arith.index_cast %mul3A_83 : i32 to index
        %swap3A_202 = tpu.vector_load %arg13[%swap3A_200, %swap3A_201] {strides = array<i32>} : memref<8x896xf32, #tpu.memory_space<vmem>>, vector<1x16xf32>,
        %swap3A_203 = vector.shape_cast %swap3A_202 : vector<1x16xf32> to vector<16xf32>
        %swap3A_204 = vector.shape_cast %div3A_192 : vector<16xf32> to vector<1x16xf32>
        tpu.vector_store %arg13[%swap3A_200, %swap3A_201], %swap3A_204 {strides = array<i32>} : memref<8x896xf32, #tpu.memory_space<vmem>>, vector<1x16xf32>,
        %swap3A_205 = arith.constant 7 : i32
        %swap3A_206 = arith.index_cast %swap3A_205 : i32 to index
        %swap3A_207 = arith.index_cast %mul3A_83 : i32 to index
        %swap3A_208 = tpu.vector_load %arg14[%swap3A_206, %swap3A_207] {strides = array<i32>} : memref<8x896xi32, #tpu.memory_space<vmem>>, vector<1x16xi32>,
        %swap3A_209 = vector.shape_cast %swap3A_208 : vector<1x16xi32> to vector<16xi32>
        %swap3A_210 = vector.shape_cast %select_n3A_121 : vector<16xi32> to vector<1x16xi32>
        tpu.vector_store %arg14[%swap3A_206, %swap3A_207], %swap3A_210 {strides = array<i32>} : memref<8x896xi32, #tpu.memory_space<vmem>>, vector<1x16xi32>,
        %swap3A_211 = arith.constant 7 : i32
        %swap3A_212 = arith.index_cast %swap3A_211 : i32 to index
        %swap3A_213 = arith.index_cast %mul3A_83 : i32 to index
        %swap3A_214 = tpu.vector_load %arg15[%swap3A_212, %swap3A_213] {strides = array<i32>} : memref<8x896xi32, #tpu.memory_space<vmem>>, vector<1x16xi32>,
        %swap3A_215 = vector.shape_cast %swap3A_214 : vector<1x16xi32> to vector<16xi32>
        %swap3A_216 = vector.shape_cast %select_n3A_177 : vector<16xi32> to vector<1x16xi32>
        tpu.vector_store %arg15[%swap3A_212, %swap3A_213], %swap3A_216 {strides = array<i32>} : memref<8x896xi32, #tpu.memory_space<vmem>>, vector<1x16xi32>,
        %eq3A = arith.constant 1 : i32
        %eq3A_217 = vector.broadcast %eq3A : i32 to vector<16xi32>
        %eq3A_218 = arith.cmpi eq, %select_n3A_193, %eq3A_217 : vector<16xi32>
        %select_n3A_219 = arith.select %eq3A_218, %get3A_96, %get3A_89 : vector<16xi1>, vector<16xf32>
        %eq3A_220 = arith.constant 2 : i32
        %eq3A_221 = vector.broadcast %eq3A_220 : i32 to vector<16xi32>
        %eq3A_222 = arith.cmpi eq, %select_n3A_193, %eq3A_221 : vector<16xi32>
        %select_n3A_223 = arith.select %eq3A_222, %get3A_103, %select_n3A_219 : vector<16xi1>, vector<16xf32>
        %eq3A_224 = arith.constant 3 : i32
        %eq3A_225 = vector.broadcast %eq3A_224 : i32 to vector<16xi32>
        %eq3A_226 = arith.cmpi eq, %select_n3A_193, %eq3A_225 : vector<16xi32>
        %select_n3A_227 = arith.select %eq3A_226, %get3A_110, %select_n3A_223 : vector<16xi1>, vector<16xf32>
        %sub3A_228 = arith.subf %max3A_122, %select_n3A_227 : vector<16xf32>
        %swap3A_229 = arith.constant 7 : i32
        %swap3A_230 = arith.index_cast %swap3A_229 : i32 to index
        %swap3A_231 = arith.index_cast %mul3A_83 : i32 to index
        %swap3A_232 = tpu.vector_load %arg16[%swap3A_230, %swap3A_231] {strides = array<i32>} : memref<8x896xf32, #tpu.memory_space<vmem>>, vector<1x16xf32>,
        %swap3A_233 = vector.shape_cast %swap3A_232 : vector<1x16xf32> to vector<16xf32>
        %swap3A_234 = vector.shape_cast %sub3A_228 : vector<16xf32> to vector<1x16xf32>
        tpu.vector_store %arg16[%swap3A_230, %swap3A_231], %swap3A_234 {strides = array<i32>} : memref<8x896xf32, #tpu.memory_space<vmem>>, vector<1x16xf32>,
        %eq3A_235 = arith.constant 1 : i32
        %eq3A_236 = vector.broadcast %eq3A_235 : i32 to vector<16xi32>
        %eq3A_237 = arith.cmpi eq, %select_n3A_193, %eq3A_236 : vector<16xi32>
        %select_n3A_238 = arith.select %eq3A_237, %get3A_147, %get3A_140 : vector<16xi1>, vector<16xf32>
        %eq3A_239 = arith.constant 2 : i32
        %eq3A_240 = vector.broadcast %eq3A_239 : i32 to vector<16xi32>
        %eq3A_241 = arith.cmpi eq, %select_n3A_193, %eq3A_240 : vector<16xi32>
        %select_n3A_242 = arith.select %eq3A_241, %get3A_154, %select_n3A_238 : vector<16xi1>, vector<16xf32>
        %eq3A_243 = arith.constant 3 : i32
        %eq3A_244 = vector.broadcast %eq3A_243 : i32 to vector<16xi32>
        %eq3A_245 = arith.cmpi eq, %select_n3A_193, %eq3A_244 : vector<16xi32>
        %select_n3A_246 = arith.select %eq3A_245, %get3A_161, %select_n3A_242 : vector<16xi1>, vector<16xf32>
        %sub3A_247 = arith.subf %max3A_178, %select_n3A_246 : vector<16xf32>
        %swap3A_248 = arith.constant 7 : i32
        %swap3A_249 = arith.index_cast %swap3A_248 : i32 to index
        %swap3A_250 = arith.index_cast %mul3A_83 : i32 to index
        %swap3A_251 = tpu.vector_load %arg17[%swap3A_249, %swap3A_250] {strides = array<i32>} : memref<8x896xf32, #tpu.memory_space<vmem>>, vector<1x16xf32>,
        %swap3A_252 = vector.shape_cast %swap3A_251 : vector<1x16xf32> to vector<16xf32>
        %swap3A_253 = vector.shape_cast %sub3A_247 : vector<16xf32> to vector<1x16xf32>
        tpu.vector_store %arg17[%swap3A_249, %swap3A_250], %swap3A_253 {strides = array<i32>} : memref<8x896xf32, #tpu.memory_space<vmem>>, vector<1x16xf32>,
        %scan3A_254 = arith.constant 0 : i32
        scf.yield %scan3A_254 : i32
      }
      %scan3A_79 = arith.constant 56 : i32
      "tpu.region"() ({
        %run_scoped3A = tpu.sem_alloc : memref<!tpu.dma_semaphore, #tpu.memory_space<semaphore_mem>>
        %dma_start3A = arith.constant 0 : i32
        %dma_start3A_80 = tpu.memref_slice %arg4[%dma_start3A, %multiple_of3A_15] : memref<8x50176xf32, #tpu.memory_space<hbm>> -> memref<8x896xf32, #tpu.memory_space<hbm>>
        %dma_start3A_81 = arith.constant 0 : i32
        %dma_start3A_82 = tpu.memref_slice %arg4[%dma_start3A_81, %multiple_of3A_15] : memref<8x50176xf32, #tpu.memory_space<hbm>> -> memref<8x896xf32, #tpu.memory_space<hbm>>
        tpu.enqueue_dma source(%arg12 : memref<8x896xf32, #tpu.memory_space<vmem>>) target(%dma_start3A_82 : memref<8x896xf32, #tpu.memory_space<hbm>>) target_semaphore(%run_scoped3A : memref<!tpu.dma_semaphore, #tpu.memory_space<semaphore_mem>>)
        %dma_wait3A = arith.constant 0 : i32
        %dma_wait3A_83 = tpu.memref_slice %arg4[%dma_wait3A, %multiple_of3A_15] : memref<8x50176xf32, #tpu.memory_space<hbm>> -> memref<8x896xf32, #tpu.memory_space<hbm>>
        %dma_wait3A_84 = arith.constant 0 : i32
        %dma_wait3A_85 = tpu.memref_slice %arg4[%dma_wait3A_84, %multiple_of3A_15] : memref<8x50176xf32, #tpu.memory_space<hbm>> -> memref<8x896xf32, #tpu.memory_space<hbm>>
        tpu.wait_dma2 semaphore(%run_scoped3A : memref<!tpu.dma_semaphore, #tpu.memory_space<semaphore_mem>>) src(%arg12 : memref<8x896xf32, #tpu.memory_space<vmem>>) dst(%dma_wait3A_85 : memref<8x896xf32, #tpu.memory_space<hbm>>)
        tpu.yield
      }) : () -> ()
      "tpu.region"() ({
        %run_scoped3A = tpu.sem_alloc : memref<!tpu.dma_semaphore, #tpu.memory_space<semaphore_mem>>
        %dma_start3A = arith.constant 0 : i32
        %dma_start3A_80 = tpu.memref_slice %arg5[%dma_start3A, %multiple_of3A_15] : memref<8x50176xf32, #tpu.memory_space<hbm>> -> memref<8x896xf32, #tpu.memory_space<hbm>>
        %dma_start3A_81 = arith.constant 0 : i32
        %dma_start3A_82 = tpu.memref_slice %arg5[%dma_start3A_81, %multiple_of3A_15] : memref<8x50176xf32, #tpu.memory_space<hbm>> -> memref<8x896xf32, #tpu.memory_space<hbm>>
        tpu.enqueue_dma source(%arg13 : memref<8x896xf32, #tpu.memory_space<vmem>>) target(%dma_start3A_82 : memref<8x896xf32, #tpu.memory_space<hbm>>) target_semaphore(%run_scoped3A : memref<!tpu.dma_semaphore, #tpu.memory_space<semaphore_mem>>)
        %dma_wait3A = arith.constant 0 : i32
        %dma_wait3A_83 = tpu.memref_slice %arg5[%dma_wait3A, %multiple_of3A_15] : memref<8x50176xf32, #tpu.memory_space<hbm>> -> memref<8x896xf32, #tpu.memory_space<hbm>>
        %dma_wait3A_84 = arith.constant 0 : i32
        %dma_wait3A_85 = tpu.memref_slice %arg5[%dma_wait3A_84, %multiple_of3A_15] : memref<8x50176xf32, #tpu.memory_space<hbm>> -> memref<8x896xf32, #tpu.memory_space<hbm>>
        tpu.wait_dma2 semaphore(%run_scoped3A : memref<!tpu.dma_semaphore, #tpu.memory_space<semaphore_mem>>) src(%arg13 : memref<8x896xf32, #tpu.memory_space<vmem>>) dst(%dma_wait3A_85 : memref<8x896xf32, #tpu.memory_space<hbm>>)
        tpu.yield
      }) : () -> ()
      "tpu.region"() ({
        %run_scoped3A = tpu.sem_alloc : memref<!tpu.dma_semaphore, #tpu.memory_space<semaphore_mem>>
        %dma_start3A = arith.constant 0 : i32
        %dma_start3A_80 = tpu.memref_slice %arg6[%dma_start3A, %multiple_of3A_15] : memref<8x50176xi32, #tpu.memory_space<hbm>> -> memref<8x896xi32, #tpu.memory_space<hbm>>
        %dma_start3A_81 = arith.constant 0 : i32
        %dma_start3A_82 = tpu.memref_slice %arg6[%dma_start3A_81, %multiple_of3A_15] : memref<8x50176xi32, #tpu.memory_space<hbm>> -> memref<8x896xi32, #tpu.memory_space<hbm>>
        tpu.enqueue_dma source(%arg14 : memref<8x896xi32, #tpu.memory_space<vmem>>) target(%dma_start3A_82 : memref<8x896xi32, #tpu.memory_space<hbm>>) target_semaphore(%run_scoped3A : memref<!tpu.dma_semaphore, #tpu.memory_space<semaphore_mem>>)
        %dma_wait3A = arith.constant 0 : i32
        %dma_wait3A_83 = tpu.memref_slice %arg6[%dma_wait3A, %multiple_of3A_15] : memref<8x50176xi32, #tpu.memory_space<hbm>> -> memref<8x896xi32, #tpu.memory_space<hbm>>
        %dma_wait3A_84 = arith.constant 0 : i32
        %dma_wait3A_85 = tpu.memref_slice %arg6[%dma_wait3A_84, %multiple_of3A_15] : memref<8x50176xi32, #tpu.memory_space<hbm>> -> memref<8x896xi32, #tpu.memory_space<hbm>>
        tpu.wait_dma2 semaphore(%run_scoped3A : memref<!tpu.dma_semaphore, #tpu.memory_space<semaphore_mem>>) src(%arg14 : memref<8x896xi32, #tpu.memory_space<vmem>>) dst(%dma_wait3A_85 : memref<8x896xi32, #tpu.memory_space<hbm>>)
        tpu.yield
      }) : () -> ()
      "tpu.region"() ({
        %run_scoped3A = tpu.sem_alloc : memref<!tpu.dma_semaphore, #tpu.memory_space<semaphore_mem>>
        %dma_start3A = arith.constant 0 : i32
        %dma_start3A_80 = tpu.memref_slice %arg7[%dma_start3A, %multiple_of3A_15] : memref<8x50176xi32, #tpu.memory_space<hbm>> -> memref<8x896xi32, #tpu.memory_space<hbm>>
        %dma_start3A_81 = arith.constant 0 : i32
        %dma_start3A_82 = tpu.memref_slice %arg7[%dma_start3A_81, %multiple_of3A_15] : memref<8x50176xi32, #tpu.memory_space<hbm>> -> memref<8x896xi32, #tpu.memory_space<hbm>>
        tpu.enqueue_dma source(%arg15 : memref<8x896xi32, #tpu.memory_space<vmem>>) target(%dma_start3A_82 : memref<8x896xi32, #tpu.memory_space<hbm>>) target_semaphore(%run_scoped3A : memref<!tpu.dma_semaphore, #tpu.memory_space<semaphore_mem>>)
        %dma_wait3A = arith.constant 0 : i32
        %dma_wait3A_83 = tpu.memref_slice %arg7[%dma_wait3A, %multiple_of3A_15] : memref<8x50176xi32, #tpu.memory_space<hbm>> -> memref<8x896xi32, #tpu.memory_space<hbm>>
        %dma_wait3A_84 = arith.constant 0 : i32
        %dma_wait3A_85 = tpu.memref_slice %arg7[%dma_wait3A_84, %multiple_of3A_15] : memref<8x50176xi32, #tpu.memory_space<hbm>> -> memref<8x896xi32, #tpu.memory_space<hbm>>
        tpu.wait_dma2 semaphore(%run_scoped3A : memref<!tpu.dma_semaphore, #tpu.memory_space<semaphore_mem>>) src(%arg15 : memref<8x896xi32, #tpu.memory_space<vmem>>) dst(%dma_wait3A_85 : memref<8x896xi32, #tpu.memory_space<hbm>>)
        tpu.yield
      }) : () -> ()
      "tpu.region"() ({
        %run_scoped3A = tpu.sem_alloc : memref<!tpu.dma_semaphore, #tpu.memory_space<semaphore_mem>>
        %dma_start3A = arith.constant 0 : i32
        %dma_start3A_80 = tpu.memref_slice %arg8[%dma_start3A, %multiple_of3A_15] : memref<8x50176xf32, #tpu.memory_space<hbm>> -> memref<8x896xf32, #tpu.memory_space<hbm>>
        %dma_start3A_81 = arith.constant 0 : i32
        %dma_start3A_82 = tpu.memref_slice %arg8[%dma_start3A_81, %multiple_of3A_15] : memref<8x50176xf32, #tpu.memory_space<hbm>> -> memref<8x896xf32, #tpu.memory_space<hbm>>
        tpu.enqueue_dma source(%arg16 : memref<8x896xf32, #tpu.memory_space<vmem>>) target(%dma_start3A_82 : memref<8x896xf32, #tpu.memory_space<hbm>>) target_semaphore(%run_scoped3A : memref<!tpu.dma_semaphore, #tpu.memory_space<semaphore_mem>>)
        %dma_wait3A = arith.constant 0 : i32
        %dma_wait3A_83 = tpu.memref_slice %arg8[%dma_wait3A, %multiple_of3A_15] : memref<8x50176xf32, #tpu.memory_space<hbm>> -> memref<8x896xf32, #tpu.memory_space<hbm>>
        %dma_wait3A_84 = arith.constant 0 : i32
        %dma_wait3A_85 = tpu.memref_slice %arg8[%dma_wait3A_84, %multiple_of3A_15] : memref<8x50176xf32, #tpu.memory_space<hbm>> -> memref<8x896xf32, #tpu.memory_space<hbm>>
        tpu.wait_dma2 semaphore(%run_scoped3A : memref<!tpu.dma_semaphore, #tpu.memory_space<semaphore_mem>>) src(%arg16 : memref<8x896xf32, #tpu.memory_space<vmem>>) dst(%dma_wait3A_85 : memref<8x896xf32, #tpu.memory_space<hbm>>)
        tpu.yield
      }) : () -> ()
      "tpu.region"() ({
        %run_scoped3A = tpu.sem_alloc : memref<!tpu.dma_semaphore, #tpu.memory_space<semaphore_mem>>
        %dma_start3A = arith.constant 0 : i32
        %dma_start3A_80 = tpu.memref_slice %arg9[%dma_start3A, %multiple_of3A_15] : memref<8x50176xf32, #tpu.memory_space<hbm>> -> memref<8x896xf32, #tpu.memory_space<hbm>>
        %dma_start3A_81 = arith.constant 0 : i32
        %dma_start3A_82 = tpu.memref_slice %arg9[%dma_start3A_81, %multiple_of3A_15] : memref<8x50176xf32, #tpu.memory_space<hbm>> -> memref<8x896xf32, #tpu.memory_space<hbm>>
        tpu.enqueue_dma source(%arg17 : memref<8x896xf32, #tpu.memory_space<vmem>>) target(%dma_start3A_82 : memref<8x896xf32, #tpu.memory_space<hbm>>) target_semaphore(%run_scoped3A : memref<!tpu.dma_semaphore, #tpu.memory_space<semaphore_mem>>)
        %dma_wait3A = arith.constant 0 : i32
        %dma_wait3A_83 = tpu.memref_slice %arg9[%dma_wait3A, %multiple_of3A_15] : memref<8x50176xf32, #tpu.memory_space<hbm>> -> memref<8x896xf32, #tpu.memory_space<hbm>>
        %dma_wait3A_84 = arith.constant 0 : i32
        %dma_wait3A_85 = tpu.memref_slice %arg9[%dma_wait3A_84, %multiple_of3A_15] : memref<8x50176xf32, #tpu.memory_space<hbm>> -> memref<8x896xf32, #tpu.memory_space<hbm>>
        tpu.wait_dma2 semaphore(%run_scoped3A : memref<!tpu.dma_semaphore, #tpu.memory_space<semaphore_mem>>) src(%arg17 : memref<8x896xf32, #tpu.memory_space<vmem>>) dst(%dma_wait3A_85 : memref<8x896xf32, #tpu.memory_space<hbm>>)
        tpu.yield
      }) : () -> ()
    } else {
    }
    return
  }
}

module attributes {stable_mosaic.version = 14 : i64} {
  func.func @_centers_body(%arg0: i32, %arg1: memref<8x64x3584xf32, #tpu.memory_space<vmem>>, %arg2: memref<8x64x3584xf32, #tpu.memory_space<vmem>>, %arg3: memref<8x3584xf32, #tpu.memory_space<vmem>>, %arg4: memref<8x3584xf32, #tpu.memory_space<vmem>>, %arg5: memref<8x3584xi32, #tpu.memory_space<vmem>>, %arg6: memref<8x3584xi32, #tpu.memory_space<vmem>>, %arg7: memref<8x3584xf32, #tpu.memory_space<vmem>>, %arg8: memref<8x3584xf32, #tpu.memory_space<vmem>>, %arg9: memref<1x8x64x4xf32, #tpu.memory_space<vmem>>, %arg10: memref<1x8x64x4xf32, #tpu.memory_space<vmem>>, %arg11: memref<1x8x4xf32, #tpu.memory_space<vmem>>, %arg12: memref<1x8x4xf32, #tpu.memory_space<vmem>>, %arg13: memref<1x3584xf32, #tpu.memory_space<vmem>>, %arg14: memref<1x3584xf32, #tpu.memory_space<vmem>>) attributes {dimension_semantics = [#tpu.dimension_semantics<arbitrary>], iteration_bounds = array<i64: 14>, scalar_prefetch = 0 : i64, scratch_operands = 0 : i64, tpu.core_type = #tpu.core_type<tc>, window_params = [{transform_indices = @transform_0, window_bounds = array<i64: 8, 64, 3584>}, {transform_indices = @transform_1, window_bounds = array<i64: 8, 64, 3584>}, {transform_indices = @transform_2, window_bounds = array<i64: 8, 3584>}, {transform_indices = @transform_3, window_bounds = array<i64: 8, 3584>}, {transform_indices = @transform_4, window_bounds = array<i64: 8, 3584>}, {transform_indices = @transform_5, window_bounds = array<i64: 8, 3584>}, {transform_indices = @transform_6, window_bounds = array<i64: 8, 3584>}, {transform_indices = @transform_7, window_bounds = array<i64: 8, 3584>}, {transform_indices = @transform_8, window_bounds = array<i64: 1, 8, 64, 4>}, {transform_indices = @transform_9, window_bounds = array<i64: 1, 8, 64, 4>}, {transform_indices = @transform_10, window_bounds = array<i64: 1, 8, 4>}, {transform_indices = @transform_11, window_bounds = array<i64: 1, 8, 4>}, {transform_indices = @transform_12, window_bounds = array<i64: 1, 3584>}, {transform_indices = @transform_13, window_bounds = array<i64: 1, 3584>}]} {
    %get3A = arith.constant 0 : index
    %get3A_0 = arith.constant 0 : index
    %get3A_1 = vector.load %arg7[%get3A, %get3A_0] : memref<8x3584xf32, #tpu.memory_space<vmem>>, vector<8x3584xf32>
    %get3A_2 = arith.constant 0 : index
    %get3A_3 = arith.constant 0 : index
    %get3A_4 = vector.load %arg3[%get3A_2, %get3A_3] : memref<8x3584xf32, #tpu.memory_space<vmem>>, vector<8x3584xf32>
    %log3A = math.log %get3A_4 : vector<8x3584xf32>
    %sub3A = arith.subf %get3A_1, %log3A : vector<8x3584xf32>
    %reduce_sum3A = arith.constant dense<0.000000e+00> : vector<3584xf32>
    %reduce_sum3A_5 = vector.multi_reduction <add>, %sub3A, %reduce_sum3A [0] : vector<8x3584xf32> to vector<3584xf32>
    %broadcast_in_dim3A = vector.shape_cast %reduce_sum3A_5 : vector<3584xf32> to vector<1x3584xf32>
    %swap3A = arith.constant 0 : index
    %swap3A_6 = arith.constant 0 : index
    %swap3A_7 = vector.load %arg13[%swap3A, %swap3A_6] : memref<1x3584xf32, #tpu.memory_space<vmem>>, vector<1x3584xf32>
    tpu.vector_store %arg13[%swap3A, %swap3A_6], %broadcast_in_dim3A {strides = array<i32>} : memref<1x3584xf32, #tpu.memory_space<vmem>>, vector<1x3584xf32>,
    %get3A_8 = arith.constant 0 : index
    %get3A_9 = arith.constant 0 : index
    %get3A_10 = vector.load %arg8[%get3A_8, %get3A_9] : memref<8x3584xf32, #tpu.memory_space<vmem>>, vector<8x3584xf32>
    %get3A_11 = arith.constant 0 : index
    %get3A_12 = arith.constant 0 : index
    %get3A_13 = vector.load %arg4[%get3A_11, %get3A_12] : memref<8x3584xf32, #tpu.memory_space<vmem>>, vector<8x3584xf32>
    %log3A_14 = math.log %get3A_13 : vector<8x3584xf32>
    %sub3A_15 = arith.subf %get3A_10, %log3A_14 : vector<8x3584xf32>
    %reduce_sum3A_16 = arith.constant dense<0.000000e+00> : vector<3584xf32>
    %reduce_sum3A_17 = vector.multi_reduction <add>, %sub3A_15, %reduce_sum3A_16 [0] : vector<8x3584xf32> to vector<3584xf32>
    %broadcast_in_dim3A_18 = vector.shape_cast %reduce_sum3A_17 : vector<3584xf32> to vector<1x3584xf32>
    %swap3A_19 = arith.constant 0 : index
    %swap3A_20 = arith.constant 0 : index
    %swap3A_21 = vector.load %arg14[%swap3A_19, %swap3A_20] : memref<1x3584xf32, #tpu.memory_space<vmem>>, vector<1x3584xf32>
    tpu.vector_store %arg14[%swap3A_19, %swap3A_20], %broadcast_in_dim3A_18 {strides = array<i32>} : memref<1x3584xf32, #tpu.memory_space<vmem>>, vector<1x3584xf32>,
    %iota3A = tpu.iota {dimensions = array<i32: 1>} : vector<8x4x3584xi32>
    %get3A_22 = arith.constant 0 : index
    %get3A_23 = arith.constant 0 : index
    %get3A_24 = arith.constant 0 : index
    %get3A_25 = vector.load %arg1[%get3A_22, %get3A_23, %get3A_24] : memref<8x64x3584xf32, #tpu.memory_space<vmem>>, vector<8x64x3584xf32>
    %get3A_26 = arith.constant 0 : index
    %get3A_27 = arith.constant 0 : index
    %get3A_28 = vector.load %arg3[%get3A_26, %get3A_27] : memref<8x3584xf32, #tpu.memory_space<vmem>>, vector<8x3584xf32>
    %get3A_29 = arith.constant 0 : index
    %get3A_30 = arith.constant 0 : index
    %get3A_31 = vector.load %arg5[%get3A_29, %get3A_30] : memref<8x3584xi32, #tpu.memory_space<vmem>>, vector<8x3584xi32>
    %broadcast_in_dim3A_32 = vector.shape_cast %get3A_31 : vector<8x3584xi32> to vector<8x1x3584xi32>
    %eq3A = vector.broadcast %broadcast_in_dim3A_32 : vector<8x1x3584xi32> to vector<8x4x3584xi32>
    %eq3A_33 = arith.cmpi eq, %eq3A, %iota3A : vector<8x4x3584xi32>
    %convert_element_type3A = arith.extui %eq3A_33 : vector<8x4x3584xi1> to vector<8x4x3584xi32>
    %convert_element_type3A_34 = arith.sitofp %convert_element_type3A : vector<8x4x3584xi32> to vector<8x4x3584xf32>
    %broadcast_in_dim3A_35 = vector.shape_cast %get3A_28 : vector<8x3584xf32> to vector<8x1x3584xf32>
    %mul3A = vector.broadcast %broadcast_in_dim3A_35 : vector<8x1x3584xf32> to vector<8x4x3584xf32>
    %mul3A_36 = arith.mulf %convert_element_type3A_34, %mul3A : vector<8x4x3584xf32>
    %convert_element_type3A_37 = arith.truncf %get3A_25 : vector<8x64x3584xf32> to vector<8x64x3584xbf16>
    %convert_element_type3A_38 = arith.truncf %mul3A_36 : vector<8x4x3584xf32> to vector<8x4x3584xbf16>
    %dot_general3A = arith.constant dense<0.000000e+00> : vector<8x64x4xf32>
    %dot_general3A_39 = tpu.matmul %convert_element_type3A_37, %convert_element_type3A_38, %dot_general3A {dimension_numbers = #tpu.dot_dimension_numbers<[2], [2], [1], [1], [0, 0, 0, 1, 1, 1], [0], [0]>, transpose_lhs_hint = false} : vector<8x64x3584xbf16>, vector<8x4x3584xbf16>, vector<8x64x4xf32> -> vector<8x64x4xf32>
    %swap3A_40 = arith.constant 0 : index
    %swap3A_41 = arith.constant 0 : index
    %swap3A_42 = arith.constant 0 : index
    %swap3A_43 = arith.constant 0 : index
    %swap3A_44 = vector.load %arg9[%swap3A_40, %swap3A_41, %swap3A_42, %swap3A_43] : memref<1x8x64x4xf32, #tpu.memory_space<vmem>>, vector<1x8x64x4xf32>
    %swap3A_45 = vector.shape_cast %swap3A_44 : vector<1x8x64x4xf32> to vector<8x64x4xf32>
    %swap3A_46 = vector.shape_cast %dot_general3A_39 : vector<8x64x4xf32> to vector<1x8x64x4xf32>
    tpu.vector_store %arg9[%swap3A_40, %swap3A_41, %swap3A_42, %swap3A_43], %swap3A_46 {strides = array<i32>} : memref<1x8x64x4xf32, #tpu.memory_space<vmem>>, vector<1x8x64x4xf32>,
    %reduce_sum3A_47 = arith.constant dense<0.000000e+00> : vector<8x4xf32>
    %reduce_sum3A_48 = vector.multi_reduction <add>, %convert_element_type3A_34, %reduce_sum3A_47 [2] : vector<8x4x3584xf32> to vector<8x4xf32>
    %swap3A_49 = arith.constant 0 : index
    %swap3A_50 = arith.constant 0 : index
    %swap3A_51 = arith.constant 0 : index
    %swap3A_52 = vector.load %arg11[%swap3A_49, %swap3A_50, %swap3A_51] : memref<1x8x4xf32, #tpu.memory_space<vmem>>, vector<1x8x4xf32>
    %swap3A_53 = vector.shape_cast %swap3A_52 : vector<1x8x4xf32> to vector<8x4xf32>
    %swap3A_54 = vector.shape_cast %reduce_sum3A_48 : vector<8x4xf32> to vector<1x8x4xf32>
    tpu.vector_store %arg11[%swap3A_49, %swap3A_50, %swap3A_51], %swap3A_54 {strides = array<i32>} : memref<1x8x4xf32, #tpu.memory_space<vmem>>, vector<1x8x4xf32>,
    %get3A_55 = arith.constant 0 : index
    %get3A_56 = arith.constant 0 : index
    %get3A_57 = arith.constant 0 : index
    %get3A_58 = vector.load %arg2[%get3A_55, %get3A_56, %get3A_57] : memref<8x64x3584xf32, #tpu.memory_space<vmem>>, vector<8x64x3584xf32>
    %get3A_59 = arith.constant 0 : index
    %get3A_60 = arith.constant 0 : index
    %get3A_61 = vector.load %arg4[%get3A_59, %get3A_60] : memref<8x3584xf32, #tpu.memory_space<vmem>>, vector<8x3584xf32>
    %get3A_62 = arith.constant 0 : index
    %get3A_63 = arith.constant 0 : index
    %get3A_64 = vector.load %arg6[%get3A_62, %get3A_63] : memref<8x3584xi32, #tpu.memory_space<vmem>>, vector<8x3584xi32>
    %broadcast_in_dim3A_65 = vector.shape_cast %get3A_64 : vector<8x3584xi32> to vector<8x1x3584xi32>
    %eq3A_66 = vector.broadcast %broadcast_in_dim3A_65 : vector<8x1x3584xi32> to vector<8x4x3584xi32>
    %eq3A_67 = arith.cmpi eq, %eq3A_66, %iota3A : vector<8x4x3584xi32>
    %convert_element_type3A_68 = arith.extui %eq3A_67 : vector<8x4x3584xi1> to vector<8x4x3584xi32>
    %convert_element_type3A_69 = arith.sitofp %convert_element_type3A_68 : vector<8x4x3584xi32> to vector<8x4x3584xf32>
    %broadcast_in_dim3A_70 = vector.shape_cast %get3A_61 : vector<8x3584xf32> to vector<8x1x3584xf32>
    %mul3A_71 = vector.broadcast %broadcast_in_dim3A_70 : vector<8x1x3584xf32> to vector<8x4x3584xf32>
    %mul3A_72 = arith.mulf %convert_element_type3A_69, %mul3A_71 : vector<8x4x3584xf32>
    %convert_element_type3A_73 = arith.truncf %get3A_58 : vector<8x64x3584xf32> to vector<8x64x3584xbf16>
    %convert_element_type3A_74 = arith.truncf %mul3A_72 : vector<8x4x3584xf32> to vector<8x4x3584xbf16>
    %dot_general3A_75 = arith.constant dense<0.000000e+00> : vector<8x64x4xf32>
    %dot_general3A_76 = tpu.matmul %convert_element_type3A_73, %convert_element_type3A_74, %dot_general3A_75 {dimension_numbers = #tpu.dot_dimension_numbers<[2], [2], [1], [1], [0, 0, 0, 1, 1, 1], [0], [0]>, transpose_lhs_hint = false} : vector<8x64x3584xbf16>, vector<8x4x3584xbf16>, vector<8x64x4xf32> -> vector<8x64x4xf32>
    %swap3A_77 = arith.constant 0 : index
    %swap3A_78 = arith.constant 0 : index
    %swap3A_79 = arith.constant 0 : index
    %swap3A_80 = arith.constant 0 : index
    %swap3A_81 = vector.load %arg10[%swap3A_77, %swap3A_78, %swap3A_79, %swap3A_80] : memref<1x8x64x4xf32, #tpu.memory_space<vmem>>, vector<1x8x64x4xf32>
    %swap3A_82 = vector.shape_cast %swap3A_81 : vector<1x8x64x4xf32> to vector<8x64x4xf32>
    %swap3A_83 = vector.shape_cast %dot_general3A_76 : vector<8x64x4xf32> to vector<1x8x64x4xf32>
    tpu.vector_store %arg10[%swap3A_77, %swap3A_78, %swap3A_79, %swap3A_80], %swap3A_83 {strides = array<i32>} : memref<1x8x64x4xf32, #tpu.memory_space<vmem>>, vector<1x8x64x4xf32>,
    %reduce_sum3A_84 = arith.constant dense<0.000000e+00> : vector<8x4xf32>
    %reduce_sum3A_85 = vector.multi_reduction <add>, %convert_element_type3A_69, %reduce_sum3A_84 [2] : vector<8x4x3584xf32> to vector<8x4xf32>
    %swap3A_86 = arith.constant 0 : index
    %swap3A_87 = arith.constant 0 : index
    %swap3A_88 = arith.constant 0 : index
    %swap3A_89 = vector.load %arg12[%swap3A_86, %swap3A_87, %swap3A_88] : memref<1x8x4xf32, #tpu.memory_space<vmem>>, vector<1x8x4xf32>
    %swap3A_90 = vector.shape_cast %swap3A_89 : vector<1x8x4xf32> to vector<8x4xf32>
    %swap3A_91 = vector.shape_cast %reduce_sum3A_85 : vector<8x4xf32> to vector<1x8x4xf32>
    tpu.vector_store %arg12[%swap3A_86, %swap3A_87, %swap3A_88], %swap3A_91 {strides = array<i32>} : memref<1x8x4xf32, #tpu.memory_space<vmem>>, vector<1x8x4xf32>,
    return
  }
  func.func @transform_0(%arg0: i32) -> (i32, i32, i32) {
    %c0_i32 = arith.constant 0 : i32
    %c0_i32_0 = arith.constant 0 : i32
    %c0_i32_1 = arith.constant 0 : i32
    return %c0_i32, %c0_i32_0, %arg0 : i32, i32, i32
  }
  func.func @transform_1(%arg0: i32) -> (i32, i32, i32) {
    %c0_i32 = arith.constant 0 : i32
    %c0_i32_0 = arith.constant 0 : i32
    %c0_i32_1 = arith.constant 0 : i32
    return %c0_i32, %c0_i32_0, %arg0 : i32, i32, i32
  }
  func.func @transform_2(%arg0: i32) -> (i32, i32) {
    %c0_i32 = arith.constant 0 : i32
    %c0_i32_0 = arith.constant 0 : i32
    return %c0_i32, %arg0 : i32, i32
  }
  func.func @transform_3(%arg0: i32) -> (i32, i32) {
    %c0_i32 = arith.constant 0 : i32
    %c0_i32_0 = arith.constant 0 : i32
    return %c0_i32, %arg0 : i32, i32
  }
  func.func @transform_4(%arg0: i32) -> (i32, i32) {
    %c0_i32 = arith.constant 0 : i32
    %c0_i32_0 = arith.constant 0 : i32
    return %c0_i32, %arg0 : i32, i32
  }
  func.func @transform_5(%arg0: i32) -> (i32, i32) {
    %c0_i32 = arith.constant 0 : i32
    %c0_i32_0 = arith.constant 0 : i32
    return %c0_i32, %arg0 : i32, i32
  }
  func.func @transform_6(%arg0: i32) -> (i32, i32) {
    %c0_i32 = arith.constant 0 : i32
    %c0_i32_0 = arith.constant 0 : i32
    return %c0_i32, %arg0 : i32, i32
  }
  func.func @transform_7(%arg0: i32) -> (i32, i32) {
    %c0_i32 = arith.constant 0 : i32
    %c0_i32_0 = arith.constant 0 : i32
    return %c0_i32, %arg0 : i32, i32
  }
  func.func @transform_8(%arg0: i32) -> (i32, i32, i32, i32) {
    %c0_i32 = arith.constant 0 : i32
    %c0_i32_0 = arith.constant 0 : i32
    %c0_i32_1 = arith.constant 0 : i32
    %c0_i32_2 = arith.constant 0 : i32
    return %arg0, %c0_i32, %c0_i32_0, %c0_i32_1 : i32, i32, i32, i32
  }
  func.func @transform_9(%arg0: i32) -> (i32, i32, i32, i32) {
    %c0_i32 = arith.constant 0 : i32
    %c0_i32_0 = arith.constant 0 : i32
    %c0_i32_1 = arith.constant 0 : i32
    %c0_i32_2 = arith.constant 0 : i32
    return %arg0, %c0_i32, %c0_i32_0, %c0_i32_1 : i32, i32, i32, i32
  }
  func.func @transform_10(%arg0: i32) -> (i32, i32, i32) {
    %c0_i32 = arith.constant 0 : i32
    %c0_i32_0 = arith.constant 0 : i32
    %c0_i32_1 = arith.constant 0 : i32
    return %arg0, %c0_i32, %c0_i32_0 : i32, i32, i32
  }
  func.func @transform_11(%arg0: i32) -> (i32, i32, i32) {
    %c0_i32 = arith.constant 0 : i32
    %c0_i32_0 = arith.constant 0 : i32
    %c0_i32_1 = arith.constant 0 : i32
    return %arg0, %c0_i32, %c0_i32_0 : i32, i32, i32
  }
  func.func @transform_12(%arg0: i32) -> (i32, i32) {
    %c0_i32 = arith.constant 0 : i32
    %c0_i32_0 = arith.constant 0 : i32
    return %c0_i32, %arg0 : i32, i32
  }
  func.func @transform_13(%arg0: i32) -> (i32, i32) {
    %c0_i32 = arith.constant 0 : i32
    %c0_i32_0 = arith.constant 0 : i32
    return %c0_i32, %arg0 : i32, i32
  }
}

module attributes {stable_mosaic.version = 14 : i64} {
  func.func @_cos_body(%arg0: i32, %arg1: memref<8x64x3584xf32, #tpu.memory_space<vmem>>, %arg2: memref<8x64x3584xf32, #tpu.memory_space<vmem>>, %arg3: memref<8x3584xi32, #tpu.memory_space<vmem>>, %arg4: memref<8x3584xi32, #tpu.memory_space<vmem>>, %arg5: memref<1x3584xf32, #tpu.memory_space<vmem>>, %arg6: memref<1x3584xf32, #tpu.memory_space<vmem>>, %arg7: memref<8x64x4xf32, #tpu.memory_space<vmem>>, %arg8: memref<8x64x4xf32, #tpu.memory_space<vmem>>, %arg9: memref<1x128xf32, #tpu.memory_space<vmem>>) attributes {dimension_semantics = [#tpu.dimension_semantics<arbitrary>], iteration_bounds = array<i64: 14>, scalar_prefetch = 0 : i64, scratch_operands = 0 : i64, tpu.core_type = #tpu.core_type<tc>, window_params = [{transform_indices = @transform_0, window_bounds = array<i64: 8, 64, 3584>}, {transform_indices = @transform_1, window_bounds = array<i64: 8, 64, 3584>}, {transform_indices = @transform_2, window_bounds = array<i64: 8, 3584>}, {transform_indices = @transform_3, window_bounds = array<i64: 8, 3584>}, {transform_indices = @transform_4, window_bounds = array<i64: 1, 3584>}, {transform_indices = @transform_5, window_bounds = array<i64: 1, 3584>}, {pipeline_mode = #tpu.pipeline_mode<synchronous>, transform_indices = @transform_6, window_bounds = array<i64: 8, 64, 4>}, {pipeline_mode = #tpu.pipeline_mode<synchronous>, transform_indices = @transform_7, window_bounds = array<i64: 8, 64, 4>}, {pipeline_mode = #tpu.pipeline_mode<synchronous>, transform_indices = @transform_8, window_bounds = array<i64: 1, 128>}]} {
    %eq3A = arith.constant 0 : i32
    %eq3A_0 = arith.cmpi eq, %arg0, %eq3A : i32
    %convert_element_type3A = arith.extui %eq3A_0 : i1 to i32
    %cond3A = arith.constant 0 : i32
    %cond3A_1 = arith.cmpi ne, %convert_element_type3A, %cond3A : i32
    scf.if %cond3A_1 {
      %broadcast_in_dim3A_147 = arith.constant 0.000000e+00 : f32
      %broadcast_in_dim3A_148 = vector.broadcast %broadcast_in_dim3A_147 : f32 to vector<1x128xf32>
      %swap3A_149 = arith.constant 0 : index
      %swap3A_150 = arith.constant 0 : index
      %swap3A_151 = vector.load %arg9[%swap3A_149, %swap3A_150] : memref<1x128xf32, #tpu.memory_space<vmem>>, vector<1x128xf32>
      tpu.vector_store %arg9[%swap3A_149, %swap3A_150], %broadcast_in_dim3A_148 {strides = array<i32>} : memref<1x128xf32, #tpu.memory_space<vmem>>, vector<1x128xf32>,
    } else {
    }
    %iota3A = tpu.iota {dimensions = array<i32: 1>} : vector<8x4x3584xi32>
    %get3A = arith.constant 0 : index
    %get3A_2 = arith.constant 0 : index
    %get3A_3 = arith.constant 0 : index
    %get3A_4 = vector.load %arg1[%get3A, %get3A_2, %get3A_3] : memref<8x64x3584xf32, #tpu.memory_space<vmem>>, vector<8x64x3584xf32>
    %get3A_5 = arith.constant 0 : index
    %get3A_6 = arith.constant 0 : index
    %get3A_7 = vector.load %arg3[%get3A_5, %get3A_6] : memref<8x3584xi32, #tpu.memory_space<vmem>>, vector<8x3584xi32>
    %get3A_8 = arith.constant 0 : index
    %get3A_9 = arith.constant 0 : index
    %get3A_10 = arith.constant 0 : index
    %get3A_11 = vector.load %arg7[%get3A_8, %get3A_9, %get3A_10] : memref<8x64x4xf32, #tpu.memory_space<vmem>>, vector<8x64x4xf32>
    %dot_general3A = arith.constant dense<0.000000e+00> : vector<8x4x3584xf32>
    %dot_general3A_12 = tpu.matmul %get3A_11, %get3A_4, %dot_general3A {dimension_numbers = #tpu.dot_dimension_numbers<[1], [1], [2], [2], [0, 0, 0, 2, 1, 2], [0], [0]>, transpose_lhs_hint = false} : vector<8x64x4xf32>, vector<8x64x3584xf32>, vector<8x4x3584xf32> -> vector<8x4x3584xf32>
    %broadcast_in_dim3A = vector.shape_cast %get3A_7 : vector<8x3584xi32> to vector<8x1x3584xi32>
    %eq3A_13 = vector.broadcast %broadcast_in_dim3A : vector<8x1x3584xi32> to vector<8x4x3584xi32>
    %eq3A_14 = arith.cmpi eq, %eq3A_13, %iota3A : vector<8x4x3584xi32>
    %jit3A = arith.constant 0.000000e+00 : f32
    %broadcast_in_dim3A_15 = vector.broadcast %jit3A : f32 to vector<8x4x3584xf32>
    %select_n3A = arith.select %eq3A_14, %dot_general3A_12, %broadcast_in_dim3A_15 : vector<8x4x3584xi1>, vector<8x4x3584xf32>
    %reduce_sum3A = arith.constant dense<0.000000e+00> : vector<8x3584xf32>
    %reduce_sum3A_16 = vector.multi_reduction <add>, %select_n3A, %reduce_sum3A [1] : vector<8x4x3584xf32> to vector<8x3584xf32>
    %mul3A = arith.mulf %get3A_11, %get3A_11 : vector<8x64x4xf32>
    %reduce_sum3A_17 = arith.constant dense<0.000000e+00> : vector<8x4xf32>
    %reduce_sum3A_18 = vector.multi_reduction <add>, %mul3A, %reduce_sum3A_17 [1] : vector<8x64x4xf32> to vector<8x4xf32>
    %broadcast_in_dim3A_19 = vector.shape_cast %reduce_sum3A_18 : vector<8x4xf32> to vector<8x4x1xf32>
    %jit3A_20 = arith.constant 0.000000e+00 : f32
    %broadcast_in_dim3A_21 = vector.shape_cast %broadcast_in_dim3A_19 : vector<8x4x1xf32> to vector<8x4x1xf32>
    %broadcast_in_dim3A_22 = vector.broadcast %broadcast_in_dim3A_21 : vector<8x4x1xf32> to vector<8x4x3584xf32>
    %broadcast_in_dim3A_23 = vector.broadcast %jit3A_20 : f32 to vector<8x4x3584xf32>
    %select_n3A_24 = arith.select %eq3A_14, %broadcast_in_dim3A_22, %broadcast_in_dim3A_23 : vector<8x4x3584xi1>, vector<8x4x3584xf32>
    %reduce_sum3A_25 = arith.constant dense<0.000000e+00> : vector<8x3584xf32>
    %reduce_sum3A_26 = vector.multi_reduction <add>, %select_n3A_24, %reduce_sum3A_25 [1] : vector<8x4x3584xf32> to vector<8x3584xf32>
    %mul3A_27 = arith.mulf %get3A_4, %get3A_4 : vector<8x64x3584xf32>
    %reduce_sum3A_28 = arith.constant dense<0.000000e+00> : vector<8x3584xf32>
    %reduce_sum3A_29 = vector.multi_reduction <add>, %mul3A_27, %reduce_sum3A_28 [1] : vector<8x64x3584xf32> to vector<8x3584xf32>
    %sqrt3A = math.sqrt %reduce_sum3A_29 : vector<8x3584xf32>
    %sqrt3A_30 = math.sqrt %reduce_sum3A_26 : vector<8x3584xf32>
    %mul3A_31 = arith.mulf %sqrt3A, %sqrt3A_30 : vector<8x3584xf32>
    %max3A = arith.constant 9.99999993E-9 : f32
    %max3A_32 = vector.broadcast %max3A : f32 to vector<8x3584xf32>
    %max3A_33 = arith.maximumf %mul3A_31, %max3A_32 : vector<8x3584xf32>
    %div3A = arith.divf %reduce_sum3A_16, %max3A_33 : vector<8x3584xf32>
    %reduce_sum3A_34 = arith.constant dense<0.000000e+00> : vector<3584xf32>
    %reduce_sum3A_35 = vector.multi_reduction <add>, %div3A, %reduce_sum3A_34 [0] : vector<8x3584xf32> to vector<3584xf32>
    %get3A_36 = arith.constant 0 : index
    %get3A_37 = arith.constant 0 : index
    %get3A_38 = arith.constant 0 : index
    %get3A_39 = vector.load %arg2[%get3A_36, %get3A_37, %get3A_38] : memref<8x64x3584xf32, #tpu.memory_space<vmem>>, vector<8x64x3584xf32>
    %get3A_40 = arith.constant 0 : index
    %get3A_41 = arith.constant 0 : index
    %get3A_42 = vector.load %arg4[%get3A_40, %get3A_41] : memref<8x3584xi32, #tpu.memory_space<vmem>>, vector<8x3584xi32>
    %get3A_43 = arith.constant 0 : index
    %get3A_44 = arith.constant 0 : index
    %get3A_45 = arith.constant 0 : index
    %get3A_46 = vector.load %arg8[%get3A_43, %get3A_44, %get3A_45] : memref<8x64x4xf32, #tpu.memory_space<vmem>>, vector<8x64x4xf32>
    %dot_general3A_47 = arith.constant dense<0.000000e+00> : vector<8x4x3584xf32>
    %dot_general3A_48 = tpu.matmul %get3A_46, %get3A_39, %dot_general3A_47 {dimension_numbers = #tpu.dot_dimension_numbers<[1], [1], [2], [2], [0, 0, 0, 2, 1, 2], [0], [0]>, transpose_lhs_hint = false} : vector<8x64x4xf32>, vector<8x64x3584xf32>, vector<8x4x3584xf32> -> vector<8x4x3584xf32>
    %broadcast_in_dim3A_49 = vector.shape_cast %get3A_42 : vector<8x3584xi32> to vector<8x1x3584xi32>
    %eq3A_50 = vector.broadcast %broadcast_in_dim3A_49 : vector<8x1x3584xi32> to vector<8x4x3584xi32>
    %eq3A_51 = arith.cmpi eq, %eq3A_50, %iota3A : vector<8x4x3584xi32>
    %jit3A_52 = arith.constant 0.000000e+00 : f32
    %broadcast_in_dim3A_53 = vector.broadcast %jit3A_52 : f32 to vector<8x4x3584xf32>
    %select_n3A_54 = arith.select %eq3A_51, %dot_general3A_48, %broadcast_in_dim3A_53 : vector<8x4x3584xi1>, vector<8x4x3584xf32>
    %reduce_sum3A_55 = arith.constant dense<0.000000e+00> : vector<8x3584xf32>
    %reduce_sum3A_56 = vector.multi_reduction <add>, %select_n3A_54, %reduce_sum3A_55 [1] : vector<8x4x3584xf32> to vector<8x3584xf32>
    %mul3A_57 = arith.mulf %get3A_46, %get3A_46 : vector<8x64x4xf32>
    %reduce_sum3A_58 = arith.constant dense<0.000000e+00> : vector<8x4xf32>
    %reduce_sum3A_59 = vector.multi_reduction <add>, %mul3A_57, %reduce_sum3A_58 [1] : vector<8x64x4xf32> to vector<8x4xf32>
    %broadcast_in_dim3A_60 = vector.shape_cast %reduce_sum3A_59 : vector<8x4xf32> to vector<8x4x1xf32>
    %jit3A_61 = arith.constant 0.000000e+00 : f32
    %broadcast_in_dim3A_62 = vector.shape_cast %broadcast_in_dim3A_60 : vector<8x4x1xf32> to vector<8x4x1xf32>
    %broadcast_in_dim3A_63 = vector.broadcast %broadcast_in_dim3A_62 : vector<8x4x1xf32> to vector<8x4x3584xf32>
    %broadcast_in_dim3A_64 = vector.broadcast %jit3A_61 : f32 to vector<8x4x3584xf32>
    %select_n3A_65 = arith.select %eq3A_51, %broadcast_in_dim3A_63, %broadcast_in_dim3A_64 : vector<8x4x3584xi1>, vector<8x4x3584xf32>
    %reduce_sum3A_66 = arith.constant dense<0.000000e+00> : vector<8x3584xf32>
    %reduce_sum3A_67 = vector.multi_reduction <add>, %select_n3A_65, %reduce_sum3A_66 [1] : vector<8x4x3584xf32> to vector<8x3584xf32>
    %mul3A_68 = arith.mulf %get3A_39, %get3A_39 : vector<8x64x3584xf32>
    %reduce_sum3A_69 = arith.constant dense<0.000000e+00> : vector<8x3584xf32>
    %reduce_sum3A_70 = vector.multi_reduction <add>, %mul3A_68, %reduce_sum3A_69 [1] : vector<8x64x3584xf32> to vector<8x3584xf32>
    %sqrt3A_71 = math.sqrt %reduce_sum3A_70 : vector<8x3584xf32>
    %sqrt3A_72 = math.sqrt %reduce_sum3A_67 : vector<8x3584xf32>
    %mul3A_73 = arith.mulf %sqrt3A_71, %sqrt3A_72 : vector<8x3584xf32>
    %max3A_74 = arith.constant 9.99999993E-9 : f32
    %max3A_75 = vector.broadcast %max3A_74 : f32 to vector<8x3584xf32>
    %max3A_76 = arith.maximumf %mul3A_73, %max3A_75 : vector<8x3584xf32>
    %div3A_77 = arith.divf %reduce_sum3A_56, %max3A_76 : vector<8x3584xf32>
    %reduce_sum3A_78 = arith.constant dense<0.000000e+00> : vector<3584xf32>
    %reduce_sum3A_79 = vector.multi_reduction <add>, %div3A_77, %reduce_sum3A_78 [0] : vector<8x3584xf32> to vector<3584xf32>
    %get3A_80 = arith.constant 0 : index
    %get3A_81 = arith.constant 0 : index
    %get3A_82 = vector.load %arg5[%get3A_80, %get3A_81] : memref<1x3584xf32, #tpu.memory_space<vmem>>, vector<1x3584xf32>
    %get3A_83 = vector.shape_cast %get3A_82 : vector<1x3584xf32> to vector<3584xf32>
    %get3A_84 = arith.constant 0 : index
    %get3A_85 = arith.constant 0 : index
    %get3A_86 = vector.load %arg6[%get3A_84, %get3A_85] : memref<1x3584xf32, #tpu.memory_space<vmem>>, vector<1x3584xf32>
    %get3A_87 = vector.shape_cast %get3A_86 : vector<1x3584xf32> to vector<3584xf32>
    %mul3A_88 = arith.mulf %get3A_83, %reduce_sum3A_79 : vector<3584xf32>
    %reduce_sum3A_89 = vector.shape_cast %mul3A_88 : vector<3584xf32> to vector<1x3584xf32>
    %reduce_sum3A_90 = arith.constant dense<0.000000e+00> : vector<1xf32>
    %reduce_sum3A_91 = vector.multi_reduction <add>, %reduce_sum3A_89, %reduce_sum3A_90 [1] : vector<1x3584xf32> to vector<1xf32>
    %reduce_sum3A_92 = vector.shape_cast %reduce_sum3A_91 : vector<1xf32> to vector<1x1xf32>
    %reduce_sum3A_93 = vector.extract %reduce_sum3A_92[0, 0] : f32 from vector<1x1xf32>
    %reduce_sum3A_94 = vector.shape_cast %reduce_sum3A_79 : vector<3584xf32> to vector<1x3584xf32>
    %reduce_sum3A_95 = arith.constant dense<0.000000e+00> : vector<1xf32>
    %reduce_sum3A_96 = vector.multi_reduction <add>, %reduce_sum3A_94, %reduce_sum3A_95 [1] : vector<1x3584xf32> to vector<1xf32>
    %reduce_sum3A_97 = vector.shape_cast %reduce_sum3A_96 : vector<1xf32> to vector<1x1xf32>
    %reduce_sum3A_98 = vector.extract %reduce_sum3A_97[0, 0] : f32 from vector<1x1xf32>
    %mul3A_99 = arith.mulf %get3A_87, %reduce_sum3A_35 : vector<3584xf32>
    %reduce_sum3A_100 = vector.shape_cast %mul3A_99 : vector<3584xf32> to vector<1x3584xf32>
    %reduce_sum3A_101 = arith.constant dense<0.000000e+00> : vector<1xf32>
    %reduce_sum3A_102 = vector.multi_reduction <add>, %reduce_sum3A_100, %reduce_sum3A_101 [1] : vector<1x3584xf32> to vector<1xf32>
    %reduce_sum3A_103 = vector.shape_cast %reduce_sum3A_102 : vector<1xf32> to vector<1x1xf32>
    %reduce_sum3A_104 = vector.extract %reduce_sum3A_103[0, 0] : f32 from vector<1x1xf32>
    %reduce_sum3A_105 = vector.shape_cast %reduce_sum3A_35 : vector<3584xf32> to vector<1x3584xf32>
    %reduce_sum3A_106 = arith.constant dense<0.000000e+00> : vector<1xf32>
    %reduce_sum3A_107 = vector.multi_reduction <add>, %reduce_sum3A_105, %reduce_sum3A_106 [1] : vector<1x3584xf32> to vector<1xf32>
    %reduce_sum3A_108 = vector.shape_cast %reduce_sum3A_107 : vector<1xf32> to vector<1x1xf32>
    %reduce_sum3A_109 = vector.extract %reduce_sum3A_108[0, 0] : f32 from vector<1x1xf32>
    %iota3A_110 = tpu.iota {dimensions = array<i32: 1>} : vector<1x128xi32>
    %eq3A_111 = arith.constant 0 : i32
    %eq3A_112 = vector.broadcast %eq3A_111 : i32 to vector<1x128xi32>
    %eq3A_113 = arith.cmpi eq, %iota3A_110, %eq3A_112 : vector<1x128xi32>
    %jit3A_114 = arith.constant 0.000000e+00 : f32
    %broadcast_in_dim3A_115 = vector.broadcast %reduce_sum3A_93 : f32 to vector<1x128xf32>
    %broadcast_in_dim3A_116 = vector.broadcast %jit3A_114 : f32 to vector<1x128xf32>
    %select_n3A_117 = arith.select %eq3A_113, %broadcast_in_dim3A_115, %broadcast_in_dim3A_116 : vector<1x128xi1>, vector<1x128xf32>
    %eq3A_118 = arith.constant 1 : i32
    %eq3A_119 = vector.broadcast %eq3A_118 : i32 to vector<1x128xi32>
    %eq3A_120 = arith.cmpi eq, %iota3A_110, %eq3A_119 : vector<1x128xi32>
    %jit3A_121 = arith.constant 0.000000e+00 : f32
    %broadcast_in_dim3A_122 = vector.broadcast %reduce_sum3A_98 : f32 to vector<1x128xf32>
    %broadcast_in_dim3A_123 = vector.broadcast %jit3A_121 : f32 to vector<1x128xf32>
    %select_n3A_124 = arith.select %eq3A_120, %broadcast_in_dim3A_122, %broadcast_in_dim3A_123 : vector<1x128xi1>, vector<1x128xf32>
    %add3A = arith.addf %select_n3A_117, %select_n3A_124 : vector<1x128xf32>
    %eq3A_125 = arith.constant 2 : i32
    %eq3A_126 = vector.broadcast %eq3A_125 : i32 to vector<1x128xi32>
    %eq3A_127 = arith.cmpi eq, %iota3A_110, %eq3A_126 : vector<1x128xi32>
    %jit3A_128 = arith.constant 0.000000e+00 : f32
    %broadcast_in_dim3A_129 = vector.broadcast %reduce_sum3A_104 : f32 to vector<1x128xf32>
    %broadcast_in_dim3A_130 = vector.broadcast %jit3A_128 : f32 to vector<1x128xf32>
    %select_n3A_131 = arith.select %eq3A_127, %broadcast_in_dim3A_129, %broadcast_in_dim3A_130 : vector<1x128xi1>, vector<1x128xf32>
    %add3A_132 = arith.addf %add3A, %select_n3A_131 : vector<1x128xf32>
    %eq3A_133 = arith.constant 3 : i32
    %eq3A_134 = vector.broadcast %eq3A_133 : i32 to vector<1x128xi32>
    %eq3A_135 = arith.cmpi eq, %iota3A_110, %eq3A_134 : vector<1x128xi32>
    %jit3A_136 = arith.constant 0.000000e+00 : f32
    %broadcast_in_dim3A_137 = vector.broadcast %reduce_sum3A_109 : f32 to vector<1x128xf32>
    %broadcast_in_dim3A_138 = vector.broadcast %jit3A_136 : f32 to vector<1x128xf32>
    %select_n3A_139 = arith.select %eq3A_135, %broadcast_in_dim3A_137, %broadcast_in_dim3A_138 : vector<1x128xi1>, vector<1x128xf32>
    %add3A_140 = arith.addf %add3A_132, %select_n3A_139 : vector<1x128xf32>
    %get3A_141 = arith.constant 0 : index
    %get3A_142 = arith.constant 0 : index
    %get3A_143 = vector.load %arg9[%get3A_141, %get3A_142] : memref<1x128xf32, #tpu.memory_space<vmem>>, vector<1x128xf32>
    %add3A_144 = arith.addf %get3A_143, %add3A_140 : vector<1x128xf32>
    %swap3A = arith.constant 0 : index
    %swap3A_145 = arith.constant 0 : index
    %swap3A_146 = vector.load %arg9[%swap3A, %swap3A_145] : memref<1x128xf32, #tpu.memory_space<vmem>>, vector<1x128xf32>
    tpu.vector_store %arg9[%swap3A, %swap3A_145], %add3A_144 {strides = array<i32>} : memref<1x128xf32, #tpu.memory_space<vmem>>, vector<1x128xf32>,
    return
  }
  func.func @transform_0(%arg0: i32) -> (i32, i32, i32) {
    %c0_i32 = arith.constant 0 : i32
    %c0_i32_0 = arith.constant 0 : i32
    %c0_i32_1 = arith.constant 0 : i32
    return %c0_i32, %c0_i32_0, %arg0 : i32, i32, i32
  }
  func.func @transform_1(%arg0: i32) -> (i32, i32, i32) {
    %c0_i32 = arith.constant 0 : i32
    %c0_i32_0 = arith.constant 0 : i32
    %c0_i32_1 = arith.constant 0 : i32
    return %c0_i32, %c0_i32_0, %arg0 : i32, i32, i32
  }
  func.func @transform_2(%arg0: i32) -> (i32, i32) {
    %c0_i32 = arith.constant 0 : i32
    %c0_i32_0 = arith.constant 0 : i32
    return %c0_i32, %arg0 : i32, i32
  }
  func.func @transform_3(%arg0: i32) -> (i32, i32) {
    %c0_i32 = arith.constant 0 : i32
    %c0_i32_0 = arith.constant 0 : i32
    return %c0_i32, %arg0 : i32, i32
  }
  func.func @transform_4(%arg0: i32) -> (i32, i32) {
    %c0_i32 = arith.constant 0 : i32
    %c0_i32_0 = arith.constant 0 : i32
    return %c0_i32, %arg0 : i32, i32
  }
  func.func @transform_5(%arg0: i32) -> (i32, i32) {
    %c0_i32 = arith.constant 0 : i32
    %c0_i32_0 = arith.constant 0 : i32
    return %c0_i32, %arg0 : i32, i32
  }
  func.func @transform_6(%arg0: i32) -> (i32, i32, i32) {
    %c0_i32 = arith.constant 0 : i32
    %c0_i32_0 = arith.constant 0 : i32
    %c0_i32_1 = arith.constant 0 : i32
    %c0_i32_2 = arith.constant 0 : i32
    return %c0_i32, %c0_i32_0, %c0_i32_1 : i32, i32, i32
  }
  func.func @transform_7(%arg0: i32) -> (i32, i32, i32) {
    %c0_i32 = arith.constant 0 : i32
    %c0_i32_0 = arith.constant 0 : i32
    %c0_i32_1 = arith.constant 0 : i32
    %c0_i32_2 = arith.constant 0 : i32
    return %c0_i32, %c0_i32_0, %c0_i32_1 : i32, i32, i32
  }
  func.func @transform_8(%arg0: i32) -> (i32, i32) {
    %c0_i32 = arith.constant 0 : i32
    %c0_i32_0 = arith.constant 0 : i32
    %c0_i32_1 = arith.constant 0 : i32
    return %c0_i32, %c0_i32_0 : i32, i32
  }
}

</mosaic_0001>

<sc_bundles>
// kernel: kernel.5.cloned.1.call-start
scs
__scs_entry_jumppad:
0x0: {  	(pc) =	sbr.rel $0x88, $3  }
0x1: {  	(tag) =	ssettag $0x0;
	lr =	simm.s32 $0x1  }
0x2: {  	[smem:$0x3F9D] =	sst lr;
	_ =	strace $0xD0000000  }
0x3: {  	_ = 	snop  }
0x4: {  	_ = 	snop  }
0x5: {  	_ = 	snop  }
0x6: {  	_ = 	snop  }
0x7: {  	_ = 	snop  }
__scs_overlays_trampoline_lowered:
0x8: {  	[smem:$0x3FAC] =	sst s0  }
0x9: {  	[smem:$0x3FAD] =	sst s1  }
0xa: {  	[smem:$0x3FAE] =	sst s2  }
0xb: {  	[smem:$0x3FAF] =	sst s3  }
0xc: {  	[smem:$0x3FB0] =	sst s4  }
0xd: {  	[smem:$0x3FB1] =	sst s5  }
0xe: {  	[smem:$0x3FB2] =	sst s6  }
0xf: {  	[smem:$0x3FB3] =	sst s7  }
0x10: {  	[smem:$0x3FB4] =	sst s8  }
0x11: {  	[smem:$0x3FB5] =	sst s9;
	s0 =	simm.s32 @!p0 $0x0  }
0x12: {  	s1 =	sld [smem:$0x3F9B];
	s0 =	simm.s32 @p0 $0x1  }
0x13: {  	[smem:$0x3FB6] =	sst s0;
	s0 =	simm.s32 @!p1 $0x0  }
0x14: {  	s2 =	sld [smem:$0x3F9A];
	s0 =	simm.s32 @p1 $0x1  }
0x15: {  	[smem:$0x3FB7] =	sst s0;
	s0 =	simm.s32 @!p2 $0x0  }
0x16: {  	s3 =	sld [smem:$0x3FDB];
	s0 =	simm.s32 @p2 $0x1  }
0x17: {  	s4 =	simm.s32 $0x1BF5;
	[smem:$0x3FB9] =	sst s0  }
0x18: {  	s0 =	sld [smem:$0x3F9C];
	_ =	swait.ge [sflag:s4], $0x0  }
0x19: {  	s7 =	sld [smem:$0x3F9D]  }
0x1a: {  	s8 =	sadd.s32 $0xFFFFE003, lr  }
0x1b: {  	s9 =	sadd.s32 $0xFFFFFEF7, lr;
	s5 =	simm.s32 $0xFFFFFFFF;
	p2 =	slt.u32 s8, $0xFFFFF086  }
0x1c: {  	p1 =	slt.u32 s9, $0xF7A;
	s5 =	simm.s32 @!p2 $0x0  }
0x1d: {  	s5 =	simm.s32 @p1 $0x1;
	p0 =	seq.s32 s7, s2  }
0x1e: {  	s7 =	smul.u32 @!p0 $0xF7A, s2;
	p2 =	seq.s32 @!p0 s5, $0x0  }
0x1f: {  	s9 =	smul.u32 $0xF7A, s1;
	s8 =	simm.s32 @!p0 $0x1BF5;
	p2 =	por !p2, p0  }
0x20: {  	[sflag:s8] =	ssyncset.s32 @!p0 $0xFFFFF086;
	s6 =	sadd.s32 @!p0 s3, s7;
	s7 =	simm.s32 @!p0 $0x108  }
0x21: {  	s3 =	sadd.s32 s3, s9;
	s6 =	sadd.s32 @!p0 $0x88, s6;
	s7 =	simm.s32 @p2 $0x1082  }
0x22: {  	[simem:s7], [sflag:s8] =	dma.local @!p0 [hbm:s6], $0xF7A  }
0x23: {  	s9 =	sor.u32 $0xD0000000, s2;
	s6 =	simm.s32 $0x108;
	_ =	swait.ge @!p0 [sflag:s8], $0x0  }
0x24: {  	s3 =	sadd.s32 $0x88, s3;
	s6 =	simm.s32 @!p1 $0x1082;
	[sflag:s4] =	ssyncset.s32 $0xFFFFF086  }
0x25: {  	[simem:s6], [sflag:s4] =	dma.local [hbm:s3], $0xF7A  }
0x26: {  	[smem:$0x3F9D] =	sst s1;
	(tag) =	ssettag s2;
	_ =	strace s9  }
0x27: {  	s1 =	sld [smem:$0x3FAD]  }
0x28: {  	s2 =	sld [smem:$0x3FAE]  }
0x29: {  	s4 =	sld [smem:$0x3FB0]  }
0x2a: {  	p0 =	seq.s32 s5, $0x0;
	s5 =	sld [smem:$0x3FB1]  }
0x2b: {  	s6 =	sld [smem:$0x3FB2]  }
0x2c: {  	s7 =	sld [smem:$0x3FB3]  }
0x2d: {  	s3 =	simm.s32 $0x108;
	s8 =	sld [smem:$0x3FB4]  }
0x2e: {  	s3 =	simm.s32 @!p0 $0x1082;
	s9 =	sld [smem:$0x3FB5]  }
0x2f: {  	lr =	sadd.s32 s0, s3;
	s0 =	sld [smem:$0x3FAC]  }
0x30: {  	s3 =	sld [smem:$0x3FAF]  }
0x31: {  	[smem:$0x3FB8] =	sst s10  }
0x32: {  	s10 =	sld [smem:$0x3FB6];
	_ =	sdelay $0x3  }
0x33: {  	p0 =	seq.s32 s10, $0x1;
	s10 =	sld [smem:$0x3FB8];
	_ =	sdelay $0x3  }
0x34: {  	[smem:$0x3FB8] =	sst s10  }
0x35: {  	s10 =	sld [smem:$0x3FB7];
	_ =	sdelay $0x3  }
0x36: {  	p1 =	seq.s32 s10, $0x1;
	s10 =	sld [smem:$0x3FB8];
	_ =	sdelay $0x3  }
0x37: {  	[smem:$0x3FB8] =	sst s10  }
0x38: {  	s10 =	sld [smem:$0x3FB9]  }
0x39: {  	_ = 	snop;
	(pc) =	sbr.ind lr, $3  }
0x3a: {  	_ = 	snop  }
0x3b: {  	_ = 	snop  }
0x3c: {  	p2 =	seq.s32 s10, $0x1;
	s10 =	sld [smem:$0x3FB8]  }
0x3d: {  	_ =	shalt  }
0x3e: {  	_ =	shalt  }
0x3f: {  	_ =	shalt  }
0x40: {  	_ =	shalt  }
0x41: {  	_ =	shalt  }
0x42: {  	_ =	shalt  }
0x43: {  	_ =	shalt  }
0x44: {  	_ =	shalt  }
0x45: {  	_ =	shalt  }
0x46: {  	_ =	shalt  }
0x47: {  	_ =	shalt  }
0x48: {  	_ =	shalt  }
0x49: {  	_ =	shalt  }
0x4a: {  	_ =	shalt  }
0x4b: {  	_ =	shalt  }
0x4c: {  	_ =	shalt  }
0x4d: {  	_ =	shalt  }
0x4e: {  	_ =	shalt  }
0x4f: {  	_ =	shalt  }
0x50: {  	_ =	shalt  }
0x51: {  	_ =	shalt  }
0x52: {  	_ =	shalt  }
0x53: {  	_ =	shalt  }
0x54: {  	_ =	shalt  }
0x55: {  	_ =	shalt  }
0x56: {  	_ =	shalt  }
0x57: {  	_ =	shalt  }
0x58: {  	_ =	shalt  }
0x59: {  	_ =	shalt  }
0x5a: {  	_ =	shalt  }
0x5b: {  	_ =	shalt  }
0x5c: {  	_ =	shalt  }
0x5d: {  	_ =	shalt  }
0x5e: {  	_ =	shalt  }
0x5f: {  	_ =	shalt  }
0x60: {  	_ =	shalt  }
0x61: {  	_ =	shalt  }
0x62: {  	_ =	shalt  }
0x63: {  	_ =	shalt  }
0x64: {  	_ =	shalt  }
0x65: {  	_ =	shalt  }
0x66: {  	_ =	shalt  }
0x67: {  	_ =	shalt  }
0x68: {  	_ =	shalt  }
0x69: {  	_ =	shalt  }
0x6a: {  	_ =	shalt  }
0x6b: {  	_ =	shalt  }
0x6c: {  	_ =	shalt  }
0x6d: {  	_ =	shalt  }
0x6e: {  	_ =	shalt  }
0x6f: {  	_ =	shalt  }
0x70: {  	_ =	shalt  }
0x71: {  	_ =	shalt  }
0x72: {  	_ =	shalt  }
0x73: {  	_ =	shalt  }
0x74: {  	_ =	shalt  }
0x75: {  	_ =	shalt  }
0x76: {  	_ =	shalt  }
0x77: {  	_ =	shalt  }
0x78: {  	_ =	shalt  }
0x79: {  	_ =	shalt  }
0x7a: {  	_ =	shalt  }
0x7b: {  	_ =	shalt  }
0x7c: {  	_ =	shalt  }
0x7d: {  	_ =	shalt  }
0x7e: {  	_ =	shalt  }
0x7f: {  	_ =	shalt  }
0x80: {  	_ =	shalt  }
0x81: {  	_ =	shalt  }
0x82: {  	_ =	shalt  }
0x83: {  	_ =	shalt  }
0x84: {  	_ =	shalt  }
0x85: {  	_ =	shalt  }
0x86: {  	_ =	shalt  }
0x87: {  	_ =	shalt  }
.Lfunc_end0:
.L_simem_size_0:
called_computation_lowered:
.L_overlay_start_0:
0x88: {  	s2 =	sld [smem:$0x3FD9]  }
0x89: {  	s3 =	sld [smem:$0x3FFE];
	_ =	sdelay $0x1  }
0x8a: {  	s1 =	srdreg.scid  }
0x8b: {  	s0 =	sand.u32 $0x1, s1  }
0x8c: {  	s16 =	sshll.u32 s0, $0xA;
	s2 =	sadd.s32 s3, s2  }
0x8d: {  	s2 =	sadd.s32 s2, s16  }
0x8e: {  	[smem:$0x3FC4] =	sst s2  }
0x8f: {  	_ = 	snop  }
0x90: {  	(tm) =	ssettm $0x1  }
0x91: {  	s17 =	sld [smem:$0x3FFB];
	_ =	sdelay $0x3  }
0x92: {  	_ =	strace s17  }
0x93: {  	s2 =	sld [smem:$0x3FFC];
	_ =	sdelay $0x3  }
0x94: {  	_ =	strace s2  }
0x95: {  	s2 =	sld [smem:$0x3FFD];
	_ =	sdelay $0x3  }
0x96: {  	_ =	strace s2  }
0x97: {  	_ =	strace $0x8FFFFFFF  }
0x98: {  	s18 =	sld [smem:$0x3FDB];
	_ =	sdelay $0x1  }
0x99: {  	s19 =	simm.s32 $_scs_section_size  }
0x9a: {  	s4 =	simm.s32 $_size__tile_overlayer_lowered;
	s5 =	simm.s32 $_tile_overlayer_lowered  }
0x9b: {  	s22 =	simm.s32 $0x1BFF;
	s21 =	sshll.u32 s5, $0x1;
	s2 =	sadd.s32 s19, s18  }
0x9c: {  	s6 =	simm.s32 $0x0;
	s20 =	sshll.u32 s4, $0x1;
	s4 =	sadd.s32 s21, s2  }
0x9d: {  	[timem:s6], [sflag:s22] =	dma.local [hbm:s4], s20  }
0x9e: {  	_ =	swait.ge [sflag:s22], s20  }
0x9f: {  	s3 =	ssub.s32 $0x0, s20;
	[sflag:s22] =	ssyncset.done $0x0  }
0xa0: {  	[sflag:s22] =	ssyncadd.s32 s3;
	_ =	sdelay $0x1  }
0xa1: {  	s23 =	simm.s32 $0x1B8B  }
0xa2: {  	_ =	swait.ge [sflag:s23], $0x1  }
0xa3: {  	[sflag:s23] =	ssyncset.done $0x0  }
0xa4: {  	s25 =	simm.s32 $0x1B8E;
	s24 =	sld [smem:$0x3FFE];
	[sflag:s23] =	ssyncadd.s32 $0xFFFFFFFF  }
0xa5: {  	s26 =	simm.s32 $execute0_lowered;
	[smem:$0x3FD2] =	sst s25  }
0xa6: {  	s4 =	sshll.u32 s26, $0x1;
	_ =	strace $0x80000046;
	[dreg:$0x1] =	wrdreg $0xFFFFFFFF  }
0xa7: {  	s28 =	simm.s32 $_size_execute0_lowered;
	s2 =	sadd.s32 s2, s4;
	[dreg:$0x0] =	wrdreg $0x0  }
0xa8: {  	s4 =	sshll.u32 s28, $0x1;
	[dreg:$0x2] =	wrdreg s2  }
0xa9: {  	[dreg:$0x3] =	wrdreg s4  }
0xaa: {  	[dreg:$0x4] =	wrdreg $0xC0  }
0xab: {  	_ =	task [dreg:s6], $0x5FFFF  }
0xac: {  	[dreg:$0x1] =	wrdreg $0xFFFFFFFF  }
0xad: {  	[dreg:$0x0] =	wrdreg $0x60  }
0xae: {  	[dreg:$0x2] =	wrdreg s24  }
0xaf: {  	[dreg:$0x3] =	wrdreg $0x9  }
0xb0: {  	_ =	task.clear_ibuf [dreg:s6], $0x4FFFF;
	_ =	strace $0x90000046  }
0xb1: {  	s29 =	simm.s32 $0x9;
	_ =	strace $0x80000048  }
0xb2: {  	_ =	swait.ge [sflag:s29], $0x1  }
0xb3: {  	[sflag:s29] =	ssyncadd.s32 $0xFFFFFFFF  }
0xb4: {  	_ =	strace $0x90000048  }
0xb5: {  	_ =	sfence  }
0xb6: {  	s30 =	sld [smem:$0x0];
	_ =	sdelay $0x2  }
0xb7: {  	s31 =	sshll.u32 s1, $0xD;
	s1 =	sshrl.u32 s1, $0x2  }
0xb8: {  	s3 =	sand.u32 $0x4000, s31;
	s1 =	sadd.s32 s1, s30  }
0xb9: {  	s0 =	sor.u32 s3, s0;
	s1 =	sshll.u32 s1, $0x11  }
0xba: {  	s0 =	sor.u32 s1, s0  }
0xbb: {  	s0 =	sadd.s32 $0x8F2B, s0  }
0xbc: {  	[sflag:s0] =	ssyncadd.remote.s32 $0x1  }
0xbd: {  	_ =	sfence.sel $0xFFFF  }
0xbe: {  	[dreg:$0x0] =	wrdreg $0xFFFFFFFF;
	(pc) =	sbr.abs _section_cstart, $3  }
0xbf: {  	[dreg:$0x1] =	wrdreg $0xFFFFFFFF  }
0xc0: {  	_ =	task.clear_ibuf [dreg:s6], $0x2FFFF;
	_ =	strace $0x9FFFFFFF  }
0xc1: {  	(tm) =	ssettm $0x7FFFFFFF  }
tec
execute0_lowered:
.L_overlay_start_1:
0x0: {  	(tag) =	ssettag $0x1  }
0x1: {  	s0 =	rddreg [dreg:$0x0];
	s1 =	simm.s32 $0x0  }
0x2: {  	s3 =	srdreg.scid;
	s24 =	stileid.u32;
	s28 =	simm.s32 $0x13400  }
0x3: {  	s29 =	simm.s32 $0x15000;
	s30 =	simm.s32 $0x16C00;
	s31 =	simm.s32 $0x0  }
0x4: {  	[smem:$0x7FF] =	sst s1;
	s2 =	sadd.s32 $0x800, s0;
	s11 =	sadd.s32 $0x31800, s0  }
0x5: {  	s12 =	sadd.s32 $0x6EC00, s0;
	s3 =	sand.u32 $0x1, s3;
	s4 =	sshll.u32 s24, $0x1  }
0x6: {  	s13 =	sadd.s32 $0x7B000, s0;
	s14 =	sadd.s32 $0x9FC00, s0;
	s15 =	sadd.s32 $0x62800, s0  }
0x7: {  	s16 =	sadd.s32 $0x87400, s0;
	s0 =	sadd.s32 $0x93800, s0;
	s4 =	sor.u32 s3, s4  }
0x8: {  	p0 =	sgt.u32 s24, $0xB;
	s3 =	ssub.s32 $0x2, s3;
	s5 =	smul.u32 $0x1C0, s4  }
0x9: {  	s24 =	simm.s32 $0xE000;
	s6 =	sshrl.u32 s3, $0x1;
	s10 =	smul.u32 $0x380, s4  }
0xa: {  	_ =	strace $0x80000047;
	s17 =	ssub.s32 s3, s6;
	s3 =	sadd.s32 s2, s5  }
0xb: {  	s4 =	sadd.s32 s11, s5;
	s5 =	sadd.s32 s12, s10;
	s18 =	sadd.s32 $0x7000, s10  }
0xc: {  	s6 =	sadd.s32 s13, s10;
	s7 =	sadd.s32 s14, s10;
	s21 =	sadd.s32 s12, s18  }
0xd: {  	s8 =	sadd.s32 s15, s10;
	s22 =	sadd.s32 s13, s18;
	[dreg:$0x4] =	wrdreg s21  }
0xe: {  	s9 =	sadd.s32 s16, s10;
	s23 =	sadd.s32 s14, s18;
	[dreg:$0x5] =	wrdreg s22  }
0xf: {  	s10 =	sadd.s32 s0, s10;
	s25 =	sadd.s32 s15, s18;
	[dreg:$0x6] =	wrdreg s23  }
0x10: {  	s19 =	sshrl.u32 s18, $0x1;
	s26 =	sadd.s32 s16, s18;
	[dreg:$0x7] =	wrdreg s25  }
.Ltmp0:
0x11: {  	s0 =	sadd.s32 s0, s18;
	[dreg:$0x8] =	wrdreg s26;
	(pc) =	sbr.rel .LBB2_1-.Ltmp0, $4  }
0x12: {  	s2 =	sadd.s32 s2, s19;
	s20 =	sadd.s32 s11, s19;
	[dreg:$0x9] =	wrdreg s0  }
0x13: {  	s19 =	smax.u32 s17, $0x1;
	s21 =	simm.s32 $0x31000;
	s22 =	simm.s32 $0x1  }
0x14: {  	s23 =	simm.s32 $0x7000;
	s25 =	simm.s32 $0xFC00;
	[dreg:$0x2] =	wrdreg s2  }
0x15: {  	v0 =	vimm.s32 $0x0;
	s26 =	simm.s32 $0x11800;
	[dreg:$0x3] =	wrdreg s20;
	s20 =	simm.s32 $0xE00  }
.LBB2_34:
0x16: {  	v15 =	vpop (erf)  }
0x17: {  	v16 =	vpop (erf)  }
0x18: {  	v17 =	vpop (erf)  }
0x19: {  	v14 =	vadd.f32 v16, v14;
	v58 =	vpop (erf)  }
0x1a: {  	v16 =	vadd.f32 v58, v17;
	v59 =	vpop (erf)  }
0x1b: {  	v14 =	vadd.f32 v14, v15;
	v60 =	vpop (erf)  }
0x1c: {  	v15 =	vadd.f32 v16, v60  }
0x1d: {  	v14 =	vadd.f32 v14, v59;
	v61 =	vpop (erf)  }
0x1e: {  	v15 =	vadd.f32 v15, v61  }
0x1f: {  	(erf) = vrcp.f32 v14  }
0x20: {  	(erf) = vrcp.f32 v15;
	_ =	sdelay $0x7  }
0x21: {  	v14 =	vpop (erf)  }
0x22: {  	vm1 =	vgt.f32 v6, v11;
	v62 =	vpop (erf)  }
0x23: {  	v13 =	vsel vm1, $0x3, v13;
	vm2 =	vge.f32 v62, v14  }
0x24: {  	v12 =	vsel vm2, v13, v12  }
0x25: {  	vm3 =	vmneg vm2;
	vm1 =	vmand vm2, vm1;
	vm15 =	veq.s32 v12, $0x1  }
0x26: {  	vm0 =	vmand vm3, vm0;
	vm4 =	veq.s32 v12, $0x2;
	v5 =	vsel vm15, v5, v9  }
0x27: {  	v3 =	vsel vm15, v3, v4;
	vm0 =	vmor vm1, vm0;
	v63 =	vsel vm4, v8, v5  }
0x28: {  	[tilespmem:s11+$0x11800] =	vst v13;
	v1 =	vsel vm4, v1, v3;
	v3 =	vsel vm0, v6, v63  }
0x29: {  	[tilespmem:s11+$0xFC00] =	vst v14;
	v1 =	vsel vm0, v2, v1;
	v2 =	vsub.f32 v10, v3  }
0x2a: {  	[tilespmem:s11+$0xE000] =	vst v62;
	v1 =	vsub.f32 v7, v1  }
0x2b: {  	[tilespmem:s11+$0x15000] =	vst v2  }
0x2c: {  	s0 =	rddreg [dreg:$0x4];
	[tilespmem:s11+$0x16C00] =	vst v1  }
0x2d: {  	[hbm4b:s0+s1] =	stream.linear.scatter [tilespmem:s24], [sflag:$0x1], $0x1C00, $0x38;
	[tilespmem:$0x18800] =	vst v63  }
0x2e: {  	_ =	swait.ge [sflag:s22], $0x1C00  }
0x2f: {  	[sflag:s22] =	ssyncset.done $0x0  }
0x30: {  	s14 =	rddreg [dreg:$0x5];
	[sflag:s22] =	ssyncadd.s32 $0xFFFFE400  }
0x31: {  	[hbm4b:s14+s1] =	stream.linear.scatter [tilespmem:s25], [sflag:$0x1], $0x1C00, $0x38;
	[tilespmem:$0x18800] =	vst v63  }
0x32: {  	_ =	swait.ge [sflag:s22], $0x1C00  }
0x33: {  	[sflag:s22] =	ssyncset.done $0x0  }
0x34: {  	s15 =	rddreg [dreg:$0x6];
	[sflag:s22] =	ssyncadd.s32 $0xFFFFE400  }
0x35: {  	[hbm4b:s15+s1] =	stream.linear.scatter [tilespmem:s26], [sflag:$0x1], $0x1C00, $0x38;
	[tilespmem:$0x18800] =	vst v63  }
0x36: {  	_ =	swait.ge [sflag:s22], $0x1C00  }
0x37: {  	[sflag:s22] =	ssyncset.done $0x0  }
0x38: {  	s16 =	rddreg [dreg:$0x7];
	[sflag:s22] =	ssyncadd.s32 $0xFFFFE400  }
0x39: {  	[hbm4b:s16+s1] =	stream.linear.scatter [tilespmem:s28], [sflag:$0x1], $0x1C00, $0x38;
	[tilespmem:$0x18800] =	vst v63  }
0x3a: {  	_ =	swait.ge [sflag:s22], $0x1C00  }
0x3b: {  	[sflag:s22] =	ssyncset.done $0x0  }
0x3c: {  	s17 =	rddreg [dreg:$0x8];
	[sflag:s22] =	ssyncadd.s32 $0xFFFFE400  }
0x3d: {  	[hbm4b:s17+s1] =	stream.linear.scatter [tilespmem:s29], [sflag:$0x1], $0x1C00, $0x38;
	[tilespmem:$0x18800] =	vst v63  }
0x3e: {  	_ =	swait.ge [sflag:s22], $0x1C00  }
0x3f: {  	[sflag:s22] =	ssyncset.done $0x0  }
0x40: {  	s18 =	rddreg [dreg:$0x9];
	[sflag:s22] =	ssyncadd.s32 $0xFFFFE400  }
0x41: {  	[hbm4b:s18+s1] =	stream.linear.scatter [tilespmem:s30], [sflag:$0x1], $0x1C00, $0x38;
	[tilespmem:$0x18800] =	vst v63  }
0x42: {  	_ =	swait.ge [sflag:s22], $0x1C00  }
0x43: {  	[sflag:s22] =	ssyncset.done $0x0  }
0x44: {  	[sflag:s22] =	ssyncadd.s32 $0xFFFFE400  }
.LBB2_35:
0x45: {  	s31 =	sadd.s32 $0x1, s31  }
0x46: {  	p1 =	sne.s32 s31, s19  }
.Ltmp1:
0x47: {  	_ = 	snop;
	(pc) =	sbr.rel @!p1 .LBB2_36-.Ltmp1, $1  }
0x48: {  	_ =	sdelay $0x3  }
.LBB2_1:
0x49: {  	[tilespmem:s1], [sflag:$0x1] =	stream.strided.gather [hbm4b:s3+s20], $0x7000, s21, s20, $0x38;
	[tilespmem:$0x18800] =	vst v63  }
0x4a: {  	_ =	swait.ge [sflag:s22], $0x7000  }
0x4b: {  	[sflag:s22] =	ssyncset.done $0x0  }
0x4c: {  	[sflag:s22] =	ssyncadd.s32 $0xFFFF9000  }
0x4d: {  	[tilespmem:s23], [sflag:$0x1] =	stream.strided.gather [hbm4b:s4+s20], $0x7000, s21, s20, $0x38;
	[tilespmem:$0x18800] =	vst v63  }
0x4e: {  	_ =	swait.ge [sflag:s22], $0x7000  }
0x4f: {  	s0 =	sand.u32 $0x70, s1;
	s2 =	simm.s32 $0x0;
	[sflag:s22] =	ssyncset.done $0x0  }
0x50: {  	s2 =	sor.u32 s0, s2;
	[sflag:s22] =	ssyncadd.s32 $0xFFFF9000  }
0x51: {  	v1 =	vld [tilespmem:s2+$0x180]  }
0x52: {  	v3 =	vld [tilespmem:s2+$0x80]  }
0x53: {  	v2 =	vld [tilespmem:s2+$0x7080]  }
0x54: {  	v7 =	vld [tilespmem:s2+$0x0]  }
0x55: {  	v5 =	vld [tilespmem:s2+$0x100]  }
0x56: {  	v8 =	vld [tilespmem:s2+$0x7000]  }
0x57: {  	v6 =	vld [tilespmem:s2+$0x7100]  }
0x58: {  	v4 =	vld [tilespmem:s2+$0x7180];
	_ =	sdelay $0x1  }
0x59: {  	v11 =	vmax.f32 v7, v3  }
0x5a: {  	v13 =	vmax.f32 v8, v2;
	v12 =	vmax.f32 v11, v5  }
0x5b: {  	v14 =	vmax.f32 v13, v6;
	v9 =	vmax.f32 v12, v1  }
0x5c: {  	v10 =	vmax.f32 v14, v4;
	v15 =	vsub.f32 v7, v9  }
0x5d: {  	v16 =	vsub.f32 v8, v10  }
0x5e: {  	v17 =	vsub.f32 v2, v10;
	v15 =	vmul.f32 $1.442695020e+00, v15  }
0x5f: {  	v18 =	vsub.f32 v3, v9;
	v16 =	vmul.f32 $1.442695020e+00, v16  }
0x60: {  	v19 =	vsub.f32 v6, v10;
	v17 =	vmul.f32 $1.442695020e+00, v17;
	(erf) = vpow2.f32 v15  }
0x61: {  	v18 =	vmul.f32 $1.442695020e+00, v18;
	(erf) = vpow2.f32 v16  }
0x62: {  	v19 =	vmul.f32 $1.442695020e+00, v19;
	(erf) = vpow2.f32 v17  }
0x63: {  	v15 =	vsub.f32 v5, v9;
	(erf) = vpow2.f32 v18  }
0x64: {  	v54 =	vsub.f32 v4, v10;
	(erf) = vpow2.f32 v19  }
0x65: {  	v55 =	vsub.f32 v1, v9;
	v15 =	vmul.f32 $1.442695020e+00, v15  }
0x66: {  	v16 =	vmul.f32 $1.442695020e+00, v54  }
0x67: {  	v17 =	vmul.f32 $1.442695020e+00, v55;
	(erf) = vpow2.f32 v15  }
0x68: {  	(erf) = vpow2.f32 v16  }
0x69: {  	(erf) = vpow2.f32 v17;
	v15 =	vpop (erf)  }
0x6a: {  	v56 =	vpop (erf)  }
0x6b: {  	v57 =	vpop (erf)  }
0x6c: {  	vm0 =	vgt.f32 v3, v7;
	v16 =	vadd.f32 v57, v56;
	v58 =	vpop (erf)  }
0x6d: {  	v59 =	vsel vm0, $0x1, v0;
	vm0 =	vgt.f32 v5, v11;
	v11 =	vadd.f32 v58, v15;
	v15 =	vpop (erf)  }
0x6e: {  	v15 =	vadd.f32 v16, v15;
	_ =	sdelay $0x1  }
0x6f: {  	v60 =	vsel vm0, $0x2, v59;
	vm0 =	vgt.f32 v2, v8;
	v61 =	vpop (erf)  }
0x70: {  	v62 =	vsel vm0, $0x1, v0;
	vm0 =	vgt.f32 v6, v13;
	v13 =	vadd.f32 v11, v61;
	v11 =	vpop (erf)  }
0x71: {  	vm1 =	vgt.f32 v4, v14;
	v14 =	vadd.f32 v15, v11;
	v15 =	vpop (erf)  }
0x72: {  	v13 =	vadd.f32 v13, v15  }
0x73: {  	s18 =	simm.s32 $0x0;
	v63 =	vsel vm0, $0x2, v62;
	vm0 =	vgt.f32 v1, v12;
	(erf) = vrcp.f32 v14  }
0x74: {  	s12 =	sor.u32 s0, s18;
	v12 =	vsel vm0, $0x3, v60;
	(erf) = vrcp.f32 v13  }
0x75: {  	[tilespmem:s12+$0x11800] =	vst v12;
	v11 =	vsel vm1, $0x3, v63  }
0x76: {  	s11 =	simm.s32 $0x0;
	s2 =	simm.s32 $0x1;
	[tilespmem:s12+$0x13400] =	vst v11  }
.LBB2_2:
0x77: {  	p1 =	sne.s32 s2, $0x37  }
0x78: {  	s11 =	sadd.s32 $0x10, s11;
	s0 =	smov.u32 s2;
	s2 =	sadd.s32 $0x1, s2  }
0x79: {  	_ =	sdelay $0x2  }
0x7a: {  	v13 =	vpop (erf)  }
0x7b: {  	[tilespmem:s12+$0xFC00] =	vst v13;
	v14 =	vpop (erf)  }
0x7c: {  	s13 =	sshrl.u32 s0, $0x3;
	vm2 =	vge.f32 v14, v13;
	[tilespmem:s12+$0xE000] =	vst v14  }
0x7d: {  	s0 =	sand.u32 $0x70, s11;
	s14 =	sshll.u32 s13, $0x9;
	v11 =	vsel vm2, v12, v11;
	vm0 =	vmand vm2, vm0;
	vm2 =	vmneg vm2  }
0x7e: {  	s14 =	sor.u32 s0, s14;
	vm3 =	veq.s32 v11, $0x1;
	vm1 =	vmand vm2, vm1  }
0x7f: {  	vm2 =	veq.s32 v11, $0x2;
	v3 =	vsel vm3, v3, v7;
	v2 =	vsel vm3, v2, v8  }
0x80: {  	vm0 =	vmor vm0, vm1;
	v3 =	vsel vm2, v5, v3;
	v2 =	vsel vm2, v6, v2  }
0x81: {  	v1 =	vsel vm0, v1, v3;
	v2 =	vsel vm0, v4, v2  }
0x82: {  	v1 =	vsub.f32 v9, v1;
	v2 =	vsub.f32 v10, v2;
	_ =	sdelay $0x1  }
0x83: {  	[tilespmem:s12+$0x15000] =	vst v1  }
0x84: {  	[tilespmem:s12+$0x16C00] =	vst v2  }
0x85: {  	v1 =	vld [tilespmem:s14+$0x180]  }
0x86: {  	v3 =	vld [tilespmem:s14+$0x80]  }
0x87: {  	v2 =	vld [tilespmem:s14+$0x7080]  }
0x88: {  	v7 =	vld [tilespmem:s14+$0x0]  }
0x89: {  	v5 =	vld [tilespmem:s14+$0x100]  }
0x8a: {  	v8 =	vld [tilespmem:s14+$0x7000]  }
0x8b: {  	v6 =	vld [tilespmem:s14+$0x7100]  }
0x8c: {  	v4 =	vld [tilespmem:s14+$0x7180]  }
0x8d: {  	vm0 =	vgt.f32 v3, v7;
	v9 =	vmax.f32 v7, v3  }
0x8e: {  	v10 =	vsel vm0, $0x1, v0;
	vm1 =	vgt.f32 v5, v9;
	v9 =	vmax.f32 v9, v5  }
0x8f: {  	vm0 =	vgt.f32 v1, v9;
	v9 =	vmax.f32 v9, v1;
	v11 =	vmax.f32 v8, v2  }
0x90: {  	v12 =	vsel vm1, $0x2, v10;
	v13 =	vsub.f32 v7, v9;
	v14 =	vmax.f32 v11, v6  }
0x91: {  	v15 =	vsub.f32 v3, v9;
	v16 =	vsub.f32 v5, v9;
	v10 =	vmax.f32 v14, v4  }
0x92: {  	vm1 =	vgt.f32 v2, v8;
	v17 =	vsub.f32 v8, v10;
	v18 =	vsub.f32 v2, v10  }
0x93: {  	v13 =	vmul.f32 $1.442695020e+00, v13;
	v19 =	vsub.f32 v6, v10;
	v20 =	vsub.f32 v4, v10  }
0x94: {  	v21 =	vsub.f32 v1, v9;
	v17 =	vmul.f32 $1.442695020e+00, v17;
	v18 =	vmul.f32 $1.442695020e+00, v18  }
0x95: {  	v22 =	vsel vm1, $0x1, v0;
	v15 =	vmul.f32 $1.442695020e+00, v15;
	(erf) = vpow2.f32 v13  }
0x96: {  	vm1 =	vgt.f32 v6, v11;
	v13 =	vmul.f32 $1.442695020e+00, v16;
	(erf) = vpow2.f32 v17  }
0x97: {  	v11 =	vsel vm1, $0x2, v22;
	v16 =	vmul.f32 $1.442695020e+00, v19;
	(erf) = vpow2.f32 v18  }
0x98: {  	s12 =	sshll.u32 s13, $0xA;
	vm1 =	vgt.f32 v4, v14;
	v17 =	vmul.f32 $1.442695020e+00, v21;
	(erf) = vpow2.f32 v15  }
0x99: {  	s12 =	sor.u32 s0, s12;
	v11 =	vsel vm1, $0x3, v11;
	v14 =	vmul.f32 $1.442695020e+00, v20;
	(erf) = vpow2.f32 v16  }
0x9a: {  	v12 =	vsel vm0, $0x3, v12;
	[tilespmem:s12+$0x13400] =	vst v11;
	(erf) = vpow2.f32 v13  }
0x9b: {  	[tilespmem:s12+$0x11800] =	vst v12;
	(erf) = vpow2.f32 v14  }
0x9c: {  	(erf) = vpow2.f32 v17;
	_ =	sdelay $0x1  }
0x9d: {  	v13 =	vpop (erf)  }
0x9e: {  	v14 =	vpop (erf)  }
0x9f: {  	v15 =	vpop (erf)  }
0xa0: {  	v14 =	vadd.f32 v15, v14;
	v15 =	vpop (erf)  }
0xa1: {  	v13 =	vadd.f32 v15, v13;
	v15 =	vpop (erf)  }
0xa2: {  	v14 =	vadd.f32 v14, v15;
	v15 =	vpop (erf)  }
0xa3: {  	v13 =	vadd.f32 v13, v15;
	v15 =	vpop (erf)  }
0xa4: {  	v14 =	vadd.f32 v14, v15;
	v15 =	vpop (erf)  }
0xa5: {  	v13 =	vadd.f32 v13, v15  }
.Ltmp2:
0xa6: {  	(erf) = vrcp.f32 v14;
	(pc) =	sbr.rel @p1 .LBB2_2-.Ltmp2, $2  }
0xa7: {  	(erf) = vrcp.f32 v13;
	_ =	sdelay $0x2  }
0xa8: {  	s0 =	simm.s32 $0x0  }
0xa9: {  	_ =	sdelay $0x3  }
0xaa: {  	v13 =	vpop (erf)  }
0xab: {  	v14 =	vpop (erf)  }
0xac: {  	vm2 =	vge.f32 v14, v13  }
0xad: {  	v11 =	vsel vm2, v12, v11  }
0xae: {  	vm0 =	vmand vm2, vm0;
	vm2 =	vmneg vm2;
	vm3 =	veq.s32 v11, $0x1  }
0xaf: {  	vm1 =	vmand vm2, vm1;
	vm2 =	veq.s32 v11, $0x2;
	v3 =	vsel vm3, v3, v7  }
0xb0: {  	v2 =	vsel vm3, v2, v8;
	vm0 =	vmor vm0, vm1;
	v3 =	vsel vm2, v5, v3  }
0xb1: {  	v2 =	vsel vm2, v6, v2;
	v1 =	vsel vm0, v1, v3  }
0xb2: {  	[tilespmem:s12+$0xFC00] =	vst v13;
	v2 =	vsel vm0, v4, v2;
	v1 =	vsub.f32 v9, v1  }
0xb3: {  	[tilespmem:s12+$0xE000] =	vst v14;
	v2 =	vsub.f32 v10, v2  }
0xb4: {  	s2 =	sand.u32 $0x70, s0;
	s11 =	simm.s32 $0x0;
	[tilespmem:s12+$0x15000] =	vst v1  }
0xb5: {  	[tilespmem:s12+$0x16C00] =	vst v2;
	s12 =	sor.u32 s2, s11  }
0xb6: {  	v1 =	vld [tilespmem:s12+$0xF00]  }
0xb7: {  	v2 =	vld [tilespmem:s12+$0x7E00]  }
0xb8: {  	v6 =	vld [tilespmem:s12+$0xE00]  }
0xb9: {  	v8 =	vld [tilespmem:s12+$0xE80]  }
0xba: {  	v7 =	vld [tilespmem:s12+$0x7E80]  }
0xbb: {  	v4 =	vld [tilespmem:s12+$0x7F00]  }
0xbc: {  	v3 =	vld [tilespmem:s12+$0xF80]  }
0xbd: {  	v5 =	vld [tilespmem:s12+$0x7F80];
	_ =	sdelay $0x1  }
0xbe: {  	vm0 =	vgt.f32 v8, v6;
	v16 =	vmax.f32 v6, v8;
	vm1 =	vgt.f32 v7, v2  }
0xbf: {  	v10 =	vmax.f32 v2, v7;
	v11 =	vmax.f32 v16, v1;
	v12 =	vsel vm1, $0x1, v0  }
0xc0: {  	vm1 =	vgt.f32 v4, v10;
	v14 =	vmax.f32 v10, v4;
	v9 =	vmax.f32 v11, v3  }
0xc1: {  	vm2 =	vgt.f32 v1, v16;
	v10 =	vmax.f32 v14, v5;
	v13 =	vsub.f32 v6, v9  }
0xc2: {  	v12 =	vsel vm1, $0x2, v12;
	v15 =	vsub.f32 v8, v9;
	v17 =	vsub.f32 v2, v10  }
0xc3: {  	vm1 =	vgt.f32 v5, v14;
	v18 =	vsub.f32 v7, v10;
	v19 =	vmul.f32 $1.442695020e+00, v13  }
0xc4: {  	v22 =	vsub.f32 v5, v10;
	v20 =	vmul.f32 $1.442695020e+00, v15;
	v17 =	vmul.f32 $1.442695020e+00, v17  }
0xc5: {  	v21 =	vsub.f32 v1, v9;
	v18 =	vmul.f32 $1.442695020e+00, v18;
	(erf) = vpow2.f32 v19  }
0xc6: {  	s11 =	simm.s32 $0x0;
	v13 =	vsub.f32 v4, v10;
	v14 =	vmul.f32 $1.442695020e+00, v22;
	(erf) = vpow2.f32 v17  }
0xc7: {  	s15 =	sor.u32 s2, s11;
	v12 =	vsel vm1, $0x3, v12;
	v16 =	vmul.f32 $1.442695020e+00, v21;
	(erf) = vpow2.f32 v18  }
0xc8: {  	s13 =	simm.s32 $0x1;
	s14 =	simm.s32 $0x0;
	[tilespmem:s15+$0x13480] =	vst v12;
	v15 =	vsub.f32 v3, v9;
	v13 =	vmul.f32 $1.442695020e+00, v13;
	(erf) = vpow2.f32 v20  }
.LBB2_4:
0xc9: {  	p1 =	sne.s32 s13, $0x37  }
0xca: {  	v15 =	vmul.f32 $1.442695020e+00, v15;
	s14 =	sadd.s32 $0x10, s14;
	(erf) = vpow2.f32 v13;
	s16 =	smov.u32 s13;
	s13 =	sadd.s32 $0x1, s13  }
0xcb: {  	(erf) = vpow2.f32 v16  }
0xcc: {  	(erf) = vpow2.f32 v14  }
0xcd: {  	(erf) = vpow2.f32 v15;
	_ =	sdelay $0x1  }
0xce: {  	v13 =	vpop (erf)  }
0xcf: {  	s17 =	sshrl.u32 s16, $0x3;
	v14 =	vpop (erf)  }
0xd0: {  	s16 =	sand.u32 $0x70, s14;
	s18 =	sshll.u32 s17, $0x9;
	s17 =	sshll.u32 s17, $0xA;
	v15 =	vpop (erf)  }
0xd1: {  	s18 =	sor.u32 s16, s18;
	v14 =	vadd.f32 v15, v14;
	v15 =	vpop (erf)  }
0xd2: {  	v13 =	vadd.f32 v15, v13;
	v15 =	vpop (erf)  }
0xd3: {  	v14 =	vadd.f32 v14, v15;
	v15 =	vpop (erf)  }
0xd4: {  	v13 =	vadd.f32 v13, v15;
	v15 =	vpop (erf)  }
0xd5: {  	v14 =	vadd.f32 v14, v15;
	v15 =	vpop (erf)  }
0xd6: {  	v13 =	vadd.f32 v13, v15  }
0xd7: {  	(erf) = vrcp.f32 v14  }
0xd8: {  	(erf) = vrcp.f32 v13;
	_ =	sdelay $0x7  }
0xd9: {  	v13 =	vsel vm0, $0x1, v0;
	v14 =	vpop (erf)  }
0xda: {  	vm0 =	vgt.f32 v3, v11;
	v13 =	vsel vm2, $0x2, v13;
	[tilespmem:s15+$0xFC80] =	vst v14;
	v11 =	vpop (erf)  }
0xdb: {  	v13 =	vsel vm0, $0x3, v13;
	vm2 =	vge.f32 v11, v14;
	[tilespmem:s15+$0xE080] =	vst v11  }
0xdc: {  	v11 =	vsel vm2, v13, v12;
	[tilespmem:s15+$0x11880] =	vst v13;
	vm3 =	vmneg vm2  }
0xdd: {  	vm0 =	vmand vm2, vm0;
	vm4 =	veq.s32 v11, $0x1;
	vm5 =	veq.s32 v11, $0x2  }
0xde: {  	vm1 =	vmand vm3, vm1;
	v6 =	vsel vm4, v8, v6;
	v2 =	vsel vm4, v7, v2  }
0xdf: {  	vm0 =	vmor vm0, vm1;
	v1 =	vsel vm5, v1, v6;
	v2 =	vsel vm5, v4, v2  }
0xe0: {  	v1 =	vsel vm0, v3, v1;
	v2 =	vsel vm0, v5, v2  }
0xe1: {  	v1 =	vsub.f32 v9, v1;
	v2 =	vsub.f32 v10, v2;
	_ =	sdelay $0x1  }
0xe2: {  	[tilespmem:s15+$0x15080] =	vst v1  }
0xe3: {  	[tilespmem:s15+$0x16C80] =	vst v2  }
0xe4: {  	v1 =	vld [tilespmem:s18+$0xF00]  }
0xe5: {  	v2 =	vld [tilespmem:s18+$0x7E00]  }
0xe6: {  	v6 =	vld [tilespmem:s18+$0xE00]  }
0xe7: {  	v8 =	vld [tilespmem:s18+$0xE80]  }
0xe8: {  	v7 =	vld [tilespmem:s18+$0x7E80]  }
0xe9: {  	v4 =	vld [tilespmem:s18+$0x7F00]  }
0xea: {  	v3 =	vld [tilespmem:s18+$0xF80]  }
0xeb: {  	v5 =	vld [tilespmem:s18+$0x7F80]  }
0xec: {  	vm0 =	vgt.f32 v8, v6  }
0xed: {  	v16 =	vmax.f32 v6, v8;
	vm1 =	vgt.f32 v7, v2  }
0xee: {  	v11 =	vmax.f32 v16, v1;
	v10 =	vmax.f32 v2, v7;
	v12 =	vsel vm1, $0x1, v0  }
0xef: {  	vm1 =	vgt.f32 v4, v10;
	v14 =	vmax.f32 v10, v4;
	v9 =	vmax.f32 v11, v3  }
0xf0: {  	v13 =	vsub.f32 v6, v9;
	v15 =	vsub.f32 v8, v9;
	v10 =	vmax.f32 v14, v5  }
0xf1: {  	v12 =	vsel vm1, $0x2, v12;
	v17 =	vsub.f32 v2, v10;
	v18 =	vsub.f32 v7, v10  }
0xf2: {  	v19 =	vmul.f32 $1.442695020e+00, v13;
	v20 =	vmul.f32 $1.442695020e+00, v15;
	v13 =	vsub.f32 v4, v10  }
.Ltmp3:
0xf3: {  	v21 =	vsub.f32 v1, v9;
	v17 =	vmul.f32 $1.442695020e+00, v17;
	v18 =	vmul.f32 $1.442695020e+00, v18;
	(pc) =	sbr.rel @p1 .LBB2_4-.Ltmp3, $4  }
0xf4: {  	v22 =	vsub.f32 v5, v10;
	v13 =	vmul.f32 $1.442695020e+00, v13;
	(erf) = vpow2.f32 v19  }
0xf5: {  	vm1 =	vgt.f32 v5, v14;
	v15 =	vsub.f32 v3, v9;
	(erf) = vpow2.f32 v17  }
0xf6: {  	s15 =	sor.u32 s16, s17;
	v12 =	vsel vm1, $0x3, v12;
	v14 =	vmul.f32 $1.442695020e+00, v22;
	(erf) = vpow2.f32 v18  }
0xf7: {  	vm2 =	vgt.f32 v1, v16;
	v16 =	vmul.f32 $1.442695020e+00, v21;
	[tilespmem:s15+$0x13480] =	vst v12;
	(erf) = vpow2.f32 v20  }
0xf8: {  	(erf) = vpow2.f32 v13  }
0xf9: {  	v13 =	vmul.f32 $1.442695020e+00, v15;
	(erf) = vpow2.f32 v16  }
0xfa: {  	(erf) = vpow2.f32 v14  }
0xfb: {  	(erf) = vpow2.f32 v13;
	_ =	sdelay $0x1  }
0xfc: {  	v13 =	vpop (erf)  }
0xfd: {  	v14 =	vpop (erf)  }
0xfe: {  	v15 =	vpop (erf)  }
0xff: {  	v14 =	vadd.f32 v15, v14;
	v15 =	vpop (erf)  }
0x100: {  	v13 =	vadd.f32 v15, v13;
	v15 =	vpop (erf)  }
0x101: {  	v14 =	vadd.f32 v14, v15;
	v15 =	vpop (erf)  }
0x102: {  	v13 =	vadd.f32 v13, v15;
	v15 =	vpop (erf)  }
0x103: {  	v14 =	vadd.f32 v14, v15;
	v15 =	vpop (erf)  }
0x104: {  	v13 =	vadd.f32 v13, v15  }
0x105: {  	(erf) = vrcp.f32 v14  }
0x106: {  	(erf) = vrcp.f32 v13;
	_ =	sdelay $0x7  }
0x107: {  	v13 =	vsel vm0, $0x1, v0;
	v14 =	vpop (erf)  }
0x108: {  	vm0 =	vgt.f32 v3, v11;
	v13 =	vsel vm2, $0x2, v13;
	v11 =	vpop (erf)  }
0x109: {  	v13 =	vsel vm0, $0x3, v13;
	vm2 =	vge.f32 v11, v14  }
0x10a: {  	v12 =	vsel vm2, v13, v12  }
0x10b: {  	vm3 =	vmneg vm2;
	vm0 =	vmand vm2, vm0;
	vm4 =	veq.s32 v12, $0x1  }
0x10c: {  	vm5 =	veq.s32 v12, $0x2;
	vm1 =	vmand vm3, vm1;
	v6 =	vsel vm4, v8, v6  }
0x10d: {  	v2 =	vsel vm4, v7, v2;
	vm0 =	vmor vm0, vm1;
	v1 =	vsel vm5, v1, v6  }
0x10e: {  	[tilespmem:s15+$0x11880] =	vst v13;
	v2 =	vsel vm5, v4, v2;
	v1 =	vsel vm0, v3, v1  }
0x10f: {  	[tilespmem:s15+$0xFC80] =	vst v14;
	v2 =	vsel vm0, v5, v2;
	v1 =	vsub.f32 v9, v1  }
0x110: {  	[tilespmem:s15+$0xE080] =	vst v11;
	v2 =	vsub.f32 v10, v2  }
0x111: {  	[tilespmem:s15+$0x15080] =	vst v1  }
0x112: {  	[tilespmem:s15+$0x16C80] =	vst v2  }
0x113: {  	v1 =	vld [tilespmem:s12+$0x1D80]  }
0x114: {  	v3 =	vld [tilespmem:s12+$0x1C80]  }
0x115: {  	v2 =	vld [tilespmem:s12+$0x8C80]  }
0x116: {  	v7 =	vld [tilespmem:s12+$0x1C00]  }
0x117: {  	v5 =	vld [tilespmem:s12+$0x1D00]  }
0x118: {  	v8 =	vld [tilespmem:s12+$0x8C00]  }
0x119: {  	v6 =	vld [tilespmem:s12+$0x8D00]  }
0x11a: {  	v4 =	vld [tilespmem:s12+$0x8D80];
	_ =	sdelay $0x1  }
0x11b: {  	v11 =	vmax.f32 v7, v3  }
0x11c: {  	v13 =	vmax.f32 v8, v2;
	v12 =	vmax.f32 v11, v5  }
0x11d: {  	v14 =	vmax.f32 v13, v6;
	v9 =	vmax.f32 v12, v1  }
0x11e: {  	v10 =	vmax.f32 v14, v4;
	v15 =	vsub.f32 v7, v9  }
0x11f: {  	v55 =	vsub.f32 v8, v10  }
0x120: {  	v17 =	vsub.f32 v2, v10;
	v15 =	vmul.f32 $1.442695020e+00, v15  }
0x121: {  	v18 =	vsub.f32 v3, v9;
	v16 =	vmul.f32 $1.442695020e+00, v55  }
0x122: {  	v19 =	vsub.f32 v6, v10;
	v17 =	vmul.f32 $1.442695020e+00, v17;
	(erf) = vpow2.f32 v15  }
0x123: {  	v18 =	vmul.f32 $1.442695020e+00, v18;
	(erf) = vpow2.f32 v16  }
0x124: {  	v19 =	vmul.f32 $1.442695020e+00, v19;
	(erf) = vpow2.f32 v17  }
0x125: {  	v15 =	vsub.f32 v5, v9;
	(erf) = vpow2.f32 v18  }
0x126: {  	v56 =	vsub.f32 v4, v10;
	(erf) = vpow2.f32 v19  }
0x127: {  	v57 =	vsub.f32 v1, v9;
	v15 =	vmul.f32 $1.442695020e+00, v15  }
0x128: {  	v16 =	vmul.f32 $1.442695020e+00, v56  }
0x129: {  	v17 =	vmul.f32 $1.442695020e+00, v57;
	(erf) = vpow2.f32 v15  }
0x12a: {  	(erf) = vpow2.f32 v16  }
0x12b: {  	(erf) = vpow2.f32 v17;
	v15 =	vpop (erf)  }
0x12c: {  	v58 =	vpop (erf)  }
0x12d: {  	v59 =	vpop (erf)  }
0x12e: {  	v16 =	vadd.f32 v59, v58;
	v60 =	vpop (erf)  }
0x12f: {  	vm0 =	vgt.f32 v3, v7;
	vm2 =	vgt.f32 v5, v11;
	v11 =	vadd.f32 v60, v15;
	v15 =	vpop (erf)  }
0x130: {  	v61 =	vsel vm0, $0x1, v0;
	vm0 =	vgt.f32 v1, v12;
	v12 =	vadd.f32 v16, v15;
	_ =	sdelay $0x1  }
0x131: {  	vm1 =	vgt.f32 v2, v8;
	v15 =	vpop (erf)  }
0x132: {  	v62 =	vsel vm1, $0x1, v0;
	vm1 =	vgt.f32 v6, v13;
	v13 =	vadd.f32 v11, v15;
	v11 =	vpop (erf)  }
0x133: {  	v15 =	vsel vm1, $0x2, v62;
	vm1 =	vgt.f32 v4, v14;
	v14 =	vadd.f32 v12, v11;
	v12 =	vpop (erf)  }
0x134: {  	v13 =	vadd.f32 v13, v12  }
0x135: {  	(erf) = vrcp.f32 v14  }
0x136: {  	s12 =	sor.u32 s2, s11;
	v63 =	vsel vm2, $0x2, v61;
	v11 =	vsel vm1, $0x3, v15;
	(erf) = vrcp.f32 v13  }
0x137: {  	v12 =	vsel vm0, $0x3, v63;
	[tilespmem:s12+$0x13500] =	vst v11  }
0x138: {  	s11 =	simm.s32 $0x1;
	[tilespmem:s12+$0x11900] =	vst v12  }
.LBB2_6:
0x139: {  	p1 =	sne.s32 s11, $0x37  }
0x13a: {  	s0 =	sadd.s32 $0x10, s0;
	s2 =	smov.u32 s11;
	s11 =	sadd.s32 $0x1, s11  }
0x13b: {  	_ =	sdelay $0x2  }
0x13c: {  	v13 =	vpop (erf)  }
0x13d: {  	[tilespmem:s12+$0xFD00] =	vst v13;
	v14 =	vpop (erf)  }
0x13e: {  	s13 =	sshrl.u32 s2, $0x3;
	vm2 =	vge.f32 v14, v13;
	[tilespmem:s12+$0xE100] =	vst v14  }
0x13f: {  	s2 =	sand.u32 $0x70, s0;
	s14 =	sshll.u32 s13, $0x9;
	v11 =	vsel vm2, v12, v11;
	vm0 =	vmand vm2, vm0;
	vm2 =	vmneg vm2  }
0x140: {  	s14 =	sor.u32 s2, s14;
	vm3 =	veq.s32 v11, $0x1;
	vm1 =	vmand vm2, vm1  }
0x141: {  	vm2 =	veq.s32 v11, $0x2;
	v3 =	vsel vm3, v3, v7;
	v2 =	vsel vm3, v2, v8  }
0x142: {  	vm0 =	vmor vm0, vm1;
	v3 =	vsel vm2, v5, v3;
	v2 =	vsel vm2, v6, v2  }
0x143: {  	v1 =	vsel vm0, v1, v3;
	v2 =	vsel vm0, v4, v2  }
0x144: {  	v1 =	vsub.f32 v9, v1;
	v2 =	vsub.f32 v10, v2;
	_ =	sdelay $0x1  }
0x145: {  	[tilespmem:s12+$0x15100] =	vst v1  }
0x146: {  	[tilespmem:s12+$0x16D00] =	vst v2  }
0x147: {  	v1 =	vld [tilespmem:s14+$0x1D80]  }
0x148: {  	v3 =	vld [tilespmem:s14+$0x1C80]  }
0x149: {  	v2 =	vld [tilespmem:s14+$0x8C80]  }
0x14a: {  	v7 =	vld [tilespmem:s14+$0x1C00]  }
0x14b: {  	v5 =	vld [tilespmem:s14+$0x1D00]  }
0x14c: {  	v8 =	vld [tilespmem:s14+$0x8C00]  }
0x14d: {  	v6 =	vld [tilespmem:s14+$0x8D00]  }
0x14e: {  	v4 =	vld [tilespmem:s14+$0x8D80]  }
0x14f: {  	vm0 =	vgt.f32 v3, v7;
	v9 =	vmax.f32 v7, v3  }
0x150: {  	v10 =	vsel vm0, $0x1, v0;
	vm1 =	vgt.f32 v5, v9;
	v9 =	vmax.f32 v9, v5  }
0x151: {  	vm0 =	vgt.f32 v1, v9;
	v9 =	vmax.f32 v9, v1;
	v11 =	vmax.f32 v8, v2  }
0x152: {  	v12 =	vsel vm1, $0x2, v10;
	v13 =	vsub.f32 v7, v9;
	v14 =	vmax.f32 v11, v6  }
0x153: {  	v15 =	vsub.f32 v3, v9;
	v16 =	vsub.f32 v5, v9;
	v10 =	vmax.f32 v14, v4  }
0x154: {  	vm1 =	vgt.f32 v2, v8;
	v17 =	vsub.f32 v8, v10;
	v18 =	vsub.f32 v2, v10  }
0x155: {  	v13 =	vmul.f32 $1.442695020e+00, v13;
	v19 =	vsub.f32 v6, v10;
	v20 =	vsub.f32 v4, v10  }
0x156: {  	v21 =	vsub.f32 v1, v9;
	v17 =	vmul.f32 $1.442695020e+00, v17;
	v18 =	vmul.f32 $1.442695020e+00, v18  }
0x157: {  	v22 =	vsel vm1, $0x1, v0;
	v15 =	vmul.f32 $1.442695020e+00, v15;
	(erf) = vpow2.f32 v13  }
0x158: {  	vm1 =	vgt.f32 v6, v11;
	v13 =	vmul.f32 $1.442695020e+00, v16;
	(erf) = vpow2.f32 v17  }
0x159: {  	v11 =	vsel vm1, $0x2, v22;
	v16 =	vmul.f32 $1.442695020e+00, v19;
	(erf) = vpow2.f32 v18  }
0x15a: {  	s12 =	sshll.u32 s13, $0xA;
	vm1 =	vgt.f32 v4, v14;
	v17 =	vmul.f32 $1.442695020e+00, v21;
	(erf) = vpow2.f32 v15  }
0x15b: {  	s12 =	sor.u32 s2, s12;
	v11 =	vsel vm1, $0x3, v11;
	v14 =	vmul.f32 $1.442695020e+00, v20;
	(erf) = vpow2.f32 v16  }
0x15c: {  	v12 =	vsel vm0, $0x3, v12;
	[tilespmem:s12+$0x13500] =	vst v11;
	(erf) = vpow2.f32 v13  }
0x15d: {  	[tilespmem:s12+$0x11900] =	vst v12;
	(erf) = vpow2.f32 v14  }
0x15e: {  	(erf) = vpow2.f32 v17;
	_ =	sdelay $0x1  }
0x15f: {  	v13 =	vpop (erf)  }
0x160: {  	v14 =	vpop (erf)  }
0x161: {  	v15 =	vpop (erf)  }
0x162: {  	v14 =	vadd.f32 v15, v14;
	v15 =	vpop (erf)  }
0x163: {  	v13 =	vadd.f32 v15, v13;
	v15 =	vpop (erf)  }
0x164: {  	v14 =	vadd.f32 v14, v15;
	v15 =	vpop (erf)  }
0x165: {  	v13 =	vadd.f32 v13, v15;
	v15 =	vpop (erf)  }
0x166: {  	v14 =	vadd.f32 v14, v15;
	v15 =	vpop (erf)  }
0x167: {  	v13 =	vadd.f32 v13, v15  }
.Ltmp4:
0x168: {  	(erf) = vrcp.f32 v14;
	(pc) =	sbr.rel @p1 .LBB2_6-.Ltmp4, $2  }
0x169: {  	(erf) = vrcp.f32 v13;
	_ =	sdelay $0x2  }
0x16a: {  	s2 =	simm.s32 $0x0  }
0x16b: {  	_ =	sdelay $0x3  }
0x16c: {  	v13 =	vpop (erf)  }
0x16d: {  	v14 =	vpop (erf)  }
0x16e: {  	vm2 =	vge.f32 v14, v13  }
0x16f: {  	v11 =	vsel vm2, v12, v11  }
0x170: {  	vm0 =	vmand vm2, vm0;
	vm2 =	vmneg vm2;
	vm3 =	veq.s32 v11, $0x1  }
0x171: {  	vm1 =	vmand vm2, vm1;
	vm2 =	veq.s32 v11, $0x2;
	v3 =	vsel vm3, v3, v7  }
0x172: {  	v2 =	vsel vm3, v2, v8;
	vm0 =	vmor vm0, vm1;
	v3 =	vsel vm2, v5, v3  }
0x173: {  	v2 =	vsel vm2, v6, v2;
	v1 =	vsel vm0, v1, v3  }
0x174: {  	[tilespmem:s12+$0xFD00] =	vst v13;
	v2 =	vsel vm0, v4, v2;
	v1 =	vsub.f32 v9, v1  }
0x175: {  	[tilespmem:s12+$0xE100] =	vst v14;
	v2 =	vsub.f32 v10, v2  }
0x176: {  	s0 =	sand.u32 $0x70, s2;
	s11 =	simm.s32 $0x0;
	[tilespmem:s12+$0x15100] =	vst v1  }
0x177: {  	[tilespmem:s12+$0x16D00] =	vst v2;
	s12 =	sor.u32 s0, s11  }
0x178: {  	v1 =	vld [tilespmem:s12+$0x2B00]  }
0x179: {  	v2 =	vld [tilespmem:s12+$0x9A00]  }
0x17a: {  	v6 =	vld [tilespmem:s12+$0x2A00]  }
0x17b: {  	v8 =	vld [tilespmem:s12+$0x2A80]  }
0x17c: {  	v7 =	vld [tilespmem:s12+$0x9A80]  }
0x17d: {  	v4 =	vld [tilespmem:s12+$0x9B00]  }
0x17e: {  	v3 =	vld [tilespmem:s12+$0x2B80]  }
0x17f: {  	v5 =	vld [tilespmem:s12+$0x9B80];
	_ =	sdelay $0x1  }
0x180: {  	vm0 =	vgt.f32 v8, v6;
	v16 =	vmax.f32 v6, v8;
	vm1 =	vgt.f32 v7, v2  }
0x181: {  	v10 =	vmax.f32 v2, v7;
	v11 =	vmax.f32 v16, v1;
	v12 =	vsel vm1, $0x1, v0  }
0x182: {  	vm1 =	vgt.f32 v4, v10;
	v14 =	vmax.f32 v10, v4;
	v9 =	vmax.f32 v11, v3  }
0x183: {  	vm2 =	vgt.f32 v1, v16;
	v10 =	vmax.f32 v14, v5;
	v13 =	vsub.f32 v6, v9  }
0x184: {  	v12 =	vsel vm1, $0x2, v12;
	v15 =	vsub.f32 v8, v9;
	v17 =	vsub.f32 v2, v10  }
0x185: {  	vm1 =	vgt.f32 v5, v14;
	v18 =	vsub.f32 v7, v10;
	v19 =	vmul.f32 $1.442695020e+00, v13  }
0x186: {  	v22 =	vsub.f32 v5, v10;
	v20 =	vmul.f32 $1.442695020e+00, v15;
	v17 =	vmul.f32 $1.442695020e+00, v17  }
0x187: {  	v21 =	vsub.f32 v1, v9;
	v18 =	vmul.f32 $1.442695020e+00, v18;
	(erf) = vpow2.f32 v19  }
0x188: {  	s11 =	simm.s32 $0x0;
	v13 =	vsub.f32 v4, v10;
	v14 =	vmul.f32 $1.442695020e+00, v22;
	(erf) = vpow2.f32 v17  }
0x189: {  	s15 =	sor.u32 s0, s11;
	v12 =	vsel vm1, $0x3, v12;
	v16 =	vmul.f32 $1.442695020e+00, v21;
	(erf) = vpow2.f32 v18  }
0x18a: {  	s13 =	simm.s32 $0x1;
	s14 =	simm.s32 $0x0;
	[tilespmem:s15+$0x13580] =	vst v12;
	v15 =	vsub.f32 v3, v9;
	v13 =	vmul.f32 $1.442695020e+00, v13;
	(erf) = vpow2.f32 v20  }
.LBB2_8:
0x18b: {  	p1 =	sne.s32 s13, $0x37  }
0x18c: {  	v15 =	vmul.f32 $1.442695020e+00, v15;
	s14 =	sadd.s32 $0x10, s14;
	(erf) = vpow2.f32 v13;
	s16 =	smov.u32 s13;
	s13 =	sadd.s32 $0x1, s13  }
0x18d: {  	(erf) = vpow2.f32 v16  }
0x18e: {  	(erf) = vpow2.f32 v14  }
0x18f: {  	(erf) = vpow2.f32 v15;
	_ =	sdelay $0x1  }
0x190: {  	v13 =	vpop (erf)  }
0x191: {  	s17 =	sshrl.u32 s16, $0x3;
	v14 =	vpop (erf)  }
0x192: {  	s16 =	sand.u32 $0x70, s14;
	s18 =	sshll.u32 s17, $0x9;
	s17 =	sshll.u32 s17, $0xA;
	v15 =	vpop (erf)  }
0x193: {  	s18 =	sor.u32 s16, s18;
	v14 =	vadd.f32 v15, v14;
	v15 =	vpop (erf)  }
0x194: {  	v13 =	vadd.f32 v15, v13;
	v15 =	vpop (erf)  }
0x195: {  	v14 =	vadd.f32 v14, v15;
	v15 =	vpop (erf)  }
0x196: {  	v13 =	vadd.f32 v13, v15;
	v15 =	vpop (erf)  }
0x197: {  	v14 =	vadd.f32 v14, v15;
	v15 =	vpop (erf)  }
0x198: {  	v13 =	vadd.f32 v13, v15  }
0x199: {  	(erf) = vrcp.f32 v14  }
0x19a: {  	(erf) = vrcp.f32 v13;
	_ =	sdelay $0x7  }
0x19b: {  	v13 =	vsel vm0, $0x1, v0;
	v14 =	vpop (erf)  }
0x19c: {  	vm0 =	vgt.f32 v3, v11;
	v13 =	vsel vm2, $0x2, v13;
	[tilespmem:s15+$0xFD80] =	vst v14;
	v11 =	vpop (erf)  }
0x19d: {  	v13 =	vsel vm0, $0x3, v13;
	vm2 =	vge.f32 v11, v14;
	[tilespmem:s15+$0xE180] =	vst v11  }
0x19e: {  	v11 =	vsel vm2, v13, v12;
	[tilespmem:s15+$0x11980] =	vst v13;
	vm3 =	vmneg vm2  }
0x19f: {  	vm0 =	vmand vm2, vm0;
	vm4 =	veq.s32 v11, $0x1;
	vm5 =	veq.s32 v11, $0x2  }
0x1a0: {  	vm1 =	vmand vm3, vm1;
	v6 =	vsel vm4, v8, v6;
	v2 =	vsel vm4, v7, v2  }
0x1a1: {  	vm0 =	vmor vm0, vm1;
	v1 =	vsel vm5, v1, v6;
	v2 =	vsel vm5, v4, v2  }
0x1a2: {  	v1 =	vsel vm0, v3, v1;
	v2 =	vsel vm0, v5, v2  }
0x1a3: {  	v1 =	vsub.f32 v9, v1;
	v2 =	vsub.f32 v10, v2;
	_ =	sdelay $0x1  }
0x1a4: {  	[tilespmem:s15+$0x15180] =	vst v1  }
0x1a5: {  	[tilespmem:s15+$0x16D80] =	vst v2  }
0x1a6: {  	v1 =	vld [tilespmem:s18+$0x2B00]  }
0x1a7: {  	v2 =	vld [tilespmem:s18+$0x9A00]  }
0x1a8: {  	v6 =	vld [tilespmem:s18+$0x2A00]  }
0x1a9: {  	v8 =	vld [tilespmem:s18+$0x2A80]  }
0x1aa: {  	v7 =	vld [tilespmem:s18+$0x9A80]  }
0x1ab: {  	v4 =	vld [tilespmem:s18+$0x9B00]  }
0x1ac: {  	v3 =	vld [tilespmem:s18+$0x2B80]  }
0x1ad: {  	v5 =	vld [tilespmem:s18+$0x9B80]  }
0x1ae: {  	vm0 =	vgt.f32 v8, v6  }
0x1af: {  	v16 =	vmax.f32 v6, v8;
	vm1 =	vgt.f32 v7, v2  }
0x1b0: {  	v11 =	vmax.f32 v16, v1;
	v10 =	vmax.f32 v2, v7;
	v12 =	vsel vm1, $0x1, v0  }
0x1b1: {  	vm1 =	vgt.f32 v4, v10;
	v14 =	vmax.f32 v10, v4;
	v9 =	vmax.f32 v11, v3  }
0x1b2: {  	v13 =	vsub.f32 v6, v9;
	v15 =	vsub.f32 v8, v9;
	v10 =	vmax.f32 v14, v5  }
0x1b3: {  	v12 =	vsel vm1, $0x2, v12;
	v17 =	vsub.f32 v2, v10;
	v18 =	vsub.f32 v7, v10  }
0x1b4: {  	v19 =	vmul.f32 $1.442695020e+00, v13;
	v20 =	vmul.f32 $1.442695020e+00, v15;
	v13 =	vsub.f32 v4, v10  }
.Ltmp5:
0x1b5: {  	v21 =	vsub.f32 v1, v9;
	v17 =	vmul.f32 $1.442695020e+00, v17;
	v18 =	vmul.f32 $1.442695020e+00, v18;
	(pc) =	sbr.rel @p1 .LBB2_8-.Ltmp5, $4  }
0x1b6: {  	v22 =	vsub.f32 v5, v10;
	v13 =	vmul.f32 $1.442695020e+00, v13;
	(erf) = vpow2.f32 v19  }
0x1b7: {  	vm1 =	vgt.f32 v5, v14;
	v15 =	vsub.f32 v3, v9;
	(erf) = vpow2.f32 v17  }
0x1b8: {  	s15 =	sor.u32 s16, s17;
	v12 =	vsel vm1, $0x3, v12;
	v14 =	vmul.f32 $1.442695020e+00, v22;
	(erf) = vpow2.f32 v18  }
0x1b9: {  	vm2 =	vgt.f32 v1, v16;
	v16 =	vmul.f32 $1.442695020e+00, v21;
	[tilespmem:s15+$0x13580] =	vst v12;
	(erf) = vpow2.f32 v20  }
0x1ba: {  	(erf) = vpow2.f32 v13  }
0x1bb: {  	v13 =	vmul.f32 $1.442695020e+00, v15;
	(erf) = vpow2.f32 v16  }
0x1bc: {  	(erf) = vpow2.f32 v14  }
0x1bd: {  	(erf) = vpow2.f32 v13;
	_ =	sdelay $0x1  }
0x1be: {  	v13 =	vpop (erf)  }
0x1bf: {  	v14 =	vpop (erf)  }
0x1c0: {  	v15 =	vpop (erf)  }
0x1c1: {  	v14 =	vadd.f32 v15, v14;
	v15 =	vpop (erf)  }
0x1c2: {  	v13 =	vadd.f32 v15, v13;
	v15 =	vpop (erf)  }
0x1c3: {  	v14 =	vadd.f32 v14, v15;
	v15 =	vpop (erf)  }
0x1c4: {  	v13 =	vadd.f32 v13, v15;
	v15 =	vpop (erf)  }
0x1c5: {  	v14 =	vadd.f32 v14, v15;
	v15 =	vpop (erf)  }
0x1c6: {  	v13 =	vadd.f32 v13, v15  }
0x1c7: {  	(erf) = vrcp.f32 v14  }
0x1c8: {  	(erf) = vrcp.f32 v13;
	_ =	sdelay $0x7  }
0x1c9: {  	v13 =	vsel vm0, $0x1, v0;
	v14 =	vpop (erf)  }
0x1ca: {  	vm0 =	vgt.f32 v3, v11;
	v13 =	vsel vm2, $0x2, v13;
	v11 =	vpop (erf)  }
0x1cb: {  	v13 =	vsel vm0, $0x3, v13;
	vm2 =	vge.f32 v11, v14  }
0x1cc: {  	v12 =	vsel vm2, v13, v12  }
0x1cd: {  	vm3 =	vmneg vm2;
	vm0 =	vmand vm2, vm0;
	vm4 =	veq.s32 v12, $0x1  }
0x1ce: {  	vm5 =	veq.s32 v12, $0x2;
	vm1 =	vmand vm3, vm1;
	v6 =	vsel vm4, v8, v6  }
0x1cf: {  	v2 =	vsel vm4, v7, v2;
	vm0 =	vmor vm0, vm1;
	v1 =	vsel vm5, v1, v6  }
0x1d0: {  	[tilespmem:s15+$0x11980] =	vst v13;
	v2 =	vsel vm5, v4, v2;
	v1 =	vsel vm0, v3, v1  }
0x1d1: {  	[tilespmem:s15+$0xFD80] =	vst v14;
	v2 =	vsel vm0, v5, v2;
	v1 =	vsub.f32 v9, v1  }
0x1d2: {  	[tilespmem:s15+$0xE180] =	vst v11;
	v2 =	vsub.f32 v10, v2  }
0x1d3: {  	[tilespmem:s15+$0x15180] =	vst v1  }
0x1d4: {  	[tilespmem:s15+$0x16D80] =	vst v2  }
0x1d5: {  	v1 =	vld [tilespmem:s12+$0x3980]  }
0x1d6: {  	v3 =	vld [tilespmem:s12+$0x3880]  }
0x1d7: {  	v2 =	vld [tilespmem:s12+$0xA880]  }
0x1d8: {  	v7 =	vld [tilespmem:s12+$0x3800]  }
0x1d9: {  	v5 =	vld [tilespmem:s12+$0x3900]  }
0x1da: {  	v8 =	vld [tilespmem:s12+$0xA800]  }
0x1db: {  	v6 =	vld [tilespmem:s12+$0xA900]  }
0x1dc: {  	v4 =	vld [tilespmem:s12+$0xA980];
	_ =	sdelay $0x1  }
0x1dd: {  	v11 =	vmax.f32 v7, v3  }
0x1de: {  	v13 =	vmax.f32 v8, v2;
	v12 =	vmax.f32 v11, v5  }
0x1df: {  	v14 =	vmax.f32 v13, v6;
	v9 =	vmax.f32 v12, v1  }
0x1e0: {  	v10 =	vmax.f32 v14, v4;
	v15 =	vsub.f32 v7, v9  }
0x1e1: {  	v55 =	vsub.f32 v8, v10  }
0x1e2: {  	v17 =	vsub.f32 v2, v10;
	v15 =	vmul.f32 $1.442695020e+00, v15  }
0x1e3: {  	v18 =	vsub.f32 v3, v9;
	v16 =	vmul.f32 $1.442695020e+00, v55  }
0x1e4: {  	v19 =	vsub.f32 v6, v10;
	v17 =	vmul.f32 $1.442695020e+00, v17;
	(erf) = vpow2.f32 v15  }
0x1e5: {  	v18 =	vmul.f32 $1.442695020e+00, v18;
	(erf) = vpow2.f32 v16  }
0x1e6: {  	v19 =	vmul.f32 $1.442695020e+00, v19;
	(erf) = vpow2.f32 v17  }
0x1e7: {  	v15 =	vsub.f32 v5, v9;
	(erf) = vpow2.f32 v18  }
0x1e8: {  	v56 =	vsub.f32 v4, v10;
	(erf) = vpow2.f32 v19  }
0x1e9: {  	v57 =	vsub.f32 v1, v9;
	v15 =	vmul.f32 $1.442695020e+00, v15  }
0x1ea: {  	v16 =	vmul.f32 $1.442695020e+00, v56  }
0x1eb: {  	v17 =	vmul.f32 $1.442695020e+00, v57;
	(erf) = vpow2.f32 v15  }
0x1ec: {  	(erf) = vpow2.f32 v16  }
0x1ed: {  	(erf) = vpow2.f32 v17;
	v15 =	vpop (erf)  }
0x1ee: {  	v58 =	vpop (erf)  }
0x1ef: {  	v59 =	vpop (erf)  }
0x1f0: {  	v16 =	vadd.f32 v59, v58;
	v60 =	vpop (erf)  }
0x1f1: {  	vm0 =	vgt.f32 v3, v7;
	vm2 =	vgt.f32 v5, v11;
	v11 =	vadd.f32 v60, v15;
	v15 =	vpop (erf)  }
0x1f2: {  	v61 =	vsel vm0, $0x1, v0;
	vm0 =	vgt.f32 v1, v12;
	v12 =	vadd.f32 v16, v15;
	_ =	sdelay $0x1  }
0x1f3: {  	vm1 =	vgt.f32 v2, v8;
	v15 =	vpop (erf)  }
0x1f4: {  	v62 =	vsel vm1, $0x1, v0;
	vm1 =	vgt.f32 v6, v13;
	v13 =	vadd.f32 v11, v15;
	v11 =	vpop (erf)  }
0x1f5: {  	v15 =	vsel vm1, $0x2, v62;
	vm1 =	vgt.f32 v4, v14;
	v14 =	vadd.f32 v12, v11;
	v12 =	vpop (erf)  }
0x1f6: {  	v13 =	vadd.f32 v13, v12  }
0x1f7: {  	(erf) = vrcp.f32 v14  }
0x1f8: {  	s12 =	sor.u32 s0, s11;
	v63 =	vsel vm2, $0x2, v61;
	v11 =	vsel vm1, $0x3, v15;
	(erf) = vrcp.f32 v13  }
0x1f9: {  	v12 =	vsel vm0, $0x3, v63;
	[tilespmem:s12+$0x13600] =	vst v11  }
0x1fa: {  	s11 =	simm.s32 $0x1;
	[tilespmem:s12+$0x11A00] =	vst v12  }
.LBB2_10:
0x1fb: {  	p1 =	sne.s32 s11, $0x37  }
0x1fc: {  	s2 =	sadd.s32 $0x10, s2;
	s0 =	smov.u32 s11;
	s11 =	sadd.s32 $0x1, s11  }
0x1fd: {  	_ =	sdelay $0x2  }
0x1fe: {  	v13 =	vpop (erf)  }
0x1ff: {  	[tilespmem:s12+$0xFE00] =	vst v13;
	v14 =	vpop (erf)  }
0x200: {  	s13 =	sshrl.u32 s0, $0x3;
	vm2 =	vge.f32 v14, v13;
	[tilespmem:s12+$0xE200] =	vst v14  }
0x201: {  	s0 =	sand.u32 $0x70, s2;
	s14 =	sshll.u32 s13, $0x9;
	v11 =	vsel vm2, v12, v11;
	vm0 =	vmand vm2, vm0;
	vm2 =	vmneg vm2  }
0x202: {  	s14 =	sor.u32 s0, s14;
	vm3 =	veq.s32 v11, $0x1;
	vm1 =	vmand vm2, vm1  }
0x203: {  	vm2 =	veq.s32 v11, $0x2;
	v3 =	vsel vm3, v3, v7;
	v2 =	vsel vm3, v2, v8  }
0x204: {  	vm0 =	vmor vm0, vm1;
	v3 =	vsel vm2, v5, v3;
	v2 =	vsel vm2, v6, v2  }
0x205: {  	v1 =	vsel vm0, v1, v3;
	v2 =	vsel vm0, v4, v2  }
0x206: {  	v1 =	vsub.f32 v9, v1;
	v2 =	vsub.f32 v10, v2;
	_ =	sdelay $0x1  }
0x207: {  	[tilespmem:s12+$0x15200] =	vst v1  }
0x208: {  	[tilespmem:s12+$0x16E00] =	vst v2  }
0x209: {  	v1 =	vld [tilespmem:s14+$0x3980]  }
0x20a: {  	v3 =	vld [tilespmem:s14+$0x3880]  }
0x20b: {  	v2 =	vld [tilespmem:s14+$0xA880]  }
0x20c: {  	v7 =	vld [tilespmem:s14+$0x3800]  }
0x20d: {  	v5 =	vld [tilespmem:s14+$0x3900]  }
0x20e: {  	v8 =	vld [tilespmem:s14+$0xA800]  }
0x20f: {  	v6 =	vld [tilespmem:s14+$0xA900]  }
0x210: {  	v4 =	vld [tilespmem:s14+$0xA980]  }
0x211: {  	vm0 =	vgt.f32 v3, v7;
	v9 =	vmax.f32 v7, v3  }
0x212: {  	v10 =	vsel vm0, $0x1, v0;
	vm1 =	vgt.f32 v5, v9;
	v9 =	vmax.f32 v9, v5  }
0x213: {  	vm0 =	vgt.f32 v1, v9;
	v9 =	vmax.f32 v9, v1;
	v11 =	vmax.f32 v8, v2  }
0x214: {  	v12 =	vsel vm1, $0x2, v10;
	v13 =	vsub.f32 v7, v9;
	v14 =	vmax.f32 v11, v6  }
0x215: {  	v15 =	vsub.f32 v3, v9;
	v16 =	vsub.f32 v5, v9;
	v10 =	vmax.f32 v14, v4  }
0x216: {  	vm1 =	vgt.f32 v2, v8;
	v17 =	vsub.f32 v8, v10;
	v18 =	vsub.f32 v2, v10  }
0x217: {  	v13 =	vmul.f32 $1.442695020e+00, v13;
	v19 =	vsub.f32 v6, v10;
	v20 =	vsub.f32 v4, v10  }
0x218: {  	v21 =	vsub.f32 v1, v9;
	v17 =	vmul.f32 $1.442695020e+00, v17;
	v18 =	vmul.f32 $1.442695020e+00, v18  }
0x219: {  	v22 =	vsel vm1, $0x1, v0;
	v15 =	vmul.f32 $1.442695020e+00, v15;
	(erf) = vpow2.f32 v13  }
0x21a: {  	vm1 =	vgt.f32 v6, v11;
	v13 =	vmul.f32 $1.442695020e+00, v16;
	(erf) = vpow2.f32 v17  }
0x21b: {  	v11 =	vsel vm1, $0x2, v22;
	v16 =	vmul.f32 $1.442695020e+00, v19;
	(erf) = vpow2.f32 v18  }
0x21c: {  	s12 =	sshll.u32 s13, $0xA;
	vm1 =	vgt.f32 v4, v14;
	v17 =	vmul.f32 $1.442695020e+00, v21;
	(erf) = vpow2.f32 v15  }
0x21d: {  	s12 =	sor.u32 s0, s12;
	v11 =	vsel vm1, $0x3, v11;
	v14 =	vmul.f32 $1.442695020e+00, v20;
	(erf) = vpow2.f32 v16  }
0x21e: {  	v12 =	vsel vm0, $0x3, v12;
	[tilespmem:s12+$0x13600] =	vst v11;
	(erf) = vpow2.f32 v13  }
0x21f: {  	[tilespmem:s12+$0x11A00] =	vst v12;
	(erf) = vpow2.f32 v14  }
0x220: {  	(erf) = vpow2.f32 v17;
	_ =	sdelay $0x1  }
0x221: {  	v13 =	vpop (erf)  }
0x222: {  	v14 =	vpop (erf)  }
0x223: {  	v15 =	vpop (erf)  }
0x224: {  	v14 =	vadd.f32 v15, v14;
	v15 =	vpop (erf)  }
0x225: {  	v13 =	vadd.f32 v15, v13;
	v15 =	vpop (erf)  }
0x226: {  	v14 =	vadd.f32 v14, v15;
	v15 =	vpop (erf)  }
0x227: {  	v13 =	vadd.f32 v13, v15;
	v15 =	vpop (erf)  }
0x228: {  	v14 =	vadd.f32 v14, v15;
	v15 =	vpop (erf)  }
0x229: {  	v13 =	vadd.f32 v13, v15  }
.Ltmp6:
0x22a: {  	(erf) = vrcp.f32 v14;
	(pc) =	sbr.rel @p1 .LBB2_10-.Ltmp6, $2  }
0x22b: {  	(erf) = vrcp.f32 v13;
	_ =	sdelay $0x2  }
0x22c: {  	s0 =	simm.s32 $0x0  }
0x22d: {  	_ =	sdelay $0x3  }
0x22e: {  	v13 =	vpop (erf)  }
0x22f: {  	v14 =	vpop (erf)  }
0x230: {  	vm2 =	vge.f32 v14, v13  }
0x231: {  	v11 =	vsel vm2, v12, v11  }
0x232: {  	vm0 =	vmand vm2, vm0;
	vm2 =	vmneg vm2;
	vm3 =	veq.s32 v11, $0x1  }
0x233: {  	vm1 =	vmand vm2, vm1;
	vm2 =	veq.s32 v11, $0x2;
	v3 =	vsel vm3, v3, v7  }
0x234: {  	v2 =	vsel vm3, v2, v8;
	vm0 =	vmor vm0, vm1;
	v3 =	vsel vm2, v5, v3  }
0x235: {  	v2 =	vsel vm2, v6, v2;
	v1 =	vsel vm0, v1, v3  }
0x236: {  	[tilespmem:s12+$0xFE00] =	vst v13;
	v2 =	vsel vm0, v4, v2;
	v1 =	vsub.f32 v9, v1  }
0x237: {  	[tilespmem:s12+$0xE200] =	vst v14;
	v2 =	vsub.f32 v10, v2  }
0x238: {  	s2 =	sand.u32 $0x70, s0;
	s11 =	simm.s32 $0x0;
	[tilespmem:s12+$0x15200] =	vst v1  }
0x239: {  	s11 =	sor.u32 s2, s11;
	[tilespmem:s12+$0x16E00] =	vst v2  }
0x23a: {  	v1 =	vld [tilespmem:s11+$0x4700]  }
0x23b: {  	v2 =	vld [tilespmem:s11+$0xB600]  }
0x23c: {  	v6 =	vld [tilespmem:s11+$0x4600]  }
0x23d: {  	v8 =	vld [tilespmem:s11+$0x4680]  }
0x23e: {  	v7 =	vld [tilespmem:s11+$0xB680]  }
0x23f: {  	v4 =	vld [tilespmem:s11+$0xB700]  }
0x240: {  	v3 =	vld [tilespmem:s11+$0x4780]  }
0x241: {  	v5 =	vld [tilespmem:s11+$0xB780];
	_ =	sdelay $0x1  }
0x242: {  	vm0 =	vgt.f32 v8, v6;
	v16 =	vmax.f32 v6, v8;
	vm1 =	vgt.f32 v7, v2  }
0x243: {  	v10 =	vmax.f32 v2, v7;
	v11 =	vmax.f32 v16, v1;
	v12 =	vsel vm1, $0x1, v0  }
0x244: {  	vm1 =	vgt.f32 v4, v10;
	v14 =	vmax.f32 v10, v4;
	v9 =	vmax.f32 v11, v3  }
0x245: {  	vm2 =	vgt.f32 v1, v16;
	v10 =	vmax.f32 v14, v5;
	v13 =	vsub.f32 v6, v9  }
0x246: {  	v12 =	vsel vm1, $0x2, v12;
	v15 =	vsub.f32 v8, v9;
	v17 =	vsub.f32 v2, v10  }
0x247: {  	vm1 =	vgt.f32 v5, v14;
	v18 =	vsub.f32 v7, v10;
	v19 =	vmul.f32 $1.442695020e+00, v13  }
0x248: {  	v22 =	vsub.f32 v5, v10;
	v20 =	vmul.f32 $1.442695020e+00, v15;
	v17 =	vmul.f32 $1.442695020e+00, v17  }
0x249: {  	v21 =	vsub.f32 v1, v9;
	v18 =	vmul.f32 $1.442695020e+00, v18;
	(erf) = vpow2.f32 v19  }
0x24a: {  	s12 =	simm.s32 $0x0;
	v13 =	vsub.f32 v4, v10;
	v14 =	vmul.f32 $1.442695020e+00, v22;
	(erf) = vpow2.f32 v17  }
0x24b: {  	s15 =	sor.u32 s2, s12;
	v12 =	vsel vm1, $0x3, v12;
	v16 =	vmul.f32 $1.442695020e+00, v21;
	(erf) = vpow2.f32 v18  }
0x24c: {  	s13 =	simm.s32 $0x1;
	s14 =	simm.s32 $0x0;
	[tilespmem:s15+$0x13680] =	vst v12;
	v15 =	vsub.f32 v3, v9;
	v13 =	vmul.f32 $1.442695020e+00, v13;
	(erf) = vpow2.f32 v20  }
.LBB2_12:
0x24d: {  	p1 =	sne.s32 s13, $0x37  }
0x24e: {  	v15 =	vmul.f32 $1.442695020e+00, v15;
	s14 =	sadd.s32 $0x10, s14;
	(erf) = vpow2.f32 v13;
	s16 =	smov.u32 s13;
	s13 =	sadd.s32 $0x1, s13  }
0x24f: {  	(erf) = vpow2.f32 v16  }
0x250: {  	(erf) = vpow2.f32 v14  }
0x251: {  	(erf) = vpow2.f32 v15;
	_ =	sdelay $0x1  }
0x252: {  	v13 =	vpop (erf)  }
0x253: {  	s17 =	sshrl.u32 s16, $0x3;
	v14 =	vpop (erf)  }
0x254: {  	s16 =	sand.u32 $0x70, s14;
	s18 =	sshll.u32 s17, $0x9;
	s17 =	sshll.u32 s17, $0xA;
	v15 =	vpop (erf)  }
0x255: {  	s18 =	sor.u32 s16, s18;
	v14 =	vadd.f32 v15, v14;
	v15 =	vpop (erf)  }
0x256: {  	v13 =	vadd.f32 v15, v13;
	v15 =	vpop (erf)  }
0x257: {  	v14 =	vadd.f32 v14, v15;
	v15 =	vpop (erf)  }
0x258: {  	v13 =	vadd.f32 v13, v15;
	v15 =	vpop (erf)  }
0x259: {  	v14 =	vadd.f32 v14, v15;
	v15 =	vpop (erf)  }
0x25a: {  	v13 =	vadd.f32 v13, v15  }
0x25b: {  	(erf) = vrcp.f32 v14  }
0x25c: {  	(erf) = vrcp.f32 v13;
	_ =	sdelay $0x7  }
0x25d: {  	v13 =	vsel vm0, $0x1, v0;
	v14 =	vpop (erf)  }
0x25e: {  	vm0 =	vgt.f32 v3, v11;
	v13 =	vsel vm2, $0x2, v13;
	[tilespmem:s15+$0xFE80] =	vst v14;
	v11 =	vpop (erf)  }
0x25f: {  	v13 =	vsel vm0, $0x3, v13;
	vm2 =	vge.f32 v11, v14;
	[tilespmem:s15+$0xE280] =	vst v11  }
0x260: {  	v11 =	vsel vm2, v13, v12;
	[tilespmem:s15+$0x11A80] =	vst v13;
	vm3 =	vmneg vm2  }
0x261: {  	vm0 =	vmand vm2, vm0;
	vm4 =	veq.s32 v11, $0x1;
	vm5 =	veq.s32 v11, $0x2  }
0x262: {  	vm1 =	vmand vm3, vm1;
	v6 =	vsel vm4, v8, v6;
	v2 =	vsel vm4, v7, v2  }
0x263: {  	vm0 =	vmor vm0, vm1;
	v1 =	vsel vm5, v1, v6;
	v2 =	vsel vm5, v4, v2  }
0x264: {  	v1 =	vsel vm0, v3, v1;
	v2 =	vsel vm0, v5, v2  }
0x265: {  	v1 =	vsub.f32 v9, v1;
	v2 =	vsub.f32 v10, v2;
	_ =	sdelay $0x1  }
0x266: {  	[tilespmem:s15+$0x15280] =	vst v1  }
0x267: {  	[tilespmem:s15+$0x16E80] =	vst v2  }
0x268: {  	v1 =	vld [tilespmem:s18+$0x4700]  }
0x269: {  	v2 =	vld [tilespmem:s18+$0xB600]  }
0x26a: {  	v6 =	vld [tilespmem:s18+$0x4600]  }
0x26b: {  	v8 =	vld [tilespmem:s18+$0x4680]  }
0x26c: {  	v7 =	vld [tilespmem:s18+$0xB680]  }
0x26d: {  	v4 =	vld [tilespmem:s18+$0xB700]  }
0x26e: {  	v3 =	vld [tilespmem:s18+$0x4780]  }
0x26f: {  	v5 =	vld [tilespmem:s18+$0xB780]  }
0x270: {  	vm0 =	vgt.f32 v8, v6  }
0x271: {  	v16 =	vmax.f32 v6, v8;
	vm1 =	vgt.f32 v7, v2  }
0x272: {  	v11 =	vmax.f32 v16, v1;
	v10 =	vmax.f32 v2, v7;
	v12 =	vsel vm1, $0x1, v0  }
0x273: {  	vm1 =	vgt.f32 v4, v10;
	v14 =	vmax.f32 v10, v4;
	v9 =	vmax.f32 v11, v3  }
0x274: {  	v13 =	vsub.f32 v6, v9;
	v15 =	vsub.f32 v8, v9;
	v10 =	vmax.f32 v14, v5  }
0x275: {  	v12 =	vsel vm1, $0x2, v12;
	v17 =	vsub.f32 v2, v10;
	v18 =	vsub.f32 v7, v10  }
0x276: {  	v19 =	vmul.f32 $1.442695020e+00, v13;
	v20 =	vmul.f32 $1.442695020e+00, v15;
	v13 =	vsub.f32 v4, v10  }
.Ltmp7:
0x277: {  	v21 =	vsub.f32 v1, v9;
	v17 =	vmul.f32 $1.442695020e+00, v17;
	v18 =	vmul.f32 $1.442695020e+00, v18;
	(pc) =	sbr.rel @p1 .LBB2_12-.Ltmp7, $4  }
0x278: {  	v22 =	vsub.f32 v5, v10;
	v13 =	vmul.f32 $1.442695020e+00, v13;
	(erf) = vpow2.f32 v19  }
0x279: {  	vm1 =	vgt.f32 v5, v14;
	v15 =	vsub.f32 v3, v9;
	(erf) = vpow2.f32 v17  }
0x27a: {  	s15 =	sor.u32 s16, s17;
	v12 =	vsel vm1, $0x3, v12;
	v14 =	vmul.f32 $1.442695020e+00, v22;
	(erf) = vpow2.f32 v18  }
0x27b: {  	vm2 =	vgt.f32 v1, v16;
	v16 =	vmul.f32 $1.442695020e+00, v21;
	[tilespmem:s15+$0x13680] =	vst v12;
	(erf) = vpow2.f32 v20  }
0x27c: {  	(erf) = vpow2.f32 v13  }
0x27d: {  	v13 =	vmul.f32 $1.442695020e+00, v15;
	(erf) = vpow2.f32 v16  }
0x27e: {  	(erf) = vpow2.f32 v14  }
0x27f: {  	(erf) = vpow2.f32 v13;
	_ =	sdelay $0x1  }
0x280: {  	v13 =	vpop (erf)  }
0x281: {  	v14 =	vpop (erf)  }
0x282: {  	v15 =	vpop (erf)  }
0x283: {  	v14 =	vadd.f32 v15, v14;
	v15 =	vpop (erf)  }
0x284: {  	v13 =	vadd.f32 v15, v13;
	v15 =	vpop (erf)  }
0x285: {  	v14 =	vadd.f32 v14, v15;
	v15 =	vpop (erf)  }
0x286: {  	v13 =	vadd.f32 v13, v15;
	v15 =	vpop (erf)  }
0x287: {  	v14 =	vadd.f32 v14, v15;
	v15 =	vpop (erf)  }
0x288: {  	v13 =	vadd.f32 v13, v15  }
0x289: {  	(erf) = vrcp.f32 v14  }
0x28a: {  	(erf) = vrcp.f32 v13;
	_ =	sdelay $0x7  }
0x28b: {  	v13 =	vsel vm0, $0x1, v0;
	v14 =	vpop (erf)  }
0x28c: {  	vm0 =	vgt.f32 v3, v11;
	v13 =	vsel vm2, $0x2, v13;
	v11 =	vpop (erf)  }
0x28d: {  	v13 =	vsel vm0, $0x3, v13;
	vm2 =	vge.f32 v11, v14  }
0x28e: {  	v12 =	vsel vm2, v13, v12  }
0x28f: {  	vm3 =	vmneg vm2;
	vm0 =	vmand vm2, vm0;
	vm4 =	veq.s32 v12, $0x1  }
0x290: {  	vm5 =	veq.s32 v12, $0x2;
	vm1 =	vmand vm3, vm1;
	v6 =	vsel vm4, v8, v6  }
0x291: {  	v2 =	vsel vm4, v7, v2;
	vm0 =	vmor vm0, vm1;
	v1 =	vsel vm5, v1, v6  }
0x292: {  	[tilespmem:s15+$0x11A80] =	vst v13;
	v2 =	vsel vm5, v4, v2;
	v1 =	vsel vm0, v3, v1  }
0x293: {  	[tilespmem:s15+$0xFE80] =	vst v14;
	v2 =	vsel vm0, v5, v2;
	v1 =	vsub.f32 v9, v1  }
0x294: {  	[tilespmem:s15+$0xE280] =	vst v11;
	v2 =	vsub.f32 v10, v2  }
0x295: {  	[tilespmem:s15+$0x15280] =	vst v1  }
0x296: {  	[tilespmem:s15+$0x16E80] =	vst v2  }
0x297: {  	v1 =	vld [tilespmem:s11+$0x5500]  }
0x298: {  	v2 =	vld [tilespmem:s11+$0xC400]  }
0x299: {  	v6 =	vld [tilespmem:s11+$0x5400]  }
0x29a: {  	v8 =	vld [tilespmem:s11+$0x5480]  }
0x29b: {  	v7 =	vld [tilespmem:s11+$0xC480]  }
0x29c: {  	v4 =	vld [tilespmem:s11+$0xC500]  }
0x29d: {  	v3 =	vld [tilespmem:s11+$0x5580]  }
0x29e: {  	v5 =	vld [tilespmem:s11+$0xC580];
	_ =	sdelay $0x1  }
0x29f: {  	vm0 =	vgt.f32 v8, v6;
	v16 =	vmax.f32 v6, v8;
	vm1 =	vgt.f32 v7, v2  }
0x2a0: {  	v10 =	vmax.f32 v2, v7;
	v11 =	vmax.f32 v16, v1;
	v12 =	vsel vm1, $0x1, v0  }
0x2a1: {  	vm1 =	vgt.f32 v4, v10;
	v14 =	vmax.f32 v10, v4;
	v9 =	vmax.f32 v11, v3  }
0x2a2: {  	vm2 =	vgt.f32 v1, v16;
	v10 =	vmax.f32 v14, v5;
	v13 =	vsub.f32 v6, v9  }
0x2a3: {  	v12 =	vsel vm1, $0x2, v12;
	v15 =	vsub.f32 v8, v9;
	v17 =	vsub.f32 v2, v10  }
0x2a4: {  	vm1 =	vgt.f32 v5, v14;
	v18 =	vsub.f32 v7, v10;
	v19 =	vmul.f32 $1.442695020e+00, v13  }
0x2a5: {  	v22 =	vsub.f32 v5, v10;
	v20 =	vmul.f32 $1.442695020e+00, v15;
	v17 =	vmul.f32 $1.442695020e+00, v17  }
0x2a6: {  	v21 =	vsub.f32 v1, v9;
	v18 =	vmul.f32 $1.442695020e+00, v18;
	(erf) = vpow2.f32 v19  }
0x2a7: {  	v13 =	vsub.f32 v4, v10;
	v14 =	vmul.f32 $1.442695020e+00, v22;
	(erf) = vpow2.f32 v17  }
0x2a8: {  	s11 =	sor.u32 s2, s12;
	v12 =	vsel vm1, $0x3, v12;
	v16 =	vmul.f32 $1.442695020e+00, v21;
	(erf) = vpow2.f32 v18  }
0x2a9: {  	s2 =	simm.s32 $0x1;
	[tilespmem:s11+$0x13700] =	vst v12;
	v15 =	vsub.f32 v3, v9;
	v13 =	vmul.f32 $1.442695020e+00, v13;
	(erf) = vpow2.f32 v20  }
.LBB2_14:
0x2aa: {  	p1 =	sne.s32 s2, $0x37  }
0x2ab: {  	v15 =	vmul.f32 $1.442695020e+00, v15;
	s0 =	sadd.s32 $0x10, s0;
	(erf) = vpow2.f32 v13;
	s12 =	smov.u32 s2;
	s2 =	sadd.s32 $0x1, s2  }
0x2ac: {  	(erf) = vpow2.f32 v16  }
0x2ad: {  	(erf) = vpow2.f32 v14  }
0x2ae: {  	(erf) = vpow2.f32 v15;
	_ =	sdelay $0x1  }
0x2af: {  	v13 =	vpop (erf)  }
0x2b0: {  	s13 =	sshrl.u32 s12, $0x3;
	v14 =	vpop (erf)  }
0x2b1: {  	s12 =	sand.u32 $0x70, s0;
	s14 =	sshll.u32 s13, $0x9;
	s13 =	sshll.u32 s13, $0xA;
	v15 =	vpop (erf)  }
0x2b2: {  	s14 =	sor.u32 s12, s14;
	v14 =	vadd.f32 v15, v14;
	v15 =	vpop (erf)  }
0x2b3: {  	v13 =	vadd.f32 v15, v13;
	v15 =	vpop (erf)  }
0x2b4: {  	v14 =	vadd.f32 v14, v15;
	v15 =	vpop (erf)  }
0x2b5: {  	v13 =	vadd.f32 v13, v15;
	v15 =	vpop (erf)  }
0x2b6: {  	v14 =	vadd.f32 v14, v15;
	v15 =	vpop (erf)  }
0x2b7: {  	v13 =	vadd.f32 v13, v15  }
0x2b8: {  	(erf) = vrcp.f32 v14  }
0x2b9: {  	(erf) = vrcp.f32 v13;
	_ =	sdelay $0x7  }
0x2ba: {  	v13 =	vsel vm0, $0x1, v0;
	v14 =	vpop (erf)  }
0x2bb: {  	vm0 =	vgt.f32 v3, v11;
	v13 =	vsel vm2, $0x2, v13;
	[tilespmem:s11+$0xFF00] =	vst v14;
	v11 =	vpop (erf)  }
0x2bc: {  	v13 =	vsel vm0, $0x3, v13;
	vm2 =	vge.f32 v11, v14;
	[tilespmem:s11+$0xE300] =	vst v11  }
0x2bd: {  	v11 =	vsel vm2, v13, v12;
	[tilespmem:s11+$0x11B00] =	vst v13;
	vm3 =	vmneg vm2  }
0x2be: {  	vm0 =	vmand vm2, vm0;
	vm4 =	veq.s32 v11, $0x1;
	vm5 =	veq.s32 v11, $0x2  }
0x2bf: {  	vm1 =	vmand vm3, vm1;
	v6 =	vsel vm4, v8, v6;
	v2 =	vsel vm4, v7, v2  }
0x2c0: {  	vm0 =	vmor vm0, vm1;
	v1 =	vsel vm5, v1, v6;
	v2 =	vsel vm5, v4, v2  }
0x2c1: {  	v1 =	vsel vm0, v3, v1;
	v2 =	vsel vm0, v5, v2  }
0x2c2: {  	v1 =	vsub.f32 v9, v1;
	v2 =	vsub.f32 v10, v2;
	_ =	sdelay $0x1  }
0x2c3: {  	[tilespmem:s11+$0x15300] =	vst v1  }
0x2c4: {  	[tilespmem:s11+$0x16F00] =	vst v2  }
0x2c5: {  	v1 =	vld [tilespmem:s14+$0x5500]  }
0x2c6: {  	v2 =	vld [tilespmem:s14+$0xC400]  }
0x2c7: {  	v6 =	vld [tilespmem:s14+$0x5400]  }
0x2c8: {  	v8 =	vld [tilespmem:s14+$0x5480]  }
0x2c9: {  	v7 =	vld [tilespmem:s14+$0xC480]  }
0x2ca: {  	v4 =	vld [tilespmem:s14+$0xC500]  }
0x2cb: {  	v3 =	vld [tilespmem:s14+$0x5580]  }
0x2cc: {  	v5 =	vld [tilespmem:s14+$0xC580]  }
0x2cd: {  	vm0 =	vgt.f32 v8, v6  }
0x2ce: {  	v16 =	vmax.f32 v6, v8;
	vm1 =	vgt.f32 v7, v2  }
0x2cf: {  	v11 =	vmax.f32 v16, v1;
	v10 =	vmax.f32 v2, v7;
	v12 =	vsel vm1, $0x1, v0  }
0x2d0: {  	vm1 =	vgt.f32 v4, v10;
	v14 =	vmax.f32 v10, v4;
	v9 =	vmax.f32 v11, v3  }
0x2d1: {  	v13 =	vsub.f32 v6, v9;
	v15 =	vsub.f32 v8, v9;
	v10 =	vmax.f32 v14, v5  }
0x2d2: {  	v12 =	vsel vm1, $0x2, v12;
	v17 =	vsub.f32 v2, v10;
	v18 =	vsub.f32 v7, v10  }
0x2d3: {  	v19 =	vmul.f32 $1.442695020e+00, v13;
	v20 =	vmul.f32 $1.442695020e+00, v15;
	v13 =	vsub.f32 v4, v10  }
.Ltmp8:
0x2d4: {  	v21 =	vsub.f32 v1, v9;
	v17 =	vmul.f32 $1.442695020e+00, v17;
	v18 =	vmul.f32 $1.442695020e+00, v18;
	(pc) =	sbr.rel @p1 .LBB2_14-.Ltmp8, $4  }
0x2d5: {  	v22 =	vsub.f32 v5, v10;
	v13 =	vmul.f32 $1.442695020e+00, v13;
	(erf) = vpow2.f32 v19  }
0x2d6: {  	vm1 =	vgt.f32 v5, v14;
	v15 =	vsub.f32 v3, v9;
	(erf) = vpow2.f32 v17  }
0x2d7: {  	s11 =	sor.u32 s12, s13;
	v12 =	vsel vm1, $0x3, v12;
	v14 =	vmul.f32 $1.442695020e+00, v22;
	(erf) = vpow2.f32 v18  }
0x2d8: {  	vm2 =	vgt.f32 v1, v16;
	v16 =	vmul.f32 $1.442695020e+00, v21;
	[tilespmem:s11+$0x13700] =	vst v12;
	(erf) = vpow2.f32 v20  }
0x2d9: {  	(erf) = vpow2.f32 v13  }
0x2da: {  	v13 =	vmul.f32 $1.442695020e+00, v15;
	(erf) = vpow2.f32 v16  }
0x2db: {  	(erf) = vpow2.f32 v14  }
0x2dc: {  	(erf) = vpow2.f32 v13;
	_ =	sdelay $0x1  }
0x2dd: {  	v13 =	vpop (erf)  }
0x2de: {  	v14 =	vpop (erf)  }
0x2df: {  	v15 =	vpop (erf)  }
0x2e0: {  	v14 =	vadd.f32 v15, v14;
	v15 =	vpop (erf)  }
0x2e1: {  	v13 =	vadd.f32 v15, v13;
	v15 =	vpop (erf)  }
0x2e2: {  	v14 =	vadd.f32 v14, v15;
	v15 =	vpop (erf)  }
0x2e3: {  	v13 =	vadd.f32 v13, v15;
	v15 =	vpop (erf)  }
0x2e4: {  	v14 =	vadd.f32 v14, v15;
	v15 =	vpop (erf)  }
0x2e5: {  	v13 =	vadd.f32 v13, v15  }
0x2e6: {  	(erf) = vrcp.f32 v14  }
0x2e7: {  	(erf) = vrcp.f32 v13;
	_ =	sdelay $0x7  }
0x2e8: {  	v13 =	vsel vm0, $0x1, v0;
	v14 =	vpop (erf)  }
0x2e9: {  	vm0 =	vgt.f32 v3, v11;
	v13 =	vsel vm2, $0x2, v13;
	v11 =	vpop (erf)  }
0x2ea: {  	v13 =	vsel vm0, $0x3, v13;
	vm2 =	vge.f32 v11, v14  }
0x2eb: {  	v12 =	vsel vm2, v13, v12  }
0x2ec: {  	vm3 =	vmneg vm2;
	vm0 =	vmand vm2, vm0;
	vm4 =	veq.s32 v12, $0x1  }
0x2ed: {  	vm5 =	veq.s32 v12, $0x2;
	vm1 =	vmand vm3, vm1;
	v6 =	vsel vm4, v8, v6  }
0x2ee: {  	v2 =	vsel vm4, v7, v2;
	vm0 =	vmor vm0, vm1;
	v1 =	vsel vm5, v1, v6  }
0x2ef: {  	[tilespmem:s11+$0x11B00] =	vst v13;
	v2 =	vsel vm5, v4, v2;
	v1 =	vsel vm0, v3, v1  }
0x2f0: {  	[tilespmem:s11+$0xFF00] =	vst v14;
	v2 =	vsel vm0, v5, v2;
	v1 =	vsub.f32 v9, v1  }
0x2f1: {  	s0 =	simm.s32 $0x0;
	[tilespmem:s11+$0xE300] =	vst v11;
	v2 =	vsub.f32 v10, v2  }
0x2f2: {  	s12 =	simm.s32 $0x0;
	s2 =	sand.u32 $0x70, s0;
	[tilespmem:s11+$0x15300] =	vst v1  }
0x2f3: {  	s2 =	sor.u32 s2, s12;
	[tilespmem:s11+$0x16F00] =	vst v2  }
0x2f4: {  	v3 =	vld [tilespmem:s2+$0xD280]  }
0x2f5: {  	v4 =	vld [tilespmem:s2+$0xD200]  }
0x2f6: {  	v1 =	vld [tilespmem:s2+$0xD300]  }
0x2f7: {  	v2 =	vld [tilespmem:s2+$0xD380]  }
0x2f8: {  	v5 =	vld [tilespmem:s2+$0x6280]  }
0x2f9: {  	v9 =	vld [tilespmem:s2+$0x6200]  }
0x2fa: {  	v8 =	vld [tilespmem:s2+$0x6300];
	v10 =	vmax.f32 v4, v3  }
0x2fb: {  	v6 =	vld [tilespmem:s2+$0x6380];
	v12 =	vmax.f32 v10, v1  }
0x2fc: {  	v7 =	vmax.f32 v12, v2  }
0x2fd: {  	vm0 =	vgt.f32 v3, v4;
	v11 =	vsub.f32 v4, v7  }
0x2fe: {  	v14 =	vmax.f32 v9, v5;
	v13 =	vsel vm0, $0x1, v0  }
0x2ff: {  	v60 =	vsub.f32 v1, v7;
	v15 =	vmul.f32 $1.442695020e+00, v11;
	v11 =	vmax.f32 v14, v8  }
0x300: {  	vm0 =	vgt.f32 v1, v10;
	v17 =	vsub.f32 v3, v7;
	v10 =	vmax.f32 v11, v6  }
0x301: {  	v16 =	vmul.f32 $1.442695020e+00, v60;
	(erf) = vpow2.f32 v15;
	v15 =	vsub.f32 v9, v10  }
0x302: {  	v17 =	vmul.f32 $1.442695020e+00, v17;
	v18 =	vsub.f32 v5, v10  }
0x303: {  	v19 =	vsub.f32 v2, v7;
	(erf) = vpow2.f32 v16;
	v15 =	vmul.f32 $1.442695020e+00, v15  }
0x304: {  	v61 =	vsub.f32 v8, v10;
	v18 =	vmul.f32 $1.442695020e+00, v18;
	(erf) = vpow2.f32 v17  }
0x305: {  	vm2 =	vgt.f32 v8, v14;
	v19 =	vmul.f32 $1.442695020e+00, v19;
	(erf) = vpow2.f32 v15  }
0x306: {  	v62 =	vsub.f32 v6, v10;
	v14 =	vmul.f32 $1.442695020e+00, v61;
	(erf) = vpow2.f32 v18  }
0x307: {  	vm1 =	vgt.f32 v5, v9;
	v13 =	vsel vm0, $0x2, v13;
	(erf) = vpow2.f32 v19  }
0x308: {  	s18 =	simm.s32 $0x0;
	vm0 =	vgt.f32 v2, v12;
	v15 =	vmul.f32 $1.442695020e+00, v62;
	(erf) = vpow2.f32 v14  }
0x309: {  	s11 =	sor.u32 $0x380, s18;
	v63 =	vsel vm1, $0x1, v0;
	v12 =	vsel vm0, $0x3, v13  }
0x30a: {  	s2 =	simm.s32 $0x1;
	v13 =	vsel vm2, $0x2, v63;
	[tilespmem:s11+$0x13400] =	vst v12;
	(erf) = vpow2.f32 v15;
	v14 =	vpop (erf)  }
.LBB2_16:
0x30b: {  	p1 =	sne.s32 s2, $0x37  }
0x30c: {  	s0 =	sadd.s32 $0x10, s0;
	v15 =	vpop (erf);
	s12 =	smov.u32 s2;
	s2 =	sadd.s32 $0x1, s2  }
0x30d: {  	v16 =	vpop (erf)  }
0x30e: {  	v14 =	vadd.f32 v16, v14;
	v16 =	vpop (erf)  }
0x30f: {  	v17 =	vpop (erf)  }
0x310: {  	v16 =	vadd.f32 v17, v16;
	v14 =	vadd.f32 v14, v15;
	v15 =	vpop (erf)  }
0x311: {  	v17 =	vpop (erf)  }
0x312: {  	s12 =	sshrl.u32 s12, $0x3;
	v16 =	vadd.f32 v16, v17;
	v14 =	vadd.f32 v14, v15  }
0x313: {  	s14 =	sand.u32 $0x70, s0;
	s13 =	sshll.u32 s12, $0xA;
	s15 =	sshll.u32 s12, $0x9;
	v15 =	vpop (erf)  }
0x314: {  	s12 =	sadd.s32 s13, s0;
	s13 =	sor.u32 s14, s15;
	v15 =	vadd.f32 v16, v15  }
0x315: {  	(erf) = vrcp.f32 v14  }
0x316: {  	(erf) = vrcp.f32 v15;
	_ =	sdelay $0x7  }
0x317: {  	v14 =	vpop (erf)  }
0x318: {  	vm1 =	vgt.f32 v6, v11;
	[tilespmem:s11+$0xFC00] =	vst v14;
	v11 =	vpop (erf)  }
0x319: {  	v13 =	vsel vm1, $0x3, v13;
	vm2 =	vge.f32 v11, v14;
	[tilespmem:s11+$0xE000] =	vst v11  }
0x31a: {  	v11 =	vsel vm2, v13, v12;
	[tilespmem:s11+$0x11800] =	vst v13;
	vm3 =	vmneg vm2  }
0x31b: {  	vm4 =	veq.s32 v11, $0x1;
	vm5 =	veq.s32 v11, $0x2;
	vm0 =	vmand vm3, vm0  }
0x31c: {  	vm1 =	vmand vm2, vm1;
	v5 =	vsel vm4, v5, v9;
	v3 =	vsel vm4, v3, v4  }
0x31d: {  	vm0 =	vmor vm1, vm0;
	v4 =	vsel vm5, v8, v5;
	v1 =	vsel vm5, v1, v3  }
0x31e: {  	v3 =	vsel vm0, v6, v4;
	v1 =	vsel vm0, v2, v1  }
0x31f: {  	v2 =	vsub.f32 v10, v3;
	v1 =	vsub.f32 v7, v1;
	_ =	sdelay $0x1  }
0x320: {  	[tilespmem:s11+$0x15000] =	vst v2  }
0x321: {  	[tilespmem:s11+$0x16C00] =	vst v1  }
0x322: {  	v5 =	vld [tilespmem:s13+$0x6280]  }
0x323: {  	v1 =	vld [tilespmem:s13+$0xD300]  }
0x324: {  	v3 =	vld [tilespmem:s13+$0xD280]  }
0x325: {  	v4 =	vld [tilespmem:s13+$0xD200]  }
0x326: {  	v2 =	vld [tilespmem:s13+$0xD380]  }
0x327: {  	v9 =	vld [tilespmem:s13+$0x6200]  }
0x328: {  	v8 =	vld [tilespmem:s13+$0x6300]  }
0x329: {  	v6 =	vld [tilespmem:s13+$0x6380]  }
0x32a: {  	vm0 =	vgt.f32 v3, v4;
	v7 =	vmax.f32 v4, v3  }
0x32b: {  	v10 =	vsel vm0, $0x1, v0;
	vm0 =	vgt.f32 v1, v7;
	v12 =	vmax.f32 v7, v1  }
0x32c: {  	vm1 =	vgt.f32 v5, v9;
	v14 =	vsel vm0, $0x2, v10;
	v7 =	vmax.f32 v12, v2  }
0x32d: {  	v13 =	vmax.f32 v9, v5;
	v15 =	vsub.f32 v4, v7;
	v16 =	vsub.f32 v3, v7  }
0x32e: {  	v11 =	vmax.f32 v13, v8;
	v17 =	vsub.f32 v1, v7;
	v18 =	vsub.f32 v2, v7  }
0x32f: {  	v10 =	vmax.f32 v11, v6;
	v15 =	vmul.f32 $1.442695020e+00, v15;
	v16 =	vmul.f32 $1.442695020e+00, v16  }
0x330: {  	v19 =	vsub.f32 v9, v10;
	v20 =	vsub.f32 v5, v10;
	v17 =	vmul.f32 $1.442695020e+00, v17  }
0x331: {  	vm0 =	vgt.f32 v8, v13;
	v21 =	vsub.f32 v8, v10;
	(erf) = vpow2.f32 v15  }
0x332: {  	v13 =	vsel vm1, $0x1, v0;
	v15 =	vmul.f32 $1.442695020e+00, v19;
	(erf) = vpow2.f32 v17  }
0x333: {  	v19 =	vsub.f32 v6, v10;
	v17 =	vmul.f32 $1.442695020e+00, v20;
	(erf) = vpow2.f32 v16  }
0x334: {  	v13 =	vsel vm0, $0x2, v13;
	v16 =	vmul.f32 $1.442695020e+00, v18;
	(erf) = vpow2.f32 v15  }
0x335: {  	vm0 =	vgt.f32 v2, v12;
	v15 =	vmul.f32 $1.442695020e+00, v21;
	(erf) = vpow2.f32 v17  }
.Ltmp9:
0x336: {  	s11 =	sor.u32 $0x380, s12;
	v12 =	vsel vm0, $0x3, v14;
	v17 =	vmul.f32 $1.442695020e+00, v19;
	(erf) = vpow2.f32 v16;
	(pc) =	sbr.rel @p1 .LBB2_16-.Ltmp9, $3  }
0x337: {  	[tilespmem:s11+$0x13400] =	vst v12;
	(erf) = vpow2.f32 v15;
	_ =	sdelay $0x1  }
0x338: {  	(erf) = vpow2.f32 v17  }
0x339: {  	v14 =	vpop (erf)  }
0x33a: {  	v15 =	vpop (erf)  }
0x33b: {  	v16 =	vpop (erf)  }
0x33c: {  	v17 =	vpop (erf)  }
0x33d: {  	v14 =	vadd.f32 v16, v14;
	v58 =	vpop (erf)  }
0x33e: {  	v16 =	vadd.f32 v58, v17;
	v59 =	vpop (erf)  }
0x33f: {  	v14 =	vadd.f32 v14, v15;
	v60 =	vpop (erf)  }
0x340: {  	v15 =	vadd.f32 v16, v60  }
0x341: {  	v14 =	vadd.f32 v14, v59;
	v61 =	vpop (erf)  }
0x342: {  	v15 =	vadd.f32 v15, v61  }
0x343: {  	(erf) = vrcp.f32 v14  }
0x344: {  	(erf) = vrcp.f32 v15;
	_ =	sdelay $0x7  }
0x345: {  	v14 =	vpop (erf)  }
0x346: {  	vm1 =	vgt.f32 v6, v11;
	v62 =	vpop (erf)  }
0x347: {  	v13 =	vsel vm1, $0x3, v13;
	vm2 =	vge.f32 v62, v14  }
0x348: {  	v12 =	vsel vm2, v13, v12  }
0x349: {  	vm3 =	vmneg vm2;
	vm1 =	vmand vm2, vm1;
	vm15 =	veq.s32 v12, $0x1  }
0x34a: {  	vm0 =	vmand vm3, vm0;
	vm4 =	veq.s32 v12, $0x2;
	v5 =	vsel vm15, v5, v9  }
0x34b: {  	v3 =	vsel vm15, v3, v4;
	vm0 =	vmor vm1, vm0;
	v63 =	vsel vm4, v8, v5  }
0x34c: {  	[tilespmem:s11+$0x11800] =	vst v13;
	v1 =	vsel vm4, v1, v3;
	v3 =	vsel vm0, v6, v63  }
0x34d: {  	[tilespmem:s11+$0xFC00] =	vst v14;
	v1 =	vsel vm0, v2, v1;
	v2 =	vsub.f32 v10, v3  }
0x34e: {  	[tilespmem:s11+$0xE000] =	vst v62;
	v1 =	vsub.f32 v7, v1  }
0x34f: {  	[tilespmem:s11+$0x15000] =	vst v2  }
0x350: {  	[tilespmem:s11+$0x16C00] =	vst v1  }
0x351: {  	[hbm4b:s5+s1] =	stream.linear.scatter [tilespmem:s24], [sflag:$0x1], $0x1C00, $0x38;
	[tilespmem:$0x18800] =	vst v63  }
0x352: {  	_ =	swait.ge [sflag:s22], $0x1C00  }
0x353: {  	[sflag:s22] =	ssyncset.done $0x0  }
0x354: {  	[sflag:s22] =	ssyncadd.s32 $0xFFFFE400  }
0x355: {  	[hbm4b:s6+s1] =	stream.linear.scatter [tilespmem:s25], [sflag:$0x1], $0x1C00, $0x38;
	[tilespmem:$0x18800] =	vst v63  }
0x356: {  	_ =	swait.ge [sflag:s22], $0x1C00  }
0x357: {  	[sflag:s22] =	ssyncset.done $0x0  }
0x358: {  	[sflag:s22] =	ssyncadd.s32 $0xFFFFE400  }
0x359: {  	[hbm4b:s7+s1] =	stream.linear.scatter [tilespmem:s26], [sflag:$0x1], $0x1C00, $0x38;
	[tilespmem:$0x18800] =	vst v63  }
0x35a: {  	_ =	swait.ge [sflag:s22], $0x1C00  }
0x35b: {  	[sflag:s22] =	ssyncset.done $0x0  }
0x35c: {  	[sflag:s22] =	ssyncadd.s32 $0xFFFFE400  }
0x35d: {  	[hbm4b:s8+s1] =	stream.linear.scatter [tilespmem:s28], [sflag:$0x1], $0x1C00, $0x38;
	[tilespmem:$0x18800] =	vst v63  }
0x35e: {  	_ =	swait.ge [sflag:s22], $0x1C00  }
0x35f: {  	[sflag:s22] =	ssyncset.done $0x0  }
0x360: {  	[sflag:s22] =	ssyncadd.s32 $0xFFFFE400  }
0x361: {  	[hbm4b:s9+s1] =	stream.linear.scatter [tilespmem:s29], [sflag:$0x1], $0x1C00, $0x38;
	[tilespmem:$0x18800] =	vst v63  }
0x362: {  	_ =	swait.ge [sflag:s22], $0x1C00  }
0x363: {  	[sflag:s22] =	ssyncset.done $0x0  }
.Ltmp10:
0x364: {  	[sflag:s22] =	ssyncadd.s32 $0xFFFFE400;
	(pc) =	sbr.rel @p0 .LBB2_35-.Ltmp10, $4  }
0x365: {  	[hbm4b:s10+s1] =	stream.linear.scatter [tilespmem:s30], [sflag:$0x1], $0x1C00, $0x38;
	[tilespmem:$0x18800] =	vst v63  }
0x366: {  	_ =	swait.ge [sflag:s22], $0x1C00  }
0x367: {  	[sflag:s22] =	ssyncset.done $0x0  }
0x368: {  	[sflag:s22] =	ssyncadd.s32 $0xFFFFE400  }
0x369: {  	s2 =	simm.s32 $0x0;
	s0 =	rddreg [dreg:$0x2]  }
0x36a: {  	[tilespmem:s2], [sflag:$0x1] =	stream.strided.gather [hbm4b:s0+s20], $0x7000, s21, s20, $0x38;
	[tilespmem:$0x18800] =	vst v63  }
0x36b: {  	_ =	swait.ge [sflag:s22], $0x7000  }
0x36c: {  	[sflag:s22] =	ssyncset.done $0x0  }
0x36d: {  	s18 =	rddreg [dreg:$0x3];
	[sflag:s22] =	ssyncadd.s32 $0xFFFF9000  }
0x36e: {  	[tilespmem:s23], [sflag:$0x1] =	stream.strided.gather [hbm4b:s18+s20], $0x7000, s21, s20, $0x38;
	[tilespmem:$0x18800] =	vst v63  }
0x36f: {  	_ =	swait.ge [sflag:s22], $0x7000  }
0x370: {  	s11 =	simm.s32 $0x0;
	s0 =	sand.u32 $0x70, s2;
	[sflag:s22] =	ssyncset.done $0x0  }
0x371: {  	s12 =	sor.u32 s0, s11;
	[sflag:s22] =	ssyncadd.s32 $0xFFFF9000  }
0x372: {  	v1 =	vld [tilespmem:s12+$0x100]  }
0x373: {  	v2 =	vld [tilespmem:s12+$0x7000]  }
0x374: {  	v6 =	vld [tilespmem:s12+$0x0]  }
0x375: {  	v8 =	vld [tilespmem:s12+$0x80]  }
0x376: {  	v7 =	vld [tilespmem:s12+$0x7080]  }
0x377: {  	v4 =	vld [tilespmem:s12+$0x7100]  }
0x378: {  	v3 =	vld [tilespmem:s12+$0x180]  }
0x379: {  	v5 =	vld [tilespmem:s12+$0x7180];
	_ =	sdelay $0x1  }
0x37a: {  	vm0 =	vgt.f32 v8, v6;
	v16 =	vmax.f32 v6, v8;
	vm1 =	vgt.f32 v7, v2  }
0x37b: {  	v10 =	vmax.f32 v2, v7;
	v11 =	vmax.f32 v16, v1;
	v12 =	vsel vm1, $0x1, v0  }
0x37c: {  	vm1 =	vgt.f32 v4, v10;
	v14 =	vmax.f32 v10, v4;
	v9 =	vmax.f32 v11, v3  }
0x37d: {  	vm2 =	vgt.f32 v1, v16;
	v10 =	vmax.f32 v14, v5;
	v13 =	vsub.f32 v6, v9  }
0x37e: {  	v12 =	vsel vm1, $0x2, v12;
	v15 =	vsub.f32 v8, v9;
	v17 =	vsub.f32 v2, v10  }
0x37f: {  	vm1 =	vgt.f32 v5, v14;
	v18 =	vsub.f32 v7, v10;
	v19 =	vmul.f32 $1.442695020e+00, v13  }
0x380: {  	v22 =	vsub.f32 v5, v10;
	v20 =	vmul.f32 $1.442695020e+00, v15;
	v17 =	vmul.f32 $1.442695020e+00, v17  }
0x381: {  	v21 =	vsub.f32 v1, v9;
	v18 =	vmul.f32 $1.442695020e+00, v18;
	(erf) = vpow2.f32 v19  }
0x382: {  	s11 =	simm.s32 $0x0;
	v13 =	vsub.f32 v4, v10;
	v14 =	vmul.f32 $1.442695020e+00, v22;
	(erf) = vpow2.f32 v17  }
0x383: {  	s15 =	sor.u32 s0, s11;
	v12 =	vsel vm1, $0x3, v12;
	v16 =	vmul.f32 $1.442695020e+00, v21;
	(erf) = vpow2.f32 v18  }
0x384: {  	s13 =	simm.s32 $0x1;
	s14 =	simm.s32 $0x0;
	[tilespmem:s15+$0x13400] =	vst v12;
	v15 =	vsub.f32 v3, v9;
	v13 =	vmul.f32 $1.442695020e+00, v13;
	(erf) = vpow2.f32 v20  }
.LBB2_19:
0x385: {  	p1 =	sne.s32 s13, $0x37  }
0x386: {  	v15 =	vmul.f32 $1.442695020e+00, v15;
	s14 =	sadd.s32 $0x10, s14;
	(erf) = vpow2.f32 v13;
	s16 =	smov.u32 s13;
	s13 =	sadd.s32 $0x1, s13  }
0x387: {  	(erf) = vpow2.f32 v16  }
0x388: {  	(erf) = vpow2.f32 v14  }
0x389: {  	(erf) = vpow2.f32 v15;
	_ =	sdelay $0x1  }
0x38a: {  	v13 =	vpop (erf)  }
0x38b: {  	s17 =	sshrl.u32 s16, $0x3;
	v14 =	vpop (erf)  }
0x38c: {  	s16 =	sand.u32 $0x70, s14;
	s18 =	sshll.u32 s17, $0x9;
	s17 =	sshll.u32 s17, $0xA;
	v15 =	vpop (erf)  }
0x38d: {  	s18 =	sor.u32 s16, s18;
	v14 =	vadd.f32 v15, v14;
	v15 =	vpop (erf)  }
0x38e: {  	v13 =	vadd.f32 v15, v13;
	v15 =	vpop (erf)  }
0x38f: {  	v14 =	vadd.f32 v14, v15;
	v15 =	vpop (erf)  }
0x390: {  	v13 =	vadd.f32 v13, v15;
	v15 =	vpop (erf)  }
0x391: {  	v14 =	vadd.f32 v14, v15;
	v15 =	vpop (erf)  }
0x392: {  	v13 =	vadd.f32 v13, v15  }
0x393: {  	(erf) = vrcp.f32 v14  }
0x394: {  	(erf) = vrcp.f32 v13;
	_ =	sdelay $0x7  }
0x395: {  	v13 =	vsel vm0, $0x1, v0;
	v14 =	vpop (erf)  }
0x396: {  	vm0 =	vgt.f32 v3, v11;
	v13 =	vsel vm2, $0x2, v13;
	[tilespmem:s15+$0xFC00] =	vst v14;
	v11 =	vpop (erf)  }
0x397: {  	v13 =	vsel vm0, $0x3, v13;
	vm2 =	vge.f32 v11, v14;
	[tilespmem:s15+$0xE000] =	vst v11  }
0x398: {  	v11 =	vsel vm2, v13, v12;
	[tilespmem:s15+$0x11800] =	vst v13;
	vm3 =	vmneg vm2  }
0x399: {  	vm0 =	vmand vm2, vm0;
	vm4 =	veq.s32 v11, $0x1;
	vm5 =	veq.s32 v11, $0x2  }
0x39a: {  	vm1 =	vmand vm3, vm1;
	v6 =	vsel vm4, v8, v6;
	v2 =	vsel vm4, v7, v2  }
0x39b: {  	vm0 =	vmor vm0, vm1;
	v1 =	vsel vm5, v1, v6;
	v2 =	vsel vm5, v4, v2  }
0x39c: {  	v1 =	vsel vm0, v3, v1;
	v2 =	vsel vm0, v5, v2  }
0x39d: {  	v1 =	vsub.f32 v9, v1;
	v2 =	vsub.f32 v10, v2;
	_ =	sdelay $0x1  }
0x39e: {  	[tilespmem:s15+$0x15000] =	vst v1  }
0x39f: {  	[tilespmem:s15+$0x16C00] =	vst v2  }
0x3a0: {  	v1 =	vld [tilespmem:s18+$0x100]  }
0x3a1: {  	v2 =	vld [tilespmem:s18+$0x7000]  }
0x3a2: {  	v6 =	vld [tilespmem:s18+$0x0]  }
0x3a3: {  	v8 =	vld [tilespmem:s18+$0x80]  }
0x3a4: {  	v7 =	vld [tilespmem:s18+$0x7080]  }
0x3a5: {  	v4 =	vld [tilespmem:s18+$0x7100]  }
0x3a6: {  	v3 =	vld [tilespmem:s18+$0x180]  }
0x3a7: {  	v5 =	vld [tilespmem:s18+$0x7180]  }
0x3a8: {  	vm0 =	vgt.f32 v8, v6  }
0x3a9: {  	v16 =	vmax.f32 v6, v8;
	vm1 =	vgt.f32 v7, v2  }
0x3aa: {  	v11 =	vmax.f32 v16, v1;
	v10 =	vmax.f32 v2, v7;
	v12 =	vsel vm1, $0x1, v0  }
0x3ab: {  	vm1 =	vgt.f32 v4, v10;
	v14 =	vmax.f32 v10, v4;
	v9 =	vmax.f32 v11, v3  }
0x3ac: {  	v13 =	vsub.f32 v6, v9;
	v15 =	vsub.f32 v8, v9;
	v10 =	vmax.f32 v14, v5  }
0x3ad: {  	v12 =	vsel vm1, $0x2, v12;
	v17 =	vsub.f32 v2, v10;
	v18 =	vsub.f32 v7, v10  }
0x3ae: {  	v19 =	vmul.f32 $1.442695020e+00, v13;
	v20 =	vmul.f32 $1.442695020e+00, v15;
	v13 =	vsub.f32 v4, v10  }
.Ltmp11:
0x3af: {  	v21 =	vsub.f32 v1, v9;
	v17 =	vmul.f32 $1.442695020e+00, v17;
	v18 =	vmul.f32 $1.442695020e+00, v18;
	(pc) =	sbr.rel @p1 .LBB2_19-.Ltmp11, $4  }
0x3b0: {  	v22 =	vsub.f32 v5, v10;
	v13 =	vmul.f32 $1.442695020e+00, v13;
	(erf) = vpow2.f32 v19  }
0x3b1: {  	vm1 =	vgt.f32 v5, v14;
	v15 =	vsub.f32 v3, v9;
	(erf) = vpow2.f32 v17  }
0x3b2: {  	s15 =	sor.u32 s16, s17;
	v12 =	vsel vm1, $0x3, v12;
	v14 =	vmul.f32 $1.442695020e+00, v22;
	(erf) = vpow2.f32 v18  }
0x3b3: {  	vm2 =	vgt.f32 v1, v16;
	v16 =	vmul.f32 $1.442695020e+00, v21;
	[tilespmem:s15+$0x13400] =	vst v12;
	(erf) = vpow2.f32 v20  }
0x3b4: {  	(erf) = vpow2.f32 v13  }
0x3b5: {  	v13 =	vmul.f32 $1.442695020e+00, v15;
	(erf) = vpow2.f32 v16  }
0x3b6: {  	(erf) = vpow2.f32 v14  }
0x3b7: {  	(erf) = vpow2.f32 v13;
	_ =	sdelay $0x1  }
0x3b8: {  	v13 =	vpop (erf)  }
0x3b9: {  	v14 =	vpop (erf)  }
0x3ba: {  	v15 =	vpop (erf)  }
0x3bb: {  	v14 =	vadd.f32 v15, v14;
	v15 =	vpop (erf)  }
0x3bc: {  	v13 =	vadd.f32 v15, v13;
	v15 =	vpop (erf)  }
0x3bd: {  	v14 =	vadd.f32 v14, v15;
	v15 =	vpop (erf)  }
0x3be: {  	v13 =	vadd.f32 v13, v15;
	v15 =	vpop (erf)  }
0x3bf: {  	v14 =	vadd.f32 v14, v15;
	v15 =	vpop (erf)  }
0x3c0: {  	v13 =	vadd.f32 v13, v15  }
0x3c1: {  	(erf) = vrcp.f32 v14  }
0x3c2: {  	(erf) = vrcp.f32 v13;
	_ =	sdelay $0x7  }
0x3c3: {  	v13 =	vsel vm0, $0x1, v0;
	v14 =	vpop (erf)  }
0x3c4: {  	vm0 =	vgt.f32 v3, v11;
	v13 =	vsel vm2, $0x2, v13;
	v11 =	vpop (erf)  }
0x3c5: {  	v13 =	vsel vm0, $0x3, v13;
	vm2 =	vge.f32 v11, v14  }
0x3c6: {  	v12 =	vsel vm2, v13, v12  }
0x3c7: {  	vm3 =	vmneg vm2;
	vm0 =	vmand vm2, vm0;
	vm4 =	veq.s32 v12, $0x1  }
0x3c8: {  	vm5 =	veq.s32 v12, $0x2;
	vm1 =	vmand vm3, vm1;
	v6 =	vsel vm4, v8, v6  }
0x3c9: {  	v2 =	vsel vm4, v7, v2;
	vm0 =	vmor vm0, vm1;
	v1 =	vsel vm5, v1, v6  }
0x3ca: {  	[tilespmem:s15+$0x11800] =	vst v13;
	v2 =	vsel vm5, v4, v2;
	v1 =	vsel vm0, v3, v1  }
0x3cb: {  	[tilespmem:s15+$0xFC00] =	vst v14;
	v2 =	vsel vm0, v5, v2;
	v1 =	vsub.f32 v9, v1  }
0x3cc: {  	[tilespmem:s15+$0xE000] =	vst v11;
	v2 =	vsub.f32 v10, v2  }
0x3cd: {  	[tilespmem:s15+$0x15000] =	vst v1  }
0x3ce: {  	[tilespmem:s15+$0x16C00] =	vst v2  }
0x3cf: {  	v1 =	vld [tilespmem:s12+$0xF80]  }
0x3d0: {  	v3 =	vld [tilespmem:s12+$0xE80]  }
0x3d1: {  	v2 =	vld [tilespmem:s12+$0x7E80]  }
0x3d2: {  	v7 =	vld [tilespmem:s12+$0xE00]  }
0x3d3: {  	v5 =	vld [tilespmem:s12+$0xF00]  }
0x3d4: {  	v8 =	vld [tilespmem:s12+$0x7E00]  }
0x3d5: {  	v6 =	vld [tilespmem:s12+$0x7F00]  }
0x3d6: {  	v4 =	vld [tilespmem:s12+$0x7F80];
	_ =	sdelay $0x1  }
0x3d7: {  	v11 =	vmax.f32 v7, v3  }
0x3d8: {  	v13 =	vmax.f32 v8, v2;
	v12 =	vmax.f32 v11, v5  }
0x3d9: {  	v14 =	vmax.f32 v13, v6;
	v9 =	vmax.f32 v12, v1  }
0x3da: {  	v10 =	vmax.f32 v14, v4;
	v15 =	vsub.f32 v7, v9  }
0x3db: {  	v55 =	vsub.f32 v8, v10  }
0x3dc: {  	v17 =	vsub.f32 v2, v10;
	v15 =	vmul.f32 $1.442695020e+00, v15  }
0x3dd: {  	v18 =	vsub.f32 v3, v9;
	v16 =	vmul.f32 $1.442695020e+00, v55  }
0x3de: {  	v19 =	vsub.f32 v6, v10;
	v17 =	vmul.f32 $1.442695020e+00, v17;
	(erf) = vpow2.f32 v15  }
0x3df: {  	v18 =	vmul.f32 $1.442695020e+00, v18;
	(erf) = vpow2.f32 v16  }
0x3e0: {  	v19 =	vmul.f32 $1.442695020e+00, v19;
	(erf) = vpow2.f32 v17  }
0x3e1: {  	v15 =	vsub.f32 v5, v9;
	(erf) = vpow2.f32 v18  }
0x3e2: {  	v56 =	vsub.f32 v4, v10;
	(erf) = vpow2.f32 v19  }
0x3e3: {  	v57 =	vsub.f32 v1, v9;
	v15 =	vmul.f32 $1.442695020e+00, v15  }
0x3e4: {  	v16 =	vmul.f32 $1.442695020e+00, v56  }
0x3e5: {  	v17 =	vmul.f32 $1.442695020e+00, v57;
	(erf) = vpow2.f32 v15  }
0x3e6: {  	(erf) = vpow2.f32 v16  }
0x3e7: {  	(erf) = vpow2.f32 v17;
	v15 =	vpop (erf)  }
0x3e8: {  	v58 =	vpop (erf)  }
0x3e9: {  	v59 =	vpop (erf)  }
0x3ea: {  	v16 =	vadd.f32 v59, v58;
	v60 =	vpop (erf)  }
0x3eb: {  	vm0 =	vgt.f32 v3, v7;
	vm2 =	vgt.f32 v5, v11;
	v11 =	vadd.f32 v60, v15;
	v15 =	vpop (erf)  }
0x3ec: {  	v61 =	vsel vm0, $0x1, v0;
	vm0 =	vgt.f32 v1, v12;
	v12 =	vadd.f32 v16, v15;
	_ =	sdelay $0x1  }
0x3ed: {  	vm1 =	vgt.f32 v2, v8;
	v15 =	vpop (erf)  }
0x3ee: {  	v62 =	vsel vm1, $0x1, v0;
	vm1 =	vgt.f32 v6, v13;
	v13 =	vadd.f32 v11, v15;
	v11 =	vpop (erf)  }
0x3ef: {  	v15 =	vsel vm1, $0x2, v62;
	vm1 =	vgt.f32 v4, v14;
	v14 =	vadd.f32 v12, v11;
	v12 =	vpop (erf)  }
0x3f0: {  	v13 =	vadd.f32 v13, v12  }
0x3f1: {  	(erf) = vrcp.f32 v14  }
0x3f2: {  	s12 =	sor.u32 s0, s11;
	v63 =	vsel vm2, $0x2, v61;
	v11 =	vsel vm1, $0x3, v15;
	(erf) = vrcp.f32 v13  }
0x3f3: {  	v12 =	vsel vm0, $0x3, v63;
	[tilespmem:s12+$0x13480] =	vst v11  }
0x3f4: {  	s11 =	simm.s32 $0x1;
	[tilespmem:s12+$0x11880] =	vst v12  }
.LBB2_21:
0x3f5: {  	p1 =	sne.s32 s11, $0x37  }
0x3f6: {  	s2 =	sadd.s32 $0x10, s2;
	s0 =	smov.u32 s11;
	s11 =	sadd.s32 $0x1, s11  }
0x3f7: {  	_ =	sdelay $0x2  }
0x3f8: {  	v13 =	vpop (erf)  }
0x3f9: {  	[tilespmem:s12+$0xFC80] =	vst v13;
	v14 =	vpop (erf)  }
0x3fa: {  	s13 =	sshrl.u32 s0, $0x3;
	vm2 =	vge.f32 v14, v13;
	[tilespmem:s12+$0xE080] =	vst v14  }
0x3fb: {  	s0 =	sand.u32 $0x70, s2;
	s14 =	sshll.u32 s13, $0x9;
	v11 =	vsel vm2, v12, v11;
	vm0 =	vmand vm2, vm0;
	vm2 =	vmneg vm2  }
0x3fc: {  	s14 =	sor.u32 s0, s14;
	vm3 =	veq.s32 v11, $0x1;
	vm1 =	vmand vm2, vm1  }
0x3fd: {  	vm2 =	veq.s32 v11, $0x2;
	v3 =	vsel vm3, v3, v7;
	v2 =	vsel vm3, v2, v8  }
0x3fe: {  	vm0 =	vmor vm0, vm1;
	v3 =	vsel vm2, v5, v3;
	v2 =	vsel vm2, v6, v2  }
0x3ff: {  	v1 =	vsel vm0, v1, v3;
	v2 =	vsel vm0, v4, v2  }
0x400: {  	v1 =	vsub.f32 v9, v1;
	v2 =	vsub.f32 v10, v2;
	_ =	sdelay $0x1  }
0x401: {  	[tilespmem:s12+$0x15080] =	vst v1  }
0x402: {  	[tilespmem:s12+$0x16C80] =	vst v2  }
0x403: {  	v1 =	vld [tilespmem:s14+$0xF80]  }
0x404: {  	v3 =	vld [tilespmem:s14+$0xE80]  }
0x405: {  	v2 =	vld [tilespmem:s14+$0x7E80]  }
0x406: {  	v7 =	vld [tilespmem:s14+$0xE00]  }
0x407: {  	v5 =	vld [tilespmem:s14+$0xF00]  }
0x408: {  	v8 =	vld [tilespmem:s14+$0x7E00]  }
0x409: {  	v6 =	vld [tilespmem:s14+$0x7F00]  }
0x40a: {  	v4 =	vld [tilespmem:s14+$0x7F80]  }
0x40b: {  	vm0 =	vgt.f32 v3, v7;
	v9 =	vmax.f32 v7, v3  }
0x40c: {  	v10 =	vsel vm0, $0x1, v0;
	vm1 =	vgt.f32 v5, v9;
	v9 =	vmax.f32 v9, v5  }
0x40d: {  	vm0 =	vgt.f32 v1, v9;
	v9 =	vmax.f32 v9, v1;
	v11 =	vmax.f32 v8, v2  }
0x40e: {  	v12 =	vsel vm1, $0x2, v10;
	v13 =	vsub.f32 v7, v9;
	v14 =	vmax.f32 v11, v6  }
0x40f: {  	v15 =	vsub.f32 v3, v9;
	v16 =	vsub.f32 v5, v9;
	v10 =	vmax.f32 v14, v4  }
0x410: {  	vm1 =	vgt.f32 v2, v8;
	v17 =	vsub.f32 v8, v10;
	v18 =	vsub.f32 v2, v10  }
0x411: {  	v13 =	vmul.f32 $1.442695020e+00, v13;
	v19 =	vsub.f32 v6, v10;
	v20 =	vsub.f32 v4, v10  }
0x412: {  	v21 =	vsub.f32 v1, v9;
	v17 =	vmul.f32 $1.442695020e+00, v17;
	v18 =	vmul.f32 $1.442695020e+00, v18  }
0x413: {  	v22 =	vsel vm1, $0x1, v0;
	v15 =	vmul.f32 $1.442695020e+00, v15;
	(erf) = vpow2.f32 v13  }
0x414: {  	vm1 =	vgt.f32 v6, v11;
	v13 =	vmul.f32 $1.442695020e+00, v16;
	(erf) = vpow2.f32 v17  }
0x415: {  	v11 =	vsel vm1, $0x2, v22;
	v16 =	vmul.f32 $1.442695020e+00, v19;
	(erf) = vpow2.f32 v18  }
0x416: {  	s12 =	sshll.u32 s13, $0xA;
	vm1 =	vgt.f32 v4, v14;
	v17 =	vmul.f32 $1.442695020e+00, v21;
	(erf) = vpow2.f32 v15  }
0x417: {  	s12 =	sor.u32 s0, s12;
	v11 =	vsel vm1, $0x3, v11;
	v14 =	vmul.f32 $1.442695020e+00, v20;
	(erf) = vpow2.f32 v16  }
0x418: {  	v12 =	vsel vm0, $0x3, v12;
	[tilespmem:s12+$0x13480] =	vst v11;
	(erf) = vpow2.f32 v13  }
0x419: {  	[tilespmem:s12+$0x11880] =	vst v12;
	(erf) = vpow2.f32 v14  }
0x41a: {  	(erf) = vpow2.f32 v17;
	_ =	sdelay $0x1  }
0x41b: {  	v13 =	vpop (erf)  }
0x41c: {  	v14 =	vpop (erf)  }
0x41d: {  	v15 =	vpop (erf)  }
0x41e: {  	v14 =	vadd.f32 v15, v14;
	v15 =	vpop (erf)  }
0x41f: {  	v13 =	vadd.f32 v15, v13;
	v15 =	vpop (erf)  }
0x420: {  	v14 =	vadd.f32 v14, v15;
	v15 =	vpop (erf)  }
0x421: {  	v13 =	vadd.f32 v13, v15;
	v15 =	vpop (erf)  }
0x422: {  	v14 =	vadd.f32 v14, v15;
	v15 =	vpop (erf)  }
0x423: {  	v13 =	vadd.f32 v13, v15  }
.Ltmp12:
0x424: {  	(erf) = vrcp.f32 v14;
	(pc) =	sbr.rel @p1 .LBB2_21-.Ltmp12, $2  }
0x425: {  	(erf) = vrcp.f32 v13;
	_ =	sdelay $0x2  }
0x426: {  	s0 =	simm.s32 $0x0  }
0x427: {  	_ =	sdelay $0x3  }
0x428: {  	v13 =	vpop (erf)  }
0x429: {  	v14 =	vpop (erf)  }
0x42a: {  	vm2 =	vge.f32 v14, v13  }
0x42b: {  	v11 =	vsel vm2, v12, v11  }
0x42c: {  	vm0 =	vmand vm2, vm0;
	vm2 =	vmneg vm2;
	vm3 =	veq.s32 v11, $0x1  }
0x42d: {  	vm1 =	vmand vm2, vm1;
	vm2 =	veq.s32 v11, $0x2;
	v3 =	vsel vm3, v3, v7  }
0x42e: {  	v2 =	vsel vm3, v2, v8;
	vm0 =	vmor vm0, vm1;
	v3 =	vsel vm2, v5, v3  }
0x42f: {  	v2 =	vsel vm2, v6, v2;
	v1 =	vsel vm0, v1, v3  }
0x430: {  	[tilespmem:s12+$0xFC80] =	vst v13;
	v2 =	vsel vm0, v4, v2;
	v1 =	vsub.f32 v9, v1  }
0x431: {  	[tilespmem:s12+$0xE080] =	vst v14;
	v2 =	vsub.f32 v10, v2  }
0x432: {  	s2 =	sand.u32 $0x70, s0;
	s11 =	simm.s32 $0x0;
	[tilespmem:s12+$0x15080] =	vst v1  }
0x433: {  	[tilespmem:s12+$0x16C80] =	vst v2;
	s12 =	sor.u32 s2, s11  }
0x434: {  	v1 =	vld [tilespmem:s12+$0x1D00]  }
0x435: {  	v2 =	vld [tilespmem:s12+$0x8C00]  }
0x436: {  	v6 =	vld [tilespmem:s12+$0x1C00]  }
0x437: {  	v8 =	vld [tilespmem:s12+$0x1C80]  }
0x438: {  	v7 =	vld [tilespmem:s12+$0x8C80]  }
0x439: {  	v4 =	vld [tilespmem:s12+$0x8D00]  }
0x43a: {  	v3 =	vld [tilespmem:s12+$0x1D80]  }
0x43b: {  	v5 =	vld [tilespmem:s12+$0x8D80];
	_ =	sdelay $0x1  }
0x43c: {  	vm0 =	vgt.f32 v8, v6;
	v16 =	vmax.f32 v6, v8;
	vm1 =	vgt.f32 v7, v2  }
0x43d: {  	v10 =	vmax.f32 v2, v7;
	v11 =	vmax.f32 v16, v1;
	v12 =	vsel vm1, $0x1, v0  }
0x43e: {  	vm1 =	vgt.f32 v4, v10;
	v14 =	vmax.f32 v10, v4;
	v9 =	vmax.f32 v11, v3  }
0x43f: {  	vm2 =	vgt.f32 v1, v16;
	v10 =	vmax.f32 v14, v5;
	v13 =	vsub.f32 v6, v9  }
0x440: {  	v12 =	vsel vm1, $0x2, v12;
	v15 =	vsub.f32 v8, v9;
	v17 =	vsub.f32 v2, v10  }
0x441: {  	vm1 =	vgt.f32 v5, v14;
	v18 =	vsub.f32 v7, v10;
	v19 =	vmul.f32 $1.442695020e+00, v13  }
0x442: {  	v22 =	vsub.f32 v5, v10;
	v20 =	vmul.f32 $1.442695020e+00, v15;
	v17 =	vmul.f32 $1.442695020e+00, v17  }
0x443: {  	v21 =	vsub.f32 v1, v9;
	v18 =	vmul.f32 $1.442695020e+00, v18;
	(erf) = vpow2.f32 v19  }
0x444: {  	s11 =	simm.s32 $0x0;
	v13 =	vsub.f32 v4, v10;
	v14 =	vmul.f32 $1.442695020e+00, v22;
	(erf) = vpow2.f32 v17  }
0x445: {  	s15 =	sor.u32 s2, s11;
	v12 =	vsel vm1, $0x3, v12;
	v16 =	vmul.f32 $1.442695020e+00, v21;
	(erf) = vpow2.f32 v18  }
0x446: {  	s13 =	simm.s32 $0x1;
	s14 =	simm.s32 $0x0;
	[tilespmem:s15+$0x13500] =	vst v12;
	v15 =	vsub.f32 v3, v9;
	v13 =	vmul.f32 $1.442695020e+00, v13;
	(erf) = vpow2.f32 v20  }
.LBB2_23:
0x447: {  	p1 =	sne.s32 s13, $0x37  }
0x448: {  	v15 =	vmul.f32 $1.442695020e+00, v15;
	s14 =	sadd.s32 $0x10, s14;
	(erf) = vpow2.f32 v13;
	s16 =	smov.u32 s13;
	s13 =	sadd.s32 $0x1, s13  }
0x449: {  	(erf) = vpow2.f32 v16  }
0x44a: {  	(erf) = vpow2.f32 v14  }
0x44b: {  	(erf) = vpow2.f32 v15;
	_ =	sdelay $0x1  }
0x44c: {  	v13 =	vpop (erf)  }
0x44d: {  	s17 =	sshrl.u32 s16, $0x3;
	v14 =	vpop (erf)  }
0x44e: {  	s16 =	sand.u32 $0x70, s14;
	s18 =	sshll.u32 s17, $0x9;
	s17 =	sshll.u32 s17, $0xA;
	v15 =	vpop (erf)  }
0x44f: {  	s18 =	sor.u32 s16, s18;
	v14 =	vadd.f32 v15, v14;
	v15 =	vpop (erf)  }
0x450: {  	v13 =	vadd.f32 v15, v13;
	v15 =	vpop (erf)  }
0x451: {  	v14 =	vadd.f32 v14, v15;
	v15 =	vpop (erf)  }
0x452: {  	v13 =	vadd.f32 v13, v15;
	v15 =	vpop (erf)  }
0x453: {  	v14 =	vadd.f32 v14, v15;
	v15 =	vpop (erf)  }
0x454: {  	v13 =	vadd.f32 v13, v15  }
0x455: {  	(erf) = vrcp.f32 v14  }
0x456: {  	(erf) = vrcp.f32 v13;
	_ =	sdelay $0x7  }
0x457: {  	v13 =	vsel vm0, $0x1, v0;
	v14 =	vpop (erf)  }
0x458: {  	vm0 =	vgt.f32 v3, v11;
	v13 =	vsel vm2, $0x2, v13;
	[tilespmem:s15+$0xFD00] =	vst v14;
	v11 =	vpop (erf)  }
0x459: {  	v13 =	vsel vm0, $0x3, v13;
	vm2 =	vge.f32 v11, v14;
	[tilespmem:s15+$0xE100] =	vst v11  }
0x45a: {  	v11 =	vsel vm2, v13, v12;
	[tilespmem:s15+$0x11900] =	vst v13;
	vm3 =	vmneg vm2  }
0x45b: {  	vm0 =	vmand vm2, vm0;
	vm4 =	veq.s32 v11, $0x1;
	vm5 =	veq.s32 v11, $0x2  }
0x45c: {  	vm1 =	vmand vm3, vm1;
	v6 =	vsel vm4, v8, v6;
	v2 =	vsel vm4, v7, v2  }
0x45d: {  	vm0 =	vmor vm0, vm1;
	v1 =	vsel vm5, v1, v6;
	v2 =	vsel vm5, v4, v2  }
0x45e: {  	v1 =	vsel vm0, v3, v1;
	v2 =	vsel vm0, v5, v2  }
0x45f: {  	v1 =	vsub.f32 v9, v1;
	v2 =	vsub.f32 v10, v2;
	_ =	sdelay $0x1  }
0x460: {  	[tilespmem:s15+$0x15100] =	vst v1  }
0x461: {  	[tilespmem:s15+$0x16D00] =	vst v2  }
0x462: {  	v1 =	vld [tilespmem:s18+$0x1D00]  }
0x463: {  	v2 =	vld [tilespmem:s18+$0x8C00]  }
0x464: {  	v6 =	vld [tilespmem:s18+$0x1C00]  }
0x465: {  	v8 =	vld [tilespmem:s18+$0x1C80]  }
0x466: {  	v7 =	vld [tilespmem:s18+$0x8C80]  }
0x467: {  	v4 =	vld [tilespmem:s18+$0x8D00]  }
0x468: {  	v3 =	vld [tilespmem:s18+$0x1D80]  }
0x469: {  	v5 =	vld [tilespmem:s18+$0x8D80]  }
0x46a: {  	vm0 =	vgt.f32 v8, v6  }
0x46b: {  	v16 =	vmax.f32 v6, v8;
	vm1 =	vgt.f32 v7, v2  }
0x46c: {  	v11 =	vmax.f32 v16, v1;
	v10 =	vmax.f32 v2, v7;
	v12 =	vsel vm1, $0x1, v0  }
0x46d: {  	vm1 =	vgt.f32 v4, v10;
	v14 =	vmax.f32 v10, v4;
	v9 =	vmax.f32 v11, v3  }
0x46e: {  	v13 =	vsub.f32 v6, v9;
	v15 =	vsub.f32 v8, v9;
	v10 =	vmax.f32 v14, v5  }
0x46f: {  	v12 =	vsel vm1, $0x2, v12;
	v17 =	vsub.f32 v2, v10;
	v18 =	vsub.f32 v7, v10  }
0x470: {  	v19 =	vmul.f32 $1.442695020e+00, v13;
	v20 =	vmul.f32 $1.442695020e+00, v15;
	v13 =	vsub.f32 v4, v10  }
.Ltmp13:
0x471: {  	v21 =	vsub.f32 v1, v9;
	v17 =	vmul.f32 $1.442695020e+00, v17;
	v18 =	vmul.f32 $1.442695020e+00, v18;
	(pc) =	sbr.rel @p1 .LBB2_23-.Ltmp13, $4  }
0x472: {  	v22 =	vsub.f32 v5, v10;
	v13 =	vmul.f32 $1.442695020e+00, v13;
	(erf) = vpow2.f32 v19  }
0x473: {  	vm1 =	vgt.f32 v5, v14;
	v15 =	vsub.f32 v3, v9;
	(erf) = vpow2.f32 v17  }
0x474: {  	s15 =	sor.u32 s16, s17;
	v12 =	vsel vm1, $0x3, v12;
	v14 =	vmul.f32 $1.442695020e+00, v22;
	(erf) = vpow2.f32 v18  }
0x475: {  	vm2 =	vgt.f32 v1, v16;
	v16 =	vmul.f32 $1.442695020e+00, v21;
	[tilespmem:s15+$0x13500] =	vst v12;
	(erf) = vpow2.f32 v20  }
0x476: {  	(erf) = vpow2.f32 v13  }
0x477: {  	v13 =	vmul.f32 $1.442695020e+00, v15;
	(erf) = vpow2.f32 v16  }
0x478: {  	(erf) = vpow2.f32 v14  }
0x479: {  	(erf) = vpow2.f32 v13;
	_ =	sdelay $0x1  }
0x47a: {  	v13 =	vpop (erf)  }
0x47b: {  	v14 =	vpop (erf)  }
0x47c: {  	v15 =	vpop (erf)  }
0x47d: {  	v14 =	vadd.f32 v15, v14;
	v15 =	vpop (erf)  }
0x47e: {  	v13 =	vadd.f32 v15, v13;
	v15 =	vpop (erf)  }
0x47f: {  	v14 =	vadd.f32 v14, v15;
	v15 =	vpop (erf)  }
0x480: {  	v13 =	vadd.f32 v13, v15;
	v15 =	vpop (erf)  }
0x481: {  	v14 =	vadd.f32 v14, v15;
	v15 =	vpop (erf)  }
0x482: {  	v13 =	vadd.f32 v13, v15  }
0x483: {  	(erf) = vrcp.f32 v14  }
0x484: {  	(erf) = vrcp.f32 v13;
	_ =	sdelay $0x7  }
0x485: {  	v13 =	vsel vm0, $0x1, v0;
	v14 =	vpop (erf)  }
0x486: {  	vm0 =	vgt.f32 v3, v11;
	v13 =	vsel vm2, $0x2, v13;
	v11 =	vpop (erf)  }
0x487: {  	v13 =	vsel vm0, $0x3, v13;
	vm2 =	vge.f32 v11, v14  }
0x488: {  	v12 =	vsel vm2, v13, v12  }
0x489: {  	vm3 =	vmneg vm2;
	vm0 =	vmand vm2, vm0;
	vm4 =	veq.s32 v12, $0x1  }
0x48a: {  	vm5 =	veq.s32 v12, $0x2;
	vm1 =	vmand vm3, vm1;
	v6 =	vsel vm4, v8, v6  }
0x48b: {  	v2 =	vsel vm4, v7, v2;
	vm0 =	vmor vm0, vm1;
	v1 =	vsel vm5, v1, v6  }
0x48c: {  	[tilespmem:s15+$0x11900] =	vst v13;
	v2 =	vsel vm5, v4, v2;
	v1 =	vsel vm0, v3, v1  }
0x48d: {  	[tilespmem:s15+$0xFD00] =	vst v14;
	v2 =	vsel vm0, v5, v2;
	v1 =	vsub.f32 v9, v1  }
0x48e: {  	[tilespmem:s15+$0xE100] =	vst v11;
	v2 =	vsub.f32 v10, v2  }
0x48f: {  	[tilespmem:s15+$0x15100] =	vst v1  }
0x490: {  	[tilespmem:s15+$0x16D00] =	vst v2  }
0x491: {  	v1 =	vld [tilespmem:s12+$0x2B80]  }
0x492: {  	v3 =	vld [tilespmem:s12+$0x2A80]  }
0x493: {  	v2 =	vld [tilespmem:s12+$0x9A80]  }
0x494: {  	v7 =	vld [tilespmem:s12+$0x2A00]  }
0x495: {  	v5 =	vld [tilespmem:s12+$0x2B00]  }
0x496: {  	v8 =	vld [tilespmem:s12+$0x9A00]  }
0x497: {  	v6 =	vld [tilespmem:s12+$0x9B00]  }
0x498: {  	v4 =	vld [tilespmem:s12+$0x9B80];
	_ =	sdelay $0x1  }
0x499: {  	v11 =	vmax.f32 v7, v3  }
0x49a: {  	v13 =	vmax.f32 v8, v2;
	v12 =	vmax.f32 v11, v5  }
0x49b: {  	v14 =	vmax.f32 v13, v6;
	v9 =	vmax.f32 v12, v1  }
0x49c: {  	v10 =	vmax.f32 v14, v4;
	v15 =	vsub.f32 v7, v9  }
0x49d: {  	v55 =	vsub.f32 v8, v10  }
0x49e: {  	v17 =	vsub.f32 v2, v10;
	v15 =	vmul.f32 $1.442695020e+00, v15  }
0x49f: {  	v18 =	vsub.f32 v3, v9;
	v16 =	vmul.f32 $1.442695020e+00, v55  }
0x4a0: {  	v19 =	vsub.f32 v6, v10;
	v17 =	vmul.f32 $1.442695020e+00, v17;
	(erf) = vpow2.f32 v15  }
0x4a1: {  	v18 =	vmul.f32 $1.442695020e+00, v18;
	(erf) = vpow2.f32 v16  }
0x4a2: {  	v19 =	vmul.f32 $1.442695020e+00, v19;
	(erf) = vpow2.f32 v17  }
0x4a3: {  	v15 =	vsub.f32 v5, v9;
	(erf) = vpow2.f32 v18  }
0x4a4: {  	v56 =	vsub.f32 v4, v10;
	(erf) = vpow2.f32 v19  }
0x4a5: {  	v57 =	vsub.f32 v1, v9;
	v15 =	vmul.f32 $1.442695020e+00, v15  }
0x4a6: {  	v16 =	vmul.f32 $1.442695020e+00, v56  }
0x4a7: {  	v17 =	vmul.f32 $1.442695020e+00, v57;
	(erf) = vpow2.f32 v15  }
0x4a8: {  	(erf) = vpow2.f32 v16  }
0x4a9: {  	(erf) = vpow2.f32 v17;
	v15 =	vpop (erf)  }
0x4aa: {  	v58 =	vpop (erf)  }
0x4ab: {  	v59 =	vpop (erf)  }
0x4ac: {  	v16 =	vadd.f32 v59, v58;
	v60 =	vpop (erf)  }
0x4ad: {  	vm0 =	vgt.f32 v3, v7;
	vm2 =	vgt.f32 v5, v11;
	v11 =	vadd.f32 v60, v15;
	v15 =	vpop (erf)  }
0x4ae: {  	v61 =	vsel vm0, $0x1, v0;
	vm0 =	vgt.f32 v1, v12;
	v12 =	vadd.f32 v16, v15;
	_ =	sdelay $0x1  }
0x4af: {  	vm1 =	vgt.f32 v2, v8;
	v15 =	vpop (erf)  }
0x4b0: {  	v62 =	vsel vm1, $0x1, v0;
	vm1 =	vgt.f32 v6, v13;
	v13 =	vadd.f32 v11, v15;
	v11 =	vpop (erf)  }
0x4b1: {  	v15 =	vsel vm1, $0x2, v62;
	vm1 =	vgt.f32 v4, v14;
	v14 =	vadd.f32 v12, v11;
	v12 =	vpop (erf)  }
0x4b2: {  	v13 =	vadd.f32 v13, v12  }
0x4b3: {  	(erf) = vrcp.f32 v14  }
0x4b4: {  	s12 =	sor.u32 s2, s11;
	v63 =	vsel vm2, $0x2, v61;
	v11 =	vsel vm1, $0x3, v15;
	(erf) = vrcp.f32 v13  }
0x4b5: {  	v12 =	vsel vm0, $0x3, v63;
	[tilespmem:s12+$0x13580] =	vst v11  }
0x4b6: {  	s11 =	simm.s32 $0x1;
	[tilespmem:s12+$0x11980] =	vst v12  }
.LBB2_25:
0x4b7: {  	p1 =	sne.s32 s11, $0x37  }
0x4b8: {  	s0 =	sadd.s32 $0x10, s0;
	s2 =	smov.u32 s11;
	s11 =	sadd.s32 $0x1, s11  }
0x4b9: {  	_ =	sdelay $0x2  }
0x4ba: {  	v13 =	vpop (erf)  }
0x4bb: {  	[tilespmem:s12+$0xFD80] =	vst v13;
	v14 =	vpop (erf)  }
0x4bc: {  	s13 =	sshrl.u32 s2, $0x3;
	vm2 =	vge.f32 v14, v13;
	[tilespmem:s12+$0xE180] =	vst v14  }
0x4bd: {  	s2 =	sand.u32 $0x70, s0;
	s14 =	sshll.u32 s13, $0x9;
	v11 =	vsel vm2, v12, v11;
	vm0 =	vmand vm2, vm0;
	vm2 =	vmneg vm2  }
0x4be: {  	s14 =	sor.u32 s2, s14;
	vm3 =	veq.s32 v11, $0x1;
	vm1 =	vmand vm2, vm1  }
0x4bf: {  	vm2 =	veq.s32 v11, $0x2;
	v3 =	vsel vm3, v3, v7;
	v2 =	vsel vm3, v2, v8  }
0x4c0: {  	vm0 =	vmor vm0, vm1;
	v3 =	vsel vm2, v5, v3;
	v2 =	vsel vm2, v6, v2  }
0x4c1: {  	v1 =	vsel vm0, v1, v3;
	v2 =	vsel vm0, v4, v2  }
0x4c2: {  	v1 =	vsub.f32 v9, v1;
	v2 =	vsub.f32 v10, v2;
	_ =	sdelay $0x1  }
0x4c3: {  	[tilespmem:s12+$0x15180] =	vst v1  }
0x4c4: {  	[tilespmem:s12+$0x16D80] =	vst v2  }
0x4c5: {  	v1 =	vld [tilespmem:s14+$0x2B80]  }
0x4c6: {  	v3 =	vld [tilespmem:s14+$0x2A80]  }
0x4c7: {  	v2 =	vld [tilespmem:s14+$0x9A80]  }
0x4c8: {  	v7 =	vld [tilespmem:s14+$0x2A00]  }
0x4c9: {  	v5 =	vld [tilespmem:s14+$0x2B00]  }
0x4ca: {  	v8 =	vld [tilespmem:s14+$0x9A00]  }
0x4cb: {  	v6 =	vld [tilespmem:s14+$0x9B00]  }
0x4cc: {  	v4 =	vld [tilespmem:s14+$0x9B80]  }
0x4cd: {  	vm0 =	vgt.f32 v3, v7;
	v9 =	vmax.f32 v7, v3  }
0x4ce: {  	v10 =	vsel vm0, $0x1, v0;
	vm1 =	vgt.f32 v5, v9;
	v9 =	vmax.f32 v9, v5  }
0x4cf: {  	vm0 =	vgt.f32 v1, v9;
	v9 =	vmax.f32 v9, v1;
	v11 =	vmax.f32 v8, v2  }
0x4d0: {  	v12 =	vsel vm1, $0x2, v10;
	v13 =	vsub.f32 v7, v9;
	v14 =	vmax.f32 v11, v6  }
0x4d1: {  	v15 =	vsub.f32 v3, v9;
	v16 =	vsub.f32 v5, v9;
	v10 =	vmax.f32 v14, v4  }
0x4d2: {  	vm1 =	vgt.f32 v2, v8;
	v17 =	vsub.f32 v8, v10;
	v18 =	vsub.f32 v2, v10  }
0x4d3: {  	v13 =	vmul.f32 $1.442695020e+00, v13;
	v19 =	vsub.f32 v6, v10;
	v20 =	vsub.f32 v4, v10  }
0x4d4: {  	v21 =	vsub.f32 v1, v9;
	v17 =	vmul.f32 $1.442695020e+00, v17;
	v18 =	vmul.f32 $1.442695020e+00, v18  }
0x4d5: {  	v22 =	vsel vm1, $0x1, v0;
	v15 =	vmul.f32 $1.442695020e+00, v15;
	(erf) = vpow2.f32 v13  }
0x4d6: {  	vm1 =	vgt.f32 v6, v11;
	v13 =	vmul.f32 $1.442695020e+00, v16;
	(erf) = vpow2.f32 v17  }
0x4d7: {  	v11 =	vsel vm1, $0x2, v22;
	v16 =	vmul.f32 $1.442695020e+00, v19;
	(erf) = vpow2.f32 v18  }
0x4d8: {  	s12 =	sshll.u32 s13, $0xA;
	vm1 =	vgt.f32 v4, v14;
	v17 =	vmul.f32 $1.442695020e+00, v21;
	(erf) = vpow2.f32 v15  }
0x4d9: {  	s12 =	sor.u32 s2, s12;
	v11 =	vsel vm1, $0x3, v11;
	v14 =	vmul.f32 $1.442695020e+00, v20;
	(erf) = vpow2.f32 v16  }
0x4da: {  	v12 =	vsel vm0, $0x3, v12;
	[tilespmem:s12+$0x13580] =	vst v11;
	(erf) = vpow2.f32 v13  }
0x4db: {  	[tilespmem:s12+$0x11980] =	vst v12;
	(erf) = vpow2.f32 v14  }
0x4dc: {  	(erf) = vpow2.f32 v17;
	_ =	sdelay $0x1  }
0x4dd: {  	v13 =	vpop (erf)  }
0x4de: {  	v14 =	vpop (erf)  }
0x4df: {  	v15 =	vpop (erf)  }
0x4e0: {  	v14 =	vadd.f32 v15, v14;
	v15 =	vpop (erf)  }
0x4e1: {  	v13 =	vadd.f32 v15, v13;
	v15 =	vpop (erf)  }
0x4e2: {  	v14 =	vadd.f32 v14, v15;
	v15 =	vpop (erf)  }
0x4e3: {  	v13 =	vadd.f32 v13, v15;
	v15 =	vpop (erf)  }
0x4e4: {  	v14 =	vadd.f32 v14, v15;
	v15 =	vpop (erf)  }
0x4e5: {  	v13 =	vadd.f32 v13, v15  }
.Ltmp14:
0x4e6: {  	(erf) = vrcp.f32 v14;
	(pc) =	sbr.rel @p1 .LBB2_25-.Ltmp14, $2  }
0x4e7: {  	(erf) = vrcp.f32 v13;
	_ =	sdelay $0x2  }
0x4e8: {  	s2 =	simm.s32 $0x0  }
0x4e9: {  	_ =	sdelay $0x3  }
0x4ea: {  	v13 =	vpop (erf)  }
0x4eb: {  	v14 =	vpop (erf)  }
0x4ec: {  	vm2 =	vge.f32 v14, v13  }
0x4ed: {  	v11 =	vsel vm2, v12, v11  }
0x4ee: {  	vm0 =	vmand vm2, vm0;
	vm2 =	vmneg vm2;
	vm3 =	veq.s32 v11, $0x1  }
0x4ef: {  	vm1 =	vmand vm2, vm1;
	vm2 =	veq.s32 v11, $0x2;
	v3 =	vsel vm3, v3, v7  }
0x4f0: {  	v2 =	vsel vm3, v2, v8;
	vm0 =	vmor vm0, vm1;
	v3 =	vsel vm2, v5, v3  }
0x4f1: {  	v2 =	vsel vm2, v6, v2;
	v1 =	vsel vm0, v1, v3  }
0x4f2: {  	[tilespmem:s12+$0xFD80] =	vst v13;
	v2 =	vsel vm0, v4, v2;
	v1 =	vsub.f32 v9, v1  }
0x4f3: {  	[tilespmem:s12+$0xE180] =	vst v14;
	v2 =	vsub.f32 v10, v2  }
0x4f4: {  	s0 =	sand.u32 $0x70, s2;
	s11 =	simm.s32 $0x0;
	[tilespmem:s12+$0x15180] =	vst v1  }
0x4f5: {  	[tilespmem:s12+$0x16D80] =	vst v2;
	s12 =	sor.u32 s0, s11  }
0x4f6: {  	v1 =	vld [tilespmem:s12+$0x3900]  }
0x4f7: {  	v2 =	vld [tilespmem:s12+$0xA800]  }
0x4f8: {  	v6 =	vld [tilespmem:s12+$0x3800]  }
0x4f9: {  	v8 =	vld [tilespmem:s12+$0x3880]  }
0x4fa: {  	v7 =	vld [tilespmem:s12+$0xA880]  }
0x4fb: {  	v4 =	vld [tilespmem:s12+$0xA900]  }
0x4fc: {  	v3 =	vld [tilespmem:s12+$0x3980]  }
0x4fd: {  	v5 =	vld [tilespmem:s12+$0xA980];
	_ =	sdelay $0x1  }
0x4fe: {  	vm0 =	vgt.f32 v8, v6;
	v16 =	vmax.f32 v6, v8;
	vm1 =	vgt.f32 v7, v2  }
0x4ff: {  	v10 =	vmax.f32 v2, v7;
	v11 =	vmax.f32 v16, v1;
	v12 =	vsel vm1, $0x1, v0  }
0x500: {  	vm1 =	vgt.f32 v4, v10;
	v14 =	vmax.f32 v10, v4;
	v9 =	vmax.f32 v11, v3  }
0x501: {  	vm2 =	vgt.f32 v1, v16;
	v10 =	vmax.f32 v14, v5;
	v13 =	vsub.f32 v6, v9  }
0x502: {  	v12 =	vsel vm1, $0x2, v12;
	v15 =	vsub.f32 v8, v9;
	v17 =	vsub.f32 v2, v10  }
0x503: {  	vm1 =	vgt.f32 v5, v14;
	v18 =	vsub.f32 v7, v10;
	v19 =	vmul.f32 $1.442695020e+00, v13  }
0x504: {  	v22 =	vsub.f32 v5, v10;
	v20 =	vmul.f32 $1.442695020e+00, v15;
	v17 =	vmul.f32 $1.442695020e+00, v17  }
0x505: {  	v21 =	vsub.f32 v1, v9;
	v18 =	vmul.f32 $1.442695020e+00, v18;
	(erf) = vpow2.f32 v19  }
0x506: {  	s11 =	simm.s32 $0x0;
	v13 =	vsub.f32 v4, v10;
	v14 =	vmul.f32 $1.442695020e+00, v22;
	(erf) = vpow2.f32 v17  }
0x507: {  	s15 =	sor.u32 s0, s11;
	v12 =	vsel vm1, $0x3, v12;
	v16 =	vmul.f32 $1.442695020e+00, v21;
	(erf) = vpow2.f32 v18  }
0x508: {  	s13 =	simm.s32 $0x1;
	s14 =	simm.s32 $0x0;
	[tilespmem:s15+$0x13600] =	vst v12;
	v15 =	vsub.f32 v3, v9;
	v13 =	vmul.f32 $1.442695020e+00, v13;
	(erf) = vpow2.f32 v20  }
.LBB2_27:
0x509: {  	p1 =	sne.s32 s13, $0x37  }
0x50a: {  	v15 =	vmul.f32 $1.442695020e+00, v15;
	s14 =	sadd.s32 $0x10, s14;
	(erf) = vpow2.f32 v13;
	s16 =	smov.u32 s13;
	s13 =	sadd.s32 $0x1, s13  }
0x50b: {  	(erf) = vpow2.f32 v16  }
0x50c: {  	(erf) = vpow2.f32 v14  }
0x50d: {  	(erf) = vpow2.f32 v15;
	_ =	sdelay $0x1  }
0x50e: {  	v13 =	vpop (erf)  }
0x50f: {  	s17 =	sshrl.u32 s16, $0x3;
	v14 =	vpop (erf)  }
0x510: {  	s16 =	sand.u32 $0x70, s14;
	s18 =	sshll.u32 s17, $0x9;
	s17 =	sshll.u32 s17, $0xA;
	v15 =	vpop (erf)  }
0x511: {  	s18 =	sor.u32 s16, s18;
	v14 =	vadd.f32 v15, v14;
	v15 =	vpop (erf)  }
0x512: {  	v13 =	vadd.f32 v15, v13;
	v15 =	vpop (erf)  }
0x513: {  	v14 =	vadd.f32 v14, v15;
	v15 =	vpop (erf)  }
0x514: {  	v13 =	vadd.f32 v13, v15;
	v15 =	vpop (erf)  }
0x515: {  	v14 =	vadd.f32 v14, v15;
	v15 =	vpop (erf)  }
0x516: {  	v13 =	vadd.f32 v13, v15  }
0x517: {  	(erf) = vrcp.f32 v14  }
0x518: {  	(erf) = vrcp.f32 v13;
	_ =	sdelay $0x7  }
0x519: {  	v13 =	vsel vm0, $0x1, v0;
	v14 =	vpop (erf)  }
0x51a: {  	vm0 =	vgt.f32 v3, v11;
	v13 =	vsel vm2, $0x2, v13;
	[tilespmem:s15+$0xFE00] =	vst v14;
	v11 =	vpop (erf)  }
0x51b: {  	v13 =	vsel vm0, $0x3, v13;
	vm2 =	vge.f32 v11, v14;
	[tilespmem:s15+$0xE200] =	vst v11  }
0x51c: {  	v11 =	vsel vm2, v13, v12;
	[tilespmem:s15+$0x11A00] =	vst v13;
	vm3 =	vmneg vm2  }
0x51d: {  	vm0 =	vmand vm2, vm0;
	vm4 =	veq.s32 v11, $0x1;
	vm5 =	veq.s32 v11, $0x2  }
0x51e: {  	vm1 =	vmand vm3, vm1;
	v6 =	vsel vm4, v8, v6;
	v2 =	vsel vm4, v7, v2  }
0x51f: {  	vm0 =	vmor vm0, vm1;
	v1 =	vsel vm5, v1, v6;
	v2 =	vsel vm5, v4, v2  }
0x520: {  	v1 =	vsel vm0, v3, v1;
	v2 =	vsel vm0, v5, v2  }
0x521: {  	v1 =	vsub.f32 v9, v1;
	v2 =	vsub.f32 v10, v2;
	_ =	sdelay $0x1  }
0x522: {  	[tilespmem:s15+$0x15200] =	vst v1  }
0x523: {  	[tilespmem:s15+$0x16E00] =	vst v2  }
0x524: {  	v1 =	vld [tilespmem:s18+$0x3900]  }
0x525: {  	v2 =	vld [tilespmem:s18+$0xA800]  }
0x526: {  	v6 =	vld [tilespmem:s18+$0x3800]  }
0x527: {  	v8 =	vld [tilespmem:s18+$0x3880]  }
0x528: {  	v7 =	vld [tilespmem:s18+$0xA880]  }
0x529: {  	v4 =	vld [tilespmem:s18+$0xA900]  }
0x52a: {  	v3 =	vld [tilespmem:s18+$0x3980]  }
0x52b: {  	v5 =	vld [tilespmem:s18+$0xA980]  }
0x52c: {  	vm0 =	vgt.f32 v8, v6  }
0x52d: {  	v16 =	vmax.f32 v6, v8;
	vm1 =	vgt.f32 v7, v2  }
0x52e: {  	v11 =	vmax.f32 v16, v1;
	v10 =	vmax.f32 v2, v7;
	v12 =	vsel vm1, $0x1, v0  }
0x52f: {  	vm1 =	vgt.f32 v4, v10;
	v14 =	vmax.f32 v10, v4;
	v9 =	vmax.f32 v11, v3  }
0x530: {  	v13 =	vsub.f32 v6, v9;
	v15 =	vsub.f32 v8, v9;
	v10 =	vmax.f32 v14, v5  }
0x531: {  	v12 =	vsel vm1, $0x2, v12;
	v17 =	vsub.f32 v2, v10;
	v18 =	vsub.f32 v7, v10  }
0x532: {  	v19 =	vmul.f32 $1.442695020e+00, v13;
	v20 =	vmul.f32 $1.442695020e+00, v15;
	v13 =	vsub.f32 v4, v10  }
.Ltmp15:
0x533: {  	v21 =	vsub.f32 v1, v9;
	v17 =	vmul.f32 $1.442695020e+00, v17;
	v18 =	vmul.f32 $1.442695020e+00, v18;
	(pc) =	sbr.rel @p1 .LBB2_27-.Ltmp15, $4  }
0x534: {  	v22 =	vsub.f32 v5, v10;
	v13 =	vmul.f32 $1.442695020e+00, v13;
	(erf) = vpow2.f32 v19  }
0x535: {  	vm1 =	vgt.f32 v5, v14;
	v15 =	vsub.f32 v3, v9;
	(erf) = vpow2.f32 v17  }
0x536: {  	s15 =	sor.u32 s16, s17;
	v12 =	vsel vm1, $0x3, v12;
	v14 =	vmul.f32 $1.442695020e+00, v22;
	(erf) = vpow2.f32 v18  }
0x537: {  	vm2 =	vgt.f32 v1, v16;
	v16 =	vmul.f32 $1.442695020e+00, v21;
	[tilespmem:s15+$0x13600] =	vst v12;
	(erf) = vpow2.f32 v20  }
0x538: {  	(erf) = vpow2.f32 v13  }
0x539: {  	v13 =	vmul.f32 $1.442695020e+00, v15;
	(erf) = vpow2.f32 v16  }
0x53a: {  	(erf) = vpow2.f32 v14  }
0x53b: {  	(erf) = vpow2.f32 v13;
	_ =	sdelay $0x1  }
0x53c: {  	v13 =	vpop (erf)  }
0x53d: {  	v14 =	vpop (erf)  }
0x53e: {  	v15 =	vpop (erf)  }
0x53f: {  	v14 =	vadd.f32 v15, v14;
	v15 =	vpop (erf)  }
0x540: {  	v13 =	vadd.f32 v15, v13;
	v15 =	vpop (erf)  }
0x541: {  	v14 =	vadd.f32 v14, v15;
	v15 =	vpop (erf)  }
0x542: {  	v13 =	vadd.f32 v13, v15;
	v15 =	vpop (erf)  }
0x543: {  	v14 =	vadd.f32 v14, v15;
	v15 =	vpop (erf)  }
0x544: {  	v13 =	vadd.f32 v13, v15  }
0x545: {  	(erf) = vrcp.f32 v14  }
0x546: {  	(erf) = vrcp.f32 v13;
	_ =	sdelay $0x7  }
0x547: {  	v13 =	vsel vm0, $0x1, v0;
	v14 =	vpop (erf)  }
0x548: {  	vm0 =	vgt.f32 v3, v11;
	v13 =	vsel vm2, $0x2, v13;
	v11 =	vpop (erf)  }
0x549: {  	v13 =	vsel vm0, $0x3, v13;
	vm2 =	vge.f32 v11, v14  }
0x54a: {  	v12 =	vsel vm2, v13, v12  }
0x54b: {  	vm3 =	vmneg vm2;
	vm0 =	vmand vm2, vm0;
	vm4 =	veq.s32 v12, $0x1  }
0x54c: {  	vm5 =	veq.s32 v12, $0x2;
	vm1 =	vmand vm3, vm1;
	v6 =	vsel vm4, v8, v6  }
0x54d: {  	v2 =	vsel vm4, v7, v2;
	vm0 =	vmor vm0, vm1;
	v1 =	vsel vm5, v1, v6  }
0x54e: {  	[tilespmem:s15+$0x11A00] =	vst v13;
	v2 =	vsel vm5, v4, v2;
	v1 =	vsel vm0, v3, v1  }
0x54f: {  	[tilespmem:s15+$0xFE00] =	vst v14;
	v2 =	vsel vm0, v5, v2;
	v1 =	vsub.f32 v9, v1  }
0x550: {  	[tilespmem:s15+$0xE200] =	vst v11;
	v2 =	vsub.f32 v10, v2  }
0x551: {  	[tilespmem:s15+$0x15200] =	vst v1  }
0x552: {  	[tilespmem:s15+$0x16E00] =	vst v2  }
0x553: {  	v1 =	vld [tilespmem:s12+$0x4780]  }
0x554: {  	v3 =	vld [tilespmem:s12+$0x4680]  }
0x555: {  	v2 =	vld [tilespmem:s12+$0xB680]  }
0x556: {  	v7 =	vld [tilespmem:s12+$0x4600]  }
0x557: {  	v5 =	vld [tilespmem:s12+$0x4700]  }
0x558: {  	v8 =	vld [tilespmem:s12+$0xB600]  }
0x559: {  	v6 =	vld [tilespmem:s12+$0xB700]  }
0x55a: {  	v4 =	vld [tilespmem:s12+$0xB780];
	_ =	sdelay $0x1  }
0x55b: {  	v11 =	vmax.f32 v7, v3  }
0x55c: {  	v13 =	vmax.f32 v8, v2;
	v12 =	vmax.f32 v11, v5  }
0x55d: {  	v14 =	vmax.f32 v13, v6;
	v9 =	vmax.f32 v12, v1  }
0x55e: {  	v10 =	vmax.f32 v14, v4;
	v15 =	vsub.f32 v7, v9  }
0x55f: {  	v55 =	vsub.f32 v8, v10  }
0x560: {  	v17 =	vsub.f32 v2, v10;
	v15 =	vmul.f32 $1.442695020e+00, v15  }
0x561: {  	v18 =	vsub.f32 v3, v9;
	v16 =	vmul.f32 $1.442695020e+00, v55  }
0x562: {  	v19 =	vsub.f32 v6, v10;
	v17 =	vmul.f32 $1.442695020e+00, v17;
	(erf) = vpow2.f32 v15  }
0x563: {  	v18 =	vmul.f32 $1.442695020e+00, v18;
	(erf) = vpow2.f32 v16  }
0x564: {  	v19 =	vmul.f32 $1.442695020e+00, v19;
	(erf) = vpow2.f32 v17  }
0x565: {  	v15 =	vsub.f32 v5, v9;
	(erf) = vpow2.f32 v18  }
0x566: {  	v56 =	vsub.f32 v4, v10;
	(erf) = vpow2.f32 v19  }
0x567: {  	v57 =	vsub.f32 v1, v9;
	v15 =	vmul.f32 $1.442695020e+00, v15  }
0x568: {  	v16 =	vmul.f32 $1.442695020e+00, v56  }
0x569: {  	v17 =	vmul.f32 $1.442695020e+00, v57;
	(erf) = vpow2.f32 v15  }
0x56a: {  	(erf) = vpow2.f32 v16  }
0x56b: {  	(erf) = vpow2.f32 v17;
	v15 =	vpop (erf)  }
0x56c: {  	v58 =	vpop (erf)  }
0x56d: {  	v59 =	vpop (erf)  }
0x56e: {  	v16 =	vadd.f32 v59, v58;
	v60 =	vpop (erf)  }
0x56f: {  	vm0 =	vgt.f32 v3, v7;
	vm2 =	vgt.f32 v5, v11;
	v11 =	vadd.f32 v60, v15;
	v15 =	vpop (erf)  }
0x570: {  	v61 =	vsel vm0, $0x1, v0;
	vm0 =	vgt.f32 v1, v12;
	v12 =	vadd.f32 v16, v15;
	_ =	sdelay $0x1  }
0x571: {  	vm1 =	vgt.f32 v2, v8;
	v15 =	vpop (erf)  }
0x572: {  	v62 =	vsel vm1, $0x1, v0;
	vm1 =	vgt.f32 v6, v13;
	v13 =	vadd.f32 v11, v15;
	v11 =	vpop (erf)  }
0x573: {  	v15 =	vsel vm1, $0x2, v62;
	vm1 =	vgt.f32 v4, v14;
	v14 =	vadd.f32 v12, v11;
	v12 =	vpop (erf)  }
0x574: {  	v13 =	vadd.f32 v13, v12  }
0x575: {  	(erf) = vrcp.f32 v14  }
0x576: {  	s12 =	sor.u32 s0, s11;
	v63 =	vsel vm2, $0x2, v61;
	v11 =	vsel vm1, $0x3, v15;
	(erf) = vrcp.f32 v13  }
0x577: {  	v12 =	vsel vm0, $0x3, v63;
	[tilespmem:s12+$0x13680] =	vst v11  }
0x578: {  	s11 =	simm.s32 $0x1;
	[tilespmem:s12+$0x11A80] =	vst v12  }
.LBB2_29:
0x579: {  	p1 =	sne.s32 s11, $0x37  }
0x57a: {  	s2 =	sadd.s32 $0x10, s2;
	s0 =	smov.u32 s11;
	s11 =	sadd.s32 $0x1, s11  }
0x57b: {  	_ =	sdelay $0x2  }
0x57c: {  	v13 =	vpop (erf)  }
0x57d: {  	[tilespmem:s12+$0xFE80] =	vst v13;
	v14 =	vpop (erf)  }
0x57e: {  	s13 =	sshrl.u32 s0, $0x3;
	vm2 =	vge.f32 v14, v13;
	[tilespmem:s12+$0xE280] =	vst v14  }
0x57f: {  	s0 =	sand.u32 $0x70, s2;
	s14 =	sshll.u32 s13, $0x9;
	v11 =	vsel vm2, v12, v11;
	vm0 =	vmand vm2, vm0;
	vm2 =	vmneg vm2  }
0x580: {  	s14 =	sor.u32 s0, s14;
	vm3 =	veq.s32 v11, $0x1;
	vm1 =	vmand vm2, vm1  }
0x581: {  	vm2 =	veq.s32 v11, $0x2;
	v3 =	vsel vm3, v3, v7;
	v2 =	vsel vm3, v2, v8  }
0x582: {  	vm0 =	vmor vm0, vm1;
	v3 =	vsel vm2, v5, v3;
	v2 =	vsel vm2, v6, v2  }
0x583: {  	v1 =	vsel vm0, v1, v3;
	v2 =	vsel vm0, v4, v2  }
0x584: {  	v1 =	vsub.f32 v9, v1;
	v2 =	vsub.f32 v10, v2;
	_ =	sdelay $0x1  }
0x585: {  	[tilespmem:s12+$0x15280] =	vst v1  }
0x586: {  	[tilespmem:s12+$0x16E80] =	vst v2  }
0x587: {  	v1 =	vld [tilespmem:s14+$0x4780]  }
0x588: {  	v3 =	vld [tilespmem:s14+$0x4680]  }
0x589: {  	v2 =	vld [tilespmem:s14+$0xB680]  }
0x58a: {  	v7 =	vld [tilespmem:s14+$0x4600]  }
0x58b: {  	v5 =	vld [tilespmem:s14+$0x4700]  }
0x58c: {  	v8 =	vld [tilespmem:s14+$0xB600]  }
0x58d: {  	v6 =	vld [tilespmem:s14+$0xB700]  }
0x58e: {  	v4 =	vld [tilespmem:s14+$0xB780]  }
0x58f: {  	vm0 =	vgt.f32 v3, v7;
	v9 =	vmax.f32 v7, v3  }
0x590: {  	v10 =	vsel vm0, $0x1, v0;
	vm1 =	vgt.f32 v5, v9;
	v9 =	vmax.f32 v9, v5  }
0x591: {  	vm0 =	vgt.f32 v1, v9;
	v9 =	vmax.f32 v9, v1;
	v11 =	vmax.f32 v8, v2  }
0x592: {  	v12 =	vsel vm1, $0x2, v10;
	v13 =	vsub.f32 v7, v9;
	v14 =	vmax.f32 v11, v6  }
0x593: {  	v15 =	vsub.f32 v3, v9;
	v16 =	vsub.f32 v5, v9;
	v10 =	vmax.f32 v14, v4  }
0x594: {  	vm1 =	vgt.f32 v2, v8;
	v17 =	vsub.f32 v8, v10;
	v18 =	vsub.f32 v2, v10  }
0x595: {  	v13 =	vmul.f32 $1.442695020e+00, v13;
	v19 =	vsub.f32 v6, v10;
	v20 =	vsub.f32 v4, v10  }
0x596: {  	v21 =	vsub.f32 v1, v9;
	v17 =	vmul.f32 $1.442695020e+00, v17;
	v18 =	vmul.f32 $1.442695020e+00, v18  }
0x597: {  	v22 =	vsel vm1, $0x1, v0;
	v15 =	vmul.f32 $1.442695020e+00, v15;
	(erf) = vpow2.f32 v13  }
0x598: {  	vm1 =	vgt.f32 v6, v11;
	v13 =	vmul.f32 $1.442695020e+00, v16;
	(erf) = vpow2.f32 v17  }
0x599: {  	v11 =	vsel vm1, $0x2, v22;
	v16 =	vmul.f32 $1.442695020e+00, v19;
	(erf) = vpow2.f32 v18  }
0x59a: {  	s12 =	sshll.u32 s13, $0xA;
	vm1 =	vgt.f32 v4, v14;
	v17 =	vmul.f32 $1.442695020e+00, v21;
	(erf) = vpow2.f32 v15  }
0x59b: {  	s12 =	sor.u32 s0, s12;
	v11 =	vsel vm1, $0x3, v11;
	v14 =	vmul.f32 $1.442695020e+00, v20;
	(erf) = vpow2.f32 v16  }
0x59c: {  	v12 =	vsel vm0, $0x3, v12;
	[tilespmem:s12+$0x13680] =	vst v11;
	(erf) = vpow2.f32 v13  }
0x59d: {  	[tilespmem:s12+$0x11A80] =	vst v12;
	(erf) = vpow2.f32 v14  }
0x59e: {  	(erf) = vpow2.f32 v17;
	_ =	sdelay $0x1  }
0x59f: {  	v13 =	vpop (erf)  }
0x5a0: {  	v14 =	vpop (erf)  }
0x5a1: {  	v15 =	vpop (erf)  }
0x5a2: {  	v14 =	vadd.f32 v15, v14;
	v15 =	vpop (erf)  }
0x5a3: {  	v13 =	vadd.f32 v15, v13;
	v15 =	vpop (erf)  }
0x5a4: {  	v14 =	vadd.f32 v14, v15;
	v15 =	vpop (erf)  }
0x5a5: {  	v13 =	vadd.f32 v13, v15;
	v15 =	vpop (erf)  }
0x5a6: {  	v14 =	vadd.f32 v14, v15;
	v15 =	vpop (erf)  }
0x5a7: {  	v13 =	vadd.f32 v13, v15  }
.Ltmp16:
0x5a8: {  	(erf) = vrcp.f32 v14;
	(pc) =	sbr.rel @p1 .LBB2_29-.Ltmp16, $2  }
0x5a9: {  	(erf) = vrcp.f32 v13;
	_ =	sdelay $0x2  }
0x5aa: {  	s0 =	simm.s32 $0x0  }
0x5ab: {  	_ =	sdelay $0x3  }
0x5ac: {  	v13 =	vpop (erf)  }
0x5ad: {  	v14 =	vpop (erf)  }
0x5ae: {  	vm2 =	vge.f32 v14, v13  }
0x5af: {  	v11 =	vsel vm2, v12, v11  }
0x5b0: {  	vm0 =	vmand vm2, vm0;
	vm2 =	vmneg vm2;
	vm3 =	veq.s32 v11, $0x1  }
0x5b1: {  	vm1 =	vmand vm2, vm1;
	vm2 =	veq.s32 v11, $0x2;
	v3 =	vsel vm3, v3, v7  }
0x5b2: {  	v2 =	vsel vm3, v2, v8;
	vm0 =	vmor vm0, vm1;
	v3 =	vsel vm2, v5, v3  }
0x5b3: {  	v2 =	vsel vm2, v6, v2;
	v1 =	vsel vm0, v1, v3  }
0x5b4: {  	[tilespmem:s12+$0xFE80] =	vst v13;
	v2 =	vsel vm0, v4, v2;
	v1 =	vsub.f32 v9, v1  }
0x5b5: {  	[tilespmem:s12+$0xE280] =	vst v14;
	v2 =	vsub.f32 v10, v2  }
0x5b6: {  	s11 =	sand.u32 $0x70, s0;
	s2 =	simm.s32 $0x0;
	[tilespmem:s12+$0x15280] =	vst v1  }
0x5b7: {  	s2 =	sor.u32 s11, s2;
	[tilespmem:s12+$0x16E80] =	vst v2  }
0x5b8: {  	v1 =	vld [tilespmem:s2+$0x5500]  }
0x5b9: {  	v2 =	vld [tilespmem:s2+$0xC400]  }
0x5ba: {  	v6 =	vld [tilespmem:s2+$0x5400]  }
0x5bb: {  	v8 =	vld [tilespmem:s2+$0x5480]  }
0x5bc: {  	v7 =	vld [tilespmem:s2+$0xC480]  }
0x5bd: {  	v4 =	vld [tilespmem:s2+$0xC500]  }
0x5be: {  	v3 =	vld [tilespmem:s2+$0x5580]  }
0x5bf: {  	v5 =	vld [tilespmem:s2+$0xC580];
	_ =	sdelay $0x1  }
0x5c0: {  	vm0 =	vgt.f32 v8, v6;
	v16 =	vmax.f32 v6, v8;
	vm1 =	vgt.f32 v7, v2  }
0x5c1: {  	v10 =	vmax.f32 v2, v7;
	v11 =	vmax.f32 v16, v1;
	v12 =	vsel vm1, $0x1, v0  }
0x5c2: {  	vm1 =	vgt.f32 v4, v10;
	v14 =	vmax.f32 v10, v4;
	v9 =	vmax.f32 v11, v3  }
0x5c3: {  	vm2 =	vgt.f32 v1, v16;
	v10 =	vmax.f32 v14, v5;
	v13 =	vsub.f32 v6, v9  }
0x5c4: {  	v12 =	vsel vm1, $0x2, v12;
	v15 =	vsub.f32 v8, v9;
	v17 =	vsub.f32 v2, v10  }
0x5c5: {  	vm1 =	vgt.f32 v5, v14;
	v18 =	vsub.f32 v7, v10;
	v19 =	vmul.f32 $1.442695020e+00, v13  }
0x5c6: {  	v22 =	vsub.f32 v5, v10;
	v20 =	vmul.f32 $1.442695020e+00, v15;
	v17 =	vmul.f32 $1.442695020e+00, v17  }
0x5c7: {  	v21 =	vsub.f32 v1, v9;
	v18 =	vmul.f32 $1.442695020e+00, v18;
	(erf) = vpow2.f32 v19  }
0x5c8: {  	s18 =	simm.s32 $0x0;
	v13 =	vsub.f32 v4, v10;
	v14 =	vmul.f32 $1.442695020e+00, v22;
	(erf) = vpow2.f32 v17  }
0x5c9: {  	s13 =	sor.u32 s11, s18;
	v12 =	vsel vm1, $0x3, v12;
	v16 =	vmul.f32 $1.442695020e+00, v21;
	(erf) = vpow2.f32 v18  }
0x5ca: {  	s11 =	simm.s32 $0x1;
	s12 =	simm.s32 $0x0;
	[tilespmem:s13+$0x13700] =	vst v12;
	v15 =	vsub.f32 v3, v9;
	v13 =	vmul.f32 $1.442695020e+00, v13;
	(erf) = vpow2.f32 v20  }
.LBB2_31:
0x5cb: {  	p1 =	sne.s32 s11, $0x37  }
0x5cc: {  	v15 =	vmul.f32 $1.442695020e+00, v15;
	s12 =	sadd.s32 $0x10, s12;
	(erf) = vpow2.f32 v13;
	s14 =	smov.u32 s11;
	s11 =	sadd.s32 $0x1, s11  }
0x5cd: {  	(erf) = vpow2.f32 v16  }
0x5ce: {  	(erf) = vpow2.f32 v14  }
0x5cf: {  	(erf) = vpow2.f32 v15;
	_ =	sdelay $0x1  }
0x5d0: {  	v13 =	vpop (erf)  }
0x5d1: {  	s15 =	sshrl.u32 s14, $0x3;
	v14 =	vpop (erf)  }
0x5d2: {  	s14 =	sand.u32 $0x70, s12;
	s16 =	sshll.u32 s15, $0x9;
	s15 =	sshll.u32 s15, $0xA;
	v15 =	vpop (erf)  }
0x5d3: {  	s16 =	sor.u32 s14, s16;
	v14 =	vadd.f32 v15, v14;
	v15 =	vpop (erf)  }
0x5d4: {  	v13 =	vadd.f32 v15, v13;
	v15 =	vpop (erf)  }
0x5d5: {  	v14 =	vadd.f32 v14, v15;
	v15 =	vpop (erf)  }
0x5d6: {  	v13 =	vadd.f32 v13, v15;
	v15 =	vpop (erf)  }
0x5d7: {  	v14 =	vadd.f32 v14, v15;
	v15 =	vpop (erf)  }
0x5d8: {  	v13 =	vadd.f32 v13, v15  }
0x5d9: {  	(erf) = vrcp.f32 v14  }
0x5da: {  	(erf) = vrcp.f32 v13;
	_ =	sdelay $0x7  }
0x5db: {  	v13 =	vsel vm0, $0x1, v0;
	v14 =	vpop (erf)  }
0x5dc: {  	vm0 =	vgt.f32 v3, v11;
	v13 =	vsel vm2, $0x2, v13;
	[tilespmem:s13+$0xFF00] =	vst v14;
	v11 =	vpop (erf)  }
0x5dd: {  	v13 =	vsel vm0, $0x3, v13;
	vm2 =	vge.f32 v11, v14;
	[tilespmem:s13+$0xE300] =	vst v11  }
0x5de: {  	v11 =	vsel vm2, v13, v12;
	[tilespmem:s13+$0x11B00] =	vst v13;
	vm3 =	vmneg vm2  }
0x5df: {  	vm0 =	vmand vm2, vm0;
	vm4 =	veq.s32 v11, $0x1;
	vm5 =	veq.s32 v11, $0x2  }
0x5e0: {  	vm1 =	vmand vm3, vm1;
	v6 =	vsel vm4, v8, v6;
	v2 =	vsel vm4, v7, v2  }
0x5e1: {  	vm0 =	vmor vm0, vm1;
	v1 =	vsel vm5, v1, v6;
	v2 =	vsel vm5, v4, v2  }
0x5e2: {  	v1 =	vsel vm0, v3, v1;
	v2 =	vsel vm0, v5, v2  }
0x5e3: {  	v1 =	vsub.f32 v9, v1;
	v2 =	vsub.f32 v10, v2;
	_ =	sdelay $0x1  }
0x5e4: {  	[tilespmem:s13+$0x15300] =	vst v1  }
0x5e5: {  	[tilespmem:s13+$0x16F00] =	vst v2  }
0x5e6: {  	v1 =	vld [tilespmem:s16+$0x5500]  }
0x5e7: {  	v2 =	vld [tilespmem:s16+$0xC400]  }
0x5e8: {  	v6 =	vld [tilespmem:s16+$0x5400]  }
0x5e9: {  	v8 =	vld [tilespmem:s16+$0x5480]  }
0x5ea: {  	v7 =	vld [tilespmem:s16+$0xC480]  }
0x5eb: {  	v4 =	vld [tilespmem:s16+$0xC500]  }
0x5ec: {  	v3 =	vld [tilespmem:s16+$0x5580]  }
0x5ed: {  	v5 =	vld [tilespmem:s16+$0xC580]  }
0x5ee: {  	vm0 =	vgt.f32 v8, v6  }
0x5ef: {  	v16 =	vmax.f32 v6, v8;
	vm1 =	vgt.f32 v7, v2  }
0x5f0: {  	v11 =	vmax.f32 v16, v1;
	v10 =	vmax.f32 v2, v7;
	v12 =	vsel vm1, $0x1, v0  }
0x5f1: {  	vm1 =	vgt.f32 v4, v10;
	v14 =	vmax.f32 v10, v4;
	v9 =	vmax.f32 v11, v3  }
0x5f2: {  	v13 =	vsub.f32 v6, v9;
	v15 =	vsub.f32 v8, v9;
	v10 =	vmax.f32 v14, v5  }
0x5f3: {  	v12 =	vsel vm1, $0x2, v12;
	v17 =	vsub.f32 v2, v10;
	v18 =	vsub.f32 v7, v10  }
0x5f4: {  	v19 =	vmul.f32 $1.442695020e+00, v13;
	v20 =	vmul.f32 $1.442695020e+00, v15;
	v13 =	vsub.f32 v4, v10  }
.Ltmp17:
0x5f5: {  	v21 =	vsub.f32 v1, v9;
	v17 =	vmul.f32 $1.442695020e+00, v17;
	v18 =	vmul.f32 $1.442695020e+00, v18;
	(pc) =	sbr.rel @p1 .LBB2_31-.Ltmp17, $4  }
0x5f6: {  	v22 =	vsub.f32 v5, v10;
	v13 =	vmul.f32 $1.442695020e+00, v13;
	(erf) = vpow2.f32 v19  }
0x5f7: {  	vm1 =	vgt.f32 v5, v14;
	v15 =	vsub.f32 v3, v9;
	(erf) = vpow2.f32 v17  }
0x5f8: {  	s13 =	sor.u32 s14, s15;
	v12 =	vsel vm1, $0x3, v12;
	v14 =	vmul.f32 $1.442695020e+00, v22;
	(erf) = vpow2.f32 v18  }
0x5f9: {  	vm2 =	vgt.f32 v1, v16;
	v16 =	vmul.f32 $1.442695020e+00, v21;
	[tilespmem:s13+$0x13700] =	vst v12;
	(erf) = vpow2.f32 v20  }
0x5fa: {  	(erf) = vpow2.f32 v13  }
0x5fb: {  	v13 =	vmul.f32 $1.442695020e+00, v15;
	(erf) = vpow2.f32 v16  }
0x5fc: {  	(erf) = vpow2.f32 v14  }
0x5fd: {  	(erf) = vpow2.f32 v13;
	_ =	sdelay $0x1  }
0x5fe: {  	v13 =	vpop (erf)  }
0x5ff: {  	v14 =	vpop (erf)  }
0x600: {  	v15 =	vpop (erf)  }
0x601: {  	v14 =	vadd.f32 v15, v14;
	v15 =	vpop (erf)  }
0x602: {  	v13 =	vadd.f32 v15, v13;
	v15 =	vpop (erf)  }
0x603: {  	v14 =	vadd.f32 v14, v15;
	v15 =	vpop (erf)  }
0x604: {  	v13 =	vadd.f32 v13, v15;
	v15 =	vpop (erf)  }
0x605: {  	v14 =	vadd.f32 v14, v15;
	v15 =	vpop (erf)  }
0x606: {  	v13 =	vadd.f32 v13, v15  }
0x607: {  	(erf) = vrcp.f32 v14  }
0x608: {  	(erf) = vrcp.f32 v13;
	_ =	sdelay $0x7  }
0x609: {  	v13 =	vsel vm0, $0x1, v0;
	v14 =	vpop (erf)  }
0x60a: {  	vm0 =	vgt.f32 v3, v11;
	v13 =	vsel vm2, $0x2, v13;
	v11 =	vpop (erf)  }
0x60b: {  	v13 =	vsel vm0, $0x3, v13;
	vm2 =	vge.f32 v11, v14  }
0x60c: {  	v12 =	vsel vm2, v13, v12  }
0x60d: {  	vm3 =	vmneg vm2;
	vm0 =	vmand vm2, vm0;
	vm4 =	veq.s32 v12, $0x1  }
0x60e: {  	vm5 =	veq.s32 v12, $0x2;
	vm1 =	vmand vm3, vm1;
	v6 =	vsel vm4, v8, v6  }
0x60f: {  	v2 =	vsel vm4, v7, v2;
	vm0 =	vmor vm0, vm1;
	v1 =	vsel vm5, v1, v6  }
0x610: {  	[tilespmem:s13+$0x11B00] =	vst v13;
	v2 =	vsel vm5, v4, v2;
	v1 =	vsel vm0, v3, v1  }
0x611: {  	[tilespmem:s13+$0xFF00] =	vst v14;
	v2 =	vsel vm0, v5, v2;
	v1 =	vsub.f32 v9, v1  }
0x612: {  	[tilespmem:s13+$0xE300] =	vst v11;
	v2 =	vsub.f32 v10, v2  }
0x613: {  	[tilespmem:s13+$0x15300] =	vst v1  }
0x614: {  	[tilespmem:s13+$0x16F00] =	vst v2  }
0x615: {  	v3 =	vld [tilespmem:s2+$0xD280]  }
0x616: {  	v4 =	vld [tilespmem:s2+$0xD200]  }
0x617: {  	v1 =	vld [tilespmem:s2+$0xD300]  }
0x618: {  	v2 =	vld [tilespmem:s2+$0xD380]  }
0x619: {  	v5 =	vld [tilespmem:s2+$0x6280]  }
0x61a: {  	v9 =	vld [tilespmem:s2+$0x6200]  }
0x61b: {  	v8 =	vld [tilespmem:s2+$0x6300];
	v10 =	vmax.f32 v4, v3  }
0x61c: {  	v6 =	vld [tilespmem:s2+$0x6380];
	v12 =	vmax.f32 v10, v1  }
0x61d: {  	v7 =	vmax.f32 v12, v2  }
0x61e: {  	vm0 =	vgt.f32 v3, v4;
	v11 =	vsub.f32 v4, v7  }
0x61f: {  	v14 =	vmax.f32 v9, v5;
	v13 =	vsel vm0, $0x1, v0  }
0x620: {  	v60 =	vsub.f32 v1, v7;
	v15 =	vmul.f32 $1.442695020e+00, v11;
	v11 =	vmax.f32 v14, v8  }
0x621: {  	vm0 =	vgt.f32 v1, v10;
	v17 =	vsub.f32 v3, v7;
	v10 =	vmax.f32 v11, v6  }
0x622: {  	v16 =	vmul.f32 $1.442695020e+00, v60;
	(erf) = vpow2.f32 v15;
	v15 =	vsub.f32 v9, v10  }
0x623: {  	v17 =	vmul.f32 $1.442695020e+00, v17;
	v18 =	vsub.f32 v5, v10  }
0x624: {  	v19 =	vsub.f32 v2, v7;
	(erf) = vpow2.f32 v16;
	v15 =	vmul.f32 $1.442695020e+00, v15  }
0x625: {  	v61 =	vsub.f32 v8, v10;
	v18 =	vmul.f32 $1.442695020e+00, v18;
	(erf) = vpow2.f32 v17  }
0x626: {  	vm2 =	vgt.f32 v8, v14;
	v19 =	vmul.f32 $1.442695020e+00, v19;
	(erf) = vpow2.f32 v15  }
0x627: {  	v62 =	vsub.f32 v6, v10;
	v14 =	vmul.f32 $1.442695020e+00, v61;
	(erf) = vpow2.f32 v18  }
0x628: {  	vm1 =	vgt.f32 v5, v9;
	v13 =	vsel vm0, $0x2, v13;
	(erf) = vpow2.f32 v19  }
0x629: {  	s18 =	simm.s32 $0x0;
	vm0 =	vgt.f32 v2, v12;
	v15 =	vmul.f32 $1.442695020e+00, v62;
	(erf) = vpow2.f32 v14  }
0x62a: {  	s11 =	sor.u32 $0x380, s18;
	v63 =	vsel vm1, $0x1, v0;
	v12 =	vsel vm0, $0x3, v13  }
0x62b: {  	s2 =	simm.s32 $0x1;
	v13 =	vsel vm2, $0x2, v63;
	[tilespmem:s11+$0x13400] =	vst v12;
	(erf) = vpow2.f32 v15;
	v14 =	vpop (erf)  }
.LBB2_33:
0x62c: {  	p1 =	sne.s32 s2, $0x37  }
0x62d: {  	s0 =	sadd.s32 $0x10, s0;
	v15 =	vpop (erf);
	s12 =	smov.u32 s2;
	s2 =	sadd.s32 $0x1, s2  }
0x62e: {  	v16 =	vpop (erf)  }
0x62f: {  	v14 =	vadd.f32 v16, v14;
	v16 =	vpop (erf)  }
0x630: {  	v17 =	vpop (erf)  }
0x631: {  	v16 =	vadd.f32 v17, v16;
	v14 =	vadd.f32 v14, v15;
	v15 =	vpop (erf)  }
0x632: {  	v17 =	vpop (erf)  }
0x633: {  	s12 =	sshrl.u32 s12, $0x3;
	v16 =	vadd.f32 v16, v17;
	v14 =	vadd.f32 v14, v15  }
0x634: {  	s14 =	sand.u32 $0x70, s0;
	s13 =	sshll.u32 s12, $0xA;
	s15 =	sshll.u32 s12, $0x9;
	v15 =	vpop (erf)  }
0x635: {  	s12 =	sadd.s32 s13, s0;
	s13 =	sor.u32 s14, s15;
	v15 =	vadd.f32 v16, v15  }
0x636: {  	(erf) = vrcp.f32 v14  }
0x637: {  	(erf) = vrcp.f32 v15;
	_ =	sdelay $0x7  }
0x638: {  	v14 =	vpop (erf)  }
0x639: {  	vm1 =	vgt.f32 v6, v11;
	[tilespmem:s11+$0xFC00] =	vst v14;
	v11 =	vpop (erf)  }
0x63a: {  	v13 =	vsel vm1, $0x3, v13;
	vm2 =	vge.f32 v11, v14;
	[tilespmem:s11+$0xE000] =	vst v11  }
0x63b: {  	v11 =	vsel vm2, v13, v12;
	[tilespmem:s11+$0x11800] =	vst v13;
	vm3 =	vmneg vm2  }
0x63c: {  	vm4 =	veq.s32 v11, $0x1;
	vm5 =	veq.s32 v11, $0x2;
	vm0 =	vmand vm3, vm0  }
0x63d: {  	vm1 =	vmand vm2, vm1;
	v5 =	vsel vm4, v5, v9;
	v3 =	vsel vm4, v3, v4  }
0x63e: {  	vm0 =	vmor vm1, vm0;
	v4 =	vsel vm5, v8, v5;
	v1 =	vsel vm5, v1, v3  }
0x63f: {  	v3 =	vsel vm0, v6, v4;
	v1 =	vsel vm0, v2, v1  }
0x640: {  	v2 =	vsub.f32 v10, v3;
	v1 =	vsub.f32 v7, v1;
	_ =	sdelay $0x1  }
0x641: {  	[tilespmem:s11+$0x15000] =	vst v2  }
0x642: {  	[tilespmem:s11+$0x16C00] =	vst v1  }
0x643: {  	v5 =	vld [tilespmem:s13+$0x6280]  }
0x644: {  	v1 =	vld [tilespmem:s13+$0xD300]  }
0x645: {  	v3 =	vld [tilespmem:s13+$0xD280]  }
0x646: {  	v4 =	vld [tilespmem:s13+$0xD200]  }
0x647: {  	v2 =	vld [tilespmem:s13+$0xD380]  }
0x648: {  	v9 =	vld [tilespmem:s13+$0x6200]  }
0x649: {  	v8 =	vld [tilespmem:s13+$0x6300]  }
0x64a: {  	v6 =	vld [tilespmem:s13+$0x6380]  }
0x64b: {  	vm0 =	vgt.f32 v3, v4;
	v7 =	vmax.f32 v4, v3  }
0x64c: {  	v10 =	vsel vm0, $0x1, v0;
	vm0 =	vgt.f32 v1, v7;
	v12 =	vmax.f32 v7, v1  }
0x64d: {  	vm1 =	vgt.f32 v5, v9;
	v14 =	vsel vm0, $0x2, v10;
	v7 =	vmax.f32 v12, v2  }
0x64e: {  	v13 =	vmax.f32 v9, v5;
	v15 =	vsub.f32 v4, v7;
	v16 =	vsub.f32 v3, v7  }
0x64f: {  	v11 =	vmax.f32 v13, v8;
	v17 =	vsub.f32 v1, v7;
	v18 =	vsub.f32 v2, v7  }
0x650: {  	v10 =	vmax.f32 v11, v6;
	v15 =	vmul.f32 $1.442695020e+00, v15;
	v16 =	vmul.f32 $1.442695020e+00, v16  }
0x651: {  	v19 =	vsub.f32 v9, v10;
	v20 =	vsub.f32 v5, v10;
	v17 =	vmul.f32 $1.442695020e+00, v17  }
0x652: {  	vm0 =	vgt.f32 v8, v13;
	v21 =	vsub.f32 v8, v10;
	(erf) = vpow2.f32 v15  }
0x653: {  	v13 =	vsel vm1, $0x1, v0;
	v15 =	vmul.f32 $1.442695020e+00, v19;
	(erf) = vpow2.f32 v17  }
0x654: {  	v19 =	vsub.f32 v6, v10;
	v17 =	vmul.f32 $1.442695020e+00, v20;
	(erf) = vpow2.f32 v16  }
0x655: {  	v13 =	vsel vm0, $0x2, v13;
	v16 =	vmul.f32 $1.442695020e+00, v18;
	(erf) = vpow2.f32 v15  }
0x656: {  	vm0 =	vgt.f32 v2, v12;
	v15 =	vmul.f32 $1.442695020e+00, v21;
	(erf) = vpow2.f32 v17  }
.Ltmp18:
0x657: {  	s11 =	sor.u32 $0x380, s12;
	v12 =	vsel vm0, $0x3, v14;
	v17 =	vmul.f32 $1.442695020e+00, v19;
	(erf) = vpow2.f32 v16;
	(pc) =	sbr.rel @p1 .LBB2_33-.Ltmp18, $3  }
0x658: {  	[tilespmem:s11+$0x13400] =	vst v12;
	(erf) = vpow2.f32 v15;
	_ =	sdelay $0x1  }
0x659: {  	(erf) = vpow2.f32 v17  }
0x65a: {  	v14 =	vpop (erf)  }
.Ltmp19:
0x65b: {  	_ = 	snop;
	(pc) =	sbr.rel .LBB2_34-.Ltmp19, $1  }
0x65c: {  	_ =	sdelay $0x3  }
.LBB2_36:
0x65d: {  	_ =	sfence.sel $0x180000  }
0x65e: {  	[bflag:$0x0] =	sbarrier.arrive $0xFFFF  }
0x65f: {  	_ =	strace $0x90000047  }
0x660: {  	s0 =	stileid.u32;
	[bflag:$0x2] =	sbarrier.arrive $0xFFFF  }
0x661: {  	p0 =	sne.s32 s0, $0x0;
	s0 =	rddreg [dreg:$0x1]  }
0x662: {  	s0 =	sadd.s32 @!p0 $0x100000, s0  }
0x663: {  	[sflag:s0] =	ssyncadd.tile.s32 @!p0 $0x1;
	_ =	shalt  }
.Lfunc_end2:
_tile_overlayer_lowered:
.L_overlay_start_2:
0x664: {  	(tag) =	ssettag $0x2  }
0x665: {  	s0 =	rddreg [dreg:$0x0];
	s2 =	stileid.u32  }
0x666: {  	s1 =	rddreg [dreg:$0x1];
	p0 =	sne.s32 s2, $0x0  }
0x667: {  	s3 =	rddreg [dreg:$0x2];
	[bflag:$0x3] =	sbarrier.arrive $0xFFFF;
	s2 =	simm.s32 @!p0 $0x1C01  }
0x668: {  	[timem:s3], [sflag:s2] =	dma.local @!p0 [hbm:s0], s1  }
0x669: {  	s0 =	simm.s32 @!p0 $0x1  }
0x66a: {  	_ =	swait.ge @!p0 [sflag:s0], s1  }
0x66b: {  	s1 =	ssub.s32 @!p0 $0x0, s1;
	[sflag:s0] =	ssyncset.done @!p0 $0x0  }
0x66c: {  	[sflag:s0] =	ssyncadd.s32 @!p0 s1  }
0x66d: {  	[bflag:$0x3] =	sbarrier.arrive $0xFFFF  }
0x66e: {  	_ =	shalt  }

</sc_bundles>
